<compile_context>
chip_gen: v7x
topology: tpu7x:2x2x1
jax: 0.10.2.dev20260603
libtpu: 0.0.44.dev20260713+nightly
codegen_flags: <defaults>
</compile_context>

<pallas_src>
import functools

import jax
import jax.numpy as jnp
from jax import lax
from jax.experimental import pallas as pl
from jax.experimental.pallas import tpu as pltpu
from jax.experimental.pallas import tpu_sc as plsc

B = 4096
F = 26
V = 100000
D = 16

NC = 2
NS = 16
L = 16
NW = NC * NS
BPW = B // NW
NG = BPW // L


@functools.cache
def _build_fm_sc():
    mesh = plsc.VectorSubcoreMesh(
        core_axis_name="c", subcore_axis_name="s", num_cores=NC, num_subcores=NS
    )

    @functools.partial(
        pl.kernel,
        out_type=jax.ShapeDtypeStruct((B,), jnp.float32),
        mesh=mesh,
        scratch_types=[
            pltpu.VMEM((F, BPW), jnp.int32),
            pltpu.VMEM((F, BPW, D), jnp.float32),
            pltpu.VMEM((F, BPW), jnp.float32),
            pltpu.VMEM((BPW * D,), jnp.float32),
            pltpu.VMEM((BPW,), jnp.float32),
            pltpu.SemaphoreType.DMA,
            pltpu.SemaphoreType.DMA,
        ],
        compiler_params=pltpu.CompilerParams(
            needs_layout_passes=False, use_tc_tiling_on_sc=False
        ),
    )
    def _fm_sc(idx_hbm, emb1_hbm, emb2_hbm, out_hbm,
               idx_v, rows_v, first_v, p2_v, out_v, sem, sem1):
        w = lax.axis_index("c") * NS + lax.axis_index("s")

        pltpu.sync_copy(idx_hbm.at[w], idx_v)

        for f in range(F):
            pltpu.make_async_copy(
                emb2_hbm.at[idx_v.at[f]], rows_v.at[f], sem
            ).start()
        for f in range(F):
            pltpu.make_async_copy(
                emb1_hbm.at[idx_v.at[f]], first_v.at[f], sem1
            ).start()
        for f in range(F):
            pltpu.make_async_copy(
                emb2_hbm.at[idx_v.at[f]], rows_v.at[f], sem
            ).wait()
        for f in range(F):
            pltpu.make_async_copy(
                emb1_hbm.at[idx_v.at[f]], first_v.at[f], sem1
            ).wait()

        def _sample(s, carry):
            acc = rows_v[0, s]
            acc2 = acc * acc
            for f in range(1, F):
                v = rows_v[f, s]
                acc = acc + v
                acc2 = acc2 + v * v
            p2_v[pl.ds(s * D, D)] = (acc * acc - acc2) * 0.5
            return carry

        lax.fori_loop(0, BPW, _sample, 0)

        lanes = lax.iota(jnp.int32, L)
        for g in range(NG):
            t = first_v[0, pl.ds(g * L, L)]
            for f in range(1, F):
                t = t + first_v[f, pl.ds(g * L, L)]
            sample_base = (lanes + g * L) * D
            for d in range(D):
                t = t + plsc.load_gather(p2_v, [sample_base + d])
            out_v[pl.ds(g * L, L)] = t

        pltpu.sync_copy(out_v, out_hbm.at[pl.ds(w * BPW, BPW)])

    return _fm_sc


def kernel(sparse_idx, emb_first, emb_second):
    flat_idx = sparse_idx + (jnp.arange(F, dtype=sparse_idx.dtype) * V)[None, :]
    per_w = flat_idx.reshape(NW, BPW, F).transpose(0, 2, 1)
    out = _build_fm_sc()(per_w, emb_first.reshape(-1), emb_second)
    return out[:, None]

# --- scband reference (transcript-rebuilt; emitter-appended) ---
"""Pipeline reference for scband-fmblock-88476326298186 (READ-ONLY COPY).

The authoritative reference and input builder live on the scoring server;
editing this copy changes nothing except your own understanding.
"""

import jax, jax.numpy as jnp
import numpy as np

B = 4096
F = 26
V = 100000
D = 16


def setup_inputs(seed: int = 0) -> dict:
    key = jax.random.key(seed)
    k1, k2, k3 = jax.random.split(key, 3)
    sparse_idx = jax.random.randint(k1, (B, F), 0, V, dtype=jnp.int32)
    # First-order embedding table: one scalar weight per (field, id) pair -> [F*V, 1]
    emb_first = jax.random.normal(k2, (F * V, 1), dtype=jnp.float32) * 0.01
    # Second-order embedding table: comm_embed_dim per (field, id) pair -> [F*V, D]
    emb_second = jax.random.normal(k3, (F * V, D), dtype=jnp.float32) * 0.01
    return {"sparse_idx": sparse_idx, "emb_first": emb_first, "emb_second": emb_second}


def reference(sparse_idx, emb_first, emb_second):
    # Offset per-field ids into the concatenated per-field tables (emb converter semantics)
    offsets = (jnp.arange(F, dtype=sparse_idx.dtype) * V)[None, :]
    flat_idx = sparse_idx + offsets  # [B, F]
    # convert_to_emb: gather embeddings
    feat1 = jnp.take(emb_first, flat_idx, axis=0)   # [B, F, 1]
    feat2 = jnp.take(emb_second, flat_idx, axis=0)  # [B, F, D]
    # fm_sum (EMB path)
    p1 = jnp.sum(feat1, axis=(1, 2))                      # [B]
    sum_square = jnp.square(jnp.sum(feat2, axis=1))        # [B, D]
    square_sum = jnp.sum(jnp.square(feat2), axis=1)        # [B, D]
    p2 = (sum_square - square_sum) * 0.5                   # [B, D]
    p = p1 + jnp.sum(p2, axis=1)                           # [B]
    return p[:, None]                                      # [B, 1]

if __name__ == "__main__":
    import jax
    _d = setup_inputs()
    print(jax.jit(kernel)(*tuple(_d.values())))

</pallas_src>

<mosaic_0001>
#map = affine_map<(d0, d1) -> (0, 0, 0)>
#map1 = affine_map<(d0, d1) -> (0)>
#map2 = affine_map<(d0, d1) -> (0, 0)>
module attributes {stable_mosaic.version = 14 : i64} {
  func.func @_fm_sc(%arg0: i32, %arg1: i32, %arg2: memref<32x26x128xi32, #tpu.memory_space<hbm>>, %arg3: memref<2600000xf32, #tpu.memory_space<hbm>>, %arg4: memref<2600000x16xf32, #tpu.memory_space<hbm>>, %arg5: memref<4096xf32, #tpu.memory_space<hbm>>, %arg6: memref<26x128xi32, #tpu.memory_space<vmem>>, %arg7: memref<26x128x16xf32, #tpu.memory_space<vmem>>, %arg8: memref<26x128xf32, #tpu.memory_space<vmem>>, %arg9: memref<2048xf32, #tpu.memory_space<vmem>>, %arg10: memref<128xf32, #tpu.memory_space<vmem>>, %arg11: memref<!tpu.dma_semaphore, #tpu.memory_space<semaphore_mem>>, %arg12: memref<!tpu.dma_semaphore, #tpu.memory_space<semaphore_mem>>) attributes {dimension_semantics = [#tpu.dimension_semantics<core_parallel>, #tpu.dimension_semantics<subcore_parallel>], iteration_bounds = array<i64: 2, 16>, scalar_prefetch = 0 : i64, scratch_operands = 7 : i64, tpu.core_type = #tpu.core_type<sc_vector_subcore>, window_params = [{transform_indices = #map}, {transform_indices = #map1}, {transform_indices = #map2}, {transform_indices = #map1}]} {
    %mul3A = arith.constant 16 : i32
    %mul3A_0 = arith.muli %arg0, %mul3A : i32
    %add3A = arith.addi %mul3A_0, %arg1 : i32
    "tpu.region"() ({
      %run_scoped3A = tpu.sem_alloc : memref<!tpu.dma_semaphore, #tpu.memory_space<semaphore_mem>>
      %dma_start3A_2883 = arith.constant 0 : i32
      %dma_start3A_2884 = arith.constant 0 : i32
      %dma_start3A_2885 = tpu.memref_slice %arg2[%add3A, %dma_start3A_2883, %dma_start3A_2884] : memref<32x26x128xi32, #tpu.memory_space<hbm>> -> memref<1x26x128xi32, #tpu.memory_space<hbm>>
      %dma_start3A_2886 = tpu.memref_squeeze %dma_start3A_2885 : memref<1x26x128xi32, #tpu.memory_space<hbm>> -> memref<26x128xi32, #tpu.memory_space<hbm>>
      %dma_start3A_2887 = arith.constant 0 : i32
      %dma_start3A_2888 = arith.constant 0 : i32
      %dma_start3A_2889 = tpu.memref_slice %arg2[%add3A, %dma_start3A_2887, %dma_start3A_2888] : memref<32x26x128xi32, #tpu.memory_space<hbm>> -> memref<1x26x128xi32, #tpu.memory_space<hbm>>
      %dma_start3A_2890 = tpu.memref_squeeze %dma_start3A_2889 : memref<1x26x128xi32, #tpu.memory_space<hbm>> -> memref<26x128xi32, #tpu.memory_space<hbm>>
      tpu.enqueue_dma source(%dma_start3A_2890 : memref<26x128xi32, #tpu.memory_space<hbm>>) target(%arg6 : memref<26x128xi32, #tpu.memory_space<vmem>>) target_semaphore(%run_scoped3A : memref<!tpu.dma_semaphore, #tpu.memory_space<semaphore_mem>>)
      %dma_wait3A_2891 = arith.constant 0 : i32
      %dma_wait3A_2892 = arith.constant 0 : i32
      %dma_wait3A_2893 = tpu.memref_slice %arg2[%add3A, %dma_wait3A_2891, %dma_wait3A_2892] : memref<32x26x128xi32, #tpu.memory_space<hbm>> -> memref<1x26x128xi32, #tpu.memory_space<hbm>>
      %dma_wait3A_2894 = tpu.memref_squeeze %dma_wait3A_2893 : memref<1x26x128xi32, #tpu.memory_space<hbm>> -> memref<26x128xi32, #tpu.memory_space<hbm>>
      %dma_wait3A_2895 = arith.constant 0 : i32
      %dma_wait3A_2896 = arith.constant 0 : i32
      %dma_wait3A_2897 = tpu.memref_slice %arg2[%add3A, %dma_wait3A_2895, %dma_wait3A_2896] : memref<32x26x128xi32, #tpu.memory_space<hbm>> -> memref<1x26x128xi32, #tpu.memory_space<hbm>>
      %dma_wait3A_2898 = tpu.memref_squeeze %dma_wait3A_2897 : memref<1x26x128xi32, #tpu.memory_space<hbm>> -> memref<26x128xi32, #tpu.memory_space<hbm>>
      tpu.wait_dma2 semaphore(%run_scoped3A : memref<!tpu.dma_semaphore, #tpu.memory_space<semaphore_mem>>) src(%dma_wait3A_2898 : memref<26x128xi32, #tpu.memory_space<hbm>>) dst(%arg6 : memref<26x128xi32, #tpu.memory_space<vmem>>)
      tpu.yield
    }) : () -> ()
    %dma_start3A = arith.constant 0 : i32
    %dma_start3A_1 = arith.constant 0 : i32
    %dma_start3A_2 = arith.constant 0 : i32
    %dma_start3A_3 = arith.constant 0 : i32
    %dma_start3A_4 = tpu.memref_slice %arg7[%dma_start3A_1, %dma_start3A_2, %dma_start3A_3] : memref<26x128x16xf32, #tpu.memory_space<vmem>> -> memref<1x128x16xf32, #tpu.memory_space<vmem>>
    %dma_start3A_5 = tpu.memref_squeeze %dma_start3A_4 : memref<1x128x16xf32, #tpu.memory_space<vmem>> -> memref<128x16xf32, #tpu.memory_space<vmem>>
    %dma_start3A_6 = arith.constant 0 : i32
    %dma_start3A_7 = tpu.memref_slice %arg6[%dma_start3A, %dma_start3A_6] : memref<26x128xi32, #tpu.memory_space<vmem>> -> memref<1x128xi32, #tpu.memory_space<vmem>>
    %dma_start3A_8 = tpu.memref_squeeze %dma_start3A_7 : memref<1x128xi32, #tpu.memory_space<vmem>> -> memref<128xi32, #tpu.memory_space<vmem>>
    %dma_start3A_9 = arith.constant 0 : i32
    %dma_start3A_10 = arith.constant 0 : i32
    %dma_start3A_11 = tpu.memref_slice %arg4[%dma_start3A_9, %dma_start3A_10] : memref<2600000x16xf32, #tpu.memory_space<hbm>> -> memref<2600000x16xf32, #tpu.memory_space<hbm>>
    tpu.enqueue_indirect_dma source(%dma_start3A_11 : memref<2600000x16xf32, #tpu.memory_space<hbm>>) target(%dma_start3A_5 : memref<128x16xf32, #tpu.memory_space<vmem>>) offsets(%dma_start3A_8 : memref<128xi32, #tpu.memory_space<vmem>>) semaphore(%arg11 : memref<!tpu.dma_semaphore, #tpu.memory_space<semaphore_mem>>)
    %dma_start3A_12 = arith.constant 1 : i32
    %dma_start3A_13 = arith.constant 1 : i32
    %dma_start3A_14 = arith.constant 0 : i32
    %dma_start3A_15 = arith.constant 0 : i32
    %dma_start3A_16 = tpu.memref_slice %arg7[%dma_start3A_13, %dma_start3A_14, %dma_start3A_15] : memref<26x128x16xf32, #tpu.memory_space<vmem>> -> memref<1x128x16xf32, #tpu.memory_space<vmem>>
    %dma_start3A_17 = tpu.memref_squeeze %dma_start3A_16 : memref<1x128x16xf32, #tpu.memory_space<vmem>> -> memref<128x16xf32, #tpu.memory_space<vmem>>
    %dma_start3A_18 = arith.constant 0 : i32
    %dma_start3A_19 = tpu.memref_slice %arg6[%dma_start3A_12, %dma_start3A_18] : memref<26x128xi32, #tpu.memory_space<vmem>> -> memref<1x128xi32, #tpu.memory_space<vmem>>
    %dma_start3A_20 = tpu.memref_squeeze %dma_start3A_19 : memref<1x128xi32, #tpu.memory_space<vmem>> -> memref<128xi32, #tpu.memory_space<vmem>>
    %dma_start3A_21 = arith.constant 0 : i32
    %dma_start3A_22 = arith.constant 0 : i32
    %dma_start3A_23 = tpu.memref_slice %arg4[%dma_start3A_21, %dma_start3A_22] : memref<2600000x16xf32, #tpu.memory_space<hbm>> -> memref<2600000x16xf32, #tpu.memory_space<hbm>>
    tpu.enqueue_indirect_dma source(%dma_start3A_23 : memref<2600000x16xf32, #tpu.memory_space<hbm>>) target(%dma_start3A_17 : memref<128x16xf32, #tpu.memory_space<vmem>>) offsets(%dma_start3A_20 : memref<128xi32, #tpu.memory_space<vmem>>) semaphore(%arg11 : memref<!tpu.dma_semaphore, #tpu.memory_space<semaphore_mem>>)
    %dma_start3A_24 = arith.constant 2 : i32
    %dma_start3A_25 = arith.constant 2 : i32
    %dma_start3A_26 = arith.constant 0 : i32
    %dma_start3A_27 = arith.constant 0 : i32
    %dma_start3A_28 = tpu.memref_slice %arg7[%dma_start3A_25, %dma_start3A_26, %dma_start3A_27] : memref<26x128x16xf32, #tpu.memory_space<vmem>> -> memref<1x128x16xf32, #tpu.memory_space<vmem>>
    %dma_start3A_29 = tpu.memref_squeeze %dma_start3A_28 : memref<1x128x16xf32, #tpu.memory_space<vmem>> -> memref<128x16xf32, #tpu.memory_space<vmem>>
    %dma_start3A_30 = arith.constant 0 : i32
    %dma_start3A_31 = tpu.memref_slice %arg6[%dma_start3A_24, %dma_start3A_30] : memref<26x128xi32, #tpu.memory_space<vmem>> -> memref<1x128xi32, #tpu.memory_space<vmem>>
    %dma_start3A_32 = tpu.memref_squeeze %dma_start3A_31 : memref<1x128xi32, #tpu.memory_space<vmem>> -> memref<128xi32, #tpu.memory_space<vmem>>
    %dma_start3A_33 = arith.constant 0 : i32
    %dma_start3A_34 = arith.constant 0 : i32
    %dma_start3A_35 = tpu.memref_slice %arg4[%dma_start3A_33, %dma_start3A_34] : memref<2600000x16xf32, #tpu.memory_space<hbm>> -> memref<2600000x16xf32, #tpu.memory_space<hbm>>
    tpu.enqueue_indirect_dma source(%dma_start3A_35 : memref<2600000x16xf32, #tpu.memory_space<hbm>>) target(%dma_start3A_29 : memref<128x16xf32, #tpu.memory_space<vmem>>) offsets(%dma_start3A_32 : memref<128xi32, #tpu.memory_space<vmem>>) semaphore(%arg11 : memref<!tpu.dma_semaphore, #tpu.memory_space<semaphore_mem>>)
    %dma_start3A_36 = arith.constant 3 : i32
    %dma_start3A_37 = arith.constant 3 : i32
    %dma_start3A_38 = arith.constant 0 : i32
    %dma_start3A_39 = arith.constant 0 : i32
    %dma_start3A_40 = tpu.memref_slice %arg7[%dma_start3A_37, %dma_start3A_38, %dma_start3A_39] : memref<26x128x16xf32, #tpu.memory_space<vmem>> -> memref<1x128x16xf32, #tpu.memory_space<vmem>>
    %dma_start3A_41 = tpu.memref_squeeze %dma_start3A_40 : memref<1x128x16xf32, #tpu.memory_space<vmem>> -> memref<128x16xf32, #tpu.memory_space<vmem>>
    %dma_start3A_42 = arith.constant 0 : i32
    %dma_start3A_43 = tpu.memref_slice %arg6[%dma_start3A_36, %dma_start3A_42] : memref<26x128xi32, #tpu.memory_space<vmem>> -> memref<1x128xi32, #tpu.memory_space<vmem>>
    %dma_start3A_44 = tpu.memref_squeeze %dma_start3A_43 : memref<1x128xi32, #tpu.memory_space<vmem>> -> memref<128xi32, #tpu.memory_space<vmem>>
    %dma_start3A_45 = arith.constant 0 : i32
    %dma_start3A_46 = arith.constant 0 : i32
    %dma_start3A_47 = tpu.memref_slice %arg4[%dma_start3A_45, %dma_start3A_46] : memref<2600000x16xf32, #tpu.memory_space<hbm>> -> memref<2600000x16xf32, #tpu.memory_space<hbm>>
    tpu.enqueue_indirect_dma source(%dma_start3A_47 : memref<2600000x16xf32, #tpu.memory_space<hbm>>) target(%dma_start3A_41 : memref<128x16xf32, #tpu.memory_space<vmem>>) offsets(%dma_start3A_44 : memref<128xi32, #tpu.memory_space<vmem>>) semaphore(%arg11 : memref<!tpu.dma_semaphore, #tpu.memory_space<semaphore_mem>>)
    %dma_start3A_48 = arith.constant 4 : i32
    %dma_start3A_49 = arith.constant 4 : i32
    %dma_start3A_50 = arith.constant 0 : i32
    %dma_start3A_51 = arith.constant 0 : i32
    %dma_start3A_52 = tpu.memref_slice %arg7[%dma_start3A_49, %dma_start3A_50, %dma_start3A_51] : memref<26x128x16xf32, #tpu.memory_space<vmem>> -> memref<1x128x16xf32, #tpu.memory_space<vmem>>
    %dma_start3A_53 = tpu.memref_squeeze %dma_start3A_52 : memref<1x128x16xf32, #tpu.memory_space<vmem>> -> memref<128x16xf32, #tpu.memory_space<vmem>>
    %dma_start3A_54 = arith.constant 0 : i32
    %dma_start3A_55 = tpu.memref_slice %arg6[%dma_start3A_48, %dma_start3A_54] : memref<26x128xi32, #tpu.memory_space<vmem>> -> memref<1x128xi32, #tpu.memory_space<vmem>>
    %dma_start3A_56 = tpu.memref_squeeze %dma_start3A_55 : memref<1x128xi32, #tpu.memory_space<vmem>> -> memref<128xi32, #tpu.memory_space<vmem>>
    %dma_start3A_57 = arith.constant 0 : i32
    %dma_start3A_58 = arith.constant 0 : i32
    %dma_start3A_59 = tpu.memref_slice %arg4[%dma_start3A_57, %dma_start3A_58] : memref<2600000x16xf32, #tpu.memory_space<hbm>> -> memref<2600000x16xf32, #tpu.memory_space<hbm>>
    tpu.enqueue_indirect_dma source(%dma_start3A_59 : memref<2600000x16xf32, #tpu.memory_space<hbm>>) target(%dma_start3A_53 : memref<128x16xf32, #tpu.memory_space<vmem>>) offsets(%dma_start3A_56 : memref<128xi32, #tpu.memory_space<vmem>>) semaphore(%arg11 : memref<!tpu.dma_semaphore, #tpu.memory_space<semaphore_mem>>)
    %dma_start3A_60 = arith.constant 5 : i32
    %dma_start3A_61 = arith.constant 5 : i32
    %dma_start3A_62 = arith.constant 0 : i32
    %dma_start3A_63 = arith.constant 0 : i32
    %dma_start3A_64 = tpu.memref_slice %arg7[%dma_start3A_61, %dma_start3A_62, %dma_start3A_63] : memref<26x128x16xf32, #tpu.memory_space<vmem>> -> memref<1x128x16xf32, #tpu.memory_space<vmem>>
    %dma_start3A_65 = tpu.memref_squeeze %dma_start3A_64 : memref<1x128x16xf32, #tpu.memory_space<vmem>> -> memref<128x16xf32, #tpu.memory_space<vmem>>
    %dma_start3A_66 = arith.constant 0 : i32
    %dma_start3A_67 = tpu.memref_slice %arg6[%dma_start3A_60, %dma_start3A_66] : memref<26x128xi32, #tpu.memory_space<vmem>> -> memref<1x128xi32, #tpu.memory_space<vmem>>
    %dma_start3A_68 = tpu.memref_squeeze %dma_start3A_67 : memref<1x128xi32, #tpu.memory_space<vmem>> -> memref<128xi32, #tpu.memory_space<vmem>>
    %dma_start3A_69 = arith.constant 0 : i32
    %dma_start3A_70 = arith.constant 0 : i32
    %dma_start3A_71 = tpu.memref_slice %arg4[%dma_start3A_69, %dma_start3A_70] : memref<2600000x16xf32, #tpu.memory_space<hbm>> -> memref<2600000x16xf32, #tpu.memory_space<hbm>>
    tpu.enqueue_indirect_dma source(%dma_start3A_71 : memref<2600000x16xf32, #tpu.memory_space<hbm>>) target(%dma_start3A_65 : memref<128x16xf32, #tpu.memory_space<vmem>>) offsets(%dma_start3A_68 : memref<128xi32, #tpu.memory_space<vmem>>) semaphore(%arg11 : memref<!tpu.dma_semaphore, #tpu.memory_space<semaphore_mem>>)
    %dma_start3A_72 = arith.constant 6 : i32
    %dma_start3A_73 = arith.constant 6 : i32
    %dma_start3A_74 = arith.constant 0 : i32
    %dma_start3A_75 = arith.constant 0 : i32
    %dma_start3A_76 = tpu.memref_slice %arg7[%dma_start3A_73, %dma_start3A_74, %dma_start3A_75] : memref<26x128x16xf32, #tpu.memory_space<vmem>> -> memref<1x128x16xf32, #tpu.memory_space<vmem>>
    %dma_start3A_77 = tpu.memref_squeeze %dma_start3A_76 : memref<1x128x16xf32, #tpu.memory_space<vmem>> -> memref<128x16xf32, #tpu.memory_space<vmem>>
    %dma_start3A_78 = arith.constant 0 : i32
    %dma_start3A_79 = tpu.memref_slice %arg6[%dma_start3A_72, %dma_start3A_78] : memref<26x128xi32, #tpu.memory_space<vmem>> -> memref<1x128xi32, #tpu.memory_space<vmem>>
    %dma_start3A_80 = tpu.memref_squeeze %dma_start3A_79 : memref<1x128xi32, #tpu.memory_space<vmem>> -> memref<128xi32, #tpu.memory_space<vmem>>
    %dma_start3A_81 = arith.constant 0 : i32
    %dma_start3A_82 = arith.constant 0 : i32
    %dma_start3A_83 = tpu.memref_slice %arg4[%dma_start3A_81, %dma_start3A_82] : memref<2600000x16xf32, #tpu.memory_space<hbm>> -> memref<2600000x16xf32, #tpu.memory_space<hbm>>
    tpu.enqueue_indirect_dma source(%dma_start3A_83 : memref<2600000x16xf32, #tpu.memory_space<hbm>>) target(%dma_start3A_77 : memref<128x16xf32, #tpu.memory_space<vmem>>) offsets(%dma_start3A_80 : memref<128xi32, #tpu.memory_space<vmem>>) semaphore(%arg11 : memref<!tpu.dma_semaphore, #tpu.memory_space<semaphore_mem>>)
    %dma_start3A_84 = arith.constant 7 : i32
    %dma_start3A_85 = arith.constant 7 : i32
    %dma_start3A_86 = arith.constant 0 : i32
    %dma_start3A_87 = arith.constant 0 : i32
    %dma_start3A_88 = tpu.memref_slice %arg7[%dma_start3A_85, %dma_start3A_86, %dma_start3A_87] : memref<26x128x16xf32, #tpu.memory_space<vmem>> -> memref<1x128x16xf32, #tpu.memory_space<vmem>>
    %dma_start3A_89 = tpu.memref_squeeze %dma_start3A_88 : memref<1x128x16xf32, #tpu.memory_space<vmem>> -> memref<128x16xf32, #tpu.memory_space<vmem>>
    %dma_start3A_90 = arith.constant 0 : i32
    %dma_start3A_91 = tpu.memref_slice %arg6[%dma_start3A_84, %dma_start3A_90] : memref<26x128xi32, #tpu.memory_space<vmem>> -> memref<1x128xi32, #tpu.memory_space<vmem>>
    %dma_start3A_92 = tpu.memref_squeeze %dma_start3A_91 : memref<1x128xi32, #tpu.memory_space<vmem>> -> memref<128xi32, #tpu.memory_space<vmem>>
    %dma_start3A_93 = arith.constant 0 : i32
    %dma_start3A_94 = arith.constant 0 : i32
    %dma_start3A_95 = tpu.memref_slice %arg4[%dma_start3A_93, %dma_start3A_94] : memref<2600000x16xf32, #tpu.memory_space<hbm>> -> memref<2600000x16xf32, #tpu.memory_space<hbm>>
    tpu.enqueue_indirect_dma source(%dma_start3A_95 : memref<2600000x16xf32, #tpu.memory_space<hbm>>) target(%dma_start3A_89 : memref<128x16xf32, #tpu.memory_space<vmem>>) offsets(%dma_start3A_92 : memref<128xi32, #tpu.memory_space<vmem>>) semaphore(%arg11 : memref<!tpu.dma_semaphore, #tpu.memory_space<semaphore_mem>>)
    %dma_start3A_96 = arith.constant 8 : i32
    %dma_start3A_97 = arith.constant 8 : i32
    %dma_start3A_98 = arith.constant 0 : i32
    %dma_start3A_99 = arith.constant 0 : i32
    %dma_start3A_100 = tpu.memref_slice %arg7[%dma_start3A_97, %dma_start3A_98, %dma_start3A_99] : memref<26x128x16xf32, #tpu.memory_space<vmem>> -> memref<1x128x16xf32, #tpu.memory_space<vmem>>
    %dma_start3A_101 = tpu.memref_squeeze %dma_start3A_100 : memref<1x128x16xf32, #tpu.memory_space<vmem>> -> memref<128x16xf32, #tpu.memory_space<vmem>>
    %dma_start3A_102 = arith.constant 0 : i32
    %dma_start3A_103 = tpu.memref_slice %arg6[%dma_start3A_96, %dma_start3A_102] : memref<26x128xi32, #tpu.memory_space<vmem>> -> memref<1x128xi32, #tpu.memory_space<vmem>>
    %dma_start3A_104 = tpu.memref_squeeze %dma_start3A_103 : memref<1x128xi32, #tpu.memory_space<vmem>> -> memref<128xi32, #tpu.memory_space<vmem>>
    %dma_start3A_105 = arith.constant 0 : i32
    %dma_start3A_106 = arith.constant 0 : i32
    %dma_start3A_107 = tpu.memref_slice %arg4[%dma_start3A_105, %dma_start3A_106] : memref<2600000x16xf32, #tpu.memory_space<hbm>> -> memref<2600000x16xf32, #tpu.memory_space<hbm>>
    tpu.enqueue_indirect_dma source(%dma_start3A_107 : memref<2600000x16xf32, #tpu.memory_space<hbm>>) target(%dma_start3A_101 : memref<128x16xf32, #tpu.memory_space<vmem>>) offsets(%dma_start3A_104 : memref<128xi32, #tpu.memory_space<vmem>>) semaphore(%arg11 : memref<!tpu.dma_semaphore, #tpu.memory_space<semaphore_mem>>)
    %dma_start3A_108 = arith.constant 9 : i32
    %dma_start3A_109 = arith.constant 9 : i32
    %dma_start3A_110 = arith.constant 0 : i32
    %dma_start3A_111 = arith.constant 0 : i32
    %dma_start3A_112 = tpu.memref_slice %arg7[%dma_start3A_109, %dma_start3A_110, %dma_start3A_111] : memref<26x128x16xf32, #tpu.memory_space<vmem>> -> memref<1x128x16xf32, #tpu.memory_space<vmem>>
    %dma_start3A_113 = tpu.memref_squeeze %dma_start3A_112 : memref<1x128x16xf32, #tpu.memory_space<vmem>> -> memref<128x16xf32, #tpu.memory_space<vmem>>
    %dma_start3A_114 = arith.constant 0 : i32
    %dma_start3A_115 = tpu.memref_slice %arg6[%dma_start3A_108, %dma_start3A_114] : memref<26x128xi32, #tpu.memory_space<vmem>> -> memref<1x128xi32, #tpu.memory_space<vmem>>
    %dma_start3A_116 = tpu.memref_squeeze %dma_start3A_115 : memref<1x128xi32, #tpu.memory_space<vmem>> -> memref<128xi32, #tpu.memory_space<vmem>>
    %dma_start3A_117 = arith.constant 0 : i32
    %dma_start3A_118 = arith.constant 0 : i32
    %dma_start3A_119 = tpu.memref_slice %arg4[%dma_start3A_117, %dma_start3A_118] : memref<2600000x16xf32, #tpu.memory_space<hbm>> -> memref<2600000x16xf32, #tpu.memory_space<hbm>>
    tpu.enqueue_indirect_dma source(%dma_start3A_119 : memref<2600000x16xf32, #tpu.memory_space<hbm>>) target(%dma_start3A_113 : memref<128x16xf32, #tpu.memory_space<vmem>>) offsets(%dma_start3A_116 : memref<128xi32, #tpu.memory_space<vmem>>) semaphore(%arg11 : memref<!tpu.dma_semaphore, #tpu.memory_space<semaphore_mem>>)
    %dma_start3A_120 = arith.constant 10 : i32
    %dma_start3A_121 = arith.constant 10 : i32
    %dma_start3A_122 = arith.constant 0 : i32
    %dma_start3A_123 = arith.constant 0 : i32
    %dma_start3A_124 = tpu.memref_slice %arg7[%dma_start3A_121, %dma_start3A_122, %dma_start3A_123] : memref<26x128x16xf32, #tpu.memory_space<vmem>> -> memref<1x128x16xf32, #tpu.memory_space<vmem>>
    %dma_start3A_125 = tpu.memref_squeeze %dma_start3A_124 : memref<1x128x16xf32, #tpu.memory_space<vmem>> -> memref<128x16xf32, #tpu.memory_space<vmem>>
    %dma_start3A_126 = arith.constant 0 : i32
    %dma_start3A_127 = tpu.memref_slice %arg6[%dma_start3A_120, %dma_start3A_126] : memref<26x128xi32, #tpu.memory_space<vmem>> -> memref<1x128xi32, #tpu.memory_space<vmem>>
    %dma_start3A_128 = tpu.memref_squeeze %dma_start3A_127 : memref<1x128xi32, #tpu.memory_space<vmem>> -> memref<128xi32, #tpu.memory_space<vmem>>
    %dma_start3A_129 = arith.constant 0 : i32
    %dma_start3A_130 = arith.constant 0 : i32
    %dma_start3A_131 = tpu.memref_slice %arg4[%dma_start3A_129, %dma_start3A_130] : memref<2600000x16xf32, #tpu.memory_space<hbm>> -> memref<2600000x16xf32, #tpu.memory_space<hbm>>
    tpu.enqueue_indirect_dma source(%dma_start3A_131 : memref<2600000x16xf32, #tpu.memory_space<hbm>>) target(%dma_start3A_125 : memref<128x16xf32, #tpu.memory_space<vmem>>) offsets(%dma_start3A_128 : memref<128xi32, #tpu.memory_space<vmem>>) semaphore(%arg11 : memref<!tpu.dma_semaphore, #tpu.memory_space<semaphore_mem>>)
    %dma_start3A_132 = arith.constant 11 : i32
    %dma_start3A_133 = arith.constant 11 : i32
    %dma_start3A_134 = arith.constant 0 : i32
    %dma_start3A_135 = arith.constant 0 : i32
    %dma_start3A_136 = tpu.memref_slice %arg7[%dma_start3A_133, %dma_start3A_134, %dma_start3A_135] : memref<26x128x16xf32, #tpu.memory_space<vmem>> -> memref<1x128x16xf32, #tpu.memory_space<vmem>>
    %dma_start3A_137 = tpu.memref_squeeze %dma_start3A_136 : memref<1x128x16xf32, #tpu.memory_space<vmem>> -> memref<128x16xf32, #tpu.memory_space<vmem>>
    %dma_start3A_138 = arith.constant 0 : i32
    %dma_start3A_139 = tpu.memref_slice %arg6[%dma_start3A_132, %dma_start3A_138] : memref<26x128xi32, #tpu.memory_space<vmem>> -> memref<1x128xi32, #tpu.memory_space<vmem>>
    %dma_start3A_140 = tpu.memref_squeeze %dma_start3A_139 : memref<1x128xi32, #tpu.memory_space<vmem>> -> memref<128xi32, #tpu.memory_space<vmem>>
    %dma_start3A_141 = arith.constant 0 : i32
    %dma_start3A_142 = arith.constant 0 : i32
    %dma_start3A_143 = tpu.memref_slice %arg4[%dma_start3A_141, %dma_start3A_142] : memref<2600000x16xf32, #tpu.memory_space<hbm>> -> memref<2600000x16xf32, #tpu.memory_space<hbm>>
    tpu.enqueue_indirect_dma source(%dma_start3A_143 : memref<2600000x16xf32, #tpu.memory_space<hbm>>) target(%dma_start3A_137 : memref<128x16xf32, #tpu.memory_space<vmem>>) offsets(%dma_start3A_140 : memref<128xi32, #tpu.memory_space<vmem>>) semaphore(%arg11 : memref<!tpu.dma_semaphore, #tpu.memory_space<semaphore_mem>>)
    %dma_start3A_144 = arith.constant 12 : i32
    %dma_start3A_145 = arith.constant 12 : i32
    %dma_start3A_146 = arith.constant 0 : i32
    %dma_start3A_147 = arith.constant 0 : i32
    %dma_start3A_148 = tpu.memref_slice %arg7[%dma_start3A_145, %dma_start3A_146, %dma_start3A_147] : memref<26x128x16xf32, #tpu.memory_space<vmem>> -> memref<1x128x16xf32, #tpu.memory_space<vmem>>
    %dma_start3A_149 = tpu.memref_squeeze %dma_start3A_148 : memref<1x128x16xf32, #tpu.memory_space<vmem>> -> memref<128x16xf32, #tpu.memory_space<vmem>>
    %dma_start3A_150 = arith.constant 0 : i32
    %dma_start3A_151 = tpu.memref_slice %arg6[%dma_start3A_144, %dma_start3A_150] : memref<26x128xi32, #tpu.memory_space<vmem>> -> memref<1x128xi32, #tpu.memory_space<vmem>>
    %dma_start3A_152 = tpu.memref_squeeze %dma_start3A_151 : memref<1x128xi32, #tpu.memory_space<vmem>> -> memref<128xi32, #tpu.memory_space<vmem>>
    %dma_start3A_153 = arith.constant 0 : i32
    %dma_start3A_154 = arith.constant 0 : i32
    %dma_start3A_155 = tpu.memref_slice %arg4[%dma_start3A_153, %dma_start3A_154] : memref<2600000x16xf32, #tpu.memory_space<hbm>> -> memref<2600000x16xf32, #tpu.memory_space<hbm>>
    tpu.enqueue_indirect_dma source(%dma_start3A_155 : memref<2600000x16xf32, #tpu.memory_space<hbm>>) target(%dma_start3A_149 : memref<128x16xf32, #tpu.memory_space<vmem>>) offsets(%dma_start3A_152 : memref<128xi32, #tpu.memory_space<vmem>>) semaphore(%arg11 : memref<!tpu.dma_semaphore, #tpu.memory_space<semaphore_mem>>)
    %dma_start3A_156 = arith.constant 13 : i32
    %dma_start3A_157 = arith.constant 13 : i32
    %dma_start3A_158 = arith.constant 0 : i32
    %dma_start3A_159 = arith.constant 0 : i32
    %dma_start3A_160 = tpu.memref_slice %arg7[%dma_start3A_157, %dma_start3A_158, %dma_start3A_159] : memref<26x128x16xf32, #tpu.memory_space<vmem>> -> memref<1x128x16xf32, #tpu.memory_space<vmem>>
    %dma_start3A_161 = tpu.memref_squeeze %dma_start3A_160 : memref<1x128x16xf32, #tpu.memory_space<vmem>> -> memref<128x16xf32, #tpu.memory_space<vmem>>
    %dma_start3A_162 = arith.constant 0 : i32
    %dma_start3A_163 = tpu.memref_slice %arg6[%dma_start3A_156, %dma_start3A_162] : memref<26x128xi32, #tpu.memory_space<vmem>> -> memref<1x128xi32, #tpu.memory_space<vmem>>
    %dma_start3A_164 = tpu.memref_squeeze %dma_start3A_163 : memref<1x128xi32, #tpu.memory_space<vmem>> -> memref<128xi32, #tpu.memory_space<vmem>>
    %dma_start3A_165 = arith.constant 0 : i32
    %dma_start3A_166 = arith.constant 0 : i32
    %dma_start3A_167 = tpu.memref_slice %arg4[%dma_start3A_165, %dma_start3A_166] : memref<2600000x16xf32, #tpu.memory_space<hbm>> -> memref<2600000x16xf32, #tpu.memory_space<hbm>>
    tpu.enqueue_indirect_dma source(%dma_start3A_167 : memref<2600000x16xf32, #tpu.memory_space<hbm>>) target(%dma_start3A_161 : memref<128x16xf32, #tpu.memory_space<vmem>>) offsets(%dma_start3A_164 : memref<128xi32, #tpu.memory_space<vmem>>) semaphore(%arg11 : memref<!tpu.dma_semaphore, #tpu.memory_space<semaphore_mem>>)
    %dma_start3A_168 = arith.constant 14 : i32
    %dma_start3A_169 = arith.constant 14 : i32
    %dma_start3A_170 = arith.constant 0 : i32
    %dma_start3A_171 = arith.constant 0 : i32
    %dma_start3A_172 = tpu.memref_slice %arg7[%dma_start3A_169, %dma_start3A_170, %dma_start3A_171] : memref<26x128x16xf32, #tpu.memory_space<vmem>> -> memref<1x128x16xf32, #tpu.memory_space<vmem>>
    %dma_start3A_173 = tpu.memref_squeeze %dma_start3A_172 : memref<1x128x16xf32, #tpu.memory_space<vmem>> -> memref<128x16xf32, #tpu.memory_space<vmem>>
    %dma_start3A_174 = arith.constant 0 : i32
    %dma_start3A_175 = tpu.memref_slice %arg6[%dma_start3A_168, %dma_start3A_174] : memref<26x128xi32, #tpu.memory_space<vmem>> -> memref<1x128xi32, #tpu.memory_space<vmem>>
    %dma_start3A_176 = tpu.memref_squeeze %dma_start3A_175 : memref<1x128xi32, #tpu.memory_space<vmem>> -> memref<128xi32, #tpu.memory_space<vmem>>
    %dma_start3A_177 = arith.constant 0 : i32
    %dma_start3A_178 = arith.constant 0 : i32
    %dma_start3A_179 = tpu.memref_slice %arg4[%dma_start3A_177, %dma_start3A_178] : memref<2600000x16xf32, #tpu.memory_space<hbm>> -> memref<2600000x16xf32, #tpu.memory_space<hbm>>
    tpu.enqueue_indirect_dma source(%dma_start3A_179 : memref<2600000x16xf32, #tpu.memory_space<hbm>>) target(%dma_start3A_173 : memref<128x16xf32, #tpu.memory_space<vmem>>) offsets(%dma_start3A_176 : memref<128xi32, #tpu.memory_space<vmem>>) semaphore(%arg11 : memref<!tpu.dma_semaphore, #tpu.memory_space<semaphore_mem>>)
    %dma_start3A_180 = arith.constant 15 : i32
    %dma_start3A_181 = arith.constant 15 : i32
    %dma_start3A_182 = arith.constant 0 : i32
    %dma_start3A_183 = arith.constant 0 : i32
    %dma_start3A_184 = tpu.memref_slice %arg7[%dma_start3A_181, %dma_start3A_182, %dma_start3A_183] : memref<26x128x16xf32, #tpu.memory_space<vmem>> -> memref<1x128x16xf32, #tpu.memory_space<vmem>>
    %dma_start3A_185 = tpu.memref_squeeze %dma_start3A_184 : memref<1x128x16xf32, #tpu.memory_space<vmem>> -> memref<128x16xf32, #tpu.memory_space<vmem>>
    %dma_start3A_186 = arith.constant 0 : i32
    %dma_start3A_187 = tpu.memref_slice %arg6[%dma_start3A_180, %dma_start3A_186] : memref<26x128xi32, #tpu.memory_space<vmem>> -> memref<1x128xi32, #tpu.memory_space<vmem>>
    %dma_start3A_188 = tpu.memref_squeeze %dma_start3A_187 : memref<1x128xi32, #tpu.memory_space<vmem>> -> memref<128xi32, #tpu.memory_space<vmem>>
    %dma_start3A_189 = arith.constant 0 : i32
    %dma_start3A_190 = arith.constant 0 : i32
    %dma_start3A_191 = tpu.memref_slice %arg4[%dma_start3A_189, %dma_start3A_190] : memref<2600000x16xf32, #tpu.memory_space<hbm>> -> memref<2600000x16xf32, #tpu.memory_space<hbm>>
    tpu.enqueue_indirect_dma source(%dma_start3A_191 : memref<2600000x16xf32, #tpu.memory_space<hbm>>) target(%dma_start3A_185 : memref<128x16xf32, #tpu.memory_space<vmem>>) offsets(%dma_start3A_188 : memref<128xi32, #tpu.memory_space<vmem>>) semaphore(%arg11 : memref<!tpu.dma_semaphore, #tpu.memory_space<semaphore_mem>>)
    %dma_start3A_192 = arith.constant 16 : i32
    %dma_start3A_193 = arith.constant 16 : i32
    %dma_start3A_194 = arith.constant 0 : i32
    %dma_start3A_195 = arith.constant 0 : i32
    %dma_start3A_196 = tpu.memref_slice %arg7[%dma_start3A_193, %dma_start3A_194, %dma_start3A_195] : memref<26x128x16xf32, #tpu.memory_space<vmem>> -> memref<1x128x16xf32, #tpu.memory_space<vmem>>
    %dma_start3A_197 = tpu.memref_squeeze %dma_start3A_196 : memref<1x128x16xf32, #tpu.memory_space<vmem>> -> memref<128x16xf32, #tpu.memory_space<vmem>>
    %dma_start3A_198 = arith.constant 0 : i32
    %dma_start3A_199 = tpu.memref_slice %arg6[%dma_start3A_192, %dma_start3A_198] : memref<26x128xi32, #tpu.memory_space<vmem>> -> memref<1x128xi32, #tpu.memory_space<vmem>>
    %dma_start3A_200 = tpu.memref_squeeze %dma_start3A_199 : memref<1x128xi32, #tpu.memory_space<vmem>> -> memref<128xi32, #tpu.memory_space<vmem>>
    %dma_start3A_201 = arith.constant 0 : i32
    %dma_start3A_202 = arith.constant 0 : i32
    %dma_start3A_203 = tpu.memref_slice %arg4[%dma_start3A_201, %dma_start3A_202] : memref<2600000x16xf32, #tpu.memory_space<hbm>> -> memref<2600000x16xf32, #tpu.memory_space<hbm>>
    tpu.enqueue_indirect_dma source(%dma_start3A_203 : memref<2600000x16xf32, #tpu.memory_space<hbm>>) target(%dma_start3A_197 : memref<128x16xf32, #tpu.memory_space<vmem>>) offsets(%dma_start3A_200 : memref<128xi32, #tpu.memory_space<vmem>>) semaphore(%arg11 : memref<!tpu.dma_semaphore, #tpu.memory_space<semaphore_mem>>)
    %dma_start3A_204 = arith.constant 17 : i32
    %dma_start3A_205 = arith.constant 17 : i32
    %dma_start3A_206 = arith.constant 0 : i32
    %dma_start3A_207 = arith.constant 0 : i32
    %dma_start3A_208 = tpu.memref_slice %arg7[%dma_start3A_205, %dma_start3A_206, %dma_start3A_207] : memref<26x128x16xf32, #tpu.memory_space<vmem>> -> memref<1x128x16xf32, #tpu.memory_space<vmem>>
    %dma_start3A_209 = tpu.memref_squeeze %dma_start3A_208 : memref<1x128x16xf32, #tpu.memory_space<vmem>> -> memref<128x16xf32, #tpu.memory_space<vmem>>
    %dma_start3A_210 = arith.constant 0 : i32
    %dma_start3A_211 = tpu.memref_slice %arg6[%dma_start3A_204, %dma_start3A_210] : memref<26x128xi32, #tpu.memory_space<vmem>> -> memref<1x128xi32, #tpu.memory_space<vmem>>
    %dma_start3A_212 = tpu.memref_squeeze %dma_start3A_211 : memref<1x128xi32, #tpu.memory_space<vmem>> -> memref<128xi32, #tpu.memory_space<vmem>>
    %dma_start3A_213 = arith.constant 0 : i32
    %dma_start3A_214 = arith.constant 0 : i32
    %dma_start3A_215 = tpu.memref_slice %arg4[%dma_start3A_213, %dma_start3A_214] : memref<2600000x16xf32, #tpu.memory_space<hbm>> -> memref<2600000x16xf32, #tpu.memory_space<hbm>>
    tpu.enqueue_indirect_dma source(%dma_start3A_215 : memref<2600000x16xf32, #tpu.memory_space<hbm>>) target(%dma_start3A_209 : memref<128x16xf32, #tpu.memory_space<vmem>>) offsets(%dma_start3A_212 : memref<128xi32, #tpu.memory_space<vmem>>) semaphore(%arg11 : memref<!tpu.dma_semaphore, #tpu.memory_space<semaphore_mem>>)
    %dma_start3A_216 = arith.constant 18 : i32
    %dma_start3A_217 = arith.constant 18 : i32
    %dma_start3A_218 = arith.constant 0 : i32
    %dma_start3A_219 = arith.constant 0 : i32
    %dma_start3A_220 = tpu.memref_slice %arg7[%dma_start3A_217, %dma_start3A_218, %dma_start3A_219] : memref<26x128x16xf32, #tpu.memory_space<vmem>> -> memref<1x128x16xf32, #tpu.memory_space<vmem>>
    %dma_start3A_221 = tpu.memref_squeeze %dma_start3A_220 : memref<1x128x16xf32, #tpu.memory_space<vmem>> -> memref<128x16xf32, #tpu.memory_space<vmem>>
    %dma_start3A_222 = arith.constant 0 : i32
    %dma_start3A_223 = tpu.memref_slice %arg6[%dma_start3A_216, %dma_start3A_222] : memref<26x128xi32, #tpu.memory_space<vmem>> -> memref<1x128xi32, #tpu.memory_space<vmem>>
    %dma_start3A_224 = tpu.memref_squeeze %dma_start3A_223 : memref<1x128xi32, #tpu.memory_space<vmem>> -> memref<128xi32, #tpu.memory_space<vmem>>
    %dma_start3A_225 = arith.constant 0 : i32
    %dma_start3A_226 = arith.constant 0 : i32
    %dma_start3A_227 = tpu.memref_slice %arg4[%dma_start3A_225, %dma_start3A_226] : memref<2600000x16xf32, #tpu.memory_space<hbm>> -> memref<2600000x16xf32, #tpu.memory_space<hbm>>
    tpu.enqueue_indirect_dma source(%dma_start3A_227 : memref<2600000x16xf32, #tpu.memory_space<hbm>>) target(%dma_start3A_221 : memref<128x16xf32, #tpu.memory_space<vmem>>) offsets(%dma_start3A_224 : memref<128xi32, #tpu.memory_space<vmem>>) semaphore(%arg11 : memref<!tpu.dma_semaphore, #tpu.memory_space<semaphore_mem>>)
    %dma_start3A_228 = arith.constant 19 : i32
    %dma_start3A_229 = arith.constant 19 : i32
    %dma_start3A_230 = arith.constant 0 : i32
    %dma_start3A_231 = arith.constant 0 : i32
    %dma_start3A_232 = tpu.memref_slice %arg7[%dma_start3A_229, %dma_start3A_230, %dma_start3A_231] : memref<26x128x16xf32, #tpu.memory_space<vmem>> -> memref<1x128x16xf32, #tpu.memory_space<vmem>>
    %dma_start3A_233 = tpu.memref_squeeze %dma_start3A_232 : memref<1x128x16xf32, #tpu.memory_space<vmem>> -> memref<128x16xf32, #tpu.memory_space<vmem>>
    %dma_start3A_234 = arith.constant 0 : i32
    %dma_start3A_235 = tpu.memref_slice %arg6[%dma_start3A_228, %dma_start3A_234] : memref<26x128xi32, #tpu.memory_space<vmem>> -> memref<1x128xi32, #tpu.memory_space<vmem>>
    %dma_start3A_236 = tpu.memref_squeeze %dma_start3A_235 : memref<1x128xi32, #tpu.memory_space<vmem>> -> memref<128xi32, #tpu.memory_space<vmem>>
    %dma_start3A_237 = arith.constant 0 : i32
    %dma_start3A_238 = arith.constant 0 : i32
    %dma_start3A_239 = tpu.memref_slice %arg4[%dma_start3A_237, %dma_start3A_238] : memref<2600000x16xf32, #tpu.memory_space<hbm>> -> memref<2600000x16xf32, #tpu.memory_space<hbm>>
    tpu.enqueue_indirect_dma source(%dma_start3A_239 : memref<2600000x16xf32, #tpu.memory_space<hbm>>) target(%dma_start3A_233 : memref<128x16xf32, #tpu.memory_space<vmem>>) offsets(%dma_start3A_236 : memref<128xi32, #tpu.memory_space<vmem>>) semaphore(%arg11 : memref<!tpu.dma_semaphore, #tpu.memory_space<semaphore_mem>>)
    %dma_start3A_240 = arith.constant 20 : i32
    %dma_start3A_241 = arith.constant 20 : i32
    %dma_start3A_242 = arith.constant 0 : i32
    %dma_start3A_243 = arith.constant 0 : i32
    %dma_start3A_244 = tpu.memref_slice %arg7[%dma_start3A_241, %dma_start3A_242, %dma_start3A_243] : memref<26x128x16xf32, #tpu.memory_space<vmem>> -> memref<1x128x16xf32, #tpu.memory_space<vmem>>
    %dma_start3A_245 = tpu.memref_squeeze %dma_start3A_244 : memref<1x128x16xf32, #tpu.memory_space<vmem>> -> memref<128x16xf32, #tpu.memory_space<vmem>>
    %dma_start3A_246 = arith.constant 0 : i32
    %dma_start3A_247 = tpu.memref_slice %arg6[%dma_start3A_240, %dma_start3A_246] : memref<26x128xi32, #tpu.memory_space<vmem>> -> memref<1x128xi32, #tpu.memory_space<vmem>>
    %dma_start3A_248 = tpu.memref_squeeze %dma_start3A_247 : memref<1x128xi32, #tpu.memory_space<vmem>> -> memref<128xi32, #tpu.memory_space<vmem>>
    %dma_start3A_249 = arith.constant 0 : i32
    %dma_start3A_250 = arith.constant 0 : i32
    %dma_start3A_251 = tpu.memref_slice %arg4[%dma_start3A_249, %dma_start3A_250] : memref<2600000x16xf32, #tpu.memory_space<hbm>> -> memref<2600000x16xf32, #tpu.memory_space<hbm>>
    tpu.enqueue_indirect_dma source(%dma_start3A_251 : memref<2600000x16xf32, #tpu.memory_space<hbm>>) target(%dma_start3A_245 : memref<128x16xf32, #tpu.memory_space<vmem>>) offsets(%dma_start3A_248 : memref<128xi32, #tpu.memory_space<vmem>>) semaphore(%arg11 : memref<!tpu.dma_semaphore, #tpu.memory_space<semaphore_mem>>)
    %dma_start3A_252 = arith.constant 21 : i32
    %dma_start3A_253 = arith.constant 21 : i32
    %dma_start3A_254 = arith.constant 0 : i32
    %dma_start3A_255 = arith.constant 0 : i32
    %dma_start3A_256 = tpu.memref_slice %arg7[%dma_start3A_253, %dma_start3A_254, %dma_start3A_255] : memref<26x128x16xf32, #tpu.memory_space<vmem>> -> memref<1x128x16xf32, #tpu.memory_space<vmem>>
    %dma_start3A_257 = tpu.memref_squeeze %dma_start3A_256 : memref<1x128x16xf32, #tpu.memory_space<vmem>> -> memref<128x16xf32, #tpu.memory_space<vmem>>
    %dma_start3A_258 = arith.constant 0 : i32
    %dma_start3A_259 = tpu.memref_slice %arg6[%dma_start3A_252, %dma_start3A_258] : memref<26x128xi32, #tpu.memory_space<vmem>> -> memref<1x128xi32, #tpu.memory_space<vmem>>
    %dma_start3A_260 = tpu.memref_squeeze %dma_start3A_259 : memref<1x128xi32, #tpu.memory_space<vmem>> -> memref<128xi32, #tpu.memory_space<vmem>>
    %dma_start3A_261 = arith.constant 0 : i32
    %dma_start3A_262 = arith.constant 0 : i32
    %dma_start3A_263 = tpu.memref_slice %arg4[%dma_start3A_261, %dma_start3A_262] : memref<2600000x16xf32, #tpu.memory_space<hbm>> -> memref<2600000x16xf32, #tpu.memory_space<hbm>>
    tpu.enqueue_indirect_dma source(%dma_start3A_263 : memref<2600000x16xf32, #tpu.memory_space<hbm>>) target(%dma_start3A_257 : memref<128x16xf32, #tpu.memory_space<vmem>>) offsets(%dma_start3A_260 : memref<128xi32, #tpu.memory_space<vmem>>) semaphore(%arg11 : memref<!tpu.dma_semaphore, #tpu.memory_space<semaphore_mem>>)
    %dma_start3A_264 = arith.constant 22 : i32
    %dma_start3A_265 = arith.constant 22 : i32
    %dma_start3A_266 = arith.constant 0 : i32
    %dma_start3A_267 = arith.constant 0 : i32
    %dma_start3A_268 = tpu.memref_slice %arg7[%dma_start3A_265, %dma_start3A_266, %dma_start3A_267] : memref<26x128x16xf32, #tpu.memory_space<vmem>> -> memref<1x128x16xf32, #tpu.memory_space<vmem>>
    %dma_start3A_269 = tpu.memref_squeeze %dma_start3A_268 : memref<1x128x16xf32, #tpu.memory_space<vmem>> -> memref<128x16xf32, #tpu.memory_space<vmem>>
    %dma_start3A_270 = arith.constant 0 : i32
    %dma_start3A_271 = tpu.memref_slice %arg6[%dma_start3A_264, %dma_start3A_270] : memref<26x128xi32, #tpu.memory_space<vmem>> -> memref<1x128xi32, #tpu.memory_space<vmem>>
    %dma_start3A_272 = tpu.memref_squeeze %dma_start3A_271 : memref<1x128xi32, #tpu.memory_space<vmem>> -> memref<128xi32, #tpu.memory_space<vmem>>
    %dma_start3A_273 = arith.constant 0 : i32
    %dma_start3A_274 = arith.constant 0 : i32
    %dma_start3A_275 = tpu.memref_slice %arg4[%dma_start3A_273, %dma_start3A_274] : memref<2600000x16xf32, #tpu.memory_space<hbm>> -> memref<2600000x16xf32, #tpu.memory_space<hbm>>
    tpu.enqueue_indirect_dma source(%dma_start3A_275 : memref<2600000x16xf32, #tpu.memory_space<hbm>>) target(%dma_start3A_269 : memref<128x16xf32, #tpu.memory_space<vmem>>) offsets(%dma_start3A_272 : memref<128xi32, #tpu.memory_space<vmem>>) semaphore(%arg11 : memref<!tpu.dma_semaphore, #tpu.memory_space<semaphore_mem>>)
    %dma_start3A_276 = arith.constant 23 : i32
    %dma_start3A_277 = arith.constant 23 : i32
    %dma_start3A_278 = arith.constant 0 : i32
    %dma_start3A_279 = arith.constant 0 : i32
    %dma_start3A_280 = tpu.memref_slice %arg7[%dma_start3A_277, %dma_start3A_278, %dma_start3A_279] : memref<26x128x16xf32, #tpu.memory_space<vmem>> -> memref<1x128x16xf32, #tpu.memory_space<vmem>>
    %dma_start3A_281 = tpu.memref_squeeze %dma_start3A_280 : memref<1x128x16xf32, #tpu.memory_space<vmem>> -> memref<128x16xf32, #tpu.memory_space<vmem>>
    %dma_start3A_282 = arith.constant 0 : i32
    %dma_start3A_283 = tpu.memref_slice %arg6[%dma_start3A_276, %dma_start3A_282] : memref<26x128xi32, #tpu.memory_space<vmem>> -> memref<1x128xi32, #tpu.memory_space<vmem>>
    %dma_start3A_284 = tpu.memref_squeeze %dma_start3A_283 : memref<1x128xi32, #tpu.memory_space<vmem>> -> memref<128xi32, #tpu.memory_space<vmem>>
    %dma_start3A_285 = arith.constant 0 : i32
    %dma_start3A_286 = arith.constant 0 : i32
    %dma_start3A_287 = tpu.memref_slice %arg4[%dma_start3A_285, %dma_start3A_286] : memref<2600000x16xf32, #tpu.memory_space<hbm>> -> memref<2600000x16xf32, #tpu.memory_space<hbm>>
    tpu.enqueue_indirect_dma source(%dma_start3A_287 : memref<2600000x16xf32, #tpu.memory_space<hbm>>) target(%dma_start3A_281 : memref<128x16xf32, #tpu.memory_space<vmem>>) offsets(%dma_start3A_284 : memref<128xi32, #tpu.memory_space<vmem>>) semaphore(%arg11 : memref<!tpu.dma_semaphore, #tpu.memory_space<semaphore_mem>>)
    %dma_start3A_288 = arith.constant 24 : i32
    %dma_start3A_289 = arith.constant 24 : i32
    %dma_start3A_290 = arith.constant 0 : i32
    %dma_start3A_291 = arith.constant 0 : i32
    %dma_start3A_292 = tpu.memref_slice %arg7[%dma_start3A_289, %dma_start3A_290, %dma_start3A_291] : memref<26x128x16xf32, #tpu.memory_space<vmem>> -> memref<1x128x16xf32, #tpu.memory_space<vmem>>
    %dma_start3A_293 = tpu.memref_squeeze %dma_start3A_292 : memref<1x128x16xf32, #tpu.memory_space<vmem>> -> memref<128x16xf32, #tpu.memory_space<vmem>>
    %dma_start3A_294 = arith.constant 0 : i32
    %dma_start3A_295 = tpu.memref_slice %arg6[%dma_start3A_288, %dma_start3A_294] : memref<26x128xi32, #tpu.memory_space<vmem>> -> memref<1x128xi32, #tpu.memory_space<vmem>>
    %dma_start3A_296 = tpu.memref_squeeze %dma_start3A_295 : memref<1x128xi32, #tpu.memory_space<vmem>> -> memref<128xi32, #tpu.memory_space<vmem>>
    %dma_start3A_297 = arith.constant 0 : i32
    %dma_start3A_298 = arith.constant 0 : i32
    %dma_start3A_299 = tpu.memref_slice %arg4[%dma_start3A_297, %dma_start3A_298] : memref<2600000x16xf32, #tpu.memory_space<hbm>> -> memref<2600000x16xf32, #tpu.memory_space<hbm>>
    tpu.enqueue_indirect_dma source(%dma_start3A_299 : memref<2600000x16xf32, #tpu.memory_space<hbm>>) target(%dma_start3A_293 : memref<128x16xf32, #tpu.memory_space<vmem>>) offsets(%dma_start3A_296 : memref<128xi32, #tpu.memory_space<vmem>>) semaphore(%arg11 : memref<!tpu.dma_semaphore, #tpu.memory_space<semaphore_mem>>)
    %dma_start3A_300 = arith.constant 25 : i32
    %dma_start3A_301 = arith.constant 25 : i32
    %dma_start3A_302 = arith.constant 0 : i32
    %dma_start3A_303 = arith.constant 0 : i32
    %dma_start3A_304 = tpu.memref_slice %arg7[%dma_start3A_301, %dma_start3A_302, %dma_start3A_303] : memref<26x128x16xf32, #tpu.memory_space<vmem>> -> memref<1x128x16xf32, #tpu.memory_space<vmem>>
    %dma_start3A_305 = tpu.memref_squeeze %dma_start3A_304 : memref<1x128x16xf32, #tpu.memory_space<vmem>> -> memref<128x16xf32, #tpu.memory_space<vmem>>
    %dma_start3A_306 = arith.constant 0 : i32
    %dma_start3A_307 = tpu.memref_slice %arg6[%dma_start3A_300, %dma_start3A_306] : memref<26x128xi32, #tpu.memory_space<vmem>> -> memref<1x128xi32, #tpu.memory_space<vmem>>
    %dma_start3A_308 = tpu.memref_squeeze %dma_start3A_307 : memref<1x128xi32, #tpu.memory_space<vmem>> -> memref<128xi32, #tpu.memory_space<vmem>>
    %dma_start3A_309 = arith.constant 0 : i32
    %dma_start3A_310 = arith.constant 0 : i32
    %dma_start3A_311 = tpu.memref_slice %arg4[%dma_start3A_309, %dma_start3A_310] : memref<2600000x16xf32, #tpu.memory_space<hbm>> -> memref<2600000x16xf32, #tpu.memory_space<hbm>>
    tpu.enqueue_indirect_dma source(%dma_start3A_311 : memref<2600000x16xf32, #tpu.memory_space<hbm>>) target(%dma_start3A_305 : memref<128x16xf32, #tpu.memory_space<vmem>>) offsets(%dma_start3A_308 : memref<128xi32, #tpu.memory_space<vmem>>) semaphore(%arg11 : memref<!tpu.dma_semaphore, #tpu.memory_space<semaphore_mem>>)
    %dma_start3A_312 = arith.constant 0 : i32
    %dma_start3A_313 = arith.constant 0 : i32
    %dma_start3A_314 = arith.constant 0 : i32
    %dma_start3A_315 = tpu.memref_slice %arg8[%dma_start3A_313, %dma_start3A_314] : memref<26x128xf32, #tpu.memory_space<vmem>> -> memref<1x128xf32, #tpu.memory_space<vmem>>
    %dma_start3A_316 = tpu.memref_squeeze %dma_start3A_315 : memref<1x128xf32, #tpu.memory_space<vmem>> -> memref<128xf32, #tpu.memory_space<vmem>>
    %dma_start3A_317 = arith.constant 0 : i32
    %dma_start3A_318 = tpu.memref_slice %arg6[%dma_start3A_312, %dma_start3A_317] : memref<26x128xi32, #tpu.memory_space<vmem>> -> memref<1x128xi32, #tpu.memory_space<vmem>>
    %dma_start3A_319 = tpu.memref_squeeze %dma_start3A_318 : memref<1x128xi32, #tpu.memory_space<vmem>> -> memref<128xi32, #tpu.memory_space<vmem>>
    %dma_start3A_320 = arith.constant 0 : i32
    %dma_start3A_321 = tpu.memref_slice %arg3[%dma_start3A_320] : memref<2600000xf32, #tpu.memory_space<hbm>> -> memref<2600000xf32, #tpu.memory_space<hbm>>
    tpu.enqueue_indirect_dma source(%dma_start3A_321 : memref<2600000xf32, #tpu.memory_space<hbm>>) target(%dma_start3A_316 : memref<128xf32, #tpu.memory_space<vmem>>) offsets(%dma_start3A_319 : memref<128xi32, #tpu.memory_space<vmem>>) semaphore(%arg12 : memref<!tpu.dma_semaphore, #tpu.memory_space<semaphore_mem>>)
    %dma_start3A_322 = arith.constant 1 : i32
    %dma_start3A_323 = arith.constant 1 : i32
    %dma_start3A_324 = arith.constant 0 : i32
    %dma_start3A_325 = tpu.memref_slice %arg8[%dma_start3A_323, %dma_start3A_324] : memref<26x128xf32, #tpu.memory_space<vmem>> -> memref<1x128xf32, #tpu.memory_space<vmem>>
    %dma_start3A_326 = tpu.memref_squeeze %dma_start3A_325 : memref<1x128xf32, #tpu.memory_space<vmem>> -> memref<128xf32, #tpu.memory_space<vmem>>
    %dma_start3A_327 = arith.constant 0 : i32
    %dma_start3A_328 = tpu.memref_slice %arg6[%dma_start3A_322, %dma_start3A_327] : memref<26x128xi32, #tpu.memory_space<vmem>> -> memref<1x128xi32, #tpu.memory_space<vmem>>
    %dma_start3A_329 = tpu.memref_squeeze %dma_start3A_328 : memref<1x128xi32, #tpu.memory_space<vmem>> -> memref<128xi32, #tpu.memory_space<vmem>>
    %dma_start3A_330 = arith.constant 0 : i32
    %dma_start3A_331 = tpu.memref_slice %arg3[%dma_start3A_330] : memref<2600000xf32, #tpu.memory_space<hbm>> -> memref<2600000xf32, #tpu.memory_space<hbm>>
    tpu.enqueue_indirect_dma source(%dma_start3A_331 : memref<2600000xf32, #tpu.memory_space<hbm>>) target(%dma_start3A_326 : memref<128xf32, #tpu.memory_space<vmem>>) offsets(%dma_start3A_329 : memref<128xi32, #tpu.memory_space<vmem>>) semaphore(%arg12 : memref<!tpu.dma_semaphore, #tpu.memory_space<semaphore_mem>>)
    %dma_start3A_332 = arith.constant 2 : i32
    %dma_start3A_333 = arith.constant 2 : i32
    %dma_start3A_334 = arith.constant 0 : i32
    %dma_start3A_335 = tpu.memref_slice %arg8[%dma_start3A_333, %dma_start3A_334] : memref<26x128xf32, #tpu.memory_space<vmem>> -> memref<1x128xf32, #tpu.memory_space<vmem>>
    %dma_start3A_336 = tpu.memref_squeeze %dma_start3A_335 : memref<1x128xf32, #tpu.memory_space<vmem>> -> memref<128xf32, #tpu.memory_space<vmem>>
    %dma_start3A_337 = arith.constant 0 : i32
    %dma_start3A_338 = tpu.memref_slice %arg6[%dma_start3A_332, %dma_start3A_337] : memref<26x128xi32, #tpu.memory_space<vmem>> -> memref<1x128xi32, #tpu.memory_space<vmem>>
    %dma_start3A_339 = tpu.memref_squeeze %dma_start3A_338 : memref<1x128xi32, #tpu.memory_space<vmem>> -> memref<128xi32, #tpu.memory_space<vmem>>
    %dma_start3A_340 = arith.constant 0 : i32
    %dma_start3A_341 = tpu.memref_slice %arg3[%dma_start3A_340] : memref<2600000xf32, #tpu.memory_space<hbm>> -> memref<2600000xf32, #tpu.memory_space<hbm>>
    tpu.enqueue_indirect_dma source(%dma_start3A_341 : memref<2600000xf32, #tpu.memory_space<hbm>>) target(%dma_start3A_336 : memref<128xf32, #tpu.memory_space<vmem>>) offsets(%dma_start3A_339 : memref<128xi32, #tpu.memory_space<vmem>>) semaphore(%arg12 : memref<!tpu.dma_semaphore, #tpu.memory_space<semaphore_mem>>)
    %dma_start3A_342 = arith.constant 3 : i32
    %dma_start3A_343 = arith.constant 3 : i32
    %dma_start3A_344 = arith.constant 0 : i32
    %dma_start3A_345 = tpu.memref_slice %arg8[%dma_start3A_343, %dma_start3A_344] : memref<26x128xf32, #tpu.memory_space<vmem>> -> memref<1x128xf32, #tpu.memory_space<vmem>>
    %dma_start3A_346 = tpu.memref_squeeze %dma_start3A_345 : memref<1x128xf32, #tpu.memory_space<vmem>> -> memref<128xf32, #tpu.memory_space<vmem>>
    %dma_start3A_347 = arith.constant 0 : i32
    %dma_start3A_348 = tpu.memref_slice %arg6[%dma_start3A_342, %dma_start3A_347] : memref<26x128xi32, #tpu.memory_space<vmem>> -> memref<1x128xi32, #tpu.memory_space<vmem>>
    %dma_start3A_349 = tpu.memref_squeeze %dma_start3A_348 : memref<1x128xi32, #tpu.memory_space<vmem>> -> memref<128xi32, #tpu.memory_space<vmem>>
    %dma_start3A_350 = arith.constant 0 : i32
    %dma_start3A_351 = tpu.memref_slice %arg3[%dma_start3A_350] : memref<2600000xf32, #tpu.memory_space<hbm>> -> memref<2600000xf32, #tpu.memory_space<hbm>>
    tpu.enqueue_indirect_dma source(%dma_start3A_351 : memref<2600000xf32, #tpu.memory_space<hbm>>) target(%dma_start3A_346 : memref<128xf32, #tpu.memory_space<vmem>>) offsets(%dma_start3A_349 : memref<128xi32, #tpu.memory_space<vmem>>) semaphore(%arg12 : memref<!tpu.dma_semaphore, #tpu.memory_space<semaphore_mem>>)
    %dma_start3A_352 = arith.constant 4 : i32
    %dma_start3A_353 = arith.constant 4 : i32
    %dma_start3A_354 = arith.constant 0 : i32
    %dma_start3A_355 = tpu.memref_slice %arg8[%dma_start3A_353, %dma_start3A_354] : memref<26x128xf32, #tpu.memory_space<vmem>> -> memref<1x128xf32, #tpu.memory_space<vmem>>
    %dma_start3A_356 = tpu.memref_squeeze %dma_start3A_355 : memref<1x128xf32, #tpu.memory_space<vmem>> -> memref<128xf32, #tpu.memory_space<vmem>>
    %dma_start3A_357 = arith.constant 0 : i32
    %dma_start3A_358 = tpu.memref_slice %arg6[%dma_start3A_352, %dma_start3A_357] : memref<26x128xi32, #tpu.memory_space<vmem>> -> memref<1x128xi32, #tpu.memory_space<vmem>>
    %dma_start3A_359 = tpu.memref_squeeze %dma_start3A_358 : memref<1x128xi32, #tpu.memory_space<vmem>> -> memref<128xi32, #tpu.memory_space<vmem>>
    %dma_start3A_360 = arith.constant 0 : i32
    %dma_start3A_361 = tpu.memref_slice %arg3[%dma_start3A_360] : memref<2600000xf32, #tpu.memory_space<hbm>> -> memref<2600000xf32, #tpu.memory_space<hbm>>
    tpu.enqueue_indirect_dma source(%dma_start3A_361 : memref<2600000xf32, #tpu.memory_space<hbm>>) target(%dma_start3A_356 : memref<128xf32, #tpu.memory_space<vmem>>) offsets(%dma_start3A_359 : memref<128xi32, #tpu.memory_space<vmem>>) semaphore(%arg12 : memref<!tpu.dma_semaphore, #tpu.memory_space<semaphore_mem>>)
    %dma_start3A_362 = arith.constant 5 : i32
    %dma_start3A_363 = arith.constant 5 : i32
    %dma_start3A_364 = arith.constant 0 : i32
    %dma_start3A_365 = tpu.memref_slice %arg8[%dma_start3A_363, %dma_start3A_364] : memref<26x128xf32, #tpu.memory_space<vmem>> -> memref<1x128xf32, #tpu.memory_space<vmem>>
    %dma_start3A_366 = tpu.memref_squeeze %dma_start3A_365 : memref<1x128xf32, #tpu.memory_space<vmem>> -> memref<128xf32, #tpu.memory_space<vmem>>
    %dma_start3A_367 = arith.constant 0 : i32
    %dma_start3A_368 = tpu.memref_slice %arg6[%dma_start3A_362, %dma_start3A_367] : memref<26x128xi32, #tpu.memory_space<vmem>> -> memref<1x128xi32, #tpu.memory_space<vmem>>
    %dma_start3A_369 = tpu.memref_squeeze %dma_start3A_368 : memref<1x128xi32, #tpu.memory_space<vmem>> -> memref<128xi32, #tpu.memory_space<vmem>>
    %dma_start3A_370 = arith.constant 0 : i32
    %dma_start3A_371 = tpu.memref_slice %arg3[%dma_start3A_370] : memref<2600000xf32, #tpu.memory_space<hbm>> -> memref<2600000xf32, #tpu.memory_space<hbm>>
    tpu.enqueue_indirect_dma source(%dma_start3A_371 : memref<2600000xf32, #tpu.memory_space<hbm>>) target(%dma_start3A_366 : memref<128xf32, #tpu.memory_space<vmem>>) offsets(%dma_start3A_369 : memref<128xi32, #tpu.memory_space<vmem>>) semaphore(%arg12 : memref<!tpu.dma_semaphore, #tpu.memory_space<semaphore_mem>>)
    %dma_start3A_372 = arith.constant 6 : i32
    %dma_start3A_373 = arith.constant 6 : i32
    %dma_start3A_374 = arith.constant 0 : i32
    %dma_start3A_375 = tpu.memref_slice %arg8[%dma_start3A_373, %dma_start3A_374] : memref<26x128xf32, #tpu.memory_space<vmem>> -> memref<1x128xf32, #tpu.memory_space<vmem>>
    %dma_start3A_376 = tpu.memref_squeeze %dma_start3A_375 : memref<1x128xf32, #tpu.memory_space<vmem>> -> memref<128xf32, #tpu.memory_space<vmem>>
    %dma_start3A_377 = arith.constant 0 : i32
    %dma_start3A_378 = tpu.memref_slice %arg6[%dma_start3A_372, %dma_start3A_377] : memref<26x128xi32, #tpu.memory_space<vmem>> -> memref<1x128xi32, #tpu.memory_space<vmem>>
    %dma_start3A_379 = tpu.memref_squeeze %dma_start3A_378 : memref<1x128xi32, #tpu.memory_space<vmem>> -> memref<128xi32, #tpu.memory_space<vmem>>
    %dma_start3A_380 = arith.constant 0 : i32
    %dma_start3A_381 = tpu.memref_slice %arg3[%dma_start3A_380] : memref<2600000xf32, #tpu.memory_space<hbm>> -> memref<2600000xf32, #tpu.memory_space<hbm>>
    tpu.enqueue_indirect_dma source(%dma_start3A_381 : memref<2600000xf32, #tpu.memory_space<hbm>>) target(%dma_start3A_376 : memref<128xf32, #tpu.memory_space<vmem>>) offsets(%dma_start3A_379 : memref<128xi32, #tpu.memory_space<vmem>>) semaphore(%arg12 : memref<!tpu.dma_semaphore, #tpu.memory_space<semaphore_mem>>)
    %dma_start3A_382 = arith.constant 7 : i32
    %dma_start3A_383 = arith.constant 7 : i32
    %dma_start3A_384 = arith.constant 0 : i32
    %dma_start3A_385 = tpu.memref_slice %arg8[%dma_start3A_383, %dma_start3A_384] : memref<26x128xf32, #tpu.memory_space<vmem>> -> memref<1x128xf32, #tpu.memory_space<vmem>>
    %dma_start3A_386 = tpu.memref_squeeze %dma_start3A_385 : memref<1x128xf32, #tpu.memory_space<vmem>> -> memref<128xf32, #tpu.memory_space<vmem>>
    %dma_start3A_387 = arith.constant 0 : i32
    %dma_start3A_388 = tpu.memref_slice %arg6[%dma_start3A_382, %dma_start3A_387] : memref<26x128xi32, #tpu.memory_space<vmem>> -> memref<1x128xi32, #tpu.memory_space<vmem>>
    %dma_start3A_389 = tpu.memref_squeeze %dma_start3A_388 : memref<1x128xi32, #tpu.memory_space<vmem>> -> memref<128xi32, #tpu.memory_space<vmem>>
    %dma_start3A_390 = arith.constant 0 : i32
    %dma_start3A_391 = tpu.memref_slice %arg3[%dma_start3A_390] : memref<2600000xf32, #tpu.memory_space<hbm>> -> memref<2600000xf32, #tpu.memory_space<hbm>>
    tpu.enqueue_indirect_dma source(%dma_start3A_391 : memref<2600000xf32, #tpu.memory_space<hbm>>) target(%dma_start3A_386 : memref<128xf32, #tpu.memory_space<vmem>>) offsets(%dma_start3A_389 : memref<128xi32, #tpu.memory_space<vmem>>) semaphore(%arg12 : memref<!tpu.dma_semaphore, #tpu.memory_space<semaphore_mem>>)
    %dma_start3A_392 = arith.constant 8 : i32
    %dma_start3A_393 = arith.constant 8 : i32
    %dma_start3A_394 = arith.constant 0 : i32
    %dma_start3A_395 = tpu.memref_slice %arg8[%dma_start3A_393, %dma_start3A_394] : memref<26x128xf32, #tpu.memory_space<vmem>> -> memref<1x128xf32, #tpu.memory_space<vmem>>
    %dma_start3A_396 = tpu.memref_squeeze %dma_start3A_395 : memref<1x128xf32, #tpu.memory_space<vmem>> -> memref<128xf32, #tpu.memory_space<vmem>>
    %dma_start3A_397 = arith.constant 0 : i32
    %dma_start3A_398 = tpu.memref_slice %arg6[%dma_start3A_392, %dma_start3A_397] : memref<26x128xi32, #tpu.memory_space<vmem>> -> memref<1x128xi32, #tpu.memory_space<vmem>>
    %dma_start3A_399 = tpu.memref_squeeze %dma_start3A_398 : memref<1x128xi32, #tpu.memory_space<vmem>> -> memref<128xi32, #tpu.memory_space<vmem>>
    %dma_start3A_400 = arith.constant 0 : i32
    %dma_start3A_401 = tpu.memref_slice %arg3[%dma_start3A_400] : memref<2600000xf32, #tpu.memory_space<hbm>> -> memref<2600000xf32, #tpu.memory_space<hbm>>
    tpu.enqueue_indirect_dma source(%dma_start3A_401 : memref<2600000xf32, #tpu.memory_space<hbm>>) target(%dma_start3A_396 : memref<128xf32, #tpu.memory_space<vmem>>) offsets(%dma_start3A_399 : memref<128xi32, #tpu.memory_space<vmem>>) semaphore(%arg12 : memref<!tpu.dma_semaphore, #tpu.memory_space<semaphore_mem>>)
    %dma_start3A_402 = arith.constant 9 : i32
    %dma_start3A_403 = arith.constant 9 : i32
    %dma_start3A_404 = arith.constant 0 : i32
    %dma_start3A_405 = tpu.memref_slice %arg8[%dma_start3A_403, %dma_start3A_404] : memref<26x128xf32, #tpu.memory_space<vmem>> -> memref<1x128xf32, #tpu.memory_space<vmem>>
    %dma_start3A_406 = tpu.memref_squeeze %dma_start3A_405 : memref<1x128xf32, #tpu.memory_space<vmem>> -> memref<128xf32, #tpu.memory_space<vmem>>
    %dma_start3A_407 = arith.constant 0 : i32
    %dma_start3A_408 = tpu.memref_slice %arg6[%dma_start3A_402, %dma_start3A_407] : memref<26x128xi32, #tpu.memory_space<vmem>> -> memref<1x128xi32, #tpu.memory_space<vmem>>
    %dma_start3A_409 = tpu.memref_squeeze %dma_start3A_408 : memref<1x128xi32, #tpu.memory_space<vmem>> -> memref<128xi32, #tpu.memory_space<vmem>>
    %dma_start3A_410 = arith.constant 0 : i32
    %dma_start3A_411 = tpu.memref_slice %arg3[%dma_start3A_410] : memref<2600000xf32, #tpu.memory_space<hbm>> -> memref<2600000xf32, #tpu.memory_space<hbm>>
    tpu.enqueue_indirect_dma source(%dma_start3A_411 : memref<2600000xf32, #tpu.memory_space<hbm>>) target(%dma_start3A_406 : memref<128xf32, #tpu.memory_space<vmem>>) offsets(%dma_start3A_409 : memref<128xi32, #tpu.memory_space<vmem>>) semaphore(%arg12 : memref<!tpu.dma_semaphore, #tpu.memory_space<semaphore_mem>>)
    %dma_start3A_412 = arith.constant 10 : i32
    %dma_start3A_413 = arith.constant 10 : i32
    %dma_start3A_414 = arith.constant 0 : i32
    %dma_start3A_415 = tpu.memref_slice %arg8[%dma_start3A_413, %dma_start3A_414] : memref<26x128xf32, #tpu.memory_space<vmem>> -> memref<1x128xf32, #tpu.memory_space<vmem>>
    %dma_start3A_416 = tpu.memref_squeeze %dma_start3A_415 : memref<1x128xf32, #tpu.memory_space<vmem>> -> memref<128xf32, #tpu.memory_space<vmem>>
    %dma_start3A_417 = arith.constant 0 : i32
    %dma_start3A_418 = tpu.memref_slice %arg6[%dma_start3A_412, %dma_start3A_417] : memref<26x128xi32, #tpu.memory_space<vmem>> -> memref<1x128xi32, #tpu.memory_space<vmem>>
    %dma_start3A_419 = tpu.memref_squeeze %dma_start3A_418 : memref<1x128xi32, #tpu.memory_space<vmem>> -> memref<128xi32, #tpu.memory_space<vmem>>
    %dma_start3A_420 = arith.constant 0 : i32
    %dma_start3A_421 = tpu.memref_slice %arg3[%dma_start3A_420] : memref<2600000xf32, #tpu.memory_space<hbm>> -> memref<2600000xf32, #tpu.memory_space<hbm>>
    tpu.enqueue_indirect_dma source(%dma_start3A_421 : memref<2600000xf32, #tpu.memory_space<hbm>>) target(%dma_start3A_416 : memref<128xf32, #tpu.memory_space<vmem>>) offsets(%dma_start3A_419 : memref<128xi32, #tpu.memory_space<vmem>>) semaphore(%arg12 : memref<!tpu.dma_semaphore, #tpu.memory_space<semaphore_mem>>)
    %dma_start3A_422 = arith.constant 11 : i32
    %dma_start3A_423 = arith.constant 11 : i32
    %dma_start3A_424 = arith.constant 0 : i32
    %dma_start3A_425 = tpu.memref_slice %arg8[%dma_start3A_423, %dma_start3A_424] : memref<26x128xf32, #tpu.memory_space<vmem>> -> memref<1x128xf32, #tpu.memory_space<vmem>>
    %dma_start3A_426 = tpu.memref_squeeze %dma_start3A_425 : memref<1x128xf32, #tpu.memory_space<vmem>> -> memref<128xf32, #tpu.memory_space<vmem>>
    %dma_start3A_427 = arith.constant 0 : i32
    %dma_start3A_428 = tpu.memref_slice %arg6[%dma_start3A_422, %dma_start3A_427] : memref<26x128xi32, #tpu.memory_space<vmem>> -> memref<1x128xi32, #tpu.memory_space<vmem>>
    %dma_start3A_429 = tpu.memref_squeeze %dma_start3A_428 : memref<1x128xi32, #tpu.memory_space<vmem>> -> memref<128xi32, #tpu.memory_space<vmem>>
    %dma_start3A_430 = arith.constant 0 : i32
    %dma_start3A_431 = tpu.memref_slice %arg3[%dma_start3A_430] : memref<2600000xf32, #tpu.memory_space<hbm>> -> memref<2600000xf32, #tpu.memory_space<hbm>>
    tpu.enqueue_indirect_dma source(%dma_start3A_431 : memref<2600000xf32, #tpu.memory_space<hbm>>) target(%dma_start3A_426 : memref<128xf32, #tpu.memory_space<vmem>>) offsets(%dma_start3A_429 : memref<128xi32, #tpu.memory_space<vmem>>) semaphore(%arg12 : memref<!tpu.dma_semaphore, #tpu.memory_space<semaphore_mem>>)
    %dma_start3A_432 = arith.constant 12 : i32
    %dma_start3A_433 = arith.constant 12 : i32
    %dma_start3A_434 = arith.constant 0 : i32
    %dma_start3A_435 = tpu.memref_slice %arg8[%dma_start3A_433, %dma_start3A_434] : memref<26x128xf32, #tpu.memory_space<vmem>> -> memref<1x128xf32, #tpu.memory_space<vmem>>
    %dma_start3A_436 = tpu.memref_squeeze %dma_start3A_435 : memref<1x128xf32, #tpu.memory_space<vmem>> -> memref<128xf32, #tpu.memory_space<vmem>>
    %dma_start3A_437 = arith.constant 0 : i32
    %dma_start3A_438 = tpu.memref_slice %arg6[%dma_start3A_432, %dma_start3A_437] : memref<26x128xi32, #tpu.memory_space<vmem>> -> memref<1x128xi32, #tpu.memory_space<vmem>>
    %dma_start3A_439 = tpu.memref_squeeze %dma_start3A_438 : memref<1x128xi32, #tpu.memory_space<vmem>> -> memref<128xi32, #tpu.memory_space<vmem>>
    %dma_start3A_440 = arith.constant 0 : i32
    %dma_start3A_441 = tpu.memref_slice %arg3[%dma_start3A_440] : memref<2600000xf32, #tpu.memory_space<hbm>> -> memref<2600000xf32, #tpu.memory_space<hbm>>
    tpu.enqueue_indirect_dma source(%dma_start3A_441 : memref<2600000xf32, #tpu.memory_space<hbm>>) target(%dma_start3A_436 : memref<128xf32, #tpu.memory_space<vmem>>) offsets(%dma_start3A_439 : memref<128xi32, #tpu.memory_space<vmem>>) semaphore(%arg12 : memref<!tpu.dma_semaphore, #tpu.memory_space<semaphore_mem>>)
    %dma_start3A_442 = arith.constant 13 : i32
    %dma_start3A_443 = arith.constant 13 : i32
    %dma_start3A_444 = arith.constant 0 : i32
    %dma_start3A_445 = tpu.memref_slice %arg8[%dma_start3A_443, %dma_start3A_444] : memref<26x128xf32, #tpu.memory_space<vmem>> -> memref<1x128xf32, #tpu.memory_space<vmem>>
    %dma_start3A_446 = tpu.memref_squeeze %dma_start3A_445 : memref<1x128xf32, #tpu.memory_space<vmem>> -> memref<128xf32, #tpu.memory_space<vmem>>
    %dma_start3A_447 = arith.constant 0 : i32
    %dma_start3A_448 = tpu.memref_slice %arg6[%dma_start3A_442, %dma_start3A_447] : memref<26x128xi32, #tpu.memory_space<vmem>> -> memref<1x128xi32, #tpu.memory_space<vmem>>
    %dma_start3A_449 = tpu.memref_squeeze %dma_start3A_448 : memref<1x128xi32, #tpu.memory_space<vmem>> -> memref<128xi32, #tpu.memory_space<vmem>>
    %dma_start3A_450 = arith.constant 0 : i32
    %dma_start3A_451 = tpu.memref_slice %arg3[%dma_start3A_450] : memref<2600000xf32, #tpu.memory_space<hbm>> -> memref<2600000xf32, #tpu.memory_space<hbm>>
    tpu.enqueue_indirect_dma source(%dma_start3A_451 : memref<2600000xf32, #tpu.memory_space<hbm>>) target(%dma_start3A_446 : memref<128xf32, #tpu.memory_space<vmem>>) offsets(%dma_start3A_449 : memref<128xi32, #tpu.memory_space<vmem>>) semaphore(%arg12 : memref<!tpu.dma_semaphore, #tpu.memory_space<semaphore_mem>>)
    %dma_start3A_452 = arith.constant 14 : i32
    %dma_start3A_453 = arith.constant 14 : i32
    %dma_start3A_454 = arith.constant 0 : i32
    %dma_start3A_455 = tpu.memref_slice %arg8[%dma_start3A_453, %dma_start3A_454] : memref<26x128xf32, #tpu.memory_space<vmem>> -> memref<1x128xf32, #tpu.memory_space<vmem>>
    %dma_start3A_456 = tpu.memref_squeeze %dma_start3A_455 : memref<1x128xf32, #tpu.memory_space<vmem>> -> memref<128xf32, #tpu.memory_space<vmem>>
    %dma_start3A_457 = arith.constant 0 : i32
    %dma_start3A_458 = tpu.memref_slice %arg6[%dma_start3A_452, %dma_start3A_457] : memref<26x128xi32, #tpu.memory_space<vmem>> -> memref<1x128xi32, #tpu.memory_space<vmem>>
    %dma_start3A_459 = tpu.memref_squeeze %dma_start3A_458 : memref<1x128xi32, #tpu.memory_space<vmem>> -> memref<128xi32, #tpu.memory_space<vmem>>
    %dma_start3A_460 = arith.constant 0 : i32
    %dma_start3A_461 = tpu.memref_slice %arg3[%dma_start3A_460] : memref<2600000xf32, #tpu.memory_space<hbm>> -> memref<2600000xf32, #tpu.memory_space<hbm>>
    tpu.enqueue_indirect_dma source(%dma_start3A_461 : memref<2600000xf32, #tpu.memory_space<hbm>>) target(%dma_start3A_456 : memref<128xf32, #tpu.memory_space<vmem>>) offsets(%dma_start3A_459 : memref<128xi32, #tpu.memory_space<vmem>>) semaphore(%arg12 : memref<!tpu.dma_semaphore, #tpu.memory_space<semaphore_mem>>)
    %dma_start3A_462 = arith.constant 15 : i32
    %dma_start3A_463 = arith.constant 15 : i32
    %dma_start3A_464 = arith.constant 0 : i32
    %dma_start3A_465 = tpu.memref_slice %arg8[%dma_start3A_463, %dma_start3A_464] : memref<26x128xf32, #tpu.memory_space<vmem>> -> memref<1x128xf32, #tpu.memory_space<vmem>>
    %dma_start3A_466 = tpu.memref_squeeze %dma_start3A_465 : memref<1x128xf32, #tpu.memory_space<vmem>> -> memref<128xf32, #tpu.memory_space<vmem>>
    %dma_start3A_467 = arith.constant 0 : i32
    %dma_start3A_468 = tpu.memref_slice %arg6[%dma_start3A_462, %dma_start3A_467] : memref<26x128xi32, #tpu.memory_space<vmem>> -> memref<1x128xi32, #tpu.memory_space<vmem>>
    %dma_start3A_469 = tpu.memref_squeeze %dma_start3A_468 : memref<1x128xi32, #tpu.memory_space<vmem>> -> memref<128xi32, #tpu.memory_space<vmem>>
    %dma_start3A_470 = arith.constant 0 : i32
    %dma_start3A_471 = tpu.memref_slice %arg3[%dma_start3A_470] : memref<2600000xf32, #tpu.memory_space<hbm>> -> memref<2600000xf32, #tpu.memory_space<hbm>>
    tpu.enqueue_indirect_dma source(%dma_start3A_471 : memref<2600000xf32, #tpu.memory_space<hbm>>) target(%dma_start3A_466 : memref<128xf32, #tpu.memory_space<vmem>>) offsets(%dma_start3A_469 : memref<128xi32, #tpu.memory_space<vmem>>) semaphore(%arg12 : memref<!tpu.dma_semaphore, #tpu.memory_space<semaphore_mem>>)
    %dma_start3A_472 = arith.constant 16 : i32
    %dma_start3A_473 = arith.constant 16 : i32
    %dma_start3A_474 = arith.constant 0 : i32
    %dma_start3A_475 = tpu.memref_slice %arg8[%dma_start3A_473, %dma_start3A_474] : memref<26x128xf32, #tpu.memory_space<vmem>> -> memref<1x128xf32, #tpu.memory_space<vmem>>
    %dma_start3A_476 = tpu.memref_squeeze %dma_start3A_475 : memref<1x128xf32, #tpu.memory_space<vmem>> -> memref<128xf32, #tpu.memory_space<vmem>>
    %dma_start3A_477 = arith.constant 0 : i32
    %dma_start3A_478 = tpu.memref_slice %arg6[%dma_start3A_472, %dma_start3A_477] : memref<26x128xi32, #tpu.memory_space<vmem>> -> memref<1x128xi32, #tpu.memory_space<vmem>>
    %dma_start3A_479 = tpu.memref_squeeze %dma_start3A_478 : memref<1x128xi32, #tpu.memory_space<vmem>> -> memref<128xi32, #tpu.memory_space<vmem>>
    %dma_start3A_480 = arith.constant 0 : i32
    %dma_start3A_481 = tpu.memref_slice %arg3[%dma_start3A_480] : memref<2600000xf32, #tpu.memory_space<hbm>> -> memref<2600000xf32, #tpu.memory_space<hbm>>
    tpu.enqueue_indirect_dma source(%dma_start3A_481 : memref<2600000xf32, #tpu.memory_space<hbm>>) target(%dma_start3A_476 : memref<128xf32, #tpu.memory_space<vmem>>) offsets(%dma_start3A_479 : memref<128xi32, #tpu.memory_space<vmem>>) semaphore(%arg12 : memref<!tpu.dma_semaphore, #tpu.memory_space<semaphore_mem>>)
    %dma_start3A_482 = arith.constant 17 : i32
    %dma_start3A_483 = arith.constant 17 : i32
    %dma_start3A_484 = arith.constant 0 : i32
    %dma_start3A_485 = tpu.memref_slice %arg8[%dma_start3A_483, %dma_start3A_484] : memref<26x128xf32, #tpu.memory_space<vmem>> -> memref<1x128xf32, #tpu.memory_space<vmem>>
    %dma_start3A_486 = tpu.memref_squeeze %dma_start3A_485 : memref<1x128xf32, #tpu.memory_space<vmem>> -> memref<128xf32, #tpu.memory_space<vmem>>
    %dma_start3A_487 = arith.constant 0 : i32
    %dma_start3A_488 = tpu.memref_slice %arg6[%dma_start3A_482, %dma_start3A_487] : memref<26x128xi32, #tpu.memory_space<vmem>> -> memref<1x128xi32, #tpu.memory_space<vmem>>
    %dma_start3A_489 = tpu.memref_squeeze %dma_start3A_488 : memref<1x128xi32, #tpu.memory_space<vmem>> -> memref<128xi32, #tpu.memory_space<vmem>>
    %dma_start3A_490 = arith.constant 0 : i32
    %dma_start3A_491 = tpu.memref_slice %arg3[%dma_start3A_490] : memref<2600000xf32, #tpu.memory_space<hbm>> -> memref<2600000xf32, #tpu.memory_space<hbm>>
    tpu.enqueue_indirect_dma source(%dma_start3A_491 : memref<2600000xf32, #tpu.memory_space<hbm>>) target(%dma_start3A_486 : memref<128xf32, #tpu.memory_space<vmem>>) offsets(%dma_start3A_489 : memref<128xi32, #tpu.memory_space<vmem>>) semaphore(%arg12 : memref<!tpu.dma_semaphore, #tpu.memory_space<semaphore_mem>>)
    %dma_start3A_492 = arith.constant 18 : i32
    %dma_start3A_493 = arith.constant 18 : i32
    %dma_start3A_494 = arith.constant 0 : i32
    %dma_start3A_495 = tpu.memref_slice %arg8[%dma_start3A_493, %dma_start3A_494] : memref<26x128xf32, #tpu.memory_space<vmem>> -> memref<1x128xf32, #tpu.memory_space<vmem>>
    %dma_start3A_496 = tpu.memref_squeeze %dma_start3A_495 : memref<1x128xf32, #tpu.memory_space<vmem>> -> memref<128xf32, #tpu.memory_space<vmem>>
    %dma_start3A_497 = arith.constant 0 : i32
    %dma_start3A_498 = tpu.memref_slice %arg6[%dma_start3A_492, %dma_start3A_497] : memref<26x128xi32, #tpu.memory_space<vmem>> -> memref<1x128xi32, #tpu.memory_space<vmem>>
    %dma_start3A_499 = tpu.memref_squeeze %dma_start3A_498 : memref<1x128xi32, #tpu.memory_space<vmem>> -> memref<128xi32, #tpu.memory_space<vmem>>
    %dma_start3A_500 = arith.constant 0 : i32
    %dma_start3A_501 = tpu.memref_slice %arg3[%dma_start3A_500] : memref<2600000xf32, #tpu.memory_space<hbm>> -> memref<2600000xf32, #tpu.memory_space<hbm>>
    tpu.enqueue_indirect_dma source(%dma_start3A_501 : memref<2600000xf32, #tpu.memory_space<hbm>>) target(%dma_start3A_496 : memref<128xf32, #tpu.memory_space<vmem>>) offsets(%dma_start3A_499 : memref<128xi32, #tpu.memory_space<vmem>>) semaphore(%arg12 : memref<!tpu.dma_semaphore, #tpu.memory_space<semaphore_mem>>)
    %dma_start3A_502 = arith.constant 19 : i32
    %dma_start3A_503 = arith.constant 19 : i32
    %dma_start3A_504 = arith.constant 0 : i32
    %dma_start3A_505 = tpu.memref_slice %arg8[%dma_start3A_503, %dma_start3A_504] : memref<26x128xf32, #tpu.memory_space<vmem>> -> memref<1x128xf32, #tpu.memory_space<vmem>>
    %dma_start3A_506 = tpu.memref_squeeze %dma_start3A_505 : memref<1x128xf32, #tpu.memory_space<vmem>> -> memref<128xf32, #tpu.memory_space<vmem>>
    %dma_start3A_507 = arith.constant 0 : i32
    %dma_start3A_508 = tpu.memref_slice %arg6[%dma_start3A_502, %dma_start3A_507] : memref<26x128xi32, #tpu.memory_space<vmem>> -> memref<1x128xi32, #tpu.memory_space<vmem>>
    %dma_start3A_509 = tpu.memref_squeeze %dma_start3A_508 : memref<1x128xi32, #tpu.memory_space<vmem>> -> memref<128xi32, #tpu.memory_space<vmem>>
    %dma_start3A_510 = arith.constant 0 : i32
    %dma_start3A_511 = tpu.memref_slice %arg3[%dma_start3A_510] : memref<2600000xf32, #tpu.memory_space<hbm>> -> memref<2600000xf32, #tpu.memory_space<hbm>>
    tpu.enqueue_indirect_dma source(%dma_start3A_511 : memref<2600000xf32, #tpu.memory_space<hbm>>) target(%dma_start3A_506 : memref<128xf32, #tpu.memory_space<vmem>>) offsets(%dma_start3A_509 : memref<128xi32, #tpu.memory_space<vmem>>) semaphore(%arg12 : memref<!tpu.dma_semaphore, #tpu.memory_space<semaphore_mem>>)
    %dma_start3A_512 = arith.constant 20 : i32
    %dma_start3A_513 = arith.constant 20 : i32
    %dma_start3A_514 = arith.constant 0 : i32
    %dma_start3A_515 = tpu.memref_slice %arg8[%dma_start3A_513, %dma_start3A_514] : memref<26x128xf32, #tpu.memory_space<vmem>> -> memref<1x128xf32, #tpu.memory_space<vmem>>
    %dma_start3A_516 = tpu.memref_squeeze %dma_start3A_515 : memref<1x128xf32, #tpu.memory_space<vmem>> -> memref<128xf32, #tpu.memory_space<vmem>>
    %dma_start3A_517 = arith.constant 0 : i32
    %dma_start3A_518 = tpu.memref_slice %arg6[%dma_start3A_512, %dma_start3A_517] : memref<26x128xi32, #tpu.memory_space<vmem>> -> memref<1x128xi32, #tpu.memory_space<vmem>>
    %dma_start3A_519 = tpu.memref_squeeze %dma_start3A_518 : memref<1x128xi32, #tpu.memory_space<vmem>> -> memref<128xi32, #tpu.memory_space<vmem>>
    %dma_start3A_520 = arith.constant 0 : i32
    %dma_start3A_521 = tpu.memref_slice %arg3[%dma_start3A_520] : memref<2600000xf32, #tpu.memory_space<hbm>> -> memref<2600000xf32, #tpu.memory_space<hbm>>
    tpu.enqueue_indirect_dma source(%dma_start3A_521 : memref<2600000xf32, #tpu.memory_space<hbm>>) target(%dma_start3A_516 : memref<128xf32, #tpu.memory_space<vmem>>) offsets(%dma_start3A_519 : memref<128xi32, #tpu.memory_space<vmem>>) semaphore(%arg12 : memref<!tpu.dma_semaphore, #tpu.memory_space<semaphore_mem>>)
    %dma_start3A_522 = arith.constant 21 : i32
    %dma_start3A_523 = arith.constant 21 : i32
    %dma_start3A_524 = arith.constant 0 : i32
    %dma_start3A_525 = tpu.memref_slice %arg8[%dma_start3A_523, %dma_start3A_524] : memref<26x128xf32, #tpu.memory_space<vmem>> -> memref<1x128xf32, #tpu.memory_space<vmem>>
    %dma_start3A_526 = tpu.memref_squeeze %dma_start3A_525 : memref<1x128xf32, #tpu.memory_space<vmem>> -> memref<128xf32, #tpu.memory_space<vmem>>
    %dma_start3A_527 = arith.constant 0 : i32
    %dma_start3A_528 = tpu.memref_slice %arg6[%dma_start3A_522, %dma_start3A_527] : memref<26x128xi32, #tpu.memory_space<vmem>> -> memref<1x128xi32, #tpu.memory_space<vmem>>
    %dma_start3A_529 = tpu.memref_squeeze %dma_start3A_528 : memref<1x128xi32, #tpu.memory_space<vmem>> -> memref<128xi32, #tpu.memory_space<vmem>>
    %dma_start3A_530 = arith.constant 0 : i32
    %dma_start3A_531 = tpu.memref_slice %arg3[%dma_start3A_530] : memref<2600000xf32, #tpu.memory_space<hbm>> -> memref<2600000xf32, #tpu.memory_space<hbm>>
    tpu.enqueue_indirect_dma source(%dma_start3A_531 : memref<2600000xf32, #tpu.memory_space<hbm>>) target(%dma_start3A_526 : memref<128xf32, #tpu.memory_space<vmem>>) offsets(%dma_start3A_529 : memref<128xi32, #tpu.memory_space<vmem>>) semaphore(%arg12 : memref<!tpu.dma_semaphore, #tpu.memory_space<semaphore_mem>>)
    %dma_start3A_532 = arith.constant 22 : i32
    %dma_start3A_533 = arith.constant 22 : i32
    %dma_start3A_534 = arith.constant 0 : i32
    %dma_start3A_535 = tpu.memref_slice %arg8[%dma_start3A_533, %dma_start3A_534] : memref<26x128xf32, #tpu.memory_space<vmem>> -> memref<1x128xf32, #tpu.memory_space<vmem>>
    %dma_start3A_536 = tpu.memref_squeeze %dma_start3A_535 : memref<1x128xf32, #tpu.memory_space<vmem>> -> memref<128xf32, #tpu.memory_space<vmem>>
    %dma_start3A_537 = arith.constant 0 : i32
    %dma_start3A_538 = tpu.memref_slice %arg6[%dma_start3A_532, %dma_start3A_537] : memref<26x128xi32, #tpu.memory_space<vmem>> -> memref<1x128xi32, #tpu.memory_space<vmem>>
    %dma_start3A_539 = tpu.memref_squeeze %dma_start3A_538 : memref<1x128xi32, #tpu.memory_space<vmem>> -> memref<128xi32, #tpu.memory_space<vmem>>
    %dma_start3A_540 = arith.constant 0 : i32
    %dma_start3A_541 = tpu.memref_slice %arg3[%dma_start3A_540] : memref<2600000xf32, #tpu.memory_space<hbm>> -> memref<2600000xf32, #tpu.memory_space<hbm>>
    tpu.enqueue_indirect_dma source(%dma_start3A_541 : memref<2600000xf32, #tpu.memory_space<hbm>>) target(%dma_start3A_536 : memref<128xf32, #tpu.memory_space<vmem>>) offsets(%dma_start3A_539 : memref<128xi32, #tpu.memory_space<vmem>>) semaphore(%arg12 : memref<!tpu.dma_semaphore, #tpu.memory_space<semaphore_mem>>)
    %dma_start3A_542 = arith.constant 23 : i32
    %dma_start3A_543 = arith.constant 23 : i32
    %dma_start3A_544 = arith.constant 0 : i32
    %dma_start3A_545 = tpu.memref_slice %arg8[%dma_start3A_543, %dma_start3A_544] : memref<26x128xf32, #tpu.memory_space<vmem>> -> memref<1x128xf32, #tpu.memory_space<vmem>>
    %dma_start3A_546 = tpu.memref_squeeze %dma_start3A_545 : memref<1x128xf32, #tpu.memory_space<vmem>> -> memref<128xf32, #tpu.memory_space<vmem>>
    %dma_start3A_547 = arith.constant 0 : i32
    %dma_start3A_548 = tpu.memref_slice %arg6[%dma_start3A_542, %dma_start3A_547] : memref<26x128xi32, #tpu.memory_space<vmem>> -> memref<1x128xi32, #tpu.memory_space<vmem>>
    %dma_start3A_549 = tpu.memref_squeeze %dma_start3A_548 : memref<1x128xi32, #tpu.memory_space<vmem>> -> memref<128xi32, #tpu.memory_space<vmem>>
    %dma_start3A_550 = arith.constant 0 : i32
    %dma_start3A_551 = tpu.memref_slice %arg3[%dma_start3A_550] : memref<2600000xf32, #tpu.memory_space<hbm>> -> memref<2600000xf32, #tpu.memory_space<hbm>>
    tpu.enqueue_indirect_dma source(%dma_start3A_551 : memref<2600000xf32, #tpu.memory_space<hbm>>) target(%dma_start3A_546 : memref<128xf32, #tpu.memory_space<vmem>>) offsets(%dma_start3A_549 : memref<128xi32, #tpu.memory_space<vmem>>) semaphore(%arg12 : memref<!tpu.dma_semaphore, #tpu.memory_space<semaphore_mem>>)
    %dma_start3A_552 = arith.constant 24 : i32
    %dma_start3A_553 = arith.constant 24 : i32
    %dma_start3A_554 = arith.constant 0 : i32
    %dma_start3A_555 = tpu.memref_slice %arg8[%dma_start3A_553, %dma_start3A_554] : memref<26x128xf32, #tpu.memory_space<vmem>> -> memref<1x128xf32, #tpu.memory_space<vmem>>
    %dma_start3A_556 = tpu.memref_squeeze %dma_start3A_555 : memref<1x128xf32, #tpu.memory_space<vmem>> -> memref<128xf32, #tpu.memory_space<vmem>>
    %dma_start3A_557 = arith.constant 0 : i32
    %dma_start3A_558 = tpu.memref_slice %arg6[%dma_start3A_552, %dma_start3A_557] : memref<26x128xi32, #tpu.memory_space<vmem>> -> memref<1x128xi32, #tpu.memory_space<vmem>>
    %dma_start3A_559 = tpu.memref_squeeze %dma_start3A_558 : memref<1x128xi32, #tpu.memory_space<vmem>> -> memref<128xi32, #tpu.memory_space<vmem>>
    %dma_start3A_560 = arith.constant 0 : i32
    %dma_start3A_561 = tpu.memref_slice %arg3[%dma_start3A_560] : memref<2600000xf32, #tpu.memory_space<hbm>> -> memref<2600000xf32, #tpu.memory_space<hbm>>
    tpu.enqueue_indirect_dma source(%dma_start3A_561 : memref<2600000xf32, #tpu.memory_space<hbm>>) target(%dma_start3A_556 : memref<128xf32, #tpu.memory_space<vmem>>) offsets(%dma_start3A_559 : memref<128xi32, #tpu.memory_space<vmem>>) semaphore(%arg12 : memref<!tpu.dma_semaphore, #tpu.memory_space<semaphore_mem>>)
    %dma_start3A_562 = arith.constant 25 : i32
    %dma_start3A_563 = arith.constant 25 : i32
    %dma_start3A_564 = arith.constant 0 : i32
    %dma_start3A_565 = tpu.memref_slice %arg8[%dma_start3A_563, %dma_start3A_564] : memref<26x128xf32, #tpu.memory_space<vmem>> -> memref<1x128xf32, #tpu.memory_space<vmem>>
    %dma_start3A_566 = tpu.memref_squeeze %dma_start3A_565 : memref<1x128xf32, #tpu.memory_space<vmem>> -> memref<128xf32, #tpu.memory_space<vmem>>
    %dma_start3A_567 = arith.constant 0 : i32
    %dma_start3A_568 = tpu.memref_slice %arg6[%dma_start3A_562, %dma_start3A_567] : memref<26x128xi32, #tpu.memory_space<vmem>> -> memref<1x128xi32, #tpu.memory_space<vmem>>
    %dma_start3A_569 = tpu.memref_squeeze %dma_start3A_568 : memref<1x128xi32, #tpu.memory_space<vmem>> -> memref<128xi32, #tpu.memory_space<vmem>>
    %dma_start3A_570 = arith.constant 0 : i32
    %dma_start3A_571 = tpu.memref_slice %arg3[%dma_start3A_570] : memref<2600000xf32, #tpu.memory_space<hbm>> -> memref<2600000xf32, #tpu.memory_space<hbm>>
    tpu.enqueue_indirect_dma source(%dma_start3A_571 : memref<2600000xf32, #tpu.memory_space<hbm>>) target(%dma_start3A_566 : memref<128xf32, #tpu.memory_space<vmem>>) offsets(%dma_start3A_569 : memref<128xi32, #tpu.memory_space<vmem>>) semaphore(%arg12 : memref<!tpu.dma_semaphore, #tpu.memory_space<semaphore_mem>>)
    %dma_wait3A = arith.constant 0 : i32
    %dma_wait3A_572 = arith.constant 0 : i32
    %dma_wait3A_573 = arith.constant 0 : i32
    %dma_wait3A_574 = arith.constant 0 : i32
    %dma_wait3A_575 = tpu.memref_slice %arg7[%dma_wait3A_572, %dma_wait3A_573, %dma_wait3A_574] : memref<26x128x16xf32, #tpu.memory_space<vmem>> -> memref<1x128x16xf32, #tpu.memory_space<vmem>>
    %dma_wait3A_576 = tpu.memref_squeeze %dma_wait3A_575 : memref<1x128x16xf32, #tpu.memory_space<vmem>> -> memref<128x16xf32, #tpu.memory_space<vmem>>
    %dma_wait3A_577 = arith.constant 0 : i32
    %dma_wait3A_578 = tpu.memref_slice %arg6[%dma_wait3A, %dma_wait3A_577] : memref<26x128xi32, #tpu.memory_space<vmem>> -> memref<1x128xi32, #tpu.memory_space<vmem>>
    %dma_wait3A_579 = tpu.memref_squeeze %dma_wait3A_578 : memref<1x128xi32, #tpu.memory_space<vmem>> -> memref<128xi32, #tpu.memory_space<vmem>>
    %dma_wait3A_580 = arith.constant 0 : i32
    %dma_wait3A_581 = arith.constant 0 : i32
    %dma_wait3A_582 = tpu.memref_slice %arg4[%dma_wait3A_580, %dma_wait3A_581] : memref<2600000x16xf32, #tpu.memory_space<hbm>> -> memref<2600000x16xf32, #tpu.memory_space<hbm>>
    tpu.wait_indirect_dma semaphore(%arg11 : memref<!tpu.dma_semaphore, #tpu.memory_space<semaphore_mem>>) src(%dma_wait3A_582 : memref<2600000x16xf32, #tpu.memory_space<hbm>>) dst(%dma_wait3A_576 : memref<128x16xf32, #tpu.memory_space<vmem>>)
    %dma_wait3A_583 = arith.constant 1 : i32
    %dma_wait3A_584 = arith.constant 1 : i32
    %dma_wait3A_585 = arith.constant 0 : i32
    %dma_wait3A_586 = arith.constant 0 : i32
    %dma_wait3A_587 = tpu.memref_slice %arg7[%dma_wait3A_584, %dma_wait3A_585, %dma_wait3A_586] : memref<26x128x16xf32, #tpu.memory_space<vmem>> -> memref<1x128x16xf32, #tpu.memory_space<vmem>>
    %dma_wait3A_588 = tpu.memref_squeeze %dma_wait3A_587 : memref<1x128x16xf32, #tpu.memory_space<vmem>> -> memref<128x16xf32, #tpu.memory_space<vmem>>
    %dma_wait3A_589 = arith.constant 0 : i32
    %dma_wait3A_590 = tpu.memref_slice %arg6[%dma_wait3A_583, %dma_wait3A_589] : memref<26x128xi32, #tpu.memory_space<vmem>> -> memref<1x128xi32, #tpu.memory_space<vmem>>
    %dma_wait3A_591 = tpu.memref_squeeze %dma_wait3A_590 : memref<1x128xi32, #tpu.memory_space<vmem>> -> memref<128xi32, #tpu.memory_space<vmem>>
    %dma_wait3A_592 = arith.constant 0 : i32
    %dma_wait3A_593 = arith.constant 0 : i32
    %dma_wait3A_594 = tpu.memref_slice %arg4[%dma_wait3A_592, %dma_wait3A_593] : memref<2600000x16xf32, #tpu.memory_space<hbm>> -> memref<2600000x16xf32, #tpu.memory_space<hbm>>
    tpu.wait_indirect_dma semaphore(%arg11 : memref<!tpu.dma_semaphore, #tpu.memory_space<semaphore_mem>>) src(%dma_wait3A_594 : memref<2600000x16xf32, #tpu.memory_space<hbm>>) dst(%dma_wait3A_588 : memref<128x16xf32, #tpu.memory_space<vmem>>)
    %dma_wait3A_595 = arith.constant 2 : i32
    %dma_wait3A_596 = arith.constant 2 : i32
    %dma_wait3A_597 = arith.constant 0 : i32
    %dma_wait3A_598 = arith.constant 0 : i32
    %dma_wait3A_599 = tpu.memref_slice %arg7[%dma_wait3A_596, %dma_wait3A_597, %dma_wait3A_598] : memref<26x128x16xf32, #tpu.memory_space<vmem>> -> memref<1x128x16xf32, #tpu.memory_space<vmem>>
    %dma_wait3A_600 = tpu.memref_squeeze %dma_wait3A_599 : memref<1x128x16xf32, #tpu.memory_space<vmem>> -> memref<128x16xf32, #tpu.memory_space<vmem>>
    %dma_wait3A_601 = arith.constant 0 : i32
    %dma_wait3A_602 = tpu.memref_slice %arg6[%dma_wait3A_595, %dma_wait3A_601] : memref<26x128xi32, #tpu.memory_space<vmem>> -> memref<1x128xi32, #tpu.memory_space<vmem>>
    %dma_wait3A_603 = tpu.memref_squeeze %dma_wait3A_602 : memref<1x128xi32, #tpu.memory_space<vmem>> -> memref<128xi32, #tpu.memory_space<vmem>>
    %dma_wait3A_604 = arith.constant 0 : i32
    %dma_wait3A_605 = arith.constant 0 : i32
    %dma_wait3A_606 = tpu.memref_slice %arg4[%dma_wait3A_604, %dma_wait3A_605] : memref<2600000x16xf32, #tpu.memory_space<hbm>> -> memref<2600000x16xf32, #tpu.memory_space<hbm>>
    tpu.wait_indirect_dma semaphore(%arg11 : memref<!tpu.dma_semaphore, #tpu.memory_space<semaphore_mem>>) src(%dma_wait3A_606 : memref<2600000x16xf32, #tpu.memory_space<hbm>>) dst(%dma_wait3A_600 : memref<128x16xf32, #tpu.memory_space<vmem>>)
    %dma_wait3A_607 = arith.constant 3 : i32
    %dma_wait3A_608 = arith.constant 3 : i32
    %dma_wait3A_609 = arith.constant 0 : i32
    %dma_wait3A_610 = arith.constant 0 : i32
    %dma_wait3A_611 = tpu.memref_slice %arg7[%dma_wait3A_608, %dma_wait3A_609, %dma_wait3A_610] : memref<26x128x16xf32, #tpu.memory_space<vmem>> -> memref<1x128x16xf32, #tpu.memory_space<vmem>>
    %dma_wait3A_612 = tpu.memref_squeeze %dma_wait3A_611 : memref<1x128x16xf32, #tpu.memory_space<vmem>> -> memref<128x16xf32, #tpu.memory_space<vmem>>
    %dma_wait3A_613 = arith.constant 0 : i32
    %dma_wait3A_614 = tpu.memref_slice %arg6[%dma_wait3A_607, %dma_wait3A_613] : memref<26x128xi32, #tpu.memory_space<vmem>> -> memref<1x128xi32, #tpu.memory_space<vmem>>
    %dma_wait3A_615 = tpu.memref_squeeze %dma_wait3A_614 : memref<1x128xi32, #tpu.memory_space<vmem>> -> memref<128xi32, #tpu.memory_space<vmem>>
    %dma_wait3A_616 = arith.constant 0 : i32
    %dma_wait3A_617 = arith.constant 0 : i32
    %dma_wait3A_618 = tpu.memref_slice %arg4[%dma_wait3A_616, %dma_wait3A_617] : memref<2600000x16xf32, #tpu.memory_space<hbm>> -> memref<2600000x16xf32, #tpu.memory_space<hbm>>
    tpu.wait_indirect_dma semaphore(%arg11 : memref<!tpu.dma_semaphore, #tpu.memory_space<semaphore_mem>>) src(%dma_wait3A_618 : memref<2600000x16xf32, #tpu.memory_space<hbm>>) dst(%dma_wait3A_612 : memref<128x16xf32, #tpu.memory_space<vmem>>)
    %dma_wait3A_619 = arith.constant 4 : i32
    %dma_wait3A_620 = arith.constant 4 : i32
    %dma_wait3A_621 = arith.constant 0 : i32
    %dma_wait3A_622 = arith.constant 0 : i32
    %dma_wait3A_623 = tpu.memref_slice %arg7[%dma_wait3A_620, %dma_wait3A_621, %dma_wait3A_622] : memref<26x128x16xf32, #tpu.memory_space<vmem>> -> memref<1x128x16xf32, #tpu.memory_space<vmem>>
    %dma_wait3A_624 = tpu.memref_squeeze %dma_wait3A_623 : memref<1x128x16xf32, #tpu.memory_space<vmem>> -> memref<128x16xf32, #tpu.memory_space<vmem>>
    %dma_wait3A_625 = arith.constant 0 : i32
    %dma_wait3A_626 = tpu.memref_slice %arg6[%dma_wait3A_619, %dma_wait3A_625] : memref<26x128xi32, #tpu.memory_space<vmem>> -> memref<1x128xi32, #tpu.memory_space<vmem>>
    %dma_wait3A_627 = tpu.memref_squeeze %dma_wait3A_626 : memref<1x128xi32, #tpu.memory_space<vmem>> -> memref<128xi32, #tpu.memory_space<vmem>>
    %dma_wait3A_628 = arith.constant 0 : i32
    %dma_wait3A_629 = arith.constant 0 : i32
    %dma_wait3A_630 = tpu.memref_slice %arg4[%dma_wait3A_628, %dma_wait3A_629] : memref<2600000x16xf32, #tpu.memory_space<hbm>> -> memref<2600000x16xf32, #tpu.memory_space<hbm>>
    tpu.wait_indirect_dma semaphore(%arg11 : memref<!tpu.dma_semaphore, #tpu.memory_space<semaphore_mem>>) src(%dma_wait3A_630 : memref<2600000x16xf32, #tpu.memory_space<hbm>>) dst(%dma_wait3A_624 : memref<128x16xf32, #tpu.memory_space<vmem>>)
    %dma_wait3A_631 = arith.constant 5 : i32
    %dma_wait3A_632 = arith.constant 5 : i32
    %dma_wait3A_633 = arith.constant 0 : i32
    %dma_wait3A_634 = arith.constant 0 : i32
    %dma_wait3A_635 = tpu.memref_slice %arg7[%dma_wait3A_632, %dma_wait3A_633, %dma_wait3A_634] : memref<26x128x16xf32, #tpu.memory_space<vmem>> -> memref<1x128x16xf32, #tpu.memory_space<vmem>>
    %dma_wait3A_636 = tpu.memref_squeeze %dma_wait3A_635 : memref<1x128x16xf32, #tpu.memory_space<vmem>> -> memref<128x16xf32, #tpu.memory_space<vmem>>
    %dma_wait3A_637 = arith.constant 0 : i32
    %dma_wait3A_638 = tpu.memref_slice %arg6[%dma_wait3A_631, %dma_wait3A_637] : memref<26x128xi32, #tpu.memory_space<vmem>> -> memref<1x128xi32, #tpu.memory_space<vmem>>
    %dma_wait3A_639 = tpu.memref_squeeze %dma_wait3A_638 : memref<1x128xi32, #tpu.memory_space<vmem>> -> memref<128xi32, #tpu.memory_space<vmem>>
    %dma_wait3A_640 = arith.constant 0 : i32
    %dma_wait3A_641 = arith.constant 0 : i32
    %dma_wait3A_642 = tpu.memref_slice %arg4[%dma_wait3A_640, %dma_wait3A_641] : memref<2600000x16xf32, #tpu.memory_space<hbm>> -> memref<2600000x16xf32, #tpu.memory_space<hbm>>
    tpu.wait_indirect_dma semaphore(%arg11 : memref<!tpu.dma_semaphore, #tpu.memory_space<semaphore_mem>>) src(%dma_wait3A_642 : memref<2600000x16xf32, #tpu.memory_space<hbm>>) dst(%dma_wait3A_636 : memref<128x16xf32, #tpu.memory_space<vmem>>)
    %dma_wait3A_643 = arith.constant 6 : i32
    %dma_wait3A_644 = arith.constant 6 : i32
    %dma_wait3A_645 = arith.constant 0 : i32
    %dma_wait3A_646 = arith.constant 0 : i32
    %dma_wait3A_647 = tpu.memref_slice %arg7[%dma_wait3A_644, %dma_wait3A_645, %dma_wait3A_646] : memref<26x128x16xf32, #tpu.memory_space<vmem>> -> memref<1x128x16xf32, #tpu.memory_space<vmem>>
    %dma_wait3A_648 = tpu.memref_squeeze %dma_wait3A_647 : memref<1x128x16xf32, #tpu.memory_space<vmem>> -> memref<128x16xf32, #tpu.memory_space<vmem>>
    %dma_wait3A_649 = arith.constant 0 : i32
    %dma_wait3A_650 = tpu.memref_slice %arg6[%dma_wait3A_643, %dma_wait3A_649] : memref<26x128xi32, #tpu.memory_space<vmem>> -> memref<1x128xi32, #tpu.memory_space<vmem>>
    %dma_wait3A_651 = tpu.memref_squeeze %dma_wait3A_650 : memref<1x128xi32, #tpu.memory_space<vmem>> -> memref<128xi32, #tpu.memory_space<vmem>>
    %dma_wait3A_652 = arith.constant 0 : i32
    %dma_wait3A_653 = arith.constant 0 : i32
    %dma_wait3A_654 = tpu.memref_slice %arg4[%dma_wait3A_652, %dma_wait3A_653] : memref<2600000x16xf32, #tpu.memory_space<hbm>> -> memref<2600000x16xf32, #tpu.memory_space<hbm>>
    tpu.wait_indirect_dma semaphore(%arg11 : memref<!tpu.dma_semaphore, #tpu.memory_space<semaphore_mem>>) src(%dma_wait3A_654 : memref<2600000x16xf32, #tpu.memory_space<hbm>>) dst(%dma_wait3A_648 : memref<128x16xf32, #tpu.memory_space<vmem>>)
    %dma_wait3A_655 = arith.constant 7 : i32
    %dma_wait3A_656 = arith.constant 7 : i32
    %dma_wait3A_657 = arith.constant 0 : i32
    %dma_wait3A_658 = arith.constant 0 : i32
    %dma_wait3A_659 = tpu.memref_slice %arg7[%dma_wait3A_656, %dma_wait3A_657, %dma_wait3A_658] : memref<26x128x16xf32, #tpu.memory_space<vmem>> -> memref<1x128x16xf32, #tpu.memory_space<vmem>>
    %dma_wait3A_660 = tpu.memref_squeeze %dma_wait3A_659 : memref<1x128x16xf32, #tpu.memory_space<vmem>> -> memref<128x16xf32, #tpu.memory_space<vmem>>
    %dma_wait3A_661 = arith.constant 0 : i32
    %dma_wait3A_662 = tpu.memref_slice %arg6[%dma_wait3A_655, %dma_wait3A_661] : memref<26x128xi32, #tpu.memory_space<vmem>> -> memref<1x128xi32, #tpu.memory_space<vmem>>
    %dma_wait3A_663 = tpu.memref_squeeze %dma_wait3A_662 : memref<1x128xi32, #tpu.memory_space<vmem>> -> memref<128xi32, #tpu.memory_space<vmem>>
    %dma_wait3A_664 = arith.constant 0 : i32
    %dma_wait3A_665 = arith.constant 0 : i32
    %dma_wait3A_666 = tpu.memref_slice %arg4[%dma_wait3A_664, %dma_wait3A_665] : memref<2600000x16xf32, #tpu.memory_space<hbm>> -> memref<2600000x16xf32, #tpu.memory_space<hbm>>
    tpu.wait_indirect_dma semaphore(%arg11 : memref<!tpu.dma_semaphore, #tpu.memory_space<semaphore_mem>>) src(%dma_wait3A_666 : memref<2600000x16xf32, #tpu.memory_space<hbm>>) dst(%dma_wait3A_660 : memref<128x16xf32, #tpu.memory_space<vmem>>)
    %dma_wait3A_667 = arith.constant 8 : i32
    %dma_wait3A_668 = arith.constant 8 : i32
    %dma_wait3A_669 = arith.constant 0 : i32
    %dma_wait3A_670 = arith.constant 0 : i32
    %dma_wait3A_671 = tpu.memref_slice %arg7[%dma_wait3A_668, %dma_wait3A_669, %dma_wait3A_670] : memref<26x128x16xf32, #tpu.memory_space<vmem>> -> memref<1x128x16xf32, #tpu.memory_space<vmem>>
    %dma_wait3A_672 = tpu.memref_squeeze %dma_wait3A_671 : memref<1x128x16xf32, #tpu.memory_space<vmem>> -> memref<128x16xf32, #tpu.memory_space<vmem>>
    %dma_wait3A_673 = arith.constant 0 : i32
    %dma_wait3A_674 = tpu.memref_slice %arg6[%dma_wait3A_667, %dma_wait3A_673] : memref<26x128xi32, #tpu.memory_space<vmem>> -> memref<1x128xi32, #tpu.memory_space<vmem>>
    %dma_wait3A_675 = tpu.memref_squeeze %dma_wait3A_674 : memref<1x128xi32, #tpu.memory_space<vmem>> -> memref<128xi32, #tpu.memory_space<vmem>>
    %dma_wait3A_676 = arith.constant 0 : i32
    %dma_wait3A_677 = arith.constant 0 : i32
    %dma_wait3A_678 = tpu.memref_slice %arg4[%dma_wait3A_676, %dma_wait3A_677] : memref<2600000x16xf32, #tpu.memory_space<hbm>> -> memref<2600000x16xf32, #tpu.memory_space<hbm>>
    tpu.wait_indirect_dma semaphore(%arg11 : memref<!tpu.dma_semaphore, #tpu.memory_space<semaphore_mem>>) src(%dma_wait3A_678 : memref<2600000x16xf32, #tpu.memory_space<hbm>>) dst(%dma_wait3A_672 : memref<128x16xf32, #tpu.memory_space<vmem>>)
    %dma_wait3A_679 = arith.constant 9 : i32
    %dma_wait3A_680 = arith.constant 9 : i32
    %dma_wait3A_681 = arith.constant 0 : i32
    %dma_wait3A_682 = arith.constant 0 : i32
    %dma_wait3A_683 = tpu.memref_slice %arg7[%dma_wait3A_680, %dma_wait3A_681, %dma_wait3A_682] : memref<26x128x16xf32, #tpu.memory_space<vmem>> -> memref<1x128x16xf32, #tpu.memory_space<vmem>>
    %dma_wait3A_684 = tpu.memref_squeeze %dma_wait3A_683 : memref<1x128x16xf32, #tpu.memory_space<vmem>> -> memref<128x16xf32, #tpu.memory_space<vmem>>
    %dma_wait3A_685 = arith.constant 0 : i32
    %dma_wait3A_686 = tpu.memref_slice %arg6[%dma_wait3A_679, %dma_wait3A_685] : memref<26x128xi32, #tpu.memory_space<vmem>> -> memref<1x128xi32, #tpu.memory_space<vmem>>
    %dma_wait3A_687 = tpu.memref_squeeze %dma_wait3A_686 : memref<1x128xi32, #tpu.memory_space<vmem>> -> memref<128xi32, #tpu.memory_space<vmem>>
    %dma_wait3A_688 = arith.constant 0 : i32
    %dma_wait3A_689 = arith.constant 0 : i32
    %dma_wait3A_690 = tpu.memref_slice %arg4[%dma_wait3A_688, %dma_wait3A_689] : memref<2600000x16xf32, #tpu.memory_space<hbm>> -> memref<2600000x16xf32, #tpu.memory_space<hbm>>
    tpu.wait_indirect_dma semaphore(%arg11 : memref<!tpu.dma_semaphore, #tpu.memory_space<semaphore_mem>>) src(%dma_wait3A_690 : memref<2600000x16xf32, #tpu.memory_space<hbm>>) dst(%dma_wait3A_684 : memref<128x16xf32, #tpu.memory_space<vmem>>)
    %dma_wait3A_691 = arith.constant 10 : i32
    %dma_wait3A_692 = arith.constant 10 : i32
    %dma_wait3A_693 = arith.constant 0 : i32
    %dma_wait3A_694 = arith.constant 0 : i32
    %dma_wait3A_695 = tpu.memref_slice %arg7[%dma_wait3A_692, %dma_wait3A_693, %dma_wait3A_694] : memref<26x128x16xf32, #tpu.memory_space<vmem>> -> memref<1x128x16xf32, #tpu.memory_space<vmem>>
    %dma_wait3A_696 = tpu.memref_squeeze %dma_wait3A_695 : memref<1x128x16xf32, #tpu.memory_space<vmem>> -> memref<128x16xf32, #tpu.memory_space<vmem>>
    %dma_wait3A_697 = arith.constant 0 : i32
    %dma_wait3A_698 = tpu.memref_slice %arg6[%dma_wait3A_691, %dma_wait3A_697] : memref<26x128xi32, #tpu.memory_space<vmem>> -> memref<1x128xi32, #tpu.memory_space<vmem>>
    %dma_wait3A_699 = tpu.memref_squeeze %dma_wait3A_698 : memref<1x128xi32, #tpu.memory_space<vmem>> -> memref<128xi32, #tpu.memory_space<vmem>>
    %dma_wait3A_700 = arith.constant 0 : i32
    %dma_wait3A_701 = arith.constant 0 : i32
    %dma_wait3A_702 = tpu.memref_slice %arg4[%dma_wait3A_700, %dma_wait3A_701] : memref<2600000x16xf32, #tpu.memory_space<hbm>> -> memref<2600000x16xf32, #tpu.memory_space<hbm>>
    tpu.wait_indirect_dma semaphore(%arg11 : memref<!tpu.dma_semaphore, #tpu.memory_space<semaphore_mem>>) src(%dma_wait3A_702 : memref<2600000x16xf32, #tpu.memory_space<hbm>>) dst(%dma_wait3A_696 : memref<128x16xf32, #tpu.memory_space<vmem>>)
    %dma_wait3A_703 = arith.constant 11 : i32
    %dma_wait3A_704 = arith.constant 11 : i32
    %dma_wait3A_705 = arith.constant 0 : i32
    %dma_wait3A_706 = arith.constant 0 : i32
    %dma_wait3A_707 = tpu.memref_slice %arg7[%dma_wait3A_704, %dma_wait3A_705, %dma_wait3A_706] : memref<26x128x16xf32, #tpu.memory_space<vmem>> -> memref<1x128x16xf32, #tpu.memory_space<vmem>>
    %dma_wait3A_708 = tpu.memref_squeeze %dma_wait3A_707 : memref<1x128x16xf32, #tpu.memory_space<vmem>> -> memref<128x16xf32, #tpu.memory_space<vmem>>
    %dma_wait3A_709 = arith.constant 0 : i32
    %dma_wait3A_710 = tpu.memref_slice %arg6[%dma_wait3A_703, %dma_wait3A_709] : memref<26x128xi32, #tpu.memory_space<vmem>> -> memref<1x128xi32, #tpu.memory_space<vmem>>
    %dma_wait3A_711 = tpu.memref_squeeze %dma_wait3A_710 : memref<1x128xi32, #tpu.memory_space<vmem>> -> memref<128xi32, #tpu.memory_space<vmem>>
    %dma_wait3A_712 = arith.constant 0 : i32
    %dma_wait3A_713 = arith.constant 0 : i32
    %dma_wait3A_714 = tpu.memref_slice %arg4[%dma_wait3A_712, %dma_wait3A_713] : memref<2600000x16xf32, #tpu.memory_space<hbm>> -> memref<2600000x16xf32, #tpu.memory_space<hbm>>
    tpu.wait_indirect_dma semaphore(%arg11 : memref<!tpu.dma_semaphore, #tpu.memory_space<semaphore_mem>>) src(%dma_wait3A_714 : memref<2600000x16xf32, #tpu.memory_space<hbm>>) dst(%dma_wait3A_708 : memref<128x16xf32, #tpu.memory_space<vmem>>)
    %dma_wait3A_715 = arith.constant 12 : i32
    %dma_wait3A_716 = arith.constant 12 : i32
    %dma_wait3A_717 = arith.constant 0 : i32
    %dma_wait3A_718 = arith.constant 0 : i32
    %dma_wait3A_719 = tpu.memref_slice %arg7[%dma_wait3A_716, %dma_wait3A_717, %dma_wait3A_718] : memref<26x128x16xf32, #tpu.memory_space<vmem>> -> memref<1x128x16xf32, #tpu.memory_space<vmem>>
    %dma_wait3A_720 = tpu.memref_squeeze %dma_wait3A_719 : memref<1x128x16xf32, #tpu.memory_space<vmem>> -> memref<128x16xf32, #tpu.memory_space<vmem>>
    %dma_wait3A_721 = arith.constant 0 : i32
    %dma_wait3A_722 = tpu.memref_slice %arg6[%dma_wait3A_715, %dma_wait3A_721] : memref<26x128xi32, #tpu.memory_space<vmem>> -> memref<1x128xi32, #tpu.memory_space<vmem>>
    %dma_wait3A_723 = tpu.memref_squeeze %dma_wait3A_722 : memref<1x128xi32, #tpu.memory_space<vmem>> -> memref<128xi32, #tpu.memory_space<vmem>>
    %dma_wait3A_724 = arith.constant 0 : i32
    %dma_wait3A_725 = arith.constant 0 : i32
    %dma_wait3A_726 = tpu.memref_slice %arg4[%dma_wait3A_724, %dma_wait3A_725] : memref<2600000x16xf32, #tpu.memory_space<hbm>> -> memref<2600000x16xf32, #tpu.memory_space<hbm>>
    tpu.wait_indirect_dma semaphore(%arg11 : memref<!tpu.dma_semaphore, #tpu.memory_space<semaphore_mem>>) src(%dma_wait3A_726 : memref<2600000x16xf32, #tpu.memory_space<hbm>>) dst(%dma_wait3A_720 : memref<128x16xf32, #tpu.memory_space<vmem>>)
    %dma_wait3A_727 = arith.constant 13 : i32
    %dma_wait3A_728 = arith.constant 13 : i32
    %dma_wait3A_729 = arith.constant 0 : i32
    %dma_wait3A_730 = arith.constant 0 : i32
    %dma_wait3A_731 = tpu.memref_slice %arg7[%dma_wait3A_728, %dma_wait3A_729, %dma_wait3A_730] : memref<26x128x16xf32, #tpu.memory_space<vmem>> -> memref<1x128x16xf32, #tpu.memory_space<vmem>>
    %dma_wait3A_732 = tpu.memref_squeeze %dma_wait3A_731 : memref<1x128x16xf32, #tpu.memory_space<vmem>> -> memref<128x16xf32, #tpu.memory_space<vmem>>
    %dma_wait3A_733 = arith.constant 0 : i32
    %dma_wait3A_734 = tpu.memref_slice %arg6[%dma_wait3A_727, %dma_wait3A_733] : memref<26x128xi32, #tpu.memory_space<vmem>> -> memref<1x128xi32, #tpu.memory_space<vmem>>
    %dma_wait3A_735 = tpu.memref_squeeze %dma_wait3A_734 : memref<1x128xi32, #tpu.memory_space<vmem>> -> memref<128xi32, #tpu.memory_space<vmem>>
    %dma_wait3A_736 = arith.constant 0 : i32
    %dma_wait3A_737 = arith.constant 0 : i32
    %dma_wait3A_738 = tpu.memref_slice %arg4[%dma_wait3A_736, %dma_wait3A_737] : memref<2600000x16xf32, #tpu.memory_space<hbm>> -> memref<2600000x16xf32, #tpu.memory_space<hbm>>
    tpu.wait_indirect_dma semaphore(%arg11 : memref<!tpu.dma_semaphore, #tpu.memory_space<semaphore_mem>>) src(%dma_wait3A_738 : memref<2600000x16xf32, #tpu.memory_space<hbm>>) dst(%dma_wait3A_732 : memref<128x16xf32, #tpu.memory_space<vmem>>)
    %dma_wait3A_739 = arith.constant 14 : i32
    %dma_wait3A_740 = arith.constant 14 : i32
    %dma_wait3A_741 = arith.constant 0 : i32
    %dma_wait3A_742 = arith.constant 0 : i32
    %dma_wait3A_743 = tpu.memref_slice %arg7[%dma_wait3A_740, %dma_wait3A_741, %dma_wait3A_742] : memref<26x128x16xf32, #tpu.memory_space<vmem>> -> memref<1x128x16xf32, #tpu.memory_space<vmem>>
    %dma_wait3A_744 = tpu.memref_squeeze %dma_wait3A_743 : memref<1x128x16xf32, #tpu.memory_space<vmem>> -> memref<128x16xf32, #tpu.memory_space<vmem>>
    %dma_wait3A_745 = arith.constant 0 : i32
    %dma_wait3A_746 = tpu.memref_slice %arg6[%dma_wait3A_739, %dma_wait3A_745] : memref<26x128xi32, #tpu.memory_space<vmem>> -> memref<1x128xi32, #tpu.memory_space<vmem>>
    %dma_wait3A_747 = tpu.memref_squeeze %dma_wait3A_746 : memref<1x128xi32, #tpu.memory_space<vmem>> -> memref<128xi32, #tpu.memory_space<vmem>>
    %dma_wait3A_748 = arith.constant 0 : i32
    %dma_wait3A_749 = arith.constant 0 : i32
    %dma_wait3A_750 = tpu.memref_slice %arg4[%dma_wait3A_748, %dma_wait3A_749] : memref<2600000x16xf32, #tpu.memory_space<hbm>> -> memref<2600000x16xf32, #tpu.memory_space<hbm>>
    tpu.wait_indirect_dma semaphore(%arg11 : memref<!tpu.dma_semaphore, #tpu.memory_space<semaphore_mem>>) src(%dma_wait3A_750 : memref<2600000x16xf32, #tpu.memory_space<hbm>>) dst(%dma_wait3A_744 : memref<128x16xf32, #tpu.memory_space<vmem>>)
    %dma_wait3A_751 = arith.constant 15 : i32
    %dma_wait3A_752 = arith.constant 15 : i32
    %dma_wait3A_753 = arith.constant 0 : i32
    %dma_wait3A_754 = arith.constant 0 : i32
    %dma_wait3A_755 = tpu.memref_slice %arg7[%dma_wait3A_752, %dma_wait3A_753, %dma_wait3A_754] : memref<26x128x16xf32, #tpu.memory_space<vmem>> -> memref<1x128x16xf32, #tpu.memory_space<vmem>>
    %dma_wait3A_756 = tpu.memref_squeeze %dma_wait3A_755 : memref<1x128x16xf32, #tpu.memory_space<vmem>> -> memref<128x16xf32, #tpu.memory_space<vmem>>
    %dma_wait3A_757 = arith.constant 0 : i32
    %dma_wait3A_758 = tpu.memref_slice %arg6[%dma_wait3A_751, %dma_wait3A_757] : memref<26x128xi32, #tpu.memory_space<vmem>> -> memref<1x128xi32, #tpu.memory_space<vmem>>
    %dma_wait3A_759 = tpu.memref_squeeze %dma_wait3A_758 : memref<1x128xi32, #tpu.memory_space<vmem>> -> memref<128xi32, #tpu.memory_space<vmem>>
    %dma_wait3A_760 = arith.constant 0 : i32
    %dma_wait3A_761 = arith.constant 0 : i32
    %dma_wait3A_762 = tpu.memref_slice %arg4[%dma_wait3A_760, %dma_wait3A_761] : memref<2600000x16xf32, #tpu.memory_space<hbm>> -> memref<2600000x16xf32, #tpu.memory_space<hbm>>
    tpu.wait_indirect_dma semaphore(%arg11 : memref<!tpu.dma_semaphore, #tpu.memory_space<semaphore_mem>>) src(%dma_wait3A_762 : memref<2600000x16xf32, #tpu.memory_space<hbm>>) dst(%dma_wait3A_756 : memref<128x16xf32, #tpu.memory_space<vmem>>)
    %dma_wait3A_763 = arith.constant 16 : i32
    %dma_wait3A_764 = arith.constant 16 : i32
    %dma_wait3A_765 = arith.constant 0 : i32
    %dma_wait3A_766 = arith.constant 0 : i32
    %dma_wait3A_767 = tpu.memref_slice %arg7[%dma_wait3A_764, %dma_wait3A_765, %dma_wait3A_766] : memref<26x128x16xf32, #tpu.memory_space<vmem>> -> memref<1x128x16xf32, #tpu.memory_space<vmem>>
    %dma_wait3A_768 = tpu.memref_squeeze %dma_wait3A_767 : memref<1x128x16xf32, #tpu.memory_space<vmem>> -> memref<128x16xf32, #tpu.memory_space<vmem>>
    %dma_wait3A_769 = arith.constant 0 : i32
    %dma_wait3A_770 = tpu.memref_slice %arg6[%dma_wait3A_763, %dma_wait3A_769] : memref<26x128xi32, #tpu.memory_space<vmem>> -> memref<1x128xi32, #tpu.memory_space<vmem>>
    %dma_wait3A_771 = tpu.memref_squeeze %dma_wait3A_770 : memref<1x128xi32, #tpu.memory_space<vmem>> -> memref<128xi32, #tpu.memory_space<vmem>>
    %dma_wait3A_772 = arith.constant 0 : i32
    %dma_wait3A_773 = arith.constant 0 : i32
    %dma_wait3A_774 = tpu.memref_slice %arg4[%dma_wait3A_772, %dma_wait3A_773] : memref<2600000x16xf32, #tpu.memory_space<hbm>> -> memref<2600000x16xf32, #tpu.memory_space<hbm>>
    tpu.wait_indirect_dma semaphore(%arg11 : memref<!tpu.dma_semaphore, #tpu.memory_space<semaphore_mem>>) src(%dma_wait3A_774 : memref<2600000x16xf32, #tpu.memory_space<hbm>>) dst(%dma_wait3A_768 : memref<128x16xf32, #tpu.memory_space<vmem>>)
    %dma_wait3A_775 = arith.constant 17 : i32
    %dma_wait3A_776 = arith.constant 17 : i32
    %dma_wait3A_777 = arith.constant 0 : i32
    %dma_wait3A_778 = arith.constant 0 : i32
    %dma_wait3A_779 = tpu.memref_slice %arg7[%dma_wait3A_776, %dma_wait3A_777, %dma_wait3A_778] : memref<26x128x16xf32, #tpu.memory_space<vmem>> -> memref<1x128x16xf32, #tpu.memory_space<vmem>>
    %dma_wait3A_780 = tpu.memref_squeeze %dma_wait3A_779 : memref<1x128x16xf32, #tpu.memory_space<vmem>> -> memref<128x16xf32, #tpu.memory_space<vmem>>
    %dma_wait3A_781 = arith.constant 0 : i32
    %dma_wait3A_782 = tpu.memref_slice %arg6[%dma_wait3A_775, %dma_wait3A_781] : memref<26x128xi32, #tpu.memory_space<vmem>> -> memref<1x128xi32, #tpu.memory_space<vmem>>
    %dma_wait3A_783 = tpu.memref_squeeze %dma_wait3A_782 : memref<1x128xi32, #tpu.memory_space<vmem>> -> memref<128xi32, #tpu.memory_space<vmem>>
    %dma_wait3A_784 = arith.constant 0 : i32
    %dma_wait3A_785 = arith.constant 0 : i32
    %dma_wait3A_786 = tpu.memref_slice %arg4[%dma_wait3A_784, %dma_wait3A_785] : memref<2600000x16xf32, #tpu.memory_space<hbm>> -> memref<2600000x16xf32, #tpu.memory_space<hbm>>
    tpu.wait_indirect_dma semaphore(%arg11 : memref<!tpu.dma_semaphore, #tpu.memory_space<semaphore_mem>>) src(%dma_wait3A_786 : memref<2600000x16xf32, #tpu.memory_space<hbm>>) dst(%dma_wait3A_780 : memref<128x16xf32, #tpu.memory_space<vmem>>)
    %dma_wait3A_787 = arith.constant 18 : i32
    %dma_wait3A_788 = arith.constant 18 : i32
    %dma_wait3A_789 = arith.constant 0 : i32
    %dma_wait3A_790 = arith.constant 0 : i32
    %dma_wait3A_791 = tpu.memref_slice %arg7[%dma_wait3A_788, %dma_wait3A_789, %dma_wait3A_790] : memref<26x128x16xf32, #tpu.memory_space<vmem>> -> memref<1x128x16xf32, #tpu.memory_space<vmem>>
    %dma_wait3A_792 = tpu.memref_squeeze %dma_wait3A_791 : memref<1x128x16xf32, #tpu.memory_space<vmem>> -> memref<128x16xf32, #tpu.memory_space<vmem>>
    %dma_wait3A_793 = arith.constant 0 : i32
    %dma_wait3A_794 = tpu.memref_slice %arg6[%dma_wait3A_787, %dma_wait3A_793] : memref<26x128xi32, #tpu.memory_space<vmem>> -> memref<1x128xi32, #tpu.memory_space<vmem>>
    %dma_wait3A_795 = tpu.memref_squeeze %dma_wait3A_794 : memref<1x128xi32, #tpu.memory_space<vmem>> -> memref<128xi32, #tpu.memory_space<vmem>>
    %dma_wait3A_796 = arith.constant 0 : i32
    %dma_wait3A_797 = arith.constant 0 : i32
    %dma_wait3A_798 = tpu.memref_slice %arg4[%dma_wait3A_796, %dma_wait3A_797] : memref<2600000x16xf32, #tpu.memory_space<hbm>> -> memref<2600000x16xf32, #tpu.memory_space<hbm>>
    tpu.wait_indirect_dma semaphore(%arg11 : memref<!tpu.dma_semaphore, #tpu.memory_space<semaphore_mem>>) src(%dma_wait3A_798 : memref<2600000x16xf32, #tpu.memory_space<hbm>>) dst(%dma_wait3A_792 : memref<128x16xf32, #tpu.memory_space<vmem>>)
    %dma_wait3A_799 = arith.constant 19 : i32
    %dma_wait3A_800 = arith.constant 19 : i32
    %dma_wait3A_801 = arith.constant 0 : i32
    %dma_wait3A_802 = arith.constant 0 : i32
    %dma_wait3A_803 = tpu.memref_slice %arg7[%dma_wait3A_800, %dma_wait3A_801, %dma_wait3A_802] : memref<26x128x16xf32, #tpu.memory_space<vmem>> -> memref<1x128x16xf32, #tpu.memory_space<vmem>>
    %dma_wait3A_804 = tpu.memref_squeeze %dma_wait3A_803 : memref<1x128x16xf32, #tpu.memory_space<vmem>> -> memref<128x16xf32, #tpu.memory_space<vmem>>
    %dma_wait3A_805 = arith.constant 0 : i32
    %dma_wait3A_806 = tpu.memref_slice %arg6[%dma_wait3A_799, %dma_wait3A_805] : memref<26x128xi32, #tpu.memory_space<vmem>> -> memref<1x128xi32, #tpu.memory_space<vmem>>
    %dma_wait3A_807 = tpu.memref_squeeze %dma_wait3A_806 : memref<1x128xi32, #tpu.memory_space<vmem>> -> memref<128xi32, #tpu.memory_space<vmem>>
    %dma_wait3A_808 = arith.constant 0 : i32
    %dma_wait3A_809 = arith.constant 0 : i32
    %dma_wait3A_810 = tpu.memref_slice %arg4[%dma_wait3A_808, %dma_wait3A_809] : memref<2600000x16xf32, #tpu.memory_space<hbm>> -> memref<2600000x16xf32, #tpu.memory_space<hbm>>
    tpu.wait_indirect_dma semaphore(%arg11 : memref<!tpu.dma_semaphore, #tpu.memory_space<semaphore_mem>>) src(%dma_wait3A_810 : memref<2600000x16xf32, #tpu.memory_space<hbm>>) dst(%dma_wait3A_804 : memref<128x16xf32, #tpu.memory_space<vmem>>)
    %dma_wait3A_811 = arith.constant 20 : i32
    %dma_wait3A_812 = arith.constant 20 : i32
    %dma_wait3A_813 = arith.constant 0 : i32
    %dma_wait3A_814 = arith.constant 0 : i32
    %dma_wait3A_815 = tpu.memref_slice %arg7[%dma_wait3A_812, %dma_wait3A_813, %dma_wait3A_814] : memref<26x128x16xf32, #tpu.memory_space<vmem>> -> memref<1x128x16xf32, #tpu.memory_space<vmem>>
    %dma_wait3A_816 = tpu.memref_squeeze %dma_wait3A_815 : memref<1x128x16xf32, #tpu.memory_space<vmem>> -> memref<128x16xf32, #tpu.memory_space<vmem>>
    %dma_wait3A_817 = arith.constant 0 : i32
    %dma_wait3A_818 = tpu.memref_slice %arg6[%dma_wait3A_811, %dma_wait3A_817] : memref<26x128xi32, #tpu.memory_space<vmem>> -> memref<1x128xi32, #tpu.memory_space<vmem>>
    %dma_wait3A_819 = tpu.memref_squeeze %dma_wait3A_818 : memref<1x128xi32, #tpu.memory_space<vmem>> -> memref<128xi32, #tpu.memory_space<vmem>>
    %dma_wait3A_820 = arith.constant 0 : i32
    %dma_wait3A_821 = arith.constant 0 : i32
    %dma_wait3A_822 = tpu.memref_slice %arg4[%dma_wait3A_820, %dma_wait3A_821] : memref<2600000x16xf32, #tpu.memory_space<hbm>> -> memref<2600000x16xf32, #tpu.memory_space<hbm>>
    tpu.wait_indirect_dma semaphore(%arg11 : memref<!tpu.dma_semaphore, #tpu.memory_space<semaphore_mem>>) src(%dma_wait3A_822 : memref<2600000x16xf32, #tpu.memory_space<hbm>>) dst(%dma_wait3A_816 : memref<128x16xf32, #tpu.memory_space<vmem>>)
    %dma_wait3A_823 = arith.constant 21 : i32
    %dma_wait3A_824 = arith.constant 21 : i32
    %dma_wait3A_825 = arith.constant 0 : i32
    %dma_wait3A_826 = arith.constant 0 : i32
    %dma_wait3A_827 = tpu.memref_slice %arg7[%dma_wait3A_824, %dma_wait3A_825, %dma_wait3A_826] : memref<26x128x16xf32, #tpu.memory_space<vmem>> -> memref<1x128x16xf32, #tpu.memory_space<vmem>>
    %dma_wait3A_828 = tpu.memref_squeeze %dma_wait3A_827 : memref<1x128x16xf32, #tpu.memory_space<vmem>> -> memref<128x16xf32, #tpu.memory_space<vmem>>
    %dma_wait3A_829 = arith.constant 0 : i32
    %dma_wait3A_830 = tpu.memref_slice %arg6[%dma_wait3A_823, %dma_wait3A_829] : memref<26x128xi32, #tpu.memory_space<vmem>> -> memref<1x128xi32, #tpu.memory_space<vmem>>
    %dma_wait3A_831 = tpu.memref_squeeze %dma_wait3A_830 : memref<1x128xi32, #tpu.memory_space<vmem>> -> memref<128xi32, #tpu.memory_space<vmem>>
    %dma_wait3A_832 = arith.constant 0 : i32
    %dma_wait3A_833 = arith.constant 0 : i32
    %dma_wait3A_834 = tpu.memref_slice %arg4[%dma_wait3A_832, %dma_wait3A_833] : memref<2600000x16xf32, #tpu.memory_space<hbm>> -> memref<2600000x16xf32, #tpu.memory_space<hbm>>
    tpu.wait_indirect_dma semaphore(%arg11 : memref<!tpu.dma_semaphore, #tpu.memory_space<semaphore_mem>>) src(%dma_wait3A_834 : memref<2600000x16xf32, #tpu.memory_space<hbm>>) dst(%dma_wait3A_828 : memref<128x16xf32, #tpu.memory_space<vmem>>)
    %dma_wait3A_835 = arith.constant 22 : i32
    %dma_wait3A_836 = arith.constant 22 : i32
    %dma_wait3A_837 = arith.constant 0 : i32
    %dma_wait3A_838 = arith.constant 0 : i32
    %dma_wait3A_839 = tpu.memref_slice %arg7[%dma_wait3A_836, %dma_wait3A_837, %dma_wait3A_838] : memref<26x128x16xf32, #tpu.memory_space<vmem>> -> memref<1x128x16xf32, #tpu.memory_space<vmem>>
    %dma_wait3A_840 = tpu.memref_squeeze %dma_wait3A_839 : memref<1x128x16xf32, #tpu.memory_space<vmem>> -> memref<128x16xf32, #tpu.memory_space<vmem>>
    %dma_wait3A_841 = arith.constant 0 : i32
    %dma_wait3A_842 = tpu.memref_slice %arg6[%dma_wait3A_835, %dma_wait3A_841] : memref<26x128xi32, #tpu.memory_space<vmem>> -> memref<1x128xi32, #tpu.memory_space<vmem>>
    %dma_wait3A_843 = tpu.memref_squeeze %dma_wait3A_842 : memref<1x128xi32, #tpu.memory_space<vmem>> -> memref<128xi32, #tpu.memory_space<vmem>>
    %dma_wait3A_844 = arith.constant 0 : i32
    %dma_wait3A_845 = arith.constant 0 : i32
    %dma_wait3A_846 = tpu.memref_slice %arg4[%dma_wait3A_844, %dma_wait3A_845] : memref<2600000x16xf32, #tpu.memory_space<hbm>> -> memref<2600000x16xf32, #tpu.memory_space<hbm>>
    tpu.wait_indirect_dma semaphore(%arg11 : memref<!tpu.dma_semaphore, #tpu.memory_space<semaphore_mem>>) src(%dma_wait3A_846 : memref<2600000x16xf32, #tpu.memory_space<hbm>>) dst(%dma_wait3A_840 : memref<128x16xf32, #tpu.memory_space<vmem>>)
    %dma_wait3A_847 = arith.constant 23 : i32
    %dma_wait3A_848 = arith.constant 23 : i32
    %dma_wait3A_849 = arith.constant 0 : i32
    %dma_wait3A_850 = arith.constant 0 : i32
    %dma_wait3A_851 = tpu.memref_slice %arg7[%dma_wait3A_848, %dma_wait3A_849, %dma_wait3A_850] : memref<26x128x16xf32, #tpu.memory_space<vmem>> -> memref<1x128x16xf32, #tpu.memory_space<vmem>>
    %dma_wait3A_852 = tpu.memref_squeeze %dma_wait3A_851 : memref<1x128x16xf32, #tpu.memory_space<vmem>> -> memref<128x16xf32, #tpu.memory_space<vmem>>
    %dma_wait3A_853 = arith.constant 0 : i32
    %dma_wait3A_854 = tpu.memref_slice %arg6[%dma_wait3A_847, %dma_wait3A_853] : memref<26x128xi32, #tpu.memory_space<vmem>> -> memref<1x128xi32, #tpu.memory_space<vmem>>
    %dma_wait3A_855 = tpu.memref_squeeze %dma_wait3A_854 : memref<1x128xi32, #tpu.memory_space<vmem>> -> memref<128xi32, #tpu.memory_space<vmem>>
    %dma_wait3A_856 = arith.constant 0 : i32
    %dma_wait3A_857 = arith.constant 0 : i32
    %dma_wait3A_858 = tpu.memref_slice %arg4[%dma_wait3A_856, %dma_wait3A_857] : memref<2600000x16xf32, #tpu.memory_space<hbm>> -> memref<2600000x16xf32, #tpu.memory_space<hbm>>
    tpu.wait_indirect_dma semaphore(%arg11 : memref<!tpu.dma_semaphore, #tpu.memory_space<semaphore_mem>>) src(%dma_wait3A_858 : memref<2600000x16xf32, #tpu.memory_space<hbm>>) dst(%dma_wait3A_852 : memref<128x16xf32, #tpu.memory_space<vmem>>)
    %dma_wait3A_859 = arith.constant 24 : i32
    %dma_wait3A_860 = arith.constant 24 : i32
    %dma_wait3A_861 = arith.constant 0 : i32
    %dma_wait3A_862 = arith.constant 0 : i32
    %dma_wait3A_863 = tpu.memref_slice %arg7[%dma_wait3A_860, %dma_wait3A_861, %dma_wait3A_862] : memref<26x128x16xf32, #tpu.memory_space<vmem>> -> memref<1x128x16xf32, #tpu.memory_space<vmem>>
    %dma_wait3A_864 = tpu.memref_squeeze %dma_wait3A_863 : memref<1x128x16xf32, #tpu.memory_space<vmem>> -> memref<128x16xf32, #tpu.memory_space<vmem>>
    %dma_wait3A_865 = arith.constant 0 : i32
    %dma_wait3A_866 = tpu.memref_slice %arg6[%dma_wait3A_859, %dma_wait3A_865] : memref<26x128xi32, #tpu.memory_space<vmem>> -> memref<1x128xi32, #tpu.memory_space<vmem>>
    %dma_wait3A_867 = tpu.memref_squeeze %dma_wait3A_866 : memref<1x128xi32, #tpu.memory_space<vmem>> -> memref<128xi32, #tpu.memory_space<vmem>>
    %dma_wait3A_868 = arith.constant 0 : i32
    %dma_wait3A_869 = arith.constant 0 : i32
    %dma_wait3A_870 = tpu.memref_slice %arg4[%dma_wait3A_868, %dma_wait3A_869] : memref<2600000x16xf32, #tpu.memory_space<hbm>> -> memref<2600000x16xf32, #tpu.memory_space<hbm>>
    tpu.wait_indirect_dma semaphore(%arg11 : memref<!tpu.dma_semaphore, #tpu.memory_space<semaphore_mem>>) src(%dma_wait3A_870 : memref<2600000x16xf32, #tpu.memory_space<hbm>>) dst(%dma_wait3A_864 : memref<128x16xf32, #tpu.memory_space<vmem>>)
    %dma_wait3A_871 = arith.constant 25 : i32
    %dma_wait3A_872 = arith.constant 25 : i32
    %dma_wait3A_873 = arith.constant 0 : i32
    %dma_wait3A_874 = arith.constant 0 : i32
    %dma_wait3A_875 = tpu.memref_slice %arg7[%dma_wait3A_872, %dma_wait3A_873, %dma_wait3A_874] : memref<26x128x16xf32, #tpu.memory_space<vmem>> -> memref<1x128x16xf32, #tpu.memory_space<vmem>>
    %dma_wait3A_876 = tpu.memref_squeeze %dma_wait3A_875 : memref<1x128x16xf32, #tpu.memory_space<vmem>> -> memref<128x16xf32, #tpu.memory_space<vmem>>
    %dma_wait3A_877 = arith.constant 0 : i32
    %dma_wait3A_878 = tpu.memref_slice %arg6[%dma_wait3A_871, %dma_wait3A_877] : memref<26x128xi32, #tpu.memory_space<vmem>> -> memref<1x128xi32, #tpu.memory_space<vmem>>
    %dma_wait3A_879 = tpu.memref_squeeze %dma_wait3A_878 : memref<1x128xi32, #tpu.memory_space<vmem>> -> memref<128xi32, #tpu.memory_space<vmem>>
    %dma_wait3A_880 = arith.constant 0 : i32
    %dma_wait3A_881 = arith.constant 0 : i32
    %dma_wait3A_882 = tpu.memref_slice %arg4[%dma_wait3A_880, %dma_wait3A_881] : memref<2600000x16xf32, #tpu.memory_space<hbm>> -> memref<2600000x16xf32, #tpu.memory_space<hbm>>
    tpu.wait_indirect_dma semaphore(%arg11 : memref<!tpu.dma_semaphore, #tpu.memory_space<semaphore_mem>>) src(%dma_wait3A_882 : memref<2600000x16xf32, #tpu.memory_space<hbm>>) dst(%dma_wait3A_876 : memref<128x16xf32, #tpu.memory_space<vmem>>)
    %dma_wait3A_883 = arith.constant 0 : i32
    %dma_wait3A_884 = arith.constant 0 : i32
    %dma_wait3A_885 = arith.constant 0 : i32
    %dma_wait3A_886 = tpu.memref_slice %arg8[%dma_wait3A_884, %dma_wait3A_885] : memref<26x128xf32, #tpu.memory_space<vmem>> -> memref<1x128xf32, #tpu.memory_space<vmem>>
    %dma_wait3A_887 = tpu.memref_squeeze %dma_wait3A_886 : memref<1x128xf32, #tpu.memory_space<vmem>> -> memref<128xf32, #tpu.memory_space<vmem>>
    %dma_wait3A_888 = arith.constant 0 : i32
    %dma_wait3A_889 = tpu.memref_slice %arg6[%dma_wait3A_883, %dma_wait3A_888] : memref<26x128xi32, #tpu.memory_space<vmem>> -> memref<1x128xi32, #tpu.memory_space<vmem>>
    %dma_wait3A_890 = tpu.memref_squeeze %dma_wait3A_889 : memref<1x128xi32, #tpu.memory_space<vmem>> -> memref<128xi32, #tpu.memory_space<vmem>>
    %dma_wait3A_891 = arith.constant 0 : i32
    %dma_wait3A_892 = tpu.memref_slice %arg3[%dma_wait3A_891] : memref<2600000xf32, #tpu.memory_space<hbm>> -> memref<2600000xf32, #tpu.memory_space<hbm>>
    tpu.wait_indirect_dma semaphore(%arg12 : memref<!tpu.dma_semaphore, #tpu.memory_space<semaphore_mem>>) src(%dma_wait3A_892 : memref<2600000xf32, #tpu.memory_space<hbm>>) dst(%dma_wait3A_887 : memref<128xf32, #tpu.memory_space<vmem>>)
    %dma_wait3A_893 = arith.constant 1 : i32
    %dma_wait3A_894 = arith.constant 1 : i32
    %dma_wait3A_895 = arith.constant 0 : i32
    %dma_wait3A_896 = tpu.memref_slice %arg8[%dma_wait3A_894, %dma_wait3A_895] : memref<26x128xf32, #tpu.memory_space<vmem>> -> memref<1x128xf32, #tpu.memory_space<vmem>>
    %dma_wait3A_897 = tpu.memref_squeeze %dma_wait3A_896 : memref<1x128xf32, #tpu.memory_space<vmem>> -> memref<128xf32, #tpu.memory_space<vmem>>
    %dma_wait3A_898 = arith.constant 0 : i32
    %dma_wait3A_899 = tpu.memref_slice %arg6[%dma_wait3A_893, %dma_wait3A_898] : memref<26x128xi32, #tpu.memory_space<vmem>> -> memref<1x128xi32, #tpu.memory_space<vmem>>
    %dma_wait3A_900 = tpu.memref_squeeze %dma_wait3A_899 : memref<1x128xi32, #tpu.memory_space<vmem>> -> memref<128xi32, #tpu.memory_space<vmem>>
    %dma_wait3A_901 = arith.constant 0 : i32
    %dma_wait3A_902 = tpu.memref_slice %arg3[%dma_wait3A_901] : memref<2600000xf32, #tpu.memory_space<hbm>> -> memref<2600000xf32, #tpu.memory_space<hbm>>
    tpu.wait_indirect_dma semaphore(%arg12 : memref<!tpu.dma_semaphore, #tpu.memory_space<semaphore_mem>>) src(%dma_wait3A_902 : memref<2600000xf32, #tpu.memory_space<hbm>>) dst(%dma_wait3A_897 : memref<128xf32, #tpu.memory_space<vmem>>)
    %dma_wait3A_903 = arith.constant 2 : i32
    %dma_wait3A_904 = arith.constant 2 : i32
    %dma_wait3A_905 = arith.constant 0 : i32
    %dma_wait3A_906 = tpu.memref_slice %arg8[%dma_wait3A_904, %dma_wait3A_905] : memref<26x128xf32, #tpu.memory_space<vmem>> -> memref<1x128xf32, #tpu.memory_space<vmem>>
    %dma_wait3A_907 = tpu.memref_squeeze %dma_wait3A_906 : memref<1x128xf32, #tpu.memory_space<vmem>> -> memref<128xf32, #tpu.memory_space<vmem>>
    %dma_wait3A_908 = arith.constant 0 : i32
    %dma_wait3A_909 = tpu.memref_slice %arg6[%dma_wait3A_903, %dma_wait3A_908] : memref<26x128xi32, #tpu.memory_space<vmem>> -> memref<1x128xi32, #tpu.memory_space<vmem>>
    %dma_wait3A_910 = tpu.memref_squeeze %dma_wait3A_909 : memref<1x128xi32, #tpu.memory_space<vmem>> -> memref<128xi32, #tpu.memory_space<vmem>>
    %dma_wait3A_911 = arith.constant 0 : i32
    %dma_wait3A_912 = tpu.memref_slice %arg3[%dma_wait3A_911] : memref<2600000xf32, #tpu.memory_space<hbm>> -> memref<2600000xf32, #tpu.memory_space<hbm>>
    tpu.wait_indirect_dma semaphore(%arg12 : memref<!tpu.dma_semaphore, #tpu.memory_space<semaphore_mem>>) src(%dma_wait3A_912 : memref<2600000xf32, #tpu.memory_space<hbm>>) dst(%dma_wait3A_907 : memref<128xf32, #tpu.memory_space<vmem>>)
    %dma_wait3A_913 = arith.constant 3 : i32
    %dma_wait3A_914 = arith.constant 3 : i32
    %dma_wait3A_915 = arith.constant 0 : i32
    %dma_wait3A_916 = tpu.memref_slice %arg8[%dma_wait3A_914, %dma_wait3A_915] : memref<26x128xf32, #tpu.memory_space<vmem>> -> memref<1x128xf32, #tpu.memory_space<vmem>>
    %dma_wait3A_917 = tpu.memref_squeeze %dma_wait3A_916 : memref<1x128xf32, #tpu.memory_space<vmem>> -> memref<128xf32, #tpu.memory_space<vmem>>
    %dma_wait3A_918 = arith.constant 0 : i32
    %dma_wait3A_919 = tpu.memref_slice %arg6[%dma_wait3A_913, %dma_wait3A_918] : memref<26x128xi32, #tpu.memory_space<vmem>> -> memref<1x128xi32, #tpu.memory_space<vmem>>
    %dma_wait3A_920 = tpu.memref_squeeze %dma_wait3A_919 : memref<1x128xi32, #tpu.memory_space<vmem>> -> memref<128xi32, #tpu.memory_space<vmem>>
    %dma_wait3A_921 = arith.constant 0 : i32
    %dma_wait3A_922 = tpu.memref_slice %arg3[%dma_wait3A_921] : memref<2600000xf32, #tpu.memory_space<hbm>> -> memref<2600000xf32, #tpu.memory_space<hbm>>
    tpu.wait_indirect_dma semaphore(%arg12 : memref<!tpu.dma_semaphore, #tpu.memory_space<semaphore_mem>>) src(%dma_wait3A_922 : memref<2600000xf32, #tpu.memory_space<hbm>>) dst(%dma_wait3A_917 : memref<128xf32, #tpu.memory_space<vmem>>)
    %dma_wait3A_923 = arith.constant 4 : i32
    %dma_wait3A_924 = arith.constant 4 : i32
    %dma_wait3A_925 = arith.constant 0 : i32
    %dma_wait3A_926 = tpu.memref_slice %arg8[%dma_wait3A_924, %dma_wait3A_925] : memref<26x128xf32, #tpu.memory_space<vmem>> -> memref<1x128xf32, #tpu.memory_space<vmem>>
    %dma_wait3A_927 = tpu.memref_squeeze %dma_wait3A_926 : memref<1x128xf32, #tpu.memory_space<vmem>> -> memref<128xf32, #tpu.memory_space<vmem>>
    %dma_wait3A_928 = arith.constant 0 : i32
    %dma_wait3A_929 = tpu.memref_slice %arg6[%dma_wait3A_923, %dma_wait3A_928] : memref<26x128xi32, #tpu.memory_space<vmem>> -> memref<1x128xi32, #tpu.memory_space<vmem>>
    %dma_wait3A_930 = tpu.memref_squeeze %dma_wait3A_929 : memref<1x128xi32, #tpu.memory_space<vmem>> -> memref<128xi32, #tpu.memory_space<vmem>>
    %dma_wait3A_931 = arith.constant 0 : i32
    %dma_wait3A_932 = tpu.memref_slice %arg3[%dma_wait3A_931] : memref<2600000xf32, #tpu.memory_space<hbm>> -> memref<2600000xf32, #tpu.memory_space<hbm>>
    tpu.wait_indirect_dma semaphore(%arg12 : memref<!tpu.dma_semaphore, #tpu.memory_space<semaphore_mem>>) src(%dma_wait3A_932 : memref<2600000xf32, #tpu.memory_space<hbm>>) dst(%dma_wait3A_927 : memref<128xf32, #tpu.memory_space<vmem>>)
    %dma_wait3A_933 = arith.constant 5 : i32
    %dma_wait3A_934 = arith.constant 5 : i32
    %dma_wait3A_935 = arith.constant 0 : i32
    %dma_wait3A_936 = tpu.memref_slice %arg8[%dma_wait3A_934, %dma_wait3A_935] : memref<26x128xf32, #tpu.memory_space<vmem>> -> memref<1x128xf32, #tpu.memory_space<vmem>>
    %dma_wait3A_937 = tpu.memref_squeeze %dma_wait3A_936 : memref<1x128xf32, #tpu.memory_space<vmem>> -> memref<128xf32, #tpu.memory_space<vmem>>
    %dma_wait3A_938 = arith.constant 0 : i32
    %dma_wait3A_939 = tpu.memref_slice %arg6[%dma_wait3A_933, %dma_wait3A_938] : memref<26x128xi32, #tpu.memory_space<vmem>> -> memref<1x128xi32, #tpu.memory_space<vmem>>
    %dma_wait3A_940 = tpu.memref_squeeze %dma_wait3A_939 : memref<1x128xi32, #tpu.memory_space<vmem>> -> memref<128xi32, #tpu.memory_space<vmem>>
    %dma_wait3A_941 = arith.constant 0 : i32
    %dma_wait3A_942 = tpu.memref_slice %arg3[%dma_wait3A_941] : memref<2600000xf32, #tpu.memory_space<hbm>> -> memref<2600000xf32, #tpu.memory_space<hbm>>
    tpu.wait_indirect_dma semaphore(%arg12 : memref<!tpu.dma_semaphore, #tpu.memory_space<semaphore_mem>>) src(%dma_wait3A_942 : memref<2600000xf32, #tpu.memory_space<hbm>>) dst(%dma_wait3A_937 : memref<128xf32, #tpu.memory_space<vmem>>)
    %dma_wait3A_943 = arith.constant 6 : i32
    %dma_wait3A_944 = arith.constant 6 : i32
    %dma_wait3A_945 = arith.constant 0 : i32
    %dma_wait3A_946 = tpu.memref_slice %arg8[%dma_wait3A_944, %dma_wait3A_945] : memref<26x128xf32, #tpu.memory_space<vmem>> -> memref<1x128xf32, #tpu.memory_space<vmem>>
    %dma_wait3A_947 = tpu.memref_squeeze %dma_wait3A_946 : memref<1x128xf32, #tpu.memory_space<vmem>> -> memref<128xf32, #tpu.memory_space<vmem>>
    %dma_wait3A_948 = arith.constant 0 : i32
    %dma_wait3A_949 = tpu.memref_slice %arg6[%dma_wait3A_943, %dma_wait3A_948] : memref<26x128xi32, #tpu.memory_space<vmem>> -> memref<1x128xi32, #tpu.memory_space<vmem>>
    %dma_wait3A_950 = tpu.memref_squeeze %dma_wait3A_949 : memref<1x128xi32, #tpu.memory_space<vmem>> -> memref<128xi32, #tpu.memory_space<vmem>>
    %dma_wait3A_951 = arith.constant 0 : i32
    %dma_wait3A_952 = tpu.memref_slice %arg3[%dma_wait3A_951] : memref<2600000xf32, #tpu.memory_space<hbm>> -> memref<2600000xf32, #tpu.memory_space<hbm>>
    tpu.wait_indirect_dma semaphore(%arg12 : memref<!tpu.dma_semaphore, #tpu.memory_space<semaphore_mem>>) src(%dma_wait3A_952 : memref<2600000xf32, #tpu.memory_space<hbm>>) dst(%dma_wait3A_947 : memref<128xf32, #tpu.memory_space<vmem>>)
    %dma_wait3A_953 = arith.constant 7 : i32
    %dma_wait3A_954 = arith.constant 7 : i32
    %dma_wait3A_955 = arith.constant 0 : i32
    %dma_wait3A_956 = tpu.memref_slice %arg8[%dma_wait3A_954, %dma_wait3A_955] : memref<26x128xf32, #tpu.memory_space<vmem>> -> memref<1x128xf32, #tpu.memory_space<vmem>>
    %dma_wait3A_957 = tpu.memref_squeeze %dma_wait3A_956 : memref<1x128xf32, #tpu.memory_space<vmem>> -> memref<128xf32, #tpu.memory_space<vmem>>
    %dma_wait3A_958 = arith.constant 0 : i32
    %dma_wait3A_959 = tpu.memref_slice %arg6[%dma_wait3A_953, %dma_wait3A_958] : memref<26x128xi32, #tpu.memory_space<vmem>> -> memref<1x128xi32, #tpu.memory_space<vmem>>
    %dma_wait3A_960 = tpu.memref_squeeze %dma_wait3A_959 : memref<1x128xi32, #tpu.memory_space<vmem>> -> memref<128xi32, #tpu.memory_space<vmem>>
    %dma_wait3A_961 = arith.constant 0 : i32
    %dma_wait3A_962 = tpu.memref_slice %arg3[%dma_wait3A_961] : memref<2600000xf32, #tpu.memory_space<hbm>> -> memref<2600000xf32, #tpu.memory_space<hbm>>
    tpu.wait_indirect_dma semaphore(%arg12 : memref<!tpu.dma_semaphore, #tpu.memory_space<semaphore_mem>>) src(%dma_wait3A_962 : memref<2600000xf32, #tpu.memory_space<hbm>>) dst(%dma_wait3A_957 : memref<128xf32, #tpu.memory_space<vmem>>)
    %dma_wait3A_963 = arith.constant 8 : i32
    %dma_wait3A_964 = arith.constant 8 : i32
    %dma_wait3A_965 = arith.constant 0 : i32
    %dma_wait3A_966 = tpu.memref_slice %arg8[%dma_wait3A_964, %dma_wait3A_965] : memref<26x128xf32, #tpu.memory_space<vmem>> -> memref<1x128xf32, #tpu.memory_space<vmem>>
    %dma_wait3A_967 = tpu.memref_squeeze %dma_wait3A_966 : memref<1x128xf32, #tpu.memory_space<vmem>> -> memref<128xf32, #tpu.memory_space<vmem>>
    %dma_wait3A_968 = arith.constant 0 : i32
    %dma_wait3A_969 = tpu.memref_slice %arg6[%dma_wait3A_963, %dma_wait3A_968] : memref<26x128xi32, #tpu.memory_space<vmem>> -> memref<1x128xi32, #tpu.memory_space<vmem>>
    %dma_wait3A_970 = tpu.memref_squeeze %dma_wait3A_969 : memref<1x128xi32, #tpu.memory_space<vmem>> -> memref<128xi32, #tpu.memory_space<vmem>>
    %dma_wait3A_971 = arith.constant 0 : i32
    %dma_wait3A_972 = tpu.memref_slice %arg3[%dma_wait3A_971] : memref<2600000xf32, #tpu.memory_space<hbm>> -> memref<2600000xf32, #tpu.memory_space<hbm>>
    tpu.wait_indirect_dma semaphore(%arg12 : memref<!tpu.dma_semaphore, #tpu.memory_space<semaphore_mem>>) src(%dma_wait3A_972 : memref<2600000xf32, #tpu.memory_space<hbm>>) dst(%dma_wait3A_967 : memref<128xf32, #tpu.memory_space<vmem>>)
    %dma_wait3A_973 = arith.constant 9 : i32
    %dma_wait3A_974 = arith.constant 9 : i32
    %dma_wait3A_975 = arith.constant 0 : i32
    %dma_wait3A_976 = tpu.memref_slice %arg8[%dma_wait3A_974, %dma_wait3A_975] : memref<26x128xf32, #tpu.memory_space<vmem>> -> memref<1x128xf32, #tpu.memory_space<vmem>>
    %dma_wait3A_977 = tpu.memref_squeeze %dma_wait3A_976 : memref<1x128xf32, #tpu.memory_space<vmem>> -> memref<128xf32, #tpu.memory_space<vmem>>
    %dma_wait3A_978 = arith.constant 0 : i32
    %dma_wait3A_979 = tpu.memref_slice %arg6[%dma_wait3A_973, %dma_wait3A_978] : memref<26x128xi32, #tpu.memory_space<vmem>> -> memref<1x128xi32, #tpu.memory_space<vmem>>
    %dma_wait3A_980 = tpu.memref_squeeze %dma_wait3A_979 : memref<1x128xi32, #tpu.memory_space<vmem>> -> memref<128xi32, #tpu.memory_space<vmem>>
    %dma_wait3A_981 = arith.constant 0 : i32
    %dma_wait3A_982 = tpu.memref_slice %arg3[%dma_wait3A_981] : memref<2600000xf32, #tpu.memory_space<hbm>> -> memref<2600000xf32, #tpu.memory_space<hbm>>
    tpu.wait_indirect_dma semaphore(%arg12 : memref<!tpu.dma_semaphore, #tpu.memory_space<semaphore_mem>>) src(%dma_wait3A_982 : memref<2600000xf32, #tpu.memory_space<hbm>>) dst(%dma_wait3A_977 : memref<128xf32, #tpu.memory_space<vmem>>)
    %dma_wait3A_983 = arith.constant 10 : i32
    %dma_wait3A_984 = arith.constant 10 : i32
    %dma_wait3A_985 = arith.constant 0 : i32
    %dma_wait3A_986 = tpu.memref_slice %arg8[%dma_wait3A_984, %dma_wait3A_985] : memref<26x128xf32, #tpu.memory_space<vmem>> -> memref<1x128xf32, #tpu.memory_space<vmem>>
    %dma_wait3A_987 = tpu.memref_squeeze %dma_wait3A_986 : memref<1x128xf32, #tpu.memory_space<vmem>> -> memref<128xf32, #tpu.memory_space<vmem>>
    %dma_wait3A_988 = arith.constant 0 : i32
    %dma_wait3A_989 = tpu.memref_slice %arg6[%dma_wait3A_983, %dma_wait3A_988] : memref<26x128xi32, #tpu.memory_space<vmem>> -> memref<1x128xi32, #tpu.memory_space<vmem>>
    %dma_wait3A_990 = tpu.memref_squeeze %dma_wait3A_989 : memref<1x128xi32, #tpu.memory_space<vmem>> -> memref<128xi32, #tpu.memory_space<vmem>>
    %dma_wait3A_991 = arith.constant 0 : i32
    %dma_wait3A_992 = tpu.memref_slice %arg3[%dma_wait3A_991] : memref<2600000xf32, #tpu.memory_space<hbm>> -> memref<2600000xf32, #tpu.memory_space<hbm>>
    tpu.wait_indirect_dma semaphore(%arg12 : memref<!tpu.dma_semaphore, #tpu.memory_space<semaphore_mem>>) src(%dma_wait3A_992 : memref<2600000xf32, #tpu.memory_space<hbm>>) dst(%dma_wait3A_987 : memref<128xf32, #tpu.memory_space<vmem>>)
    %dma_wait3A_993 = arith.constant 11 : i32
    %dma_wait3A_994 = arith.constant 11 : i32
    %dma_wait3A_995 = arith.constant 0 : i32
    %dma_wait3A_996 = tpu.memref_slice %arg8[%dma_wait3A_994, %dma_wait3A_995] : memref<26x128xf32, #tpu.memory_space<vmem>> -> memref<1x128xf32, #tpu.memory_space<vmem>>
    %dma_wait3A_997 = tpu.memref_squeeze %dma_wait3A_996 : memref<1x128xf32, #tpu.memory_space<vmem>> -> memref<128xf32, #tpu.memory_space<vmem>>
    %dma_wait3A_998 = arith.constant 0 : i32
    %dma_wait3A_999 = tpu.memref_slice %arg6[%dma_wait3A_993, %dma_wait3A_998] : memref<26x128xi32, #tpu.memory_space<vmem>> -> memref<1x128xi32, #tpu.memory_space<vmem>>
    %dma_wait3A_1000 = tpu.memref_squeeze %dma_wait3A_999 : memref<1x128xi32, #tpu.memory_space<vmem>> -> memref<128xi32, #tpu.memory_space<vmem>>
    %dma_wait3A_1001 = arith.constant 0 : i32
    %dma_wait3A_1002 = tpu.memref_slice %arg3[%dma_wait3A_1001] : memref<2600000xf32, #tpu.memory_space<hbm>> -> memref<2600000xf32, #tpu.memory_space<hbm>>
    tpu.wait_indirect_dma semaphore(%arg12 : memref<!tpu.dma_semaphore, #tpu.memory_space<semaphore_mem>>) src(%dma_wait3A_1002 : memref<2600000xf32, #tpu.memory_space<hbm>>) dst(%dma_wait3A_997 : memref<128xf32, #tpu.memory_space<vmem>>)
    %dma_wait3A_1003 = arith.constant 12 : i32
    %dma_wait3A_1004 = arith.constant 12 : i32
    %dma_wait3A_1005 = arith.constant 0 : i32
    %dma_wait3A_1006 = tpu.memref_slice %arg8[%dma_wait3A_1004, %dma_wait3A_1005] : memref<26x128xf32, #tpu.memory_space<vmem>> -> memref<1x128xf32, #tpu.memory_space<vmem>>
    %dma_wait3A_1007 = tpu.memref_squeeze %dma_wait3A_1006 : memref<1x128xf32, #tpu.memory_space<vmem>> -> memref<128xf32, #tpu.memory_space<vmem>>
    %dma_wait3A_1008 = arith.constant 0 : i32
    %dma_wait3A_1009 = tpu.memref_slice %arg6[%dma_wait3A_1003, %dma_wait3A_1008] : memref<26x128xi32, #tpu.memory_space<vmem>> -> memref<1x128xi32, #tpu.memory_space<vmem>>
    %dma_wait3A_1010 = tpu.memref_squeeze %dma_wait3A_1009 : memref<1x128xi32, #tpu.memory_space<vmem>> -> memref<128xi32, #tpu.memory_space<vmem>>
    %dma_wait3A_1011 = arith.constant 0 : i32
    %dma_wait3A_1012 = tpu.memref_slice %arg3[%dma_wait3A_1011] : memref<2600000xf32, #tpu.memory_space<hbm>> -> memref<2600000xf32, #tpu.memory_space<hbm>>
    tpu.wait_indirect_dma semaphore(%arg12 : memref<!tpu.dma_semaphore, #tpu.memory_space<semaphore_mem>>) src(%dma_wait3A_1012 : memref<2600000xf32, #tpu.memory_space<hbm>>) dst(%dma_wait3A_1007 : memref<128xf32, #tpu.memory_space<vmem>>)
    %dma_wait3A_1013 = arith.constant 13 : i32
    %dma_wait3A_1014 = arith.constant 13 : i32
    %dma_wait3A_1015 = arith.constant 0 : i32
    %dma_wait3A_1016 = tpu.memref_slice %arg8[%dma_wait3A_1014, %dma_wait3A_1015] : memref<26x128xf32, #tpu.memory_space<vmem>> -> memref<1x128xf32, #tpu.memory_space<vmem>>
    %dma_wait3A_1017 = tpu.memref_squeeze %dma_wait3A_1016 : memref<1x128xf32, #tpu.memory_space<vmem>> -> memref<128xf32, #tpu.memory_space<vmem>>
    %dma_wait3A_1018 = arith.constant 0 : i32
    %dma_wait3A_1019 = tpu.memref_slice %arg6[%dma_wait3A_1013, %dma_wait3A_1018] : memref<26x128xi32, #tpu.memory_space<vmem>> -> memref<1x128xi32, #tpu.memory_space<vmem>>
    %dma_wait3A_1020 = tpu.memref_squeeze %dma_wait3A_1019 : memref<1x128xi32, #tpu.memory_space<vmem>> -> memref<128xi32, #tpu.memory_space<vmem>>
    %dma_wait3A_1021 = arith.constant 0 : i32
    %dma_wait3A_1022 = tpu.memref_slice %arg3[%dma_wait3A_1021] : memref<2600000xf32, #tpu.memory_space<hbm>> -> memref<2600000xf32, #tpu.memory_space<hbm>>
    tpu.wait_indirect_dma semaphore(%arg12 : memref<!tpu.dma_semaphore, #tpu.memory_space<semaphore_mem>>) src(%dma_wait3A_1022 : memref<2600000xf32, #tpu.memory_space<hbm>>) dst(%dma_wait3A_1017 : memref<128xf32, #tpu.memory_space<vmem>>)
    %dma_wait3A_1023 = arith.constant 14 : i32
    %dma_wait3A_1024 = arith.constant 14 : i32
    %dma_wait3A_1025 = arith.constant 0 : i32
    %dma_wait3A_1026 = tpu.memref_slice %arg8[%dma_wait3A_1024, %dma_wait3A_1025] : memref<26x128xf32, #tpu.memory_space<vmem>> -> memref<1x128xf32, #tpu.memory_space<vmem>>
    %dma_wait3A_1027 = tpu.memref_squeeze %dma_wait3A_1026 : memref<1x128xf32, #tpu.memory_space<vmem>> -> memref<128xf32, #tpu.memory_space<vmem>>
    %dma_wait3A_1028 = arith.constant 0 : i32
    %dma_wait3A_1029 = tpu.memref_slice %arg6[%dma_wait3A_1023, %dma_wait3A_1028] : memref<26x128xi32, #tpu.memory_space<vmem>> -> memref<1x128xi32, #tpu.memory_space<vmem>>
    %dma_wait3A_1030 = tpu.memref_squeeze %dma_wait3A_1029 : memref<1x128xi32, #tpu.memory_space<vmem>> -> memref<128xi32, #tpu.memory_space<vmem>>
    %dma_wait3A_1031 = arith.constant 0 : i32
    %dma_wait3A_1032 = tpu.memref_slice %arg3[%dma_wait3A_1031] : memref<2600000xf32, #tpu.memory_space<hbm>> -> memref<2600000xf32, #tpu.memory_space<hbm>>
    tpu.wait_indirect_dma semaphore(%arg12 : memref<!tpu.dma_semaphore, #tpu.memory_space<semaphore_mem>>) src(%dma_wait3A_1032 : memref<2600000xf32, #tpu.memory_space<hbm>>) dst(%dma_wait3A_1027 : memref<128xf32, #tpu.memory_space<vmem>>)
    %dma_wait3A_1033 = arith.constant 15 : i32
    %dma_wait3A_1034 = arith.constant 15 : i32
    %dma_wait3A_1035 = arith.constant 0 : i32
    %dma_wait3A_1036 = tpu.memref_slice %arg8[%dma_wait3A_1034, %dma_wait3A_1035] : memref<26x128xf32, #tpu.memory_space<vmem>> -> memref<1x128xf32, #tpu.memory_space<vmem>>
    %dma_wait3A_1037 = tpu.memref_squeeze %dma_wait3A_1036 : memref<1x128xf32, #tpu.memory_space<vmem>> -> memref<128xf32, #tpu.memory_space<vmem>>
    %dma_wait3A_1038 = arith.constant 0 : i32
    %dma_wait3A_1039 = tpu.memref_slice %arg6[%dma_wait3A_1033, %dma_wait3A_1038] : memref<26x128xi32, #tpu.memory_space<vmem>> -> memref<1x128xi32, #tpu.memory_space<vmem>>
    %dma_wait3A_1040 = tpu.memref_squeeze %dma_wait3A_1039 : memref<1x128xi32, #tpu.memory_space<vmem>> -> memref<128xi32, #tpu.memory_space<vmem>>
    %dma_wait3A_1041 = arith.constant 0 : i32
    %dma_wait3A_1042 = tpu.memref_slice %arg3[%dma_wait3A_1041] : memref<2600000xf32, #tpu.memory_space<hbm>> -> memref<2600000xf32, #tpu.memory_space<hbm>>
    tpu.wait_indirect_dma semaphore(%arg12 : memref<!tpu.dma_semaphore, #tpu.memory_space<semaphore_mem>>) src(%dma_wait3A_1042 : memref<2600000xf32, #tpu.memory_space<hbm>>) dst(%dma_wait3A_1037 : memref<128xf32, #tpu.memory_space<vmem>>)
    %dma_wait3A_1043 = arith.constant 16 : i32
    %dma_wait3A_1044 = arith.constant 16 : i32
    %dma_wait3A_1045 = arith.constant 0 : i32
    %dma_wait3A_1046 = tpu.memref_slice %arg8[%dma_wait3A_1044, %dma_wait3A_1045] : memref<26x128xf32, #tpu.memory_space<vmem>> -> memref<1x128xf32, #tpu.memory_space<vmem>>
    %dma_wait3A_1047 = tpu.memref_squeeze %dma_wait3A_1046 : memref<1x128xf32, #tpu.memory_space<vmem>> -> memref<128xf32, #tpu.memory_space<vmem>>
    %dma_wait3A_1048 = arith.constant 0 : i32
    %dma_wait3A_1049 = tpu.memref_slice %arg6[%dma_wait3A_1043, %dma_wait3A_1048] : memref<26x128xi32, #tpu.memory_space<vmem>> -> memref<1x128xi32, #tpu.memory_space<vmem>>
    %dma_wait3A_1050 = tpu.memref_squeeze %dma_wait3A_1049 : memref<1x128xi32, #tpu.memory_space<vmem>> -> memref<128xi32, #tpu.memory_space<vmem>>
    %dma_wait3A_1051 = arith.constant 0 : i32
    %dma_wait3A_1052 = tpu.memref_slice %arg3[%dma_wait3A_1051] : memref<2600000xf32, #tpu.memory_space<hbm>> -> memref<2600000xf32, #tpu.memory_space<hbm>>
    tpu.wait_indirect_dma semaphore(%arg12 : memref<!tpu.dma_semaphore, #tpu.memory_space<semaphore_mem>>) src(%dma_wait3A_1052 : memref<2600000xf32, #tpu.memory_space<hbm>>) dst(%dma_wait3A_1047 : memref<128xf32, #tpu.memory_space<vmem>>)
    %dma_wait3A_1053 = arith.constant 17 : i32
    %dma_wait3A_1054 = arith.constant 17 : i32
    %dma_wait3A_1055 = arith.constant 0 : i32
    %dma_wait3A_1056 = tpu.memref_slice %arg8[%dma_wait3A_1054, %dma_wait3A_1055] : memref<26x128xf32, #tpu.memory_space<vmem>> -> memref<1x128xf32, #tpu.memory_space<vmem>>
    %dma_wait3A_1057 = tpu.memref_squeeze %dma_wait3A_1056 : memref<1x128xf32, #tpu.memory_space<vmem>> -> memref<128xf32, #tpu.memory_space<vmem>>
    %dma_wait3A_1058 = arith.constant 0 : i32
    %dma_wait3A_1059 = tpu.memref_slice %arg6[%dma_wait3A_1053, %dma_wait3A_1058] : memref<26x128xi32, #tpu.memory_space<vmem>> -> memref<1x128xi32, #tpu.memory_space<vmem>>
    %dma_wait3A_1060 = tpu.memref_squeeze %dma_wait3A_1059 : memref<1x128xi32, #tpu.memory_space<vmem>> -> memref<128xi32, #tpu.memory_space<vmem>>
    %dma_wait3A_1061 = arith.constant 0 : i32
    %dma_wait3A_1062 = tpu.memref_slice %arg3[%dma_wait3A_1061] : memref<2600000xf32, #tpu.memory_space<hbm>> -> memref<2600000xf32, #tpu.memory_space<hbm>>
    tpu.wait_indirect_dma semaphore(%arg12 : memref<!tpu.dma_semaphore, #tpu.memory_space<semaphore_mem>>) src(%dma_wait3A_1062 : memref<2600000xf32, #tpu.memory_space<hbm>>) dst(%dma_wait3A_1057 : memref<128xf32, #tpu.memory_space<vmem>>)
    %dma_wait3A_1063 = arith.constant 18 : i32
    %dma_wait3A_1064 = arith.constant 18 : i32
    %dma_wait3A_1065 = arith.constant 0 : i32
    %dma_wait3A_1066 = tpu.memref_slice %arg8[%dma_wait3A_1064, %dma_wait3A_1065] : memref<26x128xf32, #tpu.memory_space<vmem>> -> memref<1x128xf32, #tpu.memory_space<vmem>>
    %dma_wait3A_1067 = tpu.memref_squeeze %dma_wait3A_1066 : memref<1x128xf32, #tpu.memory_space<vmem>> -> memref<128xf32, #tpu.memory_space<vmem>>
    %dma_wait3A_1068 = arith.constant 0 : i32
    %dma_wait3A_1069 = tpu.memref_slice %arg6[%dma_wait3A_1063, %dma_wait3A_1068] : memref<26x128xi32, #tpu.memory_space<vmem>> -> memref<1x128xi32, #tpu.memory_space<vmem>>
    %dma_wait3A_1070 = tpu.memref_squeeze %dma_wait3A_1069 : memref<1x128xi32, #tpu.memory_space<vmem>> -> memref<128xi32, #tpu.memory_space<vmem>>
    %dma_wait3A_1071 = arith.constant 0 : i32
    %dma_wait3A_1072 = tpu.memref_slice %arg3[%dma_wait3A_1071] : memref<2600000xf32, #tpu.memory_space<hbm>> -> memref<2600000xf32, #tpu.memory_space<hbm>>
    tpu.wait_indirect_dma semaphore(%arg12 : memref<!tpu.dma_semaphore, #tpu.memory_space<semaphore_mem>>) src(%dma_wait3A_1072 : memref<2600000xf32, #tpu.memory_space<hbm>>) dst(%dma_wait3A_1067 : memref<128xf32, #tpu.memory_space<vmem>>)
    %dma_wait3A_1073 = arith.constant 19 : i32
    %dma_wait3A_1074 = arith.constant 19 : i32
    %dma_wait3A_1075 = arith.constant 0 : i32
    %dma_wait3A_1076 = tpu.memref_slice %arg8[%dma_wait3A_1074, %dma_wait3A_1075] : memref<26x128xf32, #tpu.memory_space<vmem>> -> memref<1x128xf32, #tpu.memory_space<vmem>>
    %dma_wait3A_1077 = tpu.memref_squeeze %dma_wait3A_1076 : memref<1x128xf32, #tpu.memory_space<vmem>> -> memref<128xf32, #tpu.memory_space<vmem>>
    %dma_wait3A_1078 = arith.constant 0 : i32
    %dma_wait3A_1079 = tpu.memref_slice %arg6[%dma_wait3A_1073, %dma_wait3A_1078] : memref<26x128xi32, #tpu.memory_space<vmem>> -> memref<1x128xi32, #tpu.memory_space<vmem>>
    %dma_wait3A_1080 = tpu.memref_squeeze %dma_wait3A_1079 : memref<1x128xi32, #tpu.memory_space<vmem>> -> memref<128xi32, #tpu.memory_space<vmem>>
    %dma_wait3A_1081 = arith.constant 0 : i32
    %dma_wait3A_1082 = tpu.memref_slice %arg3[%dma_wait3A_1081] : memref<2600000xf32, #tpu.memory_space<hbm>> -> memref<2600000xf32, #tpu.memory_space<hbm>>
    tpu.wait_indirect_dma semaphore(%arg12 : memref<!tpu.dma_semaphore, #tpu.memory_space<semaphore_mem>>) src(%dma_wait3A_1082 : memref<2600000xf32, #tpu.memory_space<hbm>>) dst(%dma_wait3A_1077 : memref<128xf32, #tpu.memory_space<vmem>>)
    %dma_wait3A_1083 = arith.constant 20 : i32
    %dma_wait3A_1084 = arith.constant 20 : i32
    %dma_wait3A_1085 = arith.constant 0 : i32
    %dma_wait3A_1086 = tpu.memref_slice %arg8[%dma_wait3A_1084, %dma_wait3A_1085] : memref<26x128xf32, #tpu.memory_space<vmem>> -> memref<1x128xf32, #tpu.memory_space<vmem>>
    %dma_wait3A_1087 = tpu.memref_squeeze %dma_wait3A_1086 : memref<1x128xf32, #tpu.memory_space<vmem>> -> memref<128xf32, #tpu.memory_space<vmem>>
    %dma_wait3A_1088 = arith.constant 0 : i32
    %dma_wait3A_1089 = tpu.memref_slice %arg6[%dma_wait3A_1083, %dma_wait3A_1088] : memref<26x128xi32, #tpu.memory_space<vmem>> -> memref<1x128xi32, #tpu.memory_space<vmem>>
    %dma_wait3A_1090 = tpu.memref_squeeze %dma_wait3A_1089 : memref<1x128xi32, #tpu.memory_space<vmem>> -> memref<128xi32, #tpu.memory_space<vmem>>
    %dma_wait3A_1091 = arith.constant 0 : i32
    %dma_wait3A_1092 = tpu.memref_slice %arg3[%dma_wait3A_1091] : memref<2600000xf32, #tpu.memory_space<hbm>> -> memref<2600000xf32, #tpu.memory_space<hbm>>
    tpu.wait_indirect_dma semaphore(%arg12 : memref<!tpu.dma_semaphore, #tpu.memory_space<semaphore_mem>>) src(%dma_wait3A_1092 : memref<2600000xf32, #tpu.memory_space<hbm>>) dst(%dma_wait3A_1087 : memref<128xf32, #tpu.memory_space<vmem>>)
    %dma_wait3A_1093 = arith.constant 21 : i32
    %dma_wait3A_1094 = arith.constant 21 : i32
    %dma_wait3A_1095 = arith.constant 0 : i32
    %dma_wait3A_1096 = tpu.memref_slice %arg8[%dma_wait3A_1094, %dma_wait3A_1095] : memref<26x128xf32, #tpu.memory_space<vmem>> -> memref<1x128xf32, #tpu.memory_space<vmem>>
    %dma_wait3A_1097 = tpu.memref_squeeze %dma_wait3A_1096 : memref<1x128xf32, #tpu.memory_space<vmem>> -> memref<128xf32, #tpu.memory_space<vmem>>
    %dma_wait3A_1098 = arith.constant 0 : i32
    %dma_wait3A_1099 = tpu.memref_slice %arg6[%dma_wait3A_1093, %dma_wait3A_1098] : memref<26x128xi32, #tpu.memory_space<vmem>> -> memref<1x128xi32, #tpu.memory_space<vmem>>
    %dma_wait3A_1100 = tpu.memref_squeeze %dma_wait3A_1099 : memref<1x128xi32, #tpu.memory_space<vmem>> -> memref<128xi32, #tpu.memory_space<vmem>>
    %dma_wait3A_1101 = arith.constant 0 : i32
    %dma_wait3A_1102 = tpu.memref_slice %arg3[%dma_wait3A_1101] : memref<2600000xf32, #tpu.memory_space<hbm>> -> memref<2600000xf32, #tpu.memory_space<hbm>>
    tpu.wait_indirect_dma semaphore(%arg12 : memref<!tpu.dma_semaphore, #tpu.memory_space<semaphore_mem>>) src(%dma_wait3A_1102 : memref<2600000xf32, #tpu.memory_space<hbm>>) dst(%dma_wait3A_1097 : memref<128xf32, #tpu.memory_space<vmem>>)
    %dma_wait3A_1103 = arith.constant 22 : i32
    %dma_wait3A_1104 = arith.constant 22 : i32
    %dma_wait3A_1105 = arith.constant 0 : i32
    %dma_wait3A_1106 = tpu.memref_slice %arg8[%dma_wait3A_1104, %dma_wait3A_1105] : memref<26x128xf32, #tpu.memory_space<vmem>> -> memref<1x128xf32, #tpu.memory_space<vmem>>
    %dma_wait3A_1107 = tpu.memref_squeeze %dma_wait3A_1106 : memref<1x128xf32, #tpu.memory_space<vmem>> -> memref<128xf32, #tpu.memory_space<vmem>>
    %dma_wait3A_1108 = arith.constant 0 : i32
    %dma_wait3A_1109 = tpu.memref_slice %arg6[%dma_wait3A_1103, %dma_wait3A_1108] : memref<26x128xi32, #tpu.memory_space<vmem>> -> memref<1x128xi32, #tpu.memory_space<vmem>>
    %dma_wait3A_1110 = tpu.memref_squeeze %dma_wait3A_1109 : memref<1x128xi32, #tpu.memory_space<vmem>> -> memref<128xi32, #tpu.memory_space<vmem>>
    %dma_wait3A_1111 = arith.constant 0 : i32
    %dma_wait3A_1112 = tpu.memref_slice %arg3[%dma_wait3A_1111] : memref<2600000xf32, #tpu.memory_space<hbm>> -> memref<2600000xf32, #tpu.memory_space<hbm>>
    tpu.wait_indirect_dma semaphore(%arg12 : memref<!tpu.dma_semaphore, #tpu.memory_space<semaphore_mem>>) src(%dma_wait3A_1112 : memref<2600000xf32, #tpu.memory_space<hbm>>) dst(%dma_wait3A_1107 : memref<128xf32, #tpu.memory_space<vmem>>)
    %dma_wait3A_1113 = arith.constant 23 : i32
    %dma_wait3A_1114 = arith.constant 23 : i32
    %dma_wait3A_1115 = arith.constant 0 : i32
    %dma_wait3A_1116 = tpu.memref_slice %arg8[%dma_wait3A_1114, %dma_wait3A_1115] : memref<26x128xf32, #tpu.memory_space<vmem>> -> memref<1x128xf32, #tpu.memory_space<vmem>>
    %dma_wait3A_1117 = tpu.memref_squeeze %dma_wait3A_1116 : memref<1x128xf32, #tpu.memory_space<vmem>> -> memref<128xf32, #tpu.memory_space<vmem>>
    %dma_wait3A_1118 = arith.constant 0 : i32
    %dma_wait3A_1119 = tpu.memref_slice %arg6[%dma_wait3A_1113, %dma_wait3A_1118] : memref<26x128xi32, #tpu.memory_space<vmem>> -> memref<1x128xi32, #tpu.memory_space<vmem>>
    %dma_wait3A_1120 = tpu.memref_squeeze %dma_wait3A_1119 : memref<1x128xi32, #tpu.memory_space<vmem>> -> memref<128xi32, #tpu.memory_space<vmem>>
    %dma_wait3A_1121 = arith.constant 0 : i32
    %dma_wait3A_1122 = tpu.memref_slice %arg3[%dma_wait3A_1121] : memref<2600000xf32, #tpu.memory_space<hbm>> -> memref<2600000xf32, #tpu.memory_space<hbm>>
    tpu.wait_indirect_dma semaphore(%arg12 : memref<!tpu.dma_semaphore, #tpu.memory_space<semaphore_mem>>) src(%dma_wait3A_1122 : memref<2600000xf32, #tpu.memory_space<hbm>>) dst(%dma_wait3A_1117 : memref<128xf32, #tpu.memory_space<vmem>>)
    %dma_wait3A_1123 = arith.constant 24 : i32
    %dma_wait3A_1124 = arith.constant 24 : i32
    %dma_wait3A_1125 = arith.constant 0 : i32
    %dma_wait3A_1126 = tpu.memref_slice %arg8[%dma_wait3A_1124, %dma_wait3A_1125] : memref<26x128xf32, #tpu.memory_space<vmem>> -> memref<1x128xf32, #tpu.memory_space<vmem>>
    %dma_wait3A_1127 = tpu.memref_squeeze %dma_wait3A_1126 : memref<1x128xf32, #tpu.memory_space<vmem>> -> memref<128xf32, #tpu.memory_space<vmem>>
    %dma_wait3A_1128 = arith.constant 0 : i32
    %dma_wait3A_1129 = tpu.memref_slice %arg6[%dma_wait3A_1123, %dma_wait3A_1128] : memref<26x128xi32, #tpu.memory_space<vmem>> -> memref<1x128xi32, #tpu.memory_space<vmem>>
    %dma_wait3A_1130 = tpu.memref_squeeze %dma_wait3A_1129 : memref<1x128xi32, #tpu.memory_space<vmem>> -> memref<128xi32, #tpu.memory_space<vmem>>
    %dma_wait3A_1131 = arith.constant 0 : i32
    %dma_wait3A_1132 = tpu.memref_slice %arg3[%dma_wait3A_1131] : memref<2600000xf32, #tpu.memory_space<hbm>> -> memref<2600000xf32, #tpu.memory_space<hbm>>
    tpu.wait_indirect_dma semaphore(%arg12 : memref<!tpu.dma_semaphore, #tpu.memory_space<semaphore_mem>>) src(%dma_wait3A_1132 : memref<2600000xf32, #tpu.memory_space<hbm>>) dst(%dma_wait3A_1127 : memref<128xf32, #tpu.memory_space<vmem>>)
    %dma_wait3A_1133 = arith.constant 25 : i32
    %dma_wait3A_1134 = arith.constant 25 : i32
    %dma_wait3A_1135 = arith.constant 0 : i32
    %dma_wait3A_1136 = tpu.memref_slice %arg8[%dma_wait3A_1134, %dma_wait3A_1135] : memref<26x128xf32, #tpu.memory_space<vmem>> -> memref<1x128xf32, #tpu.memory_space<vmem>>
    %dma_wait3A_1137 = tpu.memref_squeeze %dma_wait3A_1136 : memref<1x128xf32, #tpu.memory_space<vmem>> -> memref<128xf32, #tpu.memory_space<vmem>>
    %dma_wait3A_1138 = arith.constant 0 : i32
    %dma_wait3A_1139 = tpu.memref_slice %arg6[%dma_wait3A_1133, %dma_wait3A_1138] : memref<26x128xi32, #tpu.memory_space<vmem>> -> memref<1x128xi32, #tpu.memory_space<vmem>>
    %dma_wait3A_1140 = tpu.memref_squeeze %dma_wait3A_1139 : memref<1x128xi32, #tpu.memory_space<vmem>> -> memref<128xi32, #tpu.memory_space<vmem>>
    %dma_wait3A_1141 = arith.constant 0 : i32
    %dma_wait3A_1142 = tpu.memref_slice %arg3[%dma_wait3A_1141] : memref<2600000xf32, #tpu.memory_space<hbm>> -> memref<2600000xf32, #tpu.memory_space<hbm>>
    tpu.wait_indirect_dma semaphore(%arg12 : memref<!tpu.dma_semaphore, #tpu.memory_space<semaphore_mem>>) src(%dma_wait3A_1142 : memref<2600000xf32, #tpu.memory_space<hbm>>) dst(%dma_wait3A_1137 : memref<128xf32, #tpu.memory_space<vmem>>)
    %scan3A = arith.constant 0 : i32
    %scan3A_1143 = arith.constant 0 : i32
    %scan3A_1144 = arith.constant 128 : i32
    %scan3A_1145 = arith.addi %scan3A_1143, %scan3A_1144 : i32
    %scan3A_1146 = arith.constant 1 : i32
    scf.for %scan3A_2883 = %scan3A_1143 to %scan3A_1145 step %scan3A_1146  : i32 {
      %get3A_2884 = arith.constant 0 : i32
      %get3A_2885 = arith.index_cast %get3A_2884 : i32 to index
      %get3A_2886 = arith.index_cast %scan3A_2883 : i32 to index
      %get3A_2887 = arith.constant 0 : index
      %get3A_2888 = tpu.vector_load %arg7[%get3A_2885, %get3A_2886, %get3A_2887] {strides = array<i32>} : memref<26x128x16xf32, #tpu.memory_space<vmem>>, vector<16xf32>,
      %mul3A_2889 = arith.mulf %get3A_2888, %get3A_2888 : vector<16xf32>
      %get3A_2890 = arith.constant 1 : i32
      %get3A_2891 = arith.index_cast %get3A_2890 : i32 to index
      %get3A_2892 = arith.index_cast %scan3A_2883 : i32 to index
      %get3A_2893 = arith.constant 0 : index
      %get3A_2894 = tpu.vector_load %arg7[%get3A_2891, %get3A_2892, %get3A_2893] {strides = array<i32>} : memref<26x128x16xf32, #tpu.memory_space<vmem>>, vector<16xf32>,
      %add3A_2895 = arith.addf %get3A_2888, %get3A_2894 : vector<16xf32>
      %mul3A_2896 = arith.mulf %get3A_2894, %get3A_2894 : vector<16xf32>
      %add3A_2897 = arith.addf %mul3A_2889, %mul3A_2896 : vector<16xf32>
      %get3A_2898 = arith.constant 2 : i32
      %get3A_2899 = arith.index_cast %get3A_2898 : i32 to index
      %get3A_2900 = arith.index_cast %scan3A_2883 : i32 to index
      %get3A_2901 = arith.constant 0 : index
      %get3A_2902 = tpu.vector_load %arg7[%get3A_2899, %get3A_2900, %get3A_2901] {strides = array<i32>} : memref<26x128x16xf32, #tpu.memory_space<vmem>>, vector<16xf32>,
      %add3A_2903 = arith.addf %add3A_2895, %get3A_2902 : vector<16xf32>
      %mul3A_2904 = arith.mulf %get3A_2902, %get3A_2902 : vector<16xf32>
      %add3A_2905 = arith.addf %add3A_2897, %mul3A_2904 : vector<16xf32>
      %get3A_2906 = arith.constant 3 : i32
      %get3A_2907 = arith.index_cast %get3A_2906 : i32 to index
      %get3A_2908 = arith.index_cast %scan3A_2883 : i32 to index
      %get3A_2909 = arith.constant 0 : index
      %get3A_2910 = tpu.vector_load %arg7[%get3A_2907, %get3A_2908, %get3A_2909] {strides = array<i32>} : memref<26x128x16xf32, #tpu.memory_space<vmem>>, vector<16xf32>,
      %add3A_2911 = arith.addf %add3A_2903, %get3A_2910 : vector<16xf32>
      %mul3A_2912 = arith.mulf %get3A_2910, %get3A_2910 : vector<16xf32>
      %add3A_2913 = arith.addf %add3A_2905, %mul3A_2912 : vector<16xf32>
      %get3A_2914 = arith.constant 4 : i32
      %get3A_2915 = arith.index_cast %get3A_2914 : i32 to index
      %get3A_2916 = arith.index_cast %scan3A_2883 : i32 to index
      %get3A_2917 = arith.constant 0 : index
      %get3A_2918 = tpu.vector_load %arg7[%get3A_2915, %get3A_2916, %get3A_2917] {strides = array<i32>} : memref<26x128x16xf32, #tpu.memory_space<vmem>>, vector<16xf32>,
      %add3A_2919 = arith.addf %add3A_2911, %get3A_2918 : vector<16xf32>
      %mul3A_2920 = arith.mulf %get3A_2918, %get3A_2918 : vector<16xf32>
      %add3A_2921 = arith.addf %add3A_2913, %mul3A_2920 : vector<16xf32>
      %get3A_2922 = arith.constant 5 : i32
      %get3A_2923 = arith.index_cast %get3A_2922 : i32 to index
      %get3A_2924 = arith.index_cast %scan3A_2883 : i32 to index
      %get3A_2925 = arith.constant 0 : index
      %get3A_2926 = tpu.vector_load %arg7[%get3A_2923, %get3A_2924, %get3A_2925] {strides = array<i32>} : memref<26x128x16xf32, #tpu.memory_space<vmem>>, vector<16xf32>,
      %add3A_2927 = arith.addf %add3A_2919, %get3A_2926 : vector<16xf32>
      %mul3A_2928 = arith.mulf %get3A_2926, %get3A_2926 : vector<16xf32>
      %add3A_2929 = arith.addf %add3A_2921, %mul3A_2928 : vector<16xf32>
      %get3A_2930 = arith.constant 6 : i32
      %get3A_2931 = arith.index_cast %get3A_2930 : i32 to index
      %get3A_2932 = arith.index_cast %scan3A_2883 : i32 to index
      %get3A_2933 = arith.constant 0 : index
      %get3A_2934 = tpu.vector_load %arg7[%get3A_2931, %get3A_2932, %get3A_2933] {strides = array<i32>} : memref<26x128x16xf32, #tpu.memory_space<vmem>>, vector<16xf32>,
      %add3A_2935 = arith.addf %add3A_2927, %get3A_2934 : vector<16xf32>
      %mul3A_2936 = arith.mulf %get3A_2934, %get3A_2934 : vector<16xf32>
      %add3A_2937 = arith.addf %add3A_2929, %mul3A_2936 : vector<16xf32>
      %get3A_2938 = arith.constant 7 : i32
      %get3A_2939 = arith.index_cast %get3A_2938 : i32 to index
      %get3A_2940 = arith.index_cast %scan3A_2883 : i32 to index
      %get3A_2941 = arith.constant 0 : index
      %get3A_2942 = tpu.vector_load %arg7[%get3A_2939, %get3A_2940, %get3A_2941] {strides = array<i32>} : memref<26x128x16xf32, #tpu.memory_space<vmem>>, vector<16xf32>,
      %add3A_2943 = arith.addf %add3A_2935, %get3A_2942 : vector<16xf32>
      %mul3A_2944 = arith.mulf %get3A_2942, %get3A_2942 : vector<16xf32>
      %add3A_2945 = arith.addf %add3A_2937, %mul3A_2944 : vector<16xf32>
      %get3A_2946 = arith.constant 8 : i32
      %get3A_2947 = arith.index_cast %get3A_2946 : i32 to index
      %get3A_2948 = arith.index_cast %scan3A_2883 : i32 to index
      %get3A_2949 = arith.constant 0 : index
      %get3A_2950 = tpu.vector_load %arg7[%get3A_2947, %get3A_2948, %get3A_2949] {strides = array<i32>} : memref<26x128x16xf32, #tpu.memory_space<vmem>>, vector<16xf32>,
      %add3A_2951 = arith.addf %add3A_2943, %get3A_2950 : vector<16xf32>
      %mul3A_2952 = arith.mulf %get3A_2950, %get3A_2950 : vector<16xf32>
      %add3A_2953 = arith.addf %add3A_2945, %mul3A_2952 : vector<16xf32>
      %get3A_2954 = arith.constant 9 : i32
      %get3A_2955 = arith.index_cast %get3A_2954 : i32 to index
      %get3A_2956 = arith.index_cast %scan3A_2883 : i32 to index
      %get3A_2957 = arith.constant 0 : index
      %get3A_2958 = tpu.vector_load %arg7[%get3A_2955, %get3A_2956, %get3A_2957] {strides = array<i32>} : memref<26x128x16xf32, #tpu.memory_space<vmem>>, vector<16xf32>,
      %add3A_2959 = arith.addf %add3A_2951, %get3A_2958 : vector<16xf32>
      %mul3A_2960 = arith.mulf %get3A_2958, %get3A_2958 : vector<16xf32>
      %add3A_2961 = arith.addf %add3A_2953, %mul3A_2960 : vector<16xf32>
      %get3A_2962 = arith.constant 10 : i32
      %get3A_2963 = arith.index_cast %get3A_2962 : i32 to index
      %get3A_2964 = arith.index_cast %scan3A_2883 : i32 to index
      %get3A_2965 = arith.constant 0 : index
      %get3A_2966 = tpu.vector_load %arg7[%get3A_2963, %get3A_2964, %get3A_2965] {strides = array<i32>} : memref<26x128x16xf32, #tpu.memory_space<vmem>>, vector<16xf32>,
      %add3A_2967 = arith.addf %add3A_2959, %get3A_2966 : vector<16xf32>
      %mul3A_2968 = arith.mulf %get3A_2966, %get3A_2966 : vector<16xf32>
      %add3A_2969 = arith.addf %add3A_2961, %mul3A_2968 : vector<16xf32>
      %get3A_2970 = arith.constant 11 : i32
      %get3A_2971 = arith.index_cast %get3A_2970 : i32 to index
      %get3A_2972 = arith.index_cast %scan3A_2883 : i32 to index
      %get3A_2973 = arith.constant 0 : index
      %get3A_2974 = tpu.vector_load %arg7[%get3A_2971, %get3A_2972, %get3A_2973] {strides = array<i32>} : memref<26x128x16xf32, #tpu.memory_space<vmem>>, vector<16xf32>,
      %add3A_2975 = arith.addf %add3A_2967, %get3A_2974 : vector<16xf32>
      %mul3A_2976 = arith.mulf %get3A_2974, %get3A_2974 : vector<16xf32>
      %add3A_2977 = arith.addf %add3A_2969, %mul3A_2976 : vector<16xf32>
      %get3A_2978 = arith.constant 12 : i32
      %get3A_2979 = arith.index_cast %get3A_2978 : i32 to index
      %get3A_2980 = arith.index_cast %scan3A_2883 : i32 to index
      %get3A_2981 = arith.constant 0 : index
      %get3A_2982 = tpu.vector_load %arg7[%get3A_2979, %get3A_2980, %get3A_2981] {strides = array<i32>} : memref<26x128x16xf32, #tpu.memory_space<vmem>>, vector<16xf32>,
      %add3A_2983 = arith.addf %add3A_2975, %get3A_2982 : vector<16xf32>
      %mul3A_2984 = arith.mulf %get3A_2982, %get3A_2982 : vector<16xf32>
      %add3A_2985 = arith.addf %add3A_2977, %mul3A_2984 : vector<16xf32>
      %get3A_2986 = arith.constant 13 : i32
      %get3A_2987 = arith.index_cast %get3A_2986 : i32 to index
      %get3A_2988 = arith.index_cast %scan3A_2883 : i32 to index
      %get3A_2989 = arith.constant 0 : index
      %get3A_2990 = tpu.vector_load %arg7[%get3A_2987, %get3A_2988, %get3A_2989] {strides = array<i32>} : memref<26x128x16xf32, #tpu.memory_space<vmem>>, vector<16xf32>,
      %add3A_2991 = arith.addf %add3A_2983, %get3A_2990 : vector<16xf32>
      %mul3A_2992 = arith.mulf %get3A_2990, %get3A_2990 : vector<16xf32>
      %add3A_2993 = arith.addf %add3A_2985, %mul3A_2992 : vector<16xf32>
      %get3A_2994 = arith.constant 14 : i32
      %get3A_2995 = arith.index_cast %get3A_2994 : i32 to index
      %get3A_2996 = arith.index_cast %scan3A_2883 : i32 to index
      %get3A_2997 = arith.constant 0 : index
      %get3A_2998 = tpu.vector_load %arg7[%get3A_2995, %get3A_2996, %get3A_2997] {strides = array<i32>} : memref<26x128x16xf32, #tpu.memory_space<vmem>>, vector<16xf32>,
      %add3A_2999 = arith.addf %add3A_2991, %get3A_2998 : vector<16xf32>
      %mul3A_3000 = arith.mulf %get3A_2998, %get3A_2998 : vector<16xf32>
      %add3A_3001 = arith.addf %add3A_2993, %mul3A_3000 : vector<16xf32>
      %get3A_3002 = arith.constant 15 : i32
      %get3A_3003 = arith.index_cast %get3A_3002 : i32 to index
      %get3A_3004 = arith.index_cast %scan3A_2883 : i32 to index
      %get3A_3005 = arith.constant 0 : index
      %get3A_3006 = tpu.vector_load %arg7[%get3A_3003, %get3A_3004, %get3A_3005] {strides = array<i32>} : memref<26x128x16xf32, #tpu.memory_space<vmem>>, vector<16xf32>,
      %add3A_3007 = arith.addf %add3A_2999, %get3A_3006 : vector<16xf32>
      %mul3A_3008 = arith.mulf %get3A_3006, %get3A_3006 : vector<16xf32>
      %add3A_3009 = arith.addf %add3A_3001, %mul3A_3008 : vector<16xf32>
      %get3A_3010 = arith.constant 16 : i32
      %get3A_3011 = arith.index_cast %get3A_3010 : i32 to index
      %get3A_3012 = arith.index_cast %scan3A_2883 : i32 to index
      %get3A_3013 = arith.constant 0 : index
      %get3A_3014 = tpu.vector_load %arg7[%get3A_3011, %get3A_3012, %get3A_3013] {strides = array<i32>} : memref<26x128x16xf32, #tpu.memory_space<vmem>>, vector<16xf32>,
      %add3A_3015 = arith.addf %add3A_3007, %get3A_3014 : vector<16xf32>
      %mul3A_3016 = arith.mulf %get3A_3014, %get3A_3014 : vector<16xf32>
      %add3A_3017 = arith.addf %add3A_3009, %mul3A_3016 : vector<16xf32>
      %get3A_3018 = arith.constant 17 : i32
      %get3A_3019 = arith.index_cast %get3A_3018 : i32 to index
      %get3A_3020 = arith.index_cast %scan3A_2883 : i32 to index
      %get3A_3021 = arith.constant 0 : index
      %get3A_3022 = tpu.vector_load %arg7[%get3A_3019, %get3A_3020, %get3A_3021] {strides = array<i32>} : memref<26x128x16xf32, #tpu.memory_space<vmem>>, vector<16xf32>,
      %add3A_3023 = arith.addf %add3A_3015, %get3A_3022 : vector<16xf32>
      %mul3A_3024 = arith.mulf %get3A_3022, %get3A_3022 : vector<16xf32>
      %add3A_3025 = arith.addf %add3A_3017, %mul3A_3024 : vector<16xf32>
      %get3A_3026 = arith.constant 18 : i32
      %get3A_3027 = arith.index_cast %get3A_3026 : i32 to index
      %get3A_3028 = arith.index_cast %scan3A_2883 : i32 to index
      %get3A_3029 = arith.constant 0 : index
      %get3A_3030 = tpu.vector_load %arg7[%get3A_3027, %get3A_3028, %get3A_3029] {strides = array<i32>} : memref<26x128x16xf32, #tpu.memory_space<vmem>>, vector<16xf32>,
      %add3A_3031 = arith.addf %add3A_3023, %get3A_3030 : vector<16xf32>
      %mul3A_3032 = arith.mulf %get3A_3030, %get3A_3030 : vector<16xf32>
      %add3A_3033 = arith.addf %add3A_3025, %mul3A_3032 : vector<16xf32>
      %get3A_3034 = arith.constant 19 : i32
      %get3A_3035 = arith.index_cast %get3A_3034 : i32 to index
      %get3A_3036 = arith.index_cast %scan3A_2883 : i32 to index
      %get3A_3037 = arith.constant 0 : index
      %get3A_3038 = tpu.vector_load %arg7[%get3A_3035, %get3A_3036, %get3A_3037] {strides = array<i32>} : memref<26x128x16xf32, #tpu.memory_space<vmem>>, vector<16xf32>,
      %add3A_3039 = arith.addf %add3A_3031, %get3A_3038 : vector<16xf32>
      %mul3A_3040 = arith.mulf %get3A_3038, %get3A_3038 : vector<16xf32>
      %add3A_3041 = arith.addf %add3A_3033, %mul3A_3040 : vector<16xf32>
      %get3A_3042 = arith.constant 20 : i32
      %get3A_3043 = arith.index_cast %get3A_3042 : i32 to index
      %get3A_3044 = arith.index_cast %scan3A_2883 : i32 to index
      %get3A_3045 = arith.constant 0 : index
      %get3A_3046 = tpu.vector_load %arg7[%get3A_3043, %get3A_3044, %get3A_3045] {strides = array<i32>} : memref<26x128x16xf32, #tpu.memory_space<vmem>>, vector<16xf32>,
      %add3A_3047 = arith.addf %add3A_3039, %get3A_3046 : vector<16xf32>
      %mul3A_3048 = arith.mulf %get3A_3046, %get3A_3046 : vector<16xf32>
      %add3A_3049 = arith.addf %add3A_3041, %mul3A_3048 : vector<16xf32>
      %get3A_3050 = arith.constant 21 : i32
      %get3A_3051 = arith.index_cast %get3A_3050 : i32 to index
      %get3A_3052 = arith.index_cast %scan3A_2883 : i32 to index
      %get3A_3053 = arith.constant 0 : index
      %get3A_3054 = tpu.vector_load %arg7[%get3A_3051, %get3A_3052, %get3A_3053] {strides = array<i32>} : memref<26x128x16xf32, #tpu.memory_space<vmem>>, vector<16xf32>,
      %add3A_3055 = arith.addf %add3A_3047, %get3A_3054 : vector<16xf32>
      %mul3A_3056 = arith.mulf %get3A_3054, %get3A_3054 : vector<16xf32>
      %add3A_3057 = arith.addf %add3A_3049, %mul3A_3056 : vector<16xf32>
      %get3A_3058 = arith.constant 22 : i32
      %get3A_3059 = arith.index_cast %get3A_3058 : i32 to index
      %get3A_3060 = arith.index_cast %scan3A_2883 : i32 to index
      %get3A_3061 = arith.constant 0 : index
      %get3A_3062 = tpu.vector_load %arg7[%get3A_3059, %get3A_3060, %get3A_3061] {strides = array<i32>} : memref<26x128x16xf32, #tpu.memory_space<vmem>>, vector<16xf32>,
      %add3A_3063 = arith.addf %add3A_3055, %get3A_3062 : vector<16xf32>
      %mul3A_3064 = arith.mulf %get3A_3062, %get3A_3062 : vector<16xf32>
      %add3A_3065 = arith.addf %add3A_3057, %mul3A_3064 : vector<16xf32>
      %get3A_3066 = arith.constant 23 : i32
      %get3A_3067 = arith.index_cast %get3A_3066 : i32 to index
      %get3A_3068 = arith.index_cast %scan3A_2883 : i32 to index
      %get3A_3069 = arith.constant 0 : index
      %get3A_3070 = tpu.vector_load %arg7[%get3A_3067, %get3A_3068, %get3A_3069] {strides = array<i32>} : memref<26x128x16xf32, #tpu.memory_space<vmem>>, vector<16xf32>,
      %add3A_3071 = arith.addf %add3A_3063, %get3A_3070 : vector<16xf32>
      %mul3A_3072 = arith.mulf %get3A_3070, %get3A_3070 : vector<16xf32>
      %add3A_3073 = arith.addf %add3A_3065, %mul3A_3072 : vector<16xf32>
      %get3A_3074 = arith.constant 24 : i32
      %get3A_3075 = arith.index_cast %get3A_3074 : i32 to index
      %get3A_3076 = arith.index_cast %scan3A_2883 : i32 to index
      %get3A_3077 = arith.constant 0 : index
      %get3A_3078 = tpu.vector_load %arg7[%get3A_3075, %get3A_3076, %get3A_3077] {strides = array<i32>} : memref<26x128x16xf32, #tpu.memory_space<vmem>>, vector<16xf32>,
      %add3A_3079 = arith.addf %add3A_3071, %get3A_3078 : vector<16xf32>
      %mul3A_3080 = arith.mulf %get3A_3078, %get3A_3078 : vector<16xf32>
      %add3A_3081 = arith.addf %add3A_3073, %mul3A_3080 : vector<16xf32>
      %get3A_3082 = arith.constant 25 : i32
      %get3A_3083 = arith.index_cast %get3A_3082 : i32 to index
      %get3A_3084 = arith.index_cast %scan3A_2883 : i32 to index
      %get3A_3085 = arith.constant 0 : index
      %get3A_3086 = tpu.vector_load %arg7[%get3A_3083, %get3A_3084, %get3A_3085] {strides = array<i32>} : memref<26x128x16xf32, #tpu.memory_space<vmem>>, vector<16xf32>,
      %add3A_3087 = arith.addf %add3A_3079, %get3A_3086 : vector<16xf32>
      %mul3A_3088 = arith.mulf %get3A_3086, %get3A_3086 : vector<16xf32>
      %add3A_3089 = arith.addf %add3A_3081, %mul3A_3088 : vector<16xf32>
      %mul3A_3090 = arith.mulf %add3A_3087, %add3A_3087 : vector<16xf32>
      %sub3A = arith.subf %mul3A_3090, %add3A_3089 : vector<16xf32>
      %mul3A_3091 = arith.constant 5.000000e-01 : f32
      %mul3A_3092 = vector.broadcast %mul3A_3091 : f32 to vector<16xf32>
      %mul3A_3093 = arith.mulf %sub3A, %mul3A_3092 : vector<16xf32>
      %mul3A_3094 = arith.constant 16 : i32
      %mul3A_3095 = arith.muli %scan3A_2883, %mul3A_3094 : i32
      %swap3A_3096 = arith.index_cast %mul3A_3095 : i32 to index
      %swap3A_3097 = tpu.vector_load %arg9[%swap3A_3096] {strides = array<i32>} : memref<2048xf32, #tpu.memory_space<vmem>>, vector<16xf32>,
      tpu.vector_store %arg9[%swap3A_3096], %mul3A_3093 {strides = array<i32>} : memref<2048xf32, #tpu.memory_space<vmem>>, vector<16xf32>,
    }
    %scan3A_1147 = arith.constant 128 : i32
    %iota3A = tpu.iota {dimensions = array<i32: 0>} : vector<16xi32>
    %get3A = arith.constant 0 : i32
    %get3A_1148 = arith.index_cast %get3A : i32 to index
    %get3A_1149 = arith.constant 0 : index
    %get3A_1150 = tpu.vector_load %arg8[%get3A_1148, %get3A_1149] {strides = array<i32>} : memref<26x128xf32, #tpu.memory_space<vmem>>, vector<16xf32>,
    %get3A_1151 = arith.constant 1 : i32
    %get3A_1152 = arith.index_cast %get3A_1151 : i32 to index
    %get3A_1153 = arith.constant 0 : index
    %get3A_1154 = tpu.vector_load %arg8[%get3A_1152, %get3A_1153] {strides = array<i32>} : memref<26x128xf32, #tpu.memory_space<vmem>>, vector<16xf32>,
    %add3A_1155 = arith.addf %get3A_1150, %get3A_1154 : vector<16xf32>
    %get3A_1156 = arith.constant 2 : i32
    %get3A_1157 = arith.index_cast %get3A_1156 : i32 to index
    %get3A_1158 = arith.constant 0 : index
    %get3A_1159 = tpu.vector_load %arg8[%get3A_1157, %get3A_1158] {strides = array<i32>} : memref<26x128xf32, #tpu.memory_space<vmem>>, vector<16xf32>,
    %add3A_1160 = arith.addf %add3A_1155, %get3A_1159 : vector<16xf32>
    %get3A_1161 = arith.constant 3 : i32
    %get3A_1162 = arith.index_cast %get3A_1161 : i32 to index
    %get3A_1163 = arith.constant 0 : index
    %get3A_1164 = tpu.vector_load %arg8[%get3A_1162, %get3A_1163] {strides = array<i32>} : memref<26x128xf32, #tpu.memory_space<vmem>>, vector<16xf32>,
    %add3A_1165 = arith.addf %add3A_1160, %get3A_1164 : vector<16xf32>
    %get3A_1166 = arith.constant 4 : i32
    %get3A_1167 = arith.index_cast %get3A_1166 : i32 to index
    %get3A_1168 = arith.constant 0 : index
    %get3A_1169 = tpu.vector_load %arg8[%get3A_1167, %get3A_1168] {strides = array<i32>} : memref<26x128xf32, #tpu.memory_space<vmem>>, vector<16xf32>,
    %add3A_1170 = arith.addf %add3A_1165, %get3A_1169 : vector<16xf32>
    %get3A_1171 = arith.constant 5 : i32
    %get3A_1172 = arith.index_cast %get3A_1171 : i32 to index
    %get3A_1173 = arith.constant 0 : index
    %get3A_1174 = tpu.vector_load %arg8[%get3A_1172, %get3A_1173] {strides = array<i32>} : memref<26x128xf32, #tpu.memory_space<vmem>>, vector<16xf32>,
    %add3A_1175 = arith.addf %add3A_1170, %get3A_1174 : vector<16xf32>
    %get3A_1176 = arith.constant 6 : i32
    %get3A_1177 = arith.index_cast %get3A_1176 : i32 to index
    %get3A_1178 = arith.constant 0 : index
    %get3A_1179 = tpu.vector_load %arg8[%get3A_1177, %get3A_1178] {strides = array<i32>} : memref<26x128xf32, #tpu.memory_space<vmem>>, vector<16xf32>,
    %add3A_1180 = arith.addf %add3A_1175, %get3A_1179 : vector<16xf32>
    %get3A_1181 = arith.constant 7 : i32
    %get3A_1182 = arith.index_cast %get3A_1181 : i32 to index
    %get3A_1183 = arith.constant 0 : index
    %get3A_1184 = tpu.vector_load %arg8[%get3A_1182, %get3A_1183] {strides = array<i32>} : memref<26x128xf32, #tpu.memory_space<vmem>>, vector<16xf32>,
    %add3A_1185 = arith.addf %add3A_1180, %get3A_1184 : vector<16xf32>
    %get3A_1186 = arith.constant 8 : i32
    %get3A_1187 = arith.index_cast %get3A_1186 : i32 to index
    %get3A_1188 = arith.constant 0 : index
    %get3A_1189 = tpu.vector_load %arg8[%get3A_1187, %get3A_1188] {strides = array<i32>} : memref<26x128xf32, #tpu.memory_space<vmem>>, vector<16xf32>,
    %add3A_1190 = arith.addf %add3A_1185, %get3A_1189 : vector<16xf32>
    %get3A_1191 = arith.constant 9 : i32
    %get3A_1192 = arith.index_cast %get3A_1191 : i32 to index
    %get3A_1193 = arith.constant 0 : index
    %get3A_1194 = tpu.vector_load %arg8[%get3A_1192, %get3A_1193] {strides = array<i32>} : memref<26x128xf32, #tpu.memory_space<vmem>>, vector<16xf32>,
    %add3A_1195 = arith.addf %add3A_1190, %get3A_1194 : vector<16xf32>
    %get3A_1196 = arith.constant 10 : i32
    %get3A_1197 = arith.index_cast %get3A_1196 : i32 to index
    %get3A_1198 = arith.constant 0 : index
    %get3A_1199 = tpu.vector_load %arg8[%get3A_1197, %get3A_1198] {strides = array<i32>} : memref<26x128xf32, #tpu.memory_space<vmem>>, vector<16xf32>,
    %add3A_1200 = arith.addf %add3A_1195, %get3A_1199 : vector<16xf32>
    %get3A_1201 = arith.constant 11 : i32
    %get3A_1202 = arith.index_cast %get3A_1201 : i32 to index
    %get3A_1203 = arith.constant 0 : index
    %get3A_1204 = tpu.vector_load %arg8[%get3A_1202, %get3A_1203] {strides = array<i32>} : memref<26x128xf32, #tpu.memory_space<vmem>>, vector<16xf32>,
    %add3A_1205 = arith.addf %add3A_1200, %get3A_1204 : vector<16xf32>
    %get3A_1206 = arith.constant 12 : i32
    %get3A_1207 = arith.index_cast %get3A_1206 : i32 to index
    %get3A_1208 = arith.constant 0 : index
    %get3A_1209 = tpu.vector_load %arg8[%get3A_1207, %get3A_1208] {strides = array<i32>} : memref<26x128xf32, #tpu.memory_space<vmem>>, vector<16xf32>,
    %add3A_1210 = arith.addf %add3A_1205, %get3A_1209 : vector<16xf32>
    %get3A_1211 = arith.constant 13 : i32
    %get3A_1212 = arith.index_cast %get3A_1211 : i32 to index
    %get3A_1213 = arith.constant 0 : index
    %get3A_1214 = tpu.vector_load %arg8[%get3A_1212, %get3A_1213] {strides = array<i32>} : memref<26x128xf32, #tpu.memory_space<vmem>>, vector<16xf32>,
    %add3A_1215 = arith.addf %add3A_1210, %get3A_1214 : vector<16xf32>
    %get3A_1216 = arith.constant 14 : i32
    %get3A_1217 = arith.index_cast %get3A_1216 : i32 to index
    %get3A_1218 = arith.constant 0 : index
    %get3A_1219 = tpu.vector_load %arg8[%get3A_1217, %get3A_1218] {strides = array<i32>} : memref<26x128xf32, #tpu.memory_space<vmem>>, vector<16xf32>,
    %add3A_1220 = arith.addf %add3A_1215, %get3A_1219 : vector<16xf32>
    %get3A_1221 = arith.constant 15 : i32
    %get3A_1222 = arith.index_cast %get3A_1221 : i32 to index
    %get3A_1223 = arith.constant 0 : index
    %get3A_1224 = tpu.vector_load %arg8[%get3A_1222, %get3A_1223] {strides = array<i32>} : memref<26x128xf32, #tpu.memory_space<vmem>>, vector<16xf32>,
    %add3A_1225 = arith.addf %add3A_1220, %get3A_1224 : vector<16xf32>
    %get3A_1226 = arith.constant 16 : i32
    %get3A_1227 = arith.index_cast %get3A_1226 : i32 to index
    %get3A_1228 = arith.constant 0 : index
    %get3A_1229 = tpu.vector_load %arg8[%get3A_1227, %get3A_1228] {strides = array<i32>} : memref<26x128xf32, #tpu.memory_space<vmem>>, vector<16xf32>,
    %add3A_1230 = arith.addf %add3A_1225, %get3A_1229 : vector<16xf32>
    %get3A_1231 = arith.constant 17 : i32
    %get3A_1232 = arith.index_cast %get3A_1231 : i32 to index
    %get3A_1233 = arith.constant 0 : index
    %get3A_1234 = tpu.vector_load %arg8[%get3A_1232, %get3A_1233] {strides = array<i32>} : memref<26x128xf32, #tpu.memory_space<vmem>>, vector<16xf32>,
    %add3A_1235 = arith.addf %add3A_1230, %get3A_1234 : vector<16xf32>
    %get3A_1236 = arith.constant 18 : i32
    %get3A_1237 = arith.index_cast %get3A_1236 : i32 to index
    %get3A_1238 = arith.constant 0 : index
    %get3A_1239 = tpu.vector_load %arg8[%get3A_1237, %get3A_1238] {strides = array<i32>} : memref<26x128xf32, #tpu.memory_space<vmem>>, vector<16xf32>,
    %add3A_1240 = arith.addf %add3A_1235, %get3A_1239 : vector<16xf32>
    %get3A_1241 = arith.constant 19 : i32
    %get3A_1242 = arith.index_cast %get3A_1241 : i32 to index
    %get3A_1243 = arith.constant 0 : index
    %get3A_1244 = tpu.vector_load %arg8[%get3A_1242, %get3A_1243] {strides = array<i32>} : memref<26x128xf32, #tpu.memory_space<vmem>>, vector<16xf32>,
    %add3A_1245 = arith.addf %add3A_1240, %get3A_1244 : vector<16xf32>
    %get3A_1246 = arith.constant 20 : i32
    %get3A_1247 = arith.index_cast %get3A_1246 : i32 to index
    %get3A_1248 = arith.constant 0 : index
    %get3A_1249 = tpu.vector_load %arg8[%get3A_1247, %get3A_1248] {strides = array<i32>} : memref<26x128xf32, #tpu.memory_space<vmem>>, vector<16xf32>,
    %add3A_1250 = arith.addf %add3A_1245, %get3A_1249 : vector<16xf32>
    %get3A_1251 = arith.constant 21 : i32
    %get3A_1252 = arith.index_cast %get3A_1251 : i32 to index
    %get3A_1253 = arith.constant 0 : index
    %get3A_1254 = tpu.vector_load %arg8[%get3A_1252, %get3A_1253] {strides = array<i32>} : memref<26x128xf32, #tpu.memory_space<vmem>>, vector<16xf32>,
    %add3A_1255 = arith.addf %add3A_1250, %get3A_1254 : vector<16xf32>
    %get3A_1256 = arith.constant 22 : i32
    %get3A_1257 = arith.index_cast %get3A_1256 : i32 to index
    %get3A_1258 = arith.constant 0 : index
    %get3A_1259 = tpu.vector_load %arg8[%get3A_1257, %get3A_1258] {strides = array<i32>} : memref<26x128xf32, #tpu.memory_space<vmem>>, vector<16xf32>,
    %add3A_1260 = arith.addf %add3A_1255, %get3A_1259 : vector<16xf32>
    %get3A_1261 = arith.constant 23 : i32
    %get3A_1262 = arith.index_cast %get3A_1261 : i32 to index
    %get3A_1263 = arith.constant 0 : index
    %get3A_1264 = tpu.vector_load %arg8[%get3A_1262, %get3A_1263] {strides = array<i32>} : memref<26x128xf32, #tpu.memory_space<vmem>>, vector<16xf32>,
    %add3A_1265 = arith.addf %add3A_1260, %get3A_1264 : vector<16xf32>
    %get3A_1266 = arith.constant 24 : i32
    %get3A_1267 = arith.index_cast %get3A_1266 : i32 to index
    %get3A_1268 = arith.constant 0 : index
    %get3A_1269 = tpu.vector_load %arg8[%get3A_1267, %get3A_1268] {strides = array<i32>} : memref<26x128xf32, #tpu.memory_space<vmem>>, vector<16xf32>,
    %add3A_1270 = arith.addf %add3A_1265, %get3A_1269 : vector<16xf32>
    %get3A_1271 = arith.constant 25 : i32
    %get3A_1272 = arith.index_cast %get3A_1271 : i32 to index
    %get3A_1273 = arith.constant 0 : index
    %get3A_1274 = tpu.vector_load %arg8[%get3A_1272, %get3A_1273] {strides = array<i32>} : memref<26x128xf32, #tpu.memory_space<vmem>>, vector<16xf32>,
    %add3A_1275 = arith.addf %add3A_1270, %get3A_1274 : vector<16xf32>
    %add3A_1276 = arith.constant 0 : i32
    %add3A_1277 = vector.broadcast %add3A_1276 : i32 to vector<16xi32>
    %add3A_1278 = arith.addi %iota3A, %add3A_1277 : vector<16xi32>
    %mul3A_1279 = arith.constant 16 : i32
    %mul3A_1280 = vector.broadcast %mul3A_1279 : i32 to vector<16xi32>
    %mul3A_1281 = arith.muli %add3A_1278, %mul3A_1280 : vector<16xi32>
    %add3A_1282 = arith.constant 0 : i32
    %add3A_1283 = vector.broadcast %add3A_1282 : i32 to vector<16xi32>
    %add3A_1284 = arith.addi %mul3A_1281, %add3A_1283 : vector<16xi32>
    %gather3A = tpu.vector_load_idx %arg9[%add3A_1284] : memref<2048xf32, #tpu.memory_space<vmem>>[vector<16xi32>], vector<16xf32>,
    %add3A_1285 = arith.addf %add3A_1275, %gather3A : vector<16xf32>
    %add3A_1286 = arith.constant 1 : i32
    %add3A_1287 = vector.broadcast %add3A_1286 : i32 to vector<16xi32>
    %add3A_1288 = arith.addi %mul3A_1281, %add3A_1287 : vector<16xi32>
    %gather3A_1289 = tpu.vector_load_idx %arg9[%add3A_1288] : memref<2048xf32, #tpu.memory_space<vmem>>[vector<16xi32>], vector<16xf32>,
    %add3A_1290 = arith.addf %add3A_1285, %gather3A_1289 : vector<16xf32>
    %add3A_1291 = arith.constant 2 : i32
    %add3A_1292 = vector.broadcast %add3A_1291 : i32 to vector<16xi32>
    %add3A_1293 = arith.addi %mul3A_1281, %add3A_1292 : vector<16xi32>
    %gather3A_1294 = tpu.vector_load_idx %arg9[%add3A_1293] : memref<2048xf32, #tpu.memory_space<vmem>>[vector<16xi32>], vector<16xf32>,
    %add3A_1295 = arith.addf %add3A_1290, %gather3A_1294 : vector<16xf32>
    %add3A_1296 = arith.constant 3 : i32
    %add3A_1297 = vector.broadcast %add3A_1296 : i32 to vector<16xi32>
    %add3A_1298 = arith.addi %mul3A_1281, %add3A_1297 : vector<16xi32>
    %gather3A_1299 = tpu.vector_load_idx %arg9[%add3A_1298] : memref<2048xf32, #tpu.memory_space<vmem>>[vector<16xi32>], vector<16xf32>,
    %add3A_1300 = arith.addf %add3A_1295, %gather3A_1299 : vector<16xf32>
    %add3A_1301 = arith.constant 4 : i32
    %add3A_1302 = vector.broadcast %add3A_1301 : i32 to vector<16xi32>
    %add3A_1303 = arith.addi %mul3A_1281, %add3A_1302 : vector<16xi32>
    %gather3A_1304 = tpu.vector_load_idx %arg9[%add3A_1303] : memref<2048xf32, #tpu.memory_space<vmem>>[vector<16xi32>], vector<16xf32>,
    %add3A_1305 = arith.addf %add3A_1300, %gather3A_1304 : vector<16xf32>
    %add3A_1306 = arith.constant 5 : i32
    %add3A_1307 = vector.broadcast %add3A_1306 : i32 to vector<16xi32>
    %add3A_1308 = arith.addi %mul3A_1281, %add3A_1307 : vector<16xi32>
    %gather3A_1309 = tpu.vector_load_idx %arg9[%add3A_1308] : memref<2048xf32, #tpu.memory_space<vmem>>[vector<16xi32>], vector<16xf32>,
    %add3A_1310 = arith.addf %add3A_1305, %gather3A_1309 : vector<16xf32>
    %add3A_1311 = arith.constant 6 : i32
    %add3A_1312 = vector.broadcast %add3A_1311 : i32 to vector<16xi32>
    %add3A_1313 = arith.addi %mul3A_1281, %add3A_1312 : vector<16xi32>
    %gather3A_1314 = tpu.vector_load_idx %arg9[%add3A_1313] : memref<2048xf32, #tpu.memory_space<vmem>>[vector<16xi32>], vector<16xf32>,
    %add3A_1315 = arith.addf %add3A_1310, %gather3A_1314 : vector<16xf32>
    %add3A_1316 = arith.constant 7 : i32
    %add3A_1317 = vector.broadcast %add3A_1316 : i32 to vector<16xi32>
    %add3A_1318 = arith.addi %mul3A_1281, %add3A_1317 : vector<16xi32>
    %gather3A_1319 = tpu.vector_load_idx %arg9[%add3A_1318] : memref<2048xf32, #tpu.memory_space<vmem>>[vector<16xi32>], vector<16xf32>,
    %add3A_1320 = arith.addf %add3A_1315, %gather3A_1319 : vector<16xf32>
    %add3A_1321 = arith.constant 8 : i32
    %add3A_1322 = vector.broadcast %add3A_1321 : i32 to vector<16xi32>
    %add3A_1323 = arith.addi %mul3A_1281, %add3A_1322 : vector<16xi32>
    %gather3A_1324 = tpu.vector_load_idx %arg9[%add3A_1323] : memref<2048xf32, #tpu.memory_space<vmem>>[vector<16xi32>], vector<16xf32>,
    %add3A_1325 = arith.addf %add3A_1320, %gather3A_1324 : vector<16xf32>
    %add3A_1326 = arith.constant 9 : i32
    %add3A_1327 = vector.broadcast %add3A_1326 : i32 to vector<16xi32>
    %add3A_1328 = arith.addi %mul3A_1281, %add3A_1327 : vector<16xi32>
    %gather3A_1329 = tpu.vector_load_idx %arg9[%add3A_1328] : memref<2048xf32, #tpu.memory_space<vmem>>[vector<16xi32>], vector<16xf32>,
    %add3A_1330 = arith.addf %add3A_1325, %gather3A_1329 : vector<16xf32>
    %add3A_1331 = arith.constant 10 : i32
    %add3A_1332 = vector.broadcast %add3A_1331 : i32 to vector<16xi32>
    %add3A_1333 = arith.addi %mul3A_1281, %add3A_1332 : vector<16xi32>
    %gather3A_1334 = tpu.vector_load_idx %arg9[%add3A_1333] : memref<2048xf32, #tpu.memory_space<vmem>>[vector<16xi32>], vector<16xf32>,
    %add3A_1335 = arith.addf %add3A_1330, %gather3A_1334 : vector<16xf32>
    %add3A_1336 = arith.constant 11 : i32
    %add3A_1337 = vector.broadcast %add3A_1336 : i32 to vector<16xi32>
    %add3A_1338 = arith.addi %mul3A_1281, %add3A_1337 : vector<16xi32>
    %gather3A_1339 = tpu.vector_load_idx %arg9[%add3A_1338] : memref<2048xf32, #tpu.memory_space<vmem>>[vector<16xi32>], vector<16xf32>,
    %add3A_1340 = arith.addf %add3A_1335, %gather3A_1339 : vector<16xf32>
    %add3A_1341 = arith.constant 12 : i32
    %add3A_1342 = vector.broadcast %add3A_1341 : i32 to vector<16xi32>
    %add3A_1343 = arith.addi %mul3A_1281, %add3A_1342 : vector<16xi32>
    %gather3A_1344 = tpu.vector_load_idx %arg9[%add3A_1343] : memref<2048xf32, #tpu.memory_space<vmem>>[vector<16xi32>], vector<16xf32>,
    %add3A_1345 = arith.addf %add3A_1340, %gather3A_1344 : vector<16xf32>
    %add3A_1346 = arith.constant 13 : i32
    %add3A_1347 = vector.broadcast %add3A_1346 : i32 to vector<16xi32>
    %add3A_1348 = arith.addi %mul3A_1281, %add3A_1347 : vector<16xi32>
    %gather3A_1349 = tpu.vector_load_idx %arg9[%add3A_1348] : memref<2048xf32, #tpu.memory_space<vmem>>[vector<16xi32>], vector<16xf32>,
    %add3A_1350 = arith.addf %add3A_1345, %gather3A_1349 : vector<16xf32>
    %add3A_1351 = arith.constant 14 : i32
    %add3A_1352 = vector.broadcast %add3A_1351 : i32 to vector<16xi32>
    %add3A_1353 = arith.addi %mul3A_1281, %add3A_1352 : vector<16xi32>
    %gather3A_1354 = tpu.vector_load_idx %arg9[%add3A_1353] : memref<2048xf32, #tpu.memory_space<vmem>>[vector<16xi32>], vector<16xf32>,
    %add3A_1355 = arith.addf %add3A_1350, %gather3A_1354 : vector<16xf32>
    %add3A_1356 = arith.constant 15 : i32
    %add3A_1357 = vector.broadcast %add3A_1356 : i32 to vector<16xi32>
    %add3A_1358 = arith.addi %mul3A_1281, %add3A_1357 : vector<16xi32>
    %gather3A_1359 = tpu.vector_load_idx %arg9[%add3A_1358] : memref<2048xf32, #tpu.memory_space<vmem>>[vector<16xi32>], vector<16xf32>,
    %add3A_1360 = arith.addf %add3A_1355, %gather3A_1359 : vector<16xf32>
    %swap3A = arith.constant 0 : index
    %swap3A_1361 = tpu.vector_load %arg10[%swap3A] {strides = array<i32>} : memref<128xf32, #tpu.memory_space<vmem>>, vector<16xf32>,
    tpu.vector_store %arg10[%swap3A], %add3A_1360 {strides = array<i32>} : memref<128xf32, #tpu.memory_space<vmem>>, vector<16xf32>,
    %get3A_1362 = arith.constant 0 : i32
    %get3A_1363 = arith.index_cast %get3A_1362 : i32 to index
    %get3A_1364 = arith.constant 16 : index
    %get3A_1365 = tpu.vector_load %arg8[%get3A_1363, %get3A_1364] {strides = array<i32>} : memref<26x128xf32, #tpu.memory_space<vmem>>, vector<16xf32>,
    %get3A_1366 = arith.constant 1 : i32
    %get3A_1367 = arith.index_cast %get3A_1366 : i32 to index
    %get3A_1368 = arith.constant 16 : index
    %get3A_1369 = tpu.vector_load %arg8[%get3A_1367, %get3A_1368] {strides = array<i32>} : memref<26x128xf32, #tpu.memory_space<vmem>>, vector<16xf32>,
    %add3A_1370 = arith.addf %get3A_1365, %get3A_1369 : vector<16xf32>
    %get3A_1371 = arith.constant 2 : i32
    %get3A_1372 = arith.index_cast %get3A_1371 : i32 to index
    %get3A_1373 = arith.constant 16 : index
    %get3A_1374 = tpu.vector_load %arg8[%get3A_1372, %get3A_1373] {strides = array<i32>} : memref<26x128xf32, #tpu.memory_space<vmem>>, vector<16xf32>,
    %add3A_1375 = arith.addf %add3A_1370, %get3A_1374 : vector<16xf32>
    %get3A_1376 = arith.constant 3 : i32
    %get3A_1377 = arith.index_cast %get3A_1376 : i32 to index
    %get3A_1378 = arith.constant 16 : index
    %get3A_1379 = tpu.vector_load %arg8[%get3A_1377, %get3A_1378] {strides = array<i32>} : memref<26x128xf32, #tpu.memory_space<vmem>>, vector<16xf32>,
    %add3A_1380 = arith.addf %add3A_1375, %get3A_1379 : vector<16xf32>
    %get3A_1381 = arith.constant 4 : i32
    %get3A_1382 = arith.index_cast %get3A_1381 : i32 to index
    %get3A_1383 = arith.constant 16 : index
    %get3A_1384 = tpu.vector_load %arg8[%get3A_1382, %get3A_1383] {strides = array<i32>} : memref<26x128xf32, #tpu.memory_space<vmem>>, vector<16xf32>,
    %add3A_1385 = arith.addf %add3A_1380, %get3A_1384 : vector<16xf32>
    %get3A_1386 = arith.constant 5 : i32
    %get3A_1387 = arith.index_cast %get3A_1386 : i32 to index
    %get3A_1388 = arith.constant 16 : index
    %get3A_1389 = tpu.vector_load %arg8[%get3A_1387, %get3A_1388] {strides = array<i32>} : memref<26x128xf32, #tpu.memory_space<vmem>>, vector<16xf32>,
    %add3A_1390 = arith.addf %add3A_1385, %get3A_1389 : vector<16xf32>
    %get3A_1391 = arith.constant 6 : i32
    %get3A_1392 = arith.index_cast %get3A_1391 : i32 to index
    %get3A_1393 = arith.constant 16 : index
    %get3A_1394 = tpu.vector_load %arg8[%get3A_1392, %get3A_1393] {strides = array<i32>} : memref<26x128xf32, #tpu.memory_space<vmem>>, vector<16xf32>,
    %add3A_1395 = arith.addf %add3A_1390, %get3A_1394 : vector<16xf32>
    %get3A_1396 = arith.constant 7 : i32
    %get3A_1397 = arith.index_cast %get3A_1396 : i32 to index
    %get3A_1398 = arith.constant 16 : index
    %get3A_1399 = tpu.vector_load %arg8[%get3A_1397, %get3A_1398] {strides = array<i32>} : memref<26x128xf32, #tpu.memory_space<vmem>>, vector<16xf32>,
    %add3A_1400 = arith.addf %add3A_1395, %get3A_1399 : vector<16xf32>
    %get3A_1401 = arith.constant 8 : i32
    %get3A_1402 = arith.index_cast %get3A_1401 : i32 to index
    %get3A_1403 = arith.constant 16 : index
    %get3A_1404 = tpu.vector_load %arg8[%get3A_1402, %get3A_1403] {strides = array<i32>} : memref<26x128xf32, #tpu.memory_space<vmem>>, vector<16xf32>,
    %add3A_1405 = arith.addf %add3A_1400, %get3A_1404 : vector<16xf32>
    %get3A_1406 = arith.constant 9 : i32
    %get3A_1407 = arith.index_cast %get3A_1406 : i32 to index
    %get3A_1408 = arith.constant 16 : index
    %get3A_1409 = tpu.vector_load %arg8[%get3A_1407, %get3A_1408] {strides = array<i32>} : memref<26x128xf32, #tpu.memory_space<vmem>>, vector<16xf32>,
    %add3A_1410 = arith.addf %add3A_1405, %get3A_1409 : vector<16xf32>
    %get3A_1411 = arith.constant 10 : i32
    %get3A_1412 = arith.index_cast %get3A_1411 : i32 to index
    %get3A_1413 = arith.constant 16 : index
    %get3A_1414 = tpu.vector_load %arg8[%get3A_1412, %get3A_1413] {strides = array<i32>} : memref<26x128xf32, #tpu.memory_space<vmem>>, vector<16xf32>,
    %add3A_1415 = arith.addf %add3A_1410, %get3A_1414 : vector<16xf32>
    %get3A_1416 = arith.constant 11 : i32
    %get3A_1417 = arith.index_cast %get3A_1416 : i32 to index
    %get3A_1418 = arith.constant 16 : index
    %get3A_1419 = tpu.vector_load %arg8[%get3A_1417, %get3A_1418] {strides = array<i32>} : memref<26x128xf32, #tpu.memory_space<vmem>>, vector<16xf32>,
    %add3A_1420 = arith.addf %add3A_1415, %get3A_1419 : vector<16xf32>
    %get3A_1421 = arith.constant 12 : i32
    %get3A_1422 = arith.index_cast %get3A_1421 : i32 to index
    %get3A_1423 = arith.constant 16 : index
    %get3A_1424 = tpu.vector_load %arg8[%get3A_1422, %get3A_1423] {strides = array<i32>} : memref<26x128xf32, #tpu.memory_space<vmem>>, vector<16xf32>,
    %add3A_1425 = arith.addf %add3A_1420, %get3A_1424 : vector<16xf32>
    %get3A_1426 = arith.constant 13 : i32
    %get3A_1427 = arith.index_cast %get3A_1426 : i32 to index
    %get3A_1428 = arith.constant 16 : index
    %get3A_1429 = tpu.vector_load %arg8[%get3A_1427, %get3A_1428] {strides = array<i32>} : memref<26x128xf32, #tpu.memory_space<vmem>>, vector<16xf32>,
    %add3A_1430 = arith.addf %add3A_1425, %get3A_1429 : vector<16xf32>
    %get3A_1431 = arith.constant 14 : i32
    %get3A_1432 = arith.index_cast %get3A_1431 : i32 to index
    %get3A_1433 = arith.constant 16 : index
    %get3A_1434 = tpu.vector_load %arg8[%get3A_1432, %get3A_1433] {strides = array<i32>} : memref<26x128xf32, #tpu.memory_space<vmem>>, vector<16xf32>,
    %add3A_1435 = arith.addf %add3A_1430, %get3A_1434 : vector<16xf32>
    %get3A_1436 = arith.constant 15 : i32
    %get3A_1437 = arith.index_cast %get3A_1436 : i32 to index
    %get3A_1438 = arith.constant 16 : index
    %get3A_1439 = tpu.vector_load %arg8[%get3A_1437, %get3A_1438] {strides = array<i32>} : memref<26x128xf32, #tpu.memory_space<vmem>>, vector<16xf32>,
    %add3A_1440 = arith.addf %add3A_1435, %get3A_1439 : vector<16xf32>
    %get3A_1441 = arith.constant 16 : i32
    %get3A_1442 = arith.index_cast %get3A_1441 : i32 to index
    %get3A_1443 = arith.constant 16 : index
    %get3A_1444 = tpu.vector_load %arg8[%get3A_1442, %get3A_1443] {strides = array<i32>} : memref<26x128xf32, #tpu.memory_space<vmem>>, vector<16xf32>,
    %add3A_1445 = arith.addf %add3A_1440, %get3A_1444 : vector<16xf32>
    %get3A_1446 = arith.constant 17 : i32
    %get3A_1447 = arith.index_cast %get3A_1446 : i32 to index
    %get3A_1448 = arith.constant 16 : index
    %get3A_1449 = tpu.vector_load %arg8[%get3A_1447, %get3A_1448] {strides = array<i32>} : memref<26x128xf32, #tpu.memory_space<vmem>>, vector<16xf32>,
    %add3A_1450 = arith.addf %add3A_1445, %get3A_1449 : vector<16xf32>
    %get3A_1451 = arith.constant 18 : i32
    %get3A_1452 = arith.index_cast %get3A_1451 : i32 to index
    %get3A_1453 = arith.constant 16 : index
    %get3A_1454 = tpu.vector_load %arg8[%get3A_1452, %get3A_1453] {strides = array<i32>} : memref<26x128xf32, #tpu.memory_space<vmem>>, vector<16xf32>,
    %add3A_1455 = arith.addf %add3A_1450, %get3A_1454 : vector<16xf32>
    %get3A_1456 = arith.constant 19 : i32
    %get3A_1457 = arith.index_cast %get3A_1456 : i32 to index
    %get3A_1458 = arith.constant 16 : index
    %get3A_1459 = tpu.vector_load %arg8[%get3A_1457, %get3A_1458] {strides = array<i32>} : memref<26x128xf32, #tpu.memory_space<vmem>>, vector<16xf32>,
    %add3A_1460 = arith.addf %add3A_1455, %get3A_1459 : vector<16xf32>
    %get3A_1461 = arith.constant 20 : i32
    %get3A_1462 = arith.index_cast %get3A_1461 : i32 to index
    %get3A_1463 = arith.constant 16 : index
    %get3A_1464 = tpu.vector_load %arg8[%get3A_1462, %get3A_1463] {strides = array<i32>} : memref<26x128xf32, #tpu.memory_space<vmem>>, vector<16xf32>,
    %add3A_1465 = arith.addf %add3A_1460, %get3A_1464 : vector<16xf32>
    %get3A_1466 = arith.constant 21 : i32
    %get3A_1467 = arith.index_cast %get3A_1466 : i32 to index
    %get3A_1468 = arith.constant 16 : index
    %get3A_1469 = tpu.vector_load %arg8[%get3A_1467, %get3A_1468] {strides = array<i32>} : memref<26x128xf32, #tpu.memory_space<vmem>>, vector<16xf32>,
    %add3A_1470 = arith.addf %add3A_1465, %get3A_1469 : vector<16xf32>
    %get3A_1471 = arith.constant 22 : i32
    %get3A_1472 = arith.index_cast %get3A_1471 : i32 to index
    %get3A_1473 = arith.constant 16 : index
    %get3A_1474 = tpu.vector_load %arg8[%get3A_1472, %get3A_1473] {strides = array<i32>} : memref<26x128xf32, #tpu.memory_space<vmem>>, vector<16xf32>,
    %add3A_1475 = arith.addf %add3A_1470, %get3A_1474 : vector<16xf32>
    %get3A_1476 = arith.constant 23 : i32
    %get3A_1477 = arith.index_cast %get3A_1476 : i32 to index
    %get3A_1478 = arith.constant 16 : index
    %get3A_1479 = tpu.vector_load %arg8[%get3A_1477, %get3A_1478] {strides = array<i32>} : memref<26x128xf32, #tpu.memory_space<vmem>>, vector<16xf32>,
    %add3A_1480 = arith.addf %add3A_1475, %get3A_1479 : vector<16xf32>
    %get3A_1481 = arith.constant 24 : i32
    %get3A_1482 = arith.index_cast %get3A_1481 : i32 to index
    %get3A_1483 = arith.constant 16 : index
    %get3A_1484 = tpu.vector_load %arg8[%get3A_1482, %get3A_1483] {strides = array<i32>} : memref<26x128xf32, #tpu.memory_space<vmem>>, vector<16xf32>,
    %add3A_1485 = arith.addf %add3A_1480, %get3A_1484 : vector<16xf32>
    %get3A_1486 = arith.constant 25 : i32
    %get3A_1487 = arith.index_cast %get3A_1486 : i32 to index
    %get3A_1488 = arith.constant 16 : index
    %get3A_1489 = tpu.vector_load %arg8[%get3A_1487, %get3A_1488] {strides = array<i32>} : memref<26x128xf32, #tpu.memory_space<vmem>>, vector<16xf32>,
    %add3A_1490 = arith.addf %add3A_1485, %get3A_1489 : vector<16xf32>
    %add3A_1491 = arith.constant 16 : i32
    %add3A_1492 = vector.broadcast %add3A_1491 : i32 to vector<16xi32>
    %add3A_1493 = arith.addi %iota3A, %add3A_1492 : vector<16xi32>
    %mul3A_1494 = arith.constant 16 : i32
    %mul3A_1495 = vector.broadcast %mul3A_1494 : i32 to vector<16xi32>
    %mul3A_1496 = arith.muli %add3A_1493, %mul3A_1495 : vector<16xi32>
    %add3A_1497 = arith.constant 0 : i32
    %add3A_1498 = vector.broadcast %add3A_1497 : i32 to vector<16xi32>
    %add3A_1499 = arith.addi %mul3A_1496, %add3A_1498 : vector<16xi32>
    %gather3A_1500 = tpu.vector_load_idx %arg9[%add3A_1499] : memref<2048xf32, #tpu.memory_space<vmem>>[vector<16xi32>], vector<16xf32>,
    %add3A_1501 = arith.addf %add3A_1490, %gather3A_1500 : vector<16xf32>
    %add3A_1502 = arith.constant 1 : i32
    %add3A_1503 = vector.broadcast %add3A_1502 : i32 to vector<16xi32>
    %add3A_1504 = arith.addi %mul3A_1496, %add3A_1503 : vector<16xi32>
    %gather3A_1505 = tpu.vector_load_idx %arg9[%add3A_1504] : memref<2048xf32, #tpu.memory_space<vmem>>[vector<16xi32>], vector<16xf32>,
    %add3A_1506 = arith.addf %add3A_1501, %gather3A_1505 : vector<16xf32>
    %add3A_1507 = arith.constant 2 : i32
    %add3A_1508 = vector.broadcast %add3A_1507 : i32 to vector<16xi32>
    %add3A_1509 = arith.addi %mul3A_1496, %add3A_1508 : vector<16xi32>
    %gather3A_1510 = tpu.vector_load_idx %arg9[%add3A_1509] : memref<2048xf32, #tpu.memory_space<vmem>>[vector<16xi32>], vector<16xf32>,
    %add3A_1511 = arith.addf %add3A_1506, %gather3A_1510 : vector<16xf32>
    %add3A_1512 = arith.constant 3 : i32
    %add3A_1513 = vector.broadcast %add3A_1512 : i32 to vector<16xi32>
    %add3A_1514 = arith.addi %mul3A_1496, %add3A_1513 : vector<16xi32>
    %gather3A_1515 = tpu.vector_load_idx %arg9[%add3A_1514] : memref<2048xf32, #tpu.memory_space<vmem>>[vector<16xi32>], vector<16xf32>,
    %add3A_1516 = arith.addf %add3A_1511, %gather3A_1515 : vector<16xf32>
    %add3A_1517 = arith.constant 4 : i32
    %add3A_1518 = vector.broadcast %add3A_1517 : i32 to vector<16xi32>
    %add3A_1519 = arith.addi %mul3A_1496, %add3A_1518 : vector<16xi32>
    %gather3A_1520 = tpu.vector_load_idx %arg9[%add3A_1519] : memref<2048xf32, #tpu.memory_space<vmem>>[vector<16xi32>], vector<16xf32>,
    %add3A_1521 = arith.addf %add3A_1516, %gather3A_1520 : vector<16xf32>
    %add3A_1522 = arith.constant 5 : i32
    %add3A_1523 = vector.broadcast %add3A_1522 : i32 to vector<16xi32>
    %add3A_1524 = arith.addi %mul3A_1496, %add3A_1523 : vector<16xi32>
    %gather3A_1525 = tpu.vector_load_idx %arg9[%add3A_1524] : memref<2048xf32, #tpu.memory_space<vmem>>[vector<16xi32>], vector<16xf32>,
    %add3A_1526 = arith.addf %add3A_1521, %gather3A_1525 : vector<16xf32>
    %add3A_1527 = arith.constant 6 : i32
    %add3A_1528 = vector.broadcast %add3A_1527 : i32 to vector<16xi32>
    %add3A_1529 = arith.addi %mul3A_1496, %add3A_1528 : vector<16xi32>
    %gather3A_1530 = tpu.vector_load_idx %arg9[%add3A_1529] : memref<2048xf32, #tpu.memory_space<vmem>>[vector<16xi32>], vector<16xf32>,
    %add3A_1531 = arith.addf %add3A_1526, %gather3A_1530 : vector<16xf32>
    %add3A_1532 = arith.constant 7 : i32
    %add3A_1533 = vector.broadcast %add3A_1532 : i32 to vector<16xi32>
    %add3A_1534 = arith.addi %mul3A_1496, %add3A_1533 : vector<16xi32>
    %gather3A_1535 = tpu.vector_load_idx %arg9[%add3A_1534] : memref<2048xf32, #tpu.memory_space<vmem>>[vector<16xi32>], vector<16xf32>,
    %add3A_1536 = arith.addf %add3A_1531, %gather3A_1535 : vector<16xf32>
    %add3A_1537 = arith.constant 8 : i32
    %add3A_1538 = vector.broadcast %add3A_1537 : i32 to vector<16xi32>
    %add3A_1539 = arith.addi %mul3A_1496, %add3A_1538 : vector<16xi32>
    %gather3A_1540 = tpu.vector_load_idx %arg9[%add3A_1539] : memref<2048xf32, #tpu.memory_space<vmem>>[vector<16xi32>], vector<16xf32>,
    %add3A_1541 = arith.addf %add3A_1536, %gather3A_1540 : vector<16xf32>
    %add3A_1542 = arith.constant 9 : i32
    %add3A_1543 = vector.broadcast %add3A_1542 : i32 to vector<16xi32>
    %add3A_1544 = arith.addi %mul3A_1496, %add3A_1543 : vector<16xi32>
    %gather3A_1545 = tpu.vector_load_idx %arg9[%add3A_1544] : memref<2048xf32, #tpu.memory_space<vmem>>[vector<16xi32>], vector<16xf32>,
    %add3A_1546 = arith.addf %add3A_1541, %gather3A_1545 : vector<16xf32>
    %add3A_1547 = arith.constant 10 : i32
    %add3A_1548 = vector.broadcast %add3A_1547 : i32 to vector<16xi32>
    %add3A_1549 = arith.addi %mul3A_1496, %add3A_1548 : vector<16xi32>
    %gather3A_1550 = tpu.vector_load_idx %arg9[%add3A_1549] : memref<2048xf32, #tpu.memory_space<vmem>>[vector<16xi32>], vector<16xf32>,
    %add3A_1551 = arith.addf %add3A_1546, %gather3A_1550 : vector<16xf32>
    %add3A_1552 = arith.constant 11 : i32
    %add3A_1553 = vector.broadcast %add3A_1552 : i32 to vector<16xi32>
    %add3A_1554 = arith.addi %mul3A_1496, %add3A_1553 : vector<16xi32>
    %gather3A_1555 = tpu.vector_load_idx %arg9[%add3A_1554] : memref<2048xf32, #tpu.memory_space<vmem>>[vector<16xi32>], vector<16xf32>,
    %add3A_1556 = arith.addf %add3A_1551, %gather3A_1555 : vector<16xf32>
    %add3A_1557 = arith.constant 12 : i32
    %add3A_1558 = vector.broadcast %add3A_1557 : i32 to vector<16xi32>
    %add3A_1559 = arith.addi %mul3A_1496, %add3A_1558 : vector<16xi32>
    %gather3A_1560 = tpu.vector_load_idx %arg9[%add3A_1559] : memref<2048xf32, #tpu.memory_space<vmem>>[vector<16xi32>], vector<16xf32>,
    %add3A_1561 = arith.addf %add3A_1556, %gather3A_1560 : vector<16xf32>
    %add3A_1562 = arith.constant 13 : i32
    %add3A_1563 = vector.broadcast %add3A_1562 : i32 to vector<16xi32>
    %add3A_1564 = arith.addi %mul3A_1496, %add3A_1563 : vector<16xi32>
    %gather3A_1565 = tpu.vector_load_idx %arg9[%add3A_1564] : memref<2048xf32, #tpu.memory_space<vmem>>[vector<16xi32>], vector<16xf32>,
    %add3A_1566 = arith.addf %add3A_1561, %gather3A_1565 : vector<16xf32>
    %add3A_1567 = arith.constant 14 : i32
    %add3A_1568 = vector.broadcast %add3A_1567 : i32 to vector<16xi32>
    %add3A_1569 = arith.addi %mul3A_1496, %add3A_1568 : vector<16xi32>
    %gather3A_1570 = tpu.vector_load_idx %arg9[%add3A_1569] : memref<2048xf32, #tpu.memory_space<vmem>>[vector<16xi32>], vector<16xf32>,
    %add3A_1571 = arith.addf %add3A_1566, %gather3A_1570 : vector<16xf32>
    %add3A_1572 = arith.constant 15 : i32
    %add3A_1573 = vector.broadcast %add3A_1572 : i32 to vector<16xi32>
    %add3A_1574 = arith.addi %mul3A_1496, %add3A_1573 : vector<16xi32>
    %gather3A_1575 = tpu.vector_load_idx %arg9[%add3A_1574] : memref<2048xf32, #tpu.memory_space<vmem>>[vector<16xi32>], vector<16xf32>,
    %add3A_1576 = arith.addf %add3A_1571, %gather3A_1575 : vector<16xf32>
    %swap3A_1577 = arith.constant 16 : index
    %swap3A_1578 = tpu.vector_load %arg10[%swap3A_1577] {strides = array<i32>} : memref<128xf32, #tpu.memory_space<vmem>>, vector<16xf32>,
    tpu.vector_store %arg10[%swap3A_1577], %add3A_1576 {strides = array<i32>} : memref<128xf32, #tpu.memory_space<vmem>>, vector<16xf32>,
    %get3A_1579 = arith.constant 0 : i32
    %get3A_1580 = arith.index_cast %get3A_1579 : i32 to index
    %get3A_1581 = arith.constant 32 : index
    %get3A_1582 = tpu.vector_load %arg8[%get3A_1580, %get3A_1581] {strides = array<i32>} : memref<26x128xf32, #tpu.memory_space<vmem>>, vector<16xf32>,
    %get3A_1583 = arith.constant 1 : i32
    %get3A_1584 = arith.index_cast %get3A_1583 : i32 to index
    %get3A_1585 = arith.constant 32 : index
    %get3A_1586 = tpu.vector_load %arg8[%get3A_1584, %get3A_1585] {strides = array<i32>} : memref<26x128xf32, #tpu.memory_space<vmem>>, vector<16xf32>,
    %add3A_1587 = arith.addf %get3A_1582, %get3A_1586 : vector<16xf32>
    %get3A_1588 = arith.constant 2 : i32
    %get3A_1589 = arith.index_cast %get3A_1588 : i32 to index
    %get3A_1590 = arith.constant 32 : index
    %get3A_1591 = tpu.vector_load %arg8[%get3A_1589, %get3A_1590] {strides = array<i32>} : memref<26x128xf32, #tpu.memory_space<vmem>>, vector<16xf32>,
    %add3A_1592 = arith.addf %add3A_1587, %get3A_1591 : vector<16xf32>
    %get3A_1593 = arith.constant 3 : i32
    %get3A_1594 = arith.index_cast %get3A_1593 : i32 to index
    %get3A_1595 = arith.constant 32 : index
    %get3A_1596 = tpu.vector_load %arg8[%get3A_1594, %get3A_1595] {strides = array<i32>} : memref<26x128xf32, #tpu.memory_space<vmem>>, vector<16xf32>,
    %add3A_1597 = arith.addf %add3A_1592, %get3A_1596 : vector<16xf32>
    %get3A_1598 = arith.constant 4 : i32
    %get3A_1599 = arith.index_cast %get3A_1598 : i32 to index
    %get3A_1600 = arith.constant 32 : index
    %get3A_1601 = tpu.vector_load %arg8[%get3A_1599, %get3A_1600] {strides = array<i32>} : memref<26x128xf32, #tpu.memory_space<vmem>>, vector<16xf32>,
    %add3A_1602 = arith.addf %add3A_1597, %get3A_1601 : vector<16xf32>
    %get3A_1603 = arith.constant 5 : i32
    %get3A_1604 = arith.index_cast %get3A_1603 : i32 to index
    %get3A_1605 = arith.constant 32 : index
    %get3A_1606 = tpu.vector_load %arg8[%get3A_1604, %get3A_1605] {strides = array<i32>} : memref<26x128xf32, #tpu.memory_space<vmem>>, vector<16xf32>,
    %add3A_1607 = arith.addf %add3A_1602, %get3A_1606 : vector<16xf32>
    %get3A_1608 = arith.constant 6 : i32
    %get3A_1609 = arith.index_cast %get3A_1608 : i32 to index
    %get3A_1610 = arith.constant 32 : index
    %get3A_1611 = tpu.vector_load %arg8[%get3A_1609, %get3A_1610] {strides = array<i32>} : memref<26x128xf32, #tpu.memory_space<vmem>>, vector<16xf32>,
    %add3A_1612 = arith.addf %add3A_1607, %get3A_1611 : vector<16xf32>
    %get3A_1613 = arith.constant 7 : i32
    %get3A_1614 = arith.index_cast %get3A_1613 : i32 to index
    %get3A_1615 = arith.constant 32 : index
    %get3A_1616 = tpu.vector_load %arg8[%get3A_1614, %get3A_1615] {strides = array<i32>} : memref<26x128xf32, #tpu.memory_space<vmem>>, vector<16xf32>,
    %add3A_1617 = arith.addf %add3A_1612, %get3A_1616 : vector<16xf32>
    %get3A_1618 = arith.constant 8 : i32
    %get3A_1619 = arith.index_cast %get3A_1618 : i32 to index
    %get3A_1620 = arith.constant 32 : index
    %get3A_1621 = tpu.vector_load %arg8[%get3A_1619, %get3A_1620] {strides = array<i32>} : memref<26x128xf32, #tpu.memory_space<vmem>>, vector<16xf32>,
    %add3A_1622 = arith.addf %add3A_1617, %get3A_1621 : vector<16xf32>
    %get3A_1623 = arith.constant 9 : i32
    %get3A_1624 = arith.index_cast %get3A_1623 : i32 to index
    %get3A_1625 = arith.constant 32 : index
    %get3A_1626 = tpu.vector_load %arg8[%get3A_1624, %get3A_1625] {strides = array<i32>} : memref<26x128xf32, #tpu.memory_space<vmem>>, vector<16xf32>,
    %add3A_1627 = arith.addf %add3A_1622, %get3A_1626 : vector<16xf32>
    %get3A_1628 = arith.constant 10 : i32
    %get3A_1629 = arith.index_cast %get3A_1628 : i32 to index
    %get3A_1630 = arith.constant 32 : index
    %get3A_1631 = tpu.vector_load %arg8[%get3A_1629, %get3A_1630] {strides = array<i32>} : memref<26x128xf32, #tpu.memory_space<vmem>>, vector<16xf32>,
    %add3A_1632 = arith.addf %add3A_1627, %get3A_1631 : vector<16xf32>
    %get3A_1633 = arith.constant 11 : i32
    %get3A_1634 = arith.index_cast %get3A_1633 : i32 to index
    %get3A_1635 = arith.constant 32 : index
    %get3A_1636 = tpu.vector_load %arg8[%get3A_1634, %get3A_1635] {strides = array<i32>} : memref<26x128xf32, #tpu.memory_space<vmem>>, vector<16xf32>,
    %add3A_1637 = arith.addf %add3A_1632, %get3A_1636 : vector<16xf32>
    %get3A_1638 = arith.constant 12 : i32
    %get3A_1639 = arith.index_cast %get3A_1638 : i32 to index
    %get3A_1640 = arith.constant 32 : index
    %get3A_1641 = tpu.vector_load %arg8[%get3A_1639, %get3A_1640] {strides = array<i32>} : memref<26x128xf32, #tpu.memory_space<vmem>>, vector<16xf32>,
    %add3A_1642 = arith.addf %add3A_1637, %get3A_1641 : vector<16xf32>
    %get3A_1643 = arith.constant 13 : i32
    %get3A_1644 = arith.index_cast %get3A_1643 : i32 to index
    %get3A_1645 = arith.constant 32 : index
    %get3A_1646 = tpu.vector_load %arg8[%get3A_1644, %get3A_1645] {strides = array<i32>} : memref<26x128xf32, #tpu.memory_space<vmem>>, vector<16xf32>,
    %add3A_1647 = arith.addf %add3A_1642, %get3A_1646 : vector<16xf32>
    %get3A_1648 = arith.constant 14 : i32
    %get3A_1649 = arith.index_cast %get3A_1648 : i32 to index
    %get3A_1650 = arith.constant 32 : index
    %get3A_1651 = tpu.vector_load %arg8[%get3A_1649, %get3A_1650] {strides = array<i32>} : memref<26x128xf32, #tpu.memory_space<vmem>>, vector<16xf32>,
    %add3A_1652 = arith.addf %add3A_1647, %get3A_1651 : vector<16xf32>
    %get3A_1653 = arith.constant 15 : i32
    %get3A_1654 = arith.index_cast %get3A_1653 : i32 to index
    %get3A_1655 = arith.constant 32 : index
    %get3A_1656 = tpu.vector_load %arg8[%get3A_1654, %get3A_1655] {strides = array<i32>} : memref<26x128xf32, #tpu.memory_space<vmem>>, vector<16xf32>,
    %add3A_1657 = arith.addf %add3A_1652, %get3A_1656 : vector<16xf32>
    %get3A_1658 = arith.constant 16 : i32
    %get3A_1659 = arith.index_cast %get3A_1658 : i32 to index
    %get3A_1660 = arith.constant 32 : index
    %get3A_1661 = tpu.vector_load %arg8[%get3A_1659, %get3A_1660] {strides = array<i32>} : memref<26x128xf32, #tpu.memory_space<vmem>>, vector<16xf32>,
    %add3A_1662 = arith.addf %add3A_1657, %get3A_1661 : vector<16xf32>
    %get3A_1663 = arith.constant 17 : i32
    %get3A_1664 = arith.index_cast %get3A_1663 : i32 to index
    %get3A_1665 = arith.constant 32 : index
    %get3A_1666 = tpu.vector_load %arg8[%get3A_1664, %get3A_1665] {strides = array<i32>} : memref<26x128xf32, #tpu.memory_space<vmem>>, vector<16xf32>,
    %add3A_1667 = arith.addf %add3A_1662, %get3A_1666 : vector<16xf32>
    %get3A_1668 = arith.constant 18 : i32
    %get3A_1669 = arith.index_cast %get3A_1668 : i32 to index
    %get3A_1670 = arith.constant 32 : index
    %get3A_1671 = tpu.vector_load %arg8[%get3A_1669, %get3A_1670] {strides = array<i32>} : memref<26x128xf32, #tpu.memory_space<vmem>>, vector<16xf32>,
    %add3A_1672 = arith.addf %add3A_1667, %get3A_1671 : vector<16xf32>
    %get3A_1673 = arith.constant 19 : i32
    %get3A_1674 = arith.index_cast %get3A_1673 : i32 to index
    %get3A_1675 = arith.constant 32 : index
    %get3A_1676 = tpu.vector_load %arg8[%get3A_1674, %get3A_1675] {strides = array<i32>} : memref<26x128xf32, #tpu.memory_space<vmem>>, vector<16xf32>,
    %add3A_1677 = arith.addf %add3A_1672, %get3A_1676 : vector<16xf32>
    %get3A_1678 = arith.constant 20 : i32
    %get3A_1679 = arith.index_cast %get3A_1678 : i32 to index
    %get3A_1680 = arith.constant 32 : index
    %get3A_1681 = tpu.vector_load %arg8[%get3A_1679, %get3A_1680] {strides = array<i32>} : memref<26x128xf32, #tpu.memory_space<vmem>>, vector<16xf32>,
    %add3A_1682 = arith.addf %add3A_1677, %get3A_1681 : vector<16xf32>
    %get3A_1683 = arith.constant 21 : i32
    %get3A_1684 = arith.index_cast %get3A_1683 : i32 to index
    %get3A_1685 = arith.constant 32 : index
    %get3A_1686 = tpu.vector_load %arg8[%get3A_1684, %get3A_1685] {strides = array<i32>} : memref<26x128xf32, #tpu.memory_space<vmem>>, vector<16xf32>,
    %add3A_1687 = arith.addf %add3A_1682, %get3A_1686 : vector<16xf32>
    %get3A_1688 = arith.constant 22 : i32
    %get3A_1689 = arith.index_cast %get3A_1688 : i32 to index
    %get3A_1690 = arith.constant 32 : index
    %get3A_1691 = tpu.vector_load %arg8[%get3A_1689, %get3A_1690] {strides = array<i32>} : memref<26x128xf32, #tpu.memory_space<vmem>>, vector<16xf32>,
    %add3A_1692 = arith.addf %add3A_1687, %get3A_1691 : vector<16xf32>
    %get3A_1693 = arith.constant 23 : i32
    %get3A_1694 = arith.index_cast %get3A_1693 : i32 to index
    %get3A_1695 = arith.constant 32 : index
    %get3A_1696 = tpu.vector_load %arg8[%get3A_1694, %get3A_1695] {strides = array<i32>} : memref<26x128xf32, #tpu.memory_space<vmem>>, vector<16xf32>,
    %add3A_1697 = arith.addf %add3A_1692, %get3A_1696 : vector<16xf32>
    %get3A_1698 = arith.constant 24 : i32
    %get3A_1699 = arith.index_cast %get3A_1698 : i32 to index
    %get3A_1700 = arith.constant 32 : index
    %get3A_1701 = tpu.vector_load %arg8[%get3A_1699, %get3A_1700] {strides = array<i32>} : memref<26x128xf32, #tpu.memory_space<vmem>>, vector<16xf32>,
    %add3A_1702 = arith.addf %add3A_1697, %get3A_1701 : vector<16xf32>
    %get3A_1703 = arith.constant 25 : i32
    %get3A_1704 = arith.index_cast %get3A_1703 : i32 to index
    %get3A_1705 = arith.constant 32 : index
    %get3A_1706 = tpu.vector_load %arg8[%get3A_1704, %get3A_1705] {strides = array<i32>} : memref<26x128xf32, #tpu.memory_space<vmem>>, vector<16xf32>,
    %add3A_1707 = arith.addf %add3A_1702, %get3A_1706 : vector<16xf32>
    %add3A_1708 = arith.constant 32 : i32
    %add3A_1709 = vector.broadcast %add3A_1708 : i32 to vector<16xi32>
    %add3A_1710 = arith.addi %iota3A, %add3A_1709 : vector<16xi32>
    %mul3A_1711 = arith.constant 16 : i32
    %mul3A_1712 = vector.broadcast %mul3A_1711 : i32 to vector<16xi32>
    %mul3A_1713 = arith.muli %add3A_1710, %mul3A_1712 : vector<16xi32>
    %add3A_1714 = arith.constant 0 : i32
    %add3A_1715 = vector.broadcast %add3A_1714 : i32 to vector<16xi32>
    %add3A_1716 = arith.addi %mul3A_1713, %add3A_1715 : vector<16xi32>
    %gather3A_1717 = tpu.vector_load_idx %arg9[%add3A_1716] : memref<2048xf32, #tpu.memory_space<vmem>>[vector<16xi32>], vector<16xf32>,
    %add3A_1718 = arith.addf %add3A_1707, %gather3A_1717 : vector<16xf32>
    %add3A_1719 = arith.constant 1 : i32
    %add3A_1720 = vector.broadcast %add3A_1719 : i32 to vector<16xi32>
    %add3A_1721 = arith.addi %mul3A_1713, %add3A_1720 : vector<16xi32>
    %gather3A_1722 = tpu.vector_load_idx %arg9[%add3A_1721] : memref<2048xf32, #tpu.memory_space<vmem>>[vector<16xi32>], vector<16xf32>,
    %add3A_1723 = arith.addf %add3A_1718, %gather3A_1722 : vector<16xf32>
    %add3A_1724 = arith.constant 2 : i32
    %add3A_1725 = vector.broadcast %add3A_1724 : i32 to vector<16xi32>
    %add3A_1726 = arith.addi %mul3A_1713, %add3A_1725 : vector<16xi32>
    %gather3A_1727 = tpu.vector_load_idx %arg9[%add3A_1726] : memref<2048xf32, #tpu.memory_space<vmem>>[vector<16xi32>], vector<16xf32>,
    %add3A_1728 = arith.addf %add3A_1723, %gather3A_1727 : vector<16xf32>
    %add3A_1729 = arith.constant 3 : i32
    %add3A_1730 = vector.broadcast %add3A_1729 : i32 to vector<16xi32>
    %add3A_1731 = arith.addi %mul3A_1713, %add3A_1730 : vector<16xi32>
    %gather3A_1732 = tpu.vector_load_idx %arg9[%add3A_1731] : memref<2048xf32, #tpu.memory_space<vmem>>[vector<16xi32>], vector<16xf32>,
    %add3A_1733 = arith.addf %add3A_1728, %gather3A_1732 : vector<16xf32>
    %add3A_1734 = arith.constant 4 : i32
    %add3A_1735 = vector.broadcast %add3A_1734 : i32 to vector<16xi32>
    %add3A_1736 = arith.addi %mul3A_1713, %add3A_1735 : vector<16xi32>
    %gather3A_1737 = tpu.vector_load_idx %arg9[%add3A_1736] : memref<2048xf32, #tpu.memory_space<vmem>>[vector<16xi32>], vector<16xf32>,
    %add3A_1738 = arith.addf %add3A_1733, %gather3A_1737 : vector<16xf32>
    %add3A_1739 = arith.constant 5 : i32
    %add3A_1740 = vector.broadcast %add3A_1739 : i32 to vector<16xi32>
    %add3A_1741 = arith.addi %mul3A_1713, %add3A_1740 : vector<16xi32>
    %gather3A_1742 = tpu.vector_load_idx %arg9[%add3A_1741] : memref<2048xf32, #tpu.memory_space<vmem>>[vector<16xi32>], vector<16xf32>,
    %add3A_1743 = arith.addf %add3A_1738, %gather3A_1742 : vector<16xf32>
    %add3A_1744 = arith.constant 6 : i32
    %add3A_1745 = vector.broadcast %add3A_1744 : i32 to vector<16xi32>
    %add3A_1746 = arith.addi %mul3A_1713, %add3A_1745 : vector<16xi32>
    %gather3A_1747 = tpu.vector_load_idx %arg9[%add3A_1746] : memref<2048xf32, #tpu.memory_space<vmem>>[vector<16xi32>], vector<16xf32>,
    %add3A_1748 = arith.addf %add3A_1743, %gather3A_1747 : vector<16xf32>
    %add3A_1749 = arith.constant 7 : i32
    %add3A_1750 = vector.broadcast %add3A_1749 : i32 to vector<16xi32>
    %add3A_1751 = arith.addi %mul3A_1713, %add3A_1750 : vector<16xi32>
    %gather3A_1752 = tpu.vector_load_idx %arg9[%add3A_1751] : memref<2048xf32, #tpu.memory_space<vmem>>[vector<16xi32>], vector<16xf32>,
    %add3A_1753 = arith.addf %add3A_1748, %gather3A_1752 : vector<16xf32>
    %add3A_1754 = arith.constant 8 : i32
    %add3A_1755 = vector.broadcast %add3A_1754 : i32 to vector<16xi32>
    %add3A_1756 = arith.addi %mul3A_1713, %add3A_1755 : vector<16xi32>
    %gather3A_1757 = tpu.vector_load_idx %arg9[%add3A_1756] : memref<2048xf32, #tpu.memory_space<vmem>>[vector<16xi32>], vector<16xf32>,
    %add3A_1758 = arith.addf %add3A_1753, %gather3A_1757 : vector<16xf32>
    %add3A_1759 = arith.constant 9 : i32
    %add3A_1760 = vector.broadcast %add3A_1759 : i32 to vector<16xi32>
    %add3A_1761 = arith.addi %mul3A_1713, %add3A_1760 : vector<16xi32>
    %gather3A_1762 = tpu.vector_load_idx %arg9[%add3A_1761] : memref<2048xf32, #tpu.memory_space<vmem>>[vector<16xi32>], vector<16xf32>,
    %add3A_1763 = arith.addf %add3A_1758, %gather3A_1762 : vector<16xf32>
    %add3A_1764 = arith.constant 10 : i32
    %add3A_1765 = vector.broadcast %add3A_1764 : i32 to vector<16xi32>
    %add3A_1766 = arith.addi %mul3A_1713, %add3A_1765 : vector<16xi32>
    %gather3A_1767 = tpu.vector_load_idx %arg9[%add3A_1766] : memref<2048xf32, #tpu.memory_space<vmem>>[vector<16xi32>], vector<16xf32>,
    %add3A_1768 = arith.addf %add3A_1763, %gather3A_1767 : vector<16xf32>
    %add3A_1769 = arith.constant 11 : i32
    %add3A_1770 = vector.broadcast %add3A_1769 : i32 to vector<16xi32>
    %add3A_1771 = arith.addi %mul3A_1713, %add3A_1770 : vector<16xi32>
    %gather3A_1772 = tpu.vector_load_idx %arg9[%add3A_1771] : memref<2048xf32, #tpu.memory_space<vmem>>[vector<16xi32>], vector<16xf32>,
    %add3A_1773 = arith.addf %add3A_1768, %gather3A_1772 : vector<16xf32>
    %add3A_1774 = arith.constant 12 : i32
    %add3A_1775 = vector.broadcast %add3A_1774 : i32 to vector<16xi32>
    %add3A_1776 = arith.addi %mul3A_1713, %add3A_1775 : vector<16xi32>
    %gather3A_1777 = tpu.vector_load_idx %arg9[%add3A_1776] : memref<2048xf32, #tpu.memory_space<vmem>>[vector<16xi32>], vector<16xf32>,
    %add3A_1778 = arith.addf %add3A_1773, %gather3A_1777 : vector<16xf32>
    %add3A_1779 = arith.constant 13 : i32
    %add3A_1780 = vector.broadcast %add3A_1779 : i32 to vector<16xi32>
    %add3A_1781 = arith.addi %mul3A_1713, %add3A_1780 : vector<16xi32>
    %gather3A_1782 = tpu.vector_load_idx %arg9[%add3A_1781] : memref<2048xf32, #tpu.memory_space<vmem>>[vector<16xi32>], vector<16xf32>,
    %add3A_1783 = arith.addf %add3A_1778, %gather3A_1782 : vector<16xf32>
    %add3A_1784 = arith.constant 14 : i32
    %add3A_1785 = vector.broadcast %add3A_1784 : i32 to vector<16xi32>
    %add3A_1786 = arith.addi %mul3A_1713, %add3A_1785 : vector<16xi32>
    %gather3A_1787 = tpu.vector_load_idx %arg9[%add3A_1786] : memref<2048xf32, #tpu.memory_space<vmem>>[vector<16xi32>], vector<16xf32>,
    %add3A_1788 = arith.addf %add3A_1783, %gather3A_1787 : vector<16xf32>
    %add3A_1789 = arith.constant 15 : i32
    %add3A_1790 = vector.broadcast %add3A_1789 : i32 to vector<16xi32>
    %add3A_1791 = arith.addi %mul3A_1713, %add3A_1790 : vector<16xi32>
    %gather3A_1792 = tpu.vector_load_idx %arg9[%add3A_1791] : memref<2048xf32, #tpu.memory_space<vmem>>[vector<16xi32>], vector<16xf32>,
    %add3A_1793 = arith.addf %add3A_1788, %gather3A_1792 : vector<16xf32>
    %swap3A_1794 = arith.constant 32 : index
    %swap3A_1795 = tpu.vector_load %arg10[%swap3A_1794] {strides = array<i32>} : memref<128xf32, #tpu.memory_space<vmem>>, vector<16xf32>,
    tpu.vector_store %arg10[%swap3A_1794], %add3A_1793 {strides = array<i32>} : memref<128xf32, #tpu.memory_space<vmem>>, vector<16xf32>,
    %get3A_1796 = arith.constant 0 : i32
    %get3A_1797 = arith.index_cast %get3A_1796 : i32 to index
    %get3A_1798 = arith.constant 48 : index
    %get3A_1799 = tpu.vector_load %arg8[%get3A_1797, %get3A_1798] {strides = array<i32>} : memref<26x128xf32, #tpu.memory_space<vmem>>, vector<16xf32>,
    %get3A_1800 = arith.constant 1 : i32
    %get3A_1801 = arith.index_cast %get3A_1800 : i32 to index
    %get3A_1802 = arith.constant 48 : index
    %get3A_1803 = tpu.vector_load %arg8[%get3A_1801, %get3A_1802] {strides = array<i32>} : memref<26x128xf32, #tpu.memory_space<vmem>>, vector<16xf32>,
    %add3A_1804 = arith.addf %get3A_1799, %get3A_1803 : vector<16xf32>
    %get3A_1805 = arith.constant 2 : i32
    %get3A_1806 = arith.index_cast %get3A_1805 : i32 to index
    %get3A_1807 = arith.constant 48 : index
    %get3A_1808 = tpu.vector_load %arg8[%get3A_1806, %get3A_1807] {strides = array<i32>} : memref<26x128xf32, #tpu.memory_space<vmem>>, vector<16xf32>,
    %add3A_1809 = arith.addf %add3A_1804, %get3A_1808 : vector<16xf32>
    %get3A_1810 = arith.constant 3 : i32
    %get3A_1811 = arith.index_cast %get3A_1810 : i32 to index
    %get3A_1812 = arith.constant 48 : index
    %get3A_1813 = tpu.vector_load %arg8[%get3A_1811, %get3A_1812] {strides = array<i32>} : memref<26x128xf32, #tpu.memory_space<vmem>>, vector<16xf32>,
    %add3A_1814 = arith.addf %add3A_1809, %get3A_1813 : vector<16xf32>
    %get3A_1815 = arith.constant 4 : i32
    %get3A_1816 = arith.index_cast %get3A_1815 : i32 to index
    %get3A_1817 = arith.constant 48 : index
    %get3A_1818 = tpu.vector_load %arg8[%get3A_1816, %get3A_1817] {strides = array<i32>} : memref<26x128xf32, #tpu.memory_space<vmem>>, vector<16xf32>,
    %add3A_1819 = arith.addf %add3A_1814, %get3A_1818 : vector<16xf32>
    %get3A_1820 = arith.constant 5 : i32
    %get3A_1821 = arith.index_cast %get3A_1820 : i32 to index
    %get3A_1822 = arith.constant 48 : index
    %get3A_1823 = tpu.vector_load %arg8[%get3A_1821, %get3A_1822] {strides = array<i32>} : memref<26x128xf32, #tpu.memory_space<vmem>>, vector<16xf32>,
    %add3A_1824 = arith.addf %add3A_1819, %get3A_1823 : vector<16xf32>
    %get3A_1825 = arith.constant 6 : i32
    %get3A_1826 = arith.index_cast %get3A_1825 : i32 to index
    %get3A_1827 = arith.constant 48 : index
    %get3A_1828 = tpu.vector_load %arg8[%get3A_1826, %get3A_1827] {strides = array<i32>} : memref<26x128xf32, #tpu.memory_space<vmem>>, vector<16xf32>,
    %add3A_1829 = arith.addf %add3A_1824, %get3A_1828 : vector<16xf32>
    %get3A_1830 = arith.constant 7 : i32
    %get3A_1831 = arith.index_cast %get3A_1830 : i32 to index
    %get3A_1832 = arith.constant 48 : index
    %get3A_1833 = tpu.vector_load %arg8[%get3A_1831, %get3A_1832] {strides = array<i32>} : memref<26x128xf32, #tpu.memory_space<vmem>>, vector<16xf32>,
    %add3A_1834 = arith.addf %add3A_1829, %get3A_1833 : vector<16xf32>
    %get3A_1835 = arith.constant 8 : i32
    %get3A_1836 = arith.index_cast %get3A_1835 : i32 to index
    %get3A_1837 = arith.constant 48 : index
    %get3A_1838 = tpu.vector_load %arg8[%get3A_1836, %get3A_1837] {strides = array<i32>} : memref<26x128xf32, #tpu.memory_space<vmem>>, vector<16xf32>,
    %add3A_1839 = arith.addf %add3A_1834, %get3A_1838 : vector<16xf32>
    %get3A_1840 = arith.constant 9 : i32
    %get3A_1841 = arith.index_cast %get3A_1840 : i32 to index
    %get3A_1842 = arith.constant 48 : index
    %get3A_1843 = tpu.vector_load %arg8[%get3A_1841, %get3A_1842] {strides = array<i32>} : memref<26x128xf32, #tpu.memory_space<vmem>>, vector<16xf32>,
    %add3A_1844 = arith.addf %add3A_1839, %get3A_1843 : vector<16xf32>
    %get3A_1845 = arith.constant 10 : i32
    %get3A_1846 = arith.index_cast %get3A_1845 : i32 to index
    %get3A_1847 = arith.constant 48 : index
    %get3A_1848 = tpu.vector_load %arg8[%get3A_1846, %get3A_1847] {strides = array<i32>} : memref<26x128xf32, #tpu.memory_space<vmem>>, vector<16xf32>,
    %add3A_1849 = arith.addf %add3A_1844, %get3A_1848 : vector<16xf32>
    %get3A_1850 = arith.constant 11 : i32
    %get3A_1851 = arith.index_cast %get3A_1850 : i32 to index
    %get3A_1852 = arith.constant 48 : index
    %get3A_1853 = tpu.vector_load %arg8[%get3A_1851, %get3A_1852] {strides = array<i32>} : memref<26x128xf32, #tpu.memory_space<vmem>>, vector<16xf32>,
    %add3A_1854 = arith.addf %add3A_1849, %get3A_1853 : vector<16xf32>
    %get3A_1855 = arith.constant 12 : i32
    %get3A_1856 = arith.index_cast %get3A_1855 : i32 to index
    %get3A_1857 = arith.constant 48 : index
    %get3A_1858 = tpu.vector_load %arg8[%get3A_1856, %get3A_1857] {strides = array<i32>} : memref<26x128xf32, #tpu.memory_space<vmem>>, vector<16xf32>,
    %add3A_1859 = arith.addf %add3A_1854, %get3A_1858 : vector<16xf32>
    %get3A_1860 = arith.constant 13 : i32
    %get3A_1861 = arith.index_cast %get3A_1860 : i32 to index
    %get3A_1862 = arith.constant 48 : index
    %get3A_1863 = tpu.vector_load %arg8[%get3A_1861, %get3A_1862] {strides = array<i32>} : memref<26x128xf32, #tpu.memory_space<vmem>>, vector<16xf32>,
    %add3A_1864 = arith.addf %add3A_1859, %get3A_1863 : vector<16xf32>
    %get3A_1865 = arith.constant 14 : i32
    %get3A_1866 = arith.index_cast %get3A_1865 : i32 to index
    %get3A_1867 = arith.constant 48 : index
    %get3A_1868 = tpu.vector_load %arg8[%get3A_1866, %get3A_1867] {strides = array<i32>} : memref<26x128xf32, #tpu.memory_space<vmem>>, vector<16xf32>,
    %add3A_1869 = arith.addf %add3A_1864, %get3A_1868 : vector<16xf32>
    %get3A_1870 = arith.constant 15 : i32
    %get3A_1871 = arith.index_cast %get3A_1870 : i32 to index
    %get3A_1872 = arith.constant 48 : index
    %get3A_1873 = tpu.vector_load %arg8[%get3A_1871, %get3A_1872] {strides = array<i32>} : memref<26x128xf32, #tpu.memory_space<vmem>>, vector<16xf32>,
    %add3A_1874 = arith.addf %add3A_1869, %get3A_1873 : vector<16xf32>
    %get3A_1875 = arith.constant 16 : i32
    %get3A_1876 = arith.index_cast %get3A_1875 : i32 to index
    %get3A_1877 = arith.constant 48 : index
    %get3A_1878 = tpu.vector_load %arg8[%get3A_1876, %get3A_1877] {strides = array<i32>} : memref<26x128xf32, #tpu.memory_space<vmem>>, vector<16xf32>,
    %add3A_1879 = arith.addf %add3A_1874, %get3A_1878 : vector<16xf32>
    %get3A_1880 = arith.constant 17 : i32
    %get3A_1881 = arith.index_cast %get3A_1880 : i32 to index
    %get3A_1882 = arith.constant 48 : index
    %get3A_1883 = tpu.vector_load %arg8[%get3A_1881, %get3A_1882] {strides = array<i32>} : memref<26x128xf32, #tpu.memory_space<vmem>>, vector<16xf32>,
    %add3A_1884 = arith.addf %add3A_1879, %get3A_1883 : vector<16xf32>
    %get3A_1885 = arith.constant 18 : i32
    %get3A_1886 = arith.index_cast %get3A_1885 : i32 to index
    %get3A_1887 = arith.constant 48 : index
    %get3A_1888 = tpu.vector_load %arg8[%get3A_1886, %get3A_1887] {strides = array<i32>} : memref<26x128xf32, #tpu.memory_space<vmem>>, vector<16xf32>,
    %add3A_1889 = arith.addf %add3A_1884, %get3A_1888 : vector<16xf32>
    %get3A_1890 = arith.constant 19 : i32
    %get3A_1891 = arith.index_cast %get3A_1890 : i32 to index
    %get3A_1892 = arith.constant 48 : index
    %get3A_1893 = tpu.vector_load %arg8[%get3A_1891, %get3A_1892] {strides = array<i32>} : memref<26x128xf32, #tpu.memory_space<vmem>>, vector<16xf32>,
    %add3A_1894 = arith.addf %add3A_1889, %get3A_1893 : vector<16xf32>
    %get3A_1895 = arith.constant 20 : i32
    %get3A_1896 = arith.index_cast %get3A_1895 : i32 to index
    %get3A_1897 = arith.constant 48 : index
    %get3A_1898 = tpu.vector_load %arg8[%get3A_1896, %get3A_1897] {strides = array<i32>} : memref<26x128xf32, #tpu.memory_space<vmem>>, vector<16xf32>,
    %add3A_1899 = arith.addf %add3A_1894, %get3A_1898 : vector<16xf32>
    %get3A_1900 = arith.constant 21 : i32
    %get3A_1901 = arith.index_cast %get3A_1900 : i32 to index
    %get3A_1902 = arith.constant 48 : index
    %get3A_1903 = tpu.vector_load %arg8[%get3A_1901, %get3A_1902] {strides = array<i32>} : memref<26x128xf32, #tpu.memory_space<vmem>>, vector<16xf32>,
    %add3A_1904 = arith.addf %add3A_1899, %get3A_1903 : vector<16xf32>
    %get3A_1905 = arith.constant 22 : i32
    %get3A_1906 = arith.index_cast %get3A_1905 : i32 to index
    %get3A_1907 = arith.constant 48 : index
    %get3A_1908 = tpu.vector_load %arg8[%get3A_1906, %get3A_1907] {strides = array<i32>} : memref<26x128xf32, #tpu.memory_space<vmem>>, vector<16xf32>,
    %add3A_1909 = arith.addf %add3A_1904, %get3A_1908 : vector<16xf32>
    %get3A_1910 = arith.constant 23 : i32
    %get3A_1911 = arith.index_cast %get3A_1910 : i32 to index
    %get3A_1912 = arith.constant 48 : index
    %get3A_1913 = tpu.vector_load %arg8[%get3A_1911, %get3A_1912] {strides = array<i32>} : memref<26x128xf32, #tpu.memory_space<vmem>>, vector<16xf32>,
    %add3A_1914 = arith.addf %add3A_1909, %get3A_1913 : vector<16xf32>
    %get3A_1915 = arith.constant 24 : i32
    %get3A_1916 = arith.index_cast %get3A_1915 : i32 to index
    %get3A_1917 = arith.constant 48 : index
    %get3A_1918 = tpu.vector_load %arg8[%get3A_1916, %get3A_1917] {strides = array<i32>} : memref<26x128xf32, #tpu.memory_space<vmem>>, vector<16xf32>,
    %add3A_1919 = arith.addf %add3A_1914, %get3A_1918 : vector<16xf32>
    %get3A_1920 = arith.constant 25 : i32
    %get3A_1921 = arith.index_cast %get3A_1920 : i32 to index
    %get3A_1922 = arith.constant 48 : index
    %get3A_1923 = tpu.vector_load %arg8[%get3A_1921, %get3A_1922] {strides = array<i32>} : memref<26x128xf32, #tpu.memory_space<vmem>>, vector<16xf32>,
    %add3A_1924 = arith.addf %add3A_1919, %get3A_1923 : vector<16xf32>
    %add3A_1925 = arith.constant 48 : i32
    %add3A_1926 = vector.broadcast %add3A_1925 : i32 to vector<16xi32>
    %add3A_1927 = arith.addi %iota3A, %add3A_1926 : vector<16xi32>
    %mul3A_1928 = arith.constant 16 : i32
    %mul3A_1929 = vector.broadcast %mul3A_1928 : i32 to vector<16xi32>
    %mul3A_1930 = arith.muli %add3A_1927, %mul3A_1929 : vector<16xi32>
    %add3A_1931 = arith.constant 0 : i32
    %add3A_1932 = vector.broadcast %add3A_1931 : i32 to vector<16xi32>
    %add3A_1933 = arith.addi %mul3A_1930, %add3A_1932 : vector<16xi32>
    %gather3A_1934 = tpu.vector_load_idx %arg9[%add3A_1933] : memref<2048xf32, #tpu.memory_space<vmem>>[vector<16xi32>], vector<16xf32>,
    %add3A_1935 = arith.addf %add3A_1924, %gather3A_1934 : vector<16xf32>
    %add3A_1936 = arith.constant 1 : i32
    %add3A_1937 = vector.broadcast %add3A_1936 : i32 to vector<16xi32>
    %add3A_1938 = arith.addi %mul3A_1930, %add3A_1937 : vector<16xi32>
    %gather3A_1939 = tpu.vector_load_idx %arg9[%add3A_1938] : memref<2048xf32, #tpu.memory_space<vmem>>[vector<16xi32>], vector<16xf32>,
    %add3A_1940 = arith.addf %add3A_1935, %gather3A_1939 : vector<16xf32>
    %add3A_1941 = arith.constant 2 : i32
    %add3A_1942 = vector.broadcast %add3A_1941 : i32 to vector<16xi32>
    %add3A_1943 = arith.addi %mul3A_1930, %add3A_1942 : vector<16xi32>
    %gather3A_1944 = tpu.vector_load_idx %arg9[%add3A_1943] : memref<2048xf32, #tpu.memory_space<vmem>>[vector<16xi32>], vector<16xf32>,
    %add3A_1945 = arith.addf %add3A_1940, %gather3A_1944 : vector<16xf32>
    %add3A_1946 = arith.constant 3 : i32
    %add3A_1947 = vector.broadcast %add3A_1946 : i32 to vector<16xi32>
    %add3A_1948 = arith.addi %mul3A_1930, %add3A_1947 : vector<16xi32>
    %gather3A_1949 = tpu.vector_load_idx %arg9[%add3A_1948] : memref<2048xf32, #tpu.memory_space<vmem>>[vector<16xi32>], vector<16xf32>,
    %add3A_1950 = arith.addf %add3A_1945, %gather3A_1949 : vector<16xf32>
    %add3A_1951 = arith.constant 4 : i32
    %add3A_1952 = vector.broadcast %add3A_1951 : i32 to vector<16xi32>
    %add3A_1953 = arith.addi %mul3A_1930, %add3A_1952 : vector<16xi32>
    %gather3A_1954 = tpu.vector_load_idx %arg9[%add3A_1953] : memref<2048xf32, #tpu.memory_space<vmem>>[vector<16xi32>], vector<16xf32>,
    %add3A_1955 = arith.addf %add3A_1950, %gather3A_1954 : vector<16xf32>
    %add3A_1956 = arith.constant 5 : i32
    %add3A_1957 = vector.broadcast %add3A_1956 : i32 to vector<16xi32>
    %add3A_1958 = arith.addi %mul3A_1930, %add3A_1957 : vector<16xi32>
    %gather3A_1959 = tpu.vector_load_idx %arg9[%add3A_1958] : memref<2048xf32, #tpu.memory_space<vmem>>[vector<16xi32>], vector<16xf32>,
    %add3A_1960 = arith.addf %add3A_1955, %gather3A_1959 : vector<16xf32>
    %add3A_1961 = arith.constant 6 : i32
    %add3A_1962 = vector.broadcast %add3A_1961 : i32 to vector<16xi32>
    %add3A_1963 = arith.addi %mul3A_1930, %add3A_1962 : vector<16xi32>
    %gather3A_1964 = tpu.vector_load_idx %arg9[%add3A_1963] : memref<2048xf32, #tpu.memory_space<vmem>>[vector<16xi32>], vector<16xf32>,
    %add3A_1965 = arith.addf %add3A_1960, %gather3A_1964 : vector<16xf32>
    %add3A_1966 = arith.constant 7 : i32
    %add3A_1967 = vector.broadcast %add3A_1966 : i32 to vector<16xi32>
    %add3A_1968 = arith.addi %mul3A_1930, %add3A_1967 : vector<16xi32>
    %gather3A_1969 = tpu.vector_load_idx %arg9[%add3A_1968] : memref<2048xf32, #tpu.memory_space<vmem>>[vector<16xi32>], vector<16xf32>,
    %add3A_1970 = arith.addf %add3A_1965, %gather3A_1969 : vector<16xf32>
    %add3A_1971 = arith.constant 8 : i32
    %add3A_1972 = vector.broadcast %add3A_1971 : i32 to vector<16xi32>
    %add3A_1973 = arith.addi %mul3A_1930, %add3A_1972 : vector<16xi32>
    %gather3A_1974 = tpu.vector_load_idx %arg9[%add3A_1973] : memref<2048xf32, #tpu.memory_space<vmem>>[vector<16xi32>], vector<16xf32>,
    %add3A_1975 = arith.addf %add3A_1970, %gather3A_1974 : vector<16xf32>
    %add3A_1976 = arith.constant 9 : i32
    %add3A_1977 = vector.broadcast %add3A_1976 : i32 to vector<16xi32>
    %add3A_1978 = arith.addi %mul3A_1930, %add3A_1977 : vector<16xi32>
    %gather3A_1979 = tpu.vector_load_idx %arg9[%add3A_1978] : memref<2048xf32, #tpu.memory_space<vmem>>[vector<16xi32>], vector<16xf32>,
    %add3A_1980 = arith.addf %add3A_1975, %gather3A_1979 : vector<16xf32>
    %add3A_1981 = arith.constant 10 : i32
    %add3A_1982 = vector.broadcast %add3A_1981 : i32 to vector<16xi32>
    %add3A_1983 = arith.addi %mul3A_1930, %add3A_1982 : vector<16xi32>
    %gather3A_1984 = tpu.vector_load_idx %arg9[%add3A_1983] : memref<2048xf32, #tpu.memory_space<vmem>>[vector<16xi32>], vector<16xf32>,
    %add3A_1985 = arith.addf %add3A_1980, %gather3A_1984 : vector<16xf32>
    %add3A_1986 = arith.constant 11 : i32
    %add3A_1987 = vector.broadcast %add3A_1986 : i32 to vector<16xi32>
    %add3A_1988 = arith.addi %mul3A_1930, %add3A_1987 : vector<16xi32>
    %gather3A_1989 = tpu.vector_load_idx %arg9[%add3A_1988] : memref<2048xf32, #tpu.memory_space<vmem>>[vector<16xi32>], vector<16xf32>,
    %add3A_1990 = arith.addf %add3A_1985, %gather3A_1989 : vector<16xf32>
    %add3A_1991 = arith.constant 12 : i32
    %add3A_1992 = vector.broadcast %add3A_1991 : i32 to vector<16xi32>
    %add3A_1993 = arith.addi %mul3A_1930, %add3A_1992 : vector<16xi32>
    %gather3A_1994 = tpu.vector_load_idx %arg9[%add3A_1993] : memref<2048xf32, #tpu.memory_space<vmem>>[vector<16xi32>], vector<16xf32>,
    %add3A_1995 = arith.addf %add3A_1990, %gather3A_1994 : vector<16xf32>
    %add3A_1996 = arith.constant 13 : i32
    %add3A_1997 = vector.broadcast %add3A_1996 : i32 to vector<16xi32>
    %add3A_1998 = arith.addi %mul3A_1930, %add3A_1997 : vector<16xi32>
    %gather3A_1999 = tpu.vector_load_idx %arg9[%add3A_1998] : memref<2048xf32, #tpu.memory_space<vmem>>[vector<16xi32>], vector<16xf32>,
    %add3A_2000 = arith.addf %add3A_1995, %gather3A_1999 : vector<16xf32>
    %add3A_2001 = arith.constant 14 : i32
    %add3A_2002 = vector.broadcast %add3A_2001 : i32 to vector<16xi32>
    %add3A_2003 = arith.addi %mul3A_1930, %add3A_2002 : vector<16xi32>
    %gather3A_2004 = tpu.vector_load_idx %arg9[%add3A_2003] : memref<2048xf32, #tpu.memory_space<vmem>>[vector<16xi32>], vector<16xf32>,
    %add3A_2005 = arith.addf %add3A_2000, %gather3A_2004 : vector<16xf32>
    %add3A_2006 = arith.constant 15 : i32
    %add3A_2007 = vector.broadcast %add3A_2006 : i32 to vector<16xi32>
    %add3A_2008 = arith.addi %mul3A_1930, %add3A_2007 : vector<16xi32>
    %gather3A_2009 = tpu.vector_load_idx %arg9[%add3A_2008] : memref<2048xf32, #tpu.memory_space<vmem>>[vector<16xi32>], vector<16xf32>,
    %add3A_2010 = arith.addf %add3A_2005, %gather3A_2009 : vector<16xf32>
    %swap3A_2011 = arith.constant 48 : index
    %swap3A_2012 = tpu.vector_load %arg10[%swap3A_2011] {strides = array<i32>} : memref<128xf32, #tpu.memory_space<vmem>>, vector<16xf32>,
    tpu.vector_store %arg10[%swap3A_2011], %add3A_2010 {strides = array<i32>} : memref<128xf32, #tpu.memory_space<vmem>>, vector<16xf32>,
    %get3A_2013 = arith.constant 0 : i32
    %get3A_2014 = arith.index_cast %get3A_2013 : i32 to index
    %get3A_2015 = arith.constant 64 : index
    %get3A_2016 = tpu.vector_load %arg8[%get3A_2014, %get3A_2015] {strides = array<i32>} : memref<26x128xf32, #tpu.memory_space<vmem>>, vector<16xf32>,
    %get3A_2017 = arith.constant 1 : i32
    %get3A_2018 = arith.index_cast %get3A_2017 : i32 to index
    %get3A_2019 = arith.constant 64 : index
    %get3A_2020 = tpu.vector_load %arg8[%get3A_2018, %get3A_2019] {strides = array<i32>} : memref<26x128xf32, #tpu.memory_space<vmem>>, vector<16xf32>,
    %add3A_2021 = arith.addf %get3A_2016, %get3A_2020 : vector<16xf32>
    %get3A_2022 = arith.constant 2 : i32
    %get3A_2023 = arith.index_cast %get3A_2022 : i32 to index
    %get3A_2024 = arith.constant 64 : index
    %get3A_2025 = tpu.vector_load %arg8[%get3A_2023, %get3A_2024] {strides = array<i32>} : memref<26x128xf32, #tpu.memory_space<vmem>>, vector<16xf32>,
    %add3A_2026 = arith.addf %add3A_2021, %get3A_2025 : vector<16xf32>
    %get3A_2027 = arith.constant 3 : i32
    %get3A_2028 = arith.index_cast %get3A_2027 : i32 to index
    %get3A_2029 = arith.constant 64 : index
    %get3A_2030 = tpu.vector_load %arg8[%get3A_2028, %get3A_2029] {strides = array<i32>} : memref<26x128xf32, #tpu.memory_space<vmem>>, vector<16xf32>,
    %add3A_2031 = arith.addf %add3A_2026, %get3A_2030 : vector<16xf32>
    %get3A_2032 = arith.constant 4 : i32
    %get3A_2033 = arith.index_cast %get3A_2032 : i32 to index
    %get3A_2034 = arith.constant 64 : index
    %get3A_2035 = tpu.vector_load %arg8[%get3A_2033, %get3A_2034] {strides = array<i32>} : memref<26x128xf32, #tpu.memory_space<vmem>>, vector<16xf32>,
    %add3A_2036 = arith.addf %add3A_2031, %get3A_2035 : vector<16xf32>
    %get3A_2037 = arith.constant 5 : i32
    %get3A_2038 = arith.index_cast %get3A_2037 : i32 to index
    %get3A_2039 = arith.constant 64 : index
    %get3A_2040 = tpu.vector_load %arg8[%get3A_2038, %get3A_2039] {strides = array<i32>} : memref<26x128xf32, #tpu.memory_space<vmem>>, vector<16xf32>,
    %add3A_2041 = arith.addf %add3A_2036, %get3A_2040 : vector<16xf32>
    %get3A_2042 = arith.constant 6 : i32
    %get3A_2043 = arith.index_cast %get3A_2042 : i32 to index
    %get3A_2044 = arith.constant 64 : index
    %get3A_2045 = tpu.vector_load %arg8[%get3A_2043, %get3A_2044] {strides = array<i32>} : memref<26x128xf32, #tpu.memory_space<vmem>>, vector<16xf32>,
    %add3A_2046 = arith.addf %add3A_2041, %get3A_2045 : vector<16xf32>
    %get3A_2047 = arith.constant 7 : i32
    %get3A_2048 = arith.index_cast %get3A_2047 : i32 to index
    %get3A_2049 = arith.constant 64 : index
    %get3A_2050 = tpu.vector_load %arg8[%get3A_2048, %get3A_2049] {strides = array<i32>} : memref<26x128xf32, #tpu.memory_space<vmem>>, vector<16xf32>,
    %add3A_2051 = arith.addf %add3A_2046, %get3A_2050 : vector<16xf32>
    %get3A_2052 = arith.constant 8 : i32
    %get3A_2053 = arith.index_cast %get3A_2052 : i32 to index
    %get3A_2054 = arith.constant 64 : index
    %get3A_2055 = tpu.vector_load %arg8[%get3A_2053, %get3A_2054] {strides = array<i32>} : memref<26x128xf32, #tpu.memory_space<vmem>>, vector<16xf32>,
    %add3A_2056 = arith.addf %add3A_2051, %get3A_2055 : vector<16xf32>
    %get3A_2057 = arith.constant 9 : i32
    %get3A_2058 = arith.index_cast %get3A_2057 : i32 to index
    %get3A_2059 = arith.constant 64 : index
    %get3A_2060 = tpu.vector_load %arg8[%get3A_2058, %get3A_2059] {strides = array<i32>} : memref<26x128xf32, #tpu.memory_space<vmem>>, vector<16xf32>,
    %add3A_2061 = arith.addf %add3A_2056, %get3A_2060 : vector<16xf32>
    %get3A_2062 = arith.constant 10 : i32
    %get3A_2063 = arith.index_cast %get3A_2062 : i32 to index
    %get3A_2064 = arith.constant 64 : index
    %get3A_2065 = tpu.vector_load %arg8[%get3A_2063, %get3A_2064] {strides = array<i32>} : memref<26x128xf32, #tpu.memory_space<vmem>>, vector<16xf32>,
    %add3A_2066 = arith.addf %add3A_2061, %get3A_2065 : vector<16xf32>
    %get3A_2067 = arith.constant 11 : i32
    %get3A_2068 = arith.index_cast %get3A_2067 : i32 to index
    %get3A_2069 = arith.constant 64 : index
    %get3A_2070 = tpu.vector_load %arg8[%get3A_2068, %get3A_2069] {strides = array<i32>} : memref<26x128xf32, #tpu.memory_space<vmem>>, vector<16xf32>,
    %add3A_2071 = arith.addf %add3A_2066, %get3A_2070 : vector<16xf32>
    %get3A_2072 = arith.constant 12 : i32
    %get3A_2073 = arith.index_cast %get3A_2072 : i32 to index
    %get3A_2074 = arith.constant 64 : index
    %get3A_2075 = tpu.vector_load %arg8[%get3A_2073, %get3A_2074] {strides = array<i32>} : memref<26x128xf32, #tpu.memory_space<vmem>>, vector<16xf32>,
    %add3A_2076 = arith.addf %add3A_2071, %get3A_2075 : vector<16xf32>
    %get3A_2077 = arith.constant 13 : i32
    %get3A_2078 = arith.index_cast %get3A_2077 : i32 to index
    %get3A_2079 = arith.constant 64 : index
    %get3A_2080 = tpu.vector_load %arg8[%get3A_2078, %get3A_2079] {strides = array<i32>} : memref<26x128xf32, #tpu.memory_space<vmem>>, vector<16xf32>,
    %add3A_2081 = arith.addf %add3A_2076, %get3A_2080 : vector<16xf32>
    %get3A_2082 = arith.constant 14 : i32
    %get3A_2083 = arith.index_cast %get3A_2082 : i32 to index
    %get3A_2084 = arith.constant 64 : index
    %get3A_2085 = tpu.vector_load %arg8[%get3A_2083, %get3A_2084] {strides = array<i32>} : memref<26x128xf32, #tpu.memory_space<vmem>>, vector<16xf32>,
    %add3A_2086 = arith.addf %add3A_2081, %get3A_2085 : vector<16xf32>
    %get3A_2087 = arith.constant 15 : i32
    %get3A_2088 = arith.index_cast %get3A_2087 : i32 to index
    %get3A_2089 = arith.constant 64 : index
    %get3A_2090 = tpu.vector_load %arg8[%get3A_2088, %get3A_2089] {strides = array<i32>} : memref<26x128xf32, #tpu.memory_space<vmem>>, vector<16xf32>,
    %add3A_2091 = arith.addf %add3A_2086, %get3A_2090 : vector<16xf32>
    %get3A_2092 = arith.constant 16 : i32
    %get3A_2093 = arith.index_cast %get3A_2092 : i32 to index
    %get3A_2094 = arith.constant 64 : index
    %get3A_2095 = tpu.vector_load %arg8[%get3A_2093, %get3A_2094] {strides = array<i32>} : memref<26x128xf32, #tpu.memory_space<vmem>>, vector<16xf32>,
    %add3A_2096 = arith.addf %add3A_2091, %get3A_2095 : vector<16xf32>
    %get3A_2097 = arith.constant 17 : i32
    %get3A_2098 = arith.index_cast %get3A_2097 : i32 to index
    %get3A_2099 = arith.constant 64 : index
    %get3A_2100 = tpu.vector_load %arg8[%get3A_2098, %get3A_2099] {strides = array<i32>} : memref<26x128xf32, #tpu.memory_space<vmem>>, vector<16xf32>,
    %add3A_2101 = arith.addf %add3A_2096, %get3A_2100 : vector<16xf32>
    %get3A_2102 = arith.constant 18 : i32
    %get3A_2103 = arith.index_cast %get3A_2102 : i32 to index
    %get3A_2104 = arith.constant 64 : index
    %get3A_2105 = tpu.vector_load %arg8[%get3A_2103, %get3A_2104] {strides = array<i32>} : memref<26x128xf32, #tpu.memory_space<vmem>>, vector<16xf32>,
    %add3A_2106 = arith.addf %add3A_2101, %get3A_2105 : vector<16xf32>
    %get3A_2107 = arith.constant 19 : i32
    %get3A_2108 = arith.index_cast %get3A_2107 : i32 to index
    %get3A_2109 = arith.constant 64 : index
    %get3A_2110 = tpu.vector_load %arg8[%get3A_2108, %get3A_2109] {strides = array<i32>} : memref<26x128xf32, #tpu.memory_space<vmem>>, vector<16xf32>,
    %add3A_2111 = arith.addf %add3A_2106, %get3A_2110 : vector<16xf32>
    %get3A_2112 = arith.constant 20 : i32
    %get3A_2113 = arith.index_cast %get3A_2112 : i32 to index
    %get3A_2114 = arith.constant 64 : index
    %get3A_2115 = tpu.vector_load %arg8[%get3A_2113, %get3A_2114] {strides = array<i32>} : memref<26x128xf32, #tpu.memory_space<vmem>>, vector<16xf32>,
    %add3A_2116 = arith.addf %add3A_2111, %get3A_2115 : vector<16xf32>
    %get3A_2117 = arith.constant 21 : i32
    %get3A_2118 = arith.index_cast %get3A_2117 : i32 to index
    %get3A_2119 = arith.constant 64 : index
    %get3A_2120 = tpu.vector_load %arg8[%get3A_2118, %get3A_2119] {strides = array<i32>} : memref<26x128xf32, #tpu.memory_space<vmem>>, vector<16xf32>,
    %add3A_2121 = arith.addf %add3A_2116, %get3A_2120 : vector<16xf32>
    %get3A_2122 = arith.constant 22 : i32
    %get3A_2123 = arith.index_cast %get3A_2122 : i32 to index
    %get3A_2124 = arith.constant 64 : index
    %get3A_2125 = tpu.vector_load %arg8[%get3A_2123, %get3A_2124] {strides = array<i32>} : memref<26x128xf32, #tpu.memory_space<vmem>>, vector<16xf32>,
    %add3A_2126 = arith.addf %add3A_2121, %get3A_2125 : vector<16xf32>
    %get3A_2127 = arith.constant 23 : i32
    %get3A_2128 = arith.index_cast %get3A_2127 : i32 to index
    %get3A_2129 = arith.constant 64 : index
    %get3A_2130 = tpu.vector_load %arg8[%get3A_2128, %get3A_2129] {strides = array<i32>} : memref<26x128xf32, #tpu.memory_space<vmem>>, vector<16xf32>,
    %add3A_2131 = arith.addf %add3A_2126, %get3A_2130 : vector<16xf32>
    %get3A_2132 = arith.constant 24 : i32
    %get3A_2133 = arith.index_cast %get3A_2132 : i32 to index
    %get3A_2134 = arith.constant 64 : index
    %get3A_2135 = tpu.vector_load %arg8[%get3A_2133, %get3A_2134] {strides = array<i32>} : memref<26x128xf32, #tpu.memory_space<vmem>>, vector<16xf32>,
    %add3A_2136 = arith.addf %add3A_2131, %get3A_2135 : vector<16xf32>
    %get3A_2137 = arith.constant 25 : i32
    %get3A_2138 = arith.index_cast %get3A_2137 : i32 to index
    %get3A_2139 = arith.constant 64 : index
    %get3A_2140 = tpu.vector_load %arg8[%get3A_2138, %get3A_2139] {strides = array<i32>} : memref<26x128xf32, #tpu.memory_space<vmem>>, vector<16xf32>,
    %add3A_2141 = arith.addf %add3A_2136, %get3A_2140 : vector<16xf32>
    %add3A_2142 = arith.constant 64 : i32
    %add3A_2143 = vector.broadcast %add3A_2142 : i32 to vector<16xi32>
    %add3A_2144 = arith.addi %iota3A, %add3A_2143 : vector<16xi32>
    %mul3A_2145 = arith.constant 16 : i32
    %mul3A_2146 = vector.broadcast %mul3A_2145 : i32 to vector<16xi32>
    %mul3A_2147 = arith.muli %add3A_2144, %mul3A_2146 : vector<16xi32>
    %add3A_2148 = arith.constant 0 : i32
    %add3A_2149 = vector.broadcast %add3A_2148 : i32 to vector<16xi32>
    %add3A_2150 = arith.addi %mul3A_2147, %add3A_2149 : vector<16xi32>
    %gather3A_2151 = tpu.vector_load_idx %arg9[%add3A_2150] : memref<2048xf32, #tpu.memory_space<vmem>>[vector<16xi32>], vector<16xf32>,
    %add3A_2152 = arith.addf %add3A_2141, %gather3A_2151 : vector<16xf32>
    %add3A_2153 = arith.constant 1 : i32
    %add3A_2154 = vector.broadcast %add3A_2153 : i32 to vector<16xi32>
    %add3A_2155 = arith.addi %mul3A_2147, %add3A_2154 : vector<16xi32>
    %gather3A_2156 = tpu.vector_load_idx %arg9[%add3A_2155] : memref<2048xf32, #tpu.memory_space<vmem>>[vector<16xi32>], vector<16xf32>,
    %add3A_2157 = arith.addf %add3A_2152, %gather3A_2156 : vector<16xf32>
    %add3A_2158 = arith.constant 2 : i32
    %add3A_2159 = vector.broadcast %add3A_2158 : i32 to vector<16xi32>
    %add3A_2160 = arith.addi %mul3A_2147, %add3A_2159 : vector<16xi32>
    %gather3A_2161 = tpu.vector_load_idx %arg9[%add3A_2160] : memref<2048xf32, #tpu.memory_space<vmem>>[vector<16xi32>], vector<16xf32>,
    %add3A_2162 = arith.addf %add3A_2157, %gather3A_2161 : vector<16xf32>
    %add3A_2163 = arith.constant 3 : i32
    %add3A_2164 = vector.broadcast %add3A_2163 : i32 to vector<16xi32>
    %add3A_2165 = arith.addi %mul3A_2147, %add3A_2164 : vector<16xi32>
    %gather3A_2166 = tpu.vector_load_idx %arg9[%add3A_2165] : memref<2048xf32, #tpu.memory_space<vmem>>[vector<16xi32>], vector<16xf32>,
    %add3A_2167 = arith.addf %add3A_2162, %gather3A_2166 : vector<16xf32>
    %add3A_2168 = arith.constant 4 : i32
    %add3A_2169 = vector.broadcast %add3A_2168 : i32 to vector<16xi32>
    %add3A_2170 = arith.addi %mul3A_2147, %add3A_2169 : vector<16xi32>
    %gather3A_2171 = tpu.vector_load_idx %arg9[%add3A_2170] : memref<2048xf32, #tpu.memory_space<vmem>>[vector<16xi32>], vector<16xf32>,
    %add3A_2172 = arith.addf %add3A_2167, %gather3A_2171 : vector<16xf32>
    %add3A_2173 = arith.constant 5 : i32
    %add3A_2174 = vector.broadcast %add3A_2173 : i32 to vector<16xi32>
    %add3A_2175 = arith.addi %mul3A_2147, %add3A_2174 : vector<16xi32>
    %gather3A_2176 = tpu.vector_load_idx %arg9[%add3A_2175] : memref<2048xf32, #tpu.memory_space<vmem>>[vector<16xi32>], vector<16xf32>,
    %add3A_2177 = arith.addf %add3A_2172, %gather3A_2176 : vector<16xf32>
    %add3A_2178 = arith.constant 6 : i32
    %add3A_2179 = vector.broadcast %add3A_2178 : i32 to vector<16xi32>
    %add3A_2180 = arith.addi %mul3A_2147, %add3A_2179 : vector<16xi32>
    %gather3A_2181 = tpu.vector_load_idx %arg9[%add3A_2180] : memref<2048xf32, #tpu.memory_space<vmem>>[vector<16xi32>], vector<16xf32>,
    %add3A_2182 = arith.addf %add3A_2177, %gather3A_2181 : vector<16xf32>
    %add3A_2183 = arith.constant 7 : i32
    %add3A_2184 = vector.broadcast %add3A_2183 : i32 to vector<16xi32>
    %add3A_2185 = arith.addi %mul3A_2147, %add3A_2184 : vector<16xi32>
    %gather3A_2186 = tpu.vector_load_idx %arg9[%add3A_2185] : memref<2048xf32, #tpu.memory_space<vmem>>[vector<16xi32>], vector<16xf32>,
    %add3A_2187 = arith.addf %add3A_2182, %gather3A_2186 : vector<16xf32>
    %add3A_2188 = arith.constant 8 : i32
    %add3A_2189 = vector.broadcast %add3A_2188 : i32 to vector<16xi32>
    %add3A_2190 = arith.addi %mul3A_2147, %add3A_2189 : vector<16xi32>
    %gather3A_2191 = tpu.vector_load_idx %arg9[%add3A_2190] : memref<2048xf32, #tpu.memory_space<vmem>>[vector<16xi32>], vector<16xf32>,
    %add3A_2192 = arith.addf %add3A_2187, %gather3A_2191 : vector<16xf32>
    %add3A_2193 = arith.constant 9 : i32
    %add3A_2194 = vector.broadcast %add3A_2193 : i32 to vector<16xi32>
    %add3A_2195 = arith.addi %mul3A_2147, %add3A_2194 : vector<16xi32>
    %gather3A_2196 = tpu.vector_load_idx %arg9[%add3A_2195] : memref<2048xf32, #tpu.memory_space<vmem>>[vector<16xi32>], vector<16xf32>,
    %add3A_2197 = arith.addf %add3A_2192, %gather3A_2196 : vector<16xf32>
    %add3A_2198 = arith.constant 10 : i32
    %add3A_2199 = vector.broadcast %add3A_2198 : i32 to vector<16xi32>
    %add3A_2200 = arith.addi %mul3A_2147, %add3A_2199 : vector<16xi32>
    %gather3A_2201 = tpu.vector_load_idx %arg9[%add3A_2200] : memref<2048xf32, #tpu.memory_space<vmem>>[vector<16xi32>], vector<16xf32>,
    %add3A_2202 = arith.addf %add3A_2197, %gather3A_2201 : vector<16xf32>
    %add3A_2203 = arith.constant 11 : i32
    %add3A_2204 = vector.broadcast %add3A_2203 : i32 to vector<16xi32>
    %add3A_2205 = arith.addi %mul3A_2147, %add3A_2204 : vector<16xi32>
    %gather3A_2206 = tpu.vector_load_idx %arg9[%add3A_2205] : memref<2048xf32, #tpu.memory_space<vmem>>[vector<16xi32>], vector<16xf32>,
    %add3A_2207 = arith.addf %add3A_2202, %gather3A_2206 : vector<16xf32>
    %add3A_2208 = arith.constant 12 : i32
    %add3A_2209 = vector.broadcast %add3A_2208 : i32 to vector<16xi32>
    %add3A_2210 = arith.addi %mul3A_2147, %add3A_2209 : vector<16xi32>
    %gather3A_2211 = tpu.vector_load_idx %arg9[%add3A_2210] : memref<2048xf32, #tpu.memory_space<vmem>>[vector<16xi32>], vector<16xf32>,
    %add3A_2212 = arith.addf %add3A_2207, %gather3A_2211 : vector<16xf32>
    %add3A_2213 = arith.constant 13 : i32
    %add3A_2214 = vector.broadcast %add3A_2213 : i32 to vector<16xi32>
    %add3A_2215 = arith.addi %mul3A_2147, %add3A_2214 : vector<16xi32>
    %gather3A_2216 = tpu.vector_load_idx %arg9[%add3A_2215] : memref<2048xf32, #tpu.memory_space<vmem>>[vector<16xi32>], vector<16xf32>,
    %add3A_2217 = arith.addf %add3A_2212, %gather3A_2216 : vector<16xf32>
    %add3A_2218 = arith.constant 14 : i32
    %add3A_2219 = vector.broadcast %add3A_2218 : i32 to vector<16xi32>
    %add3A_2220 = arith.addi %mul3A_2147, %add3A_2219 : vector<16xi32>
    %gather3A_2221 = tpu.vector_load_idx %arg9[%add3A_2220] : memref<2048xf32, #tpu.memory_space<vmem>>[vector<16xi32>], vector<16xf32>,
    %add3A_2222 = arith.addf %add3A_2217, %gather3A_2221 : vector<16xf32>
    %add3A_2223 = arith.constant 15 : i32
    %add3A_2224 = vector.broadcast %add3A_2223 : i32 to vector<16xi32>
    %add3A_2225 = arith.addi %mul3A_2147, %add3A_2224 : vector<16xi32>
    %gather3A_2226 = tpu.vector_load_idx %arg9[%add3A_2225] : memref<2048xf32, #tpu.memory_space<vmem>>[vector<16xi32>], vector<16xf32>,
    %add3A_2227 = arith.addf %add3A_2222, %gather3A_2226 : vector<16xf32>
    %swap3A_2228 = arith.constant 64 : index
    %swap3A_2229 = tpu.vector_load %arg10[%swap3A_2228] {strides = array<i32>} : memref<128xf32, #tpu.memory_space<vmem>>, vector<16xf32>,
    tpu.vector_store %arg10[%swap3A_2228], %add3A_2227 {strides = array<i32>} : memref<128xf32, #tpu.memory_space<vmem>>, vector<16xf32>,
    %get3A_2230 = arith.constant 0 : i32
    %get3A_2231 = arith.index_cast %get3A_2230 : i32 to index
    %get3A_2232 = arith.constant 80 : index
    %get3A_2233 = tpu.vector_load %arg8[%get3A_2231, %get3A_2232] {strides = array<i32>} : memref<26x128xf32, #tpu.memory_space<vmem>>, vector<16xf32>,
    %get3A_2234 = arith.constant 1 : i32
    %get3A_2235 = arith.index_cast %get3A_2234 : i32 to index
    %get3A_2236 = arith.constant 80 : index
    %get3A_2237 = tpu.vector_load %arg8[%get3A_2235, %get3A_2236] {strides = array<i32>} : memref<26x128xf32, #tpu.memory_space<vmem>>, vector<16xf32>,
    %add3A_2238 = arith.addf %get3A_2233, %get3A_2237 : vector<16xf32>
    %get3A_2239 = arith.constant 2 : i32
    %get3A_2240 = arith.index_cast %get3A_2239 : i32 to index
    %get3A_2241 = arith.constant 80 : index
    %get3A_2242 = tpu.vector_load %arg8[%get3A_2240, %get3A_2241] {strides = array<i32>} : memref<26x128xf32, #tpu.memory_space<vmem>>, vector<16xf32>,
    %add3A_2243 = arith.addf %add3A_2238, %get3A_2242 : vector<16xf32>
    %get3A_2244 = arith.constant 3 : i32
    %get3A_2245 = arith.index_cast %get3A_2244 : i32 to index
    %get3A_2246 = arith.constant 80 : index
    %get3A_2247 = tpu.vector_load %arg8[%get3A_2245, %get3A_2246] {strides = array<i32>} : memref<26x128xf32, #tpu.memory_space<vmem>>, vector<16xf32>,
    %add3A_2248 = arith.addf %add3A_2243, %get3A_2247 : vector<16xf32>
    %get3A_2249 = arith.constant 4 : i32
    %get3A_2250 = arith.index_cast %get3A_2249 : i32 to index
    %get3A_2251 = arith.constant 80 : index
    %get3A_2252 = tpu.vector_load %arg8[%get3A_2250, %get3A_2251] {strides = array<i32>} : memref<26x128xf32, #tpu.memory_space<vmem>>, vector<16xf32>,
    %add3A_2253 = arith.addf %add3A_2248, %get3A_2252 : vector<16xf32>
    %get3A_2254 = arith.constant 5 : i32
    %get3A_2255 = arith.index_cast %get3A_2254 : i32 to index
    %get3A_2256 = arith.constant 80 : index
    %get3A_2257 = tpu.vector_load %arg8[%get3A_2255, %get3A_2256] {strides = array<i32>} : memref<26x128xf32, #tpu.memory_space<vmem>>, vector<16xf32>,
    %add3A_2258 = arith.addf %add3A_2253, %get3A_2257 : vector<16xf32>
    %get3A_2259 = arith.constant 6 : i32
    %get3A_2260 = arith.index_cast %get3A_2259 : i32 to index
    %get3A_2261 = arith.constant 80 : index
    %get3A_2262 = tpu.vector_load %arg8[%get3A_2260, %get3A_2261] {strides = array<i32>} : memref<26x128xf32, #tpu.memory_space<vmem>>, vector<16xf32>,
    %add3A_2263 = arith.addf %add3A_2258, %get3A_2262 : vector<16xf32>
    %get3A_2264 = arith.constant 7 : i32
    %get3A_2265 = arith.index_cast %get3A_2264 : i32 to index
    %get3A_2266 = arith.constant 80 : index
    %get3A_2267 = tpu.vector_load %arg8[%get3A_2265, %get3A_2266] {strides = array<i32>} : memref<26x128xf32, #tpu.memory_space<vmem>>, vector<16xf32>,
    %add3A_2268 = arith.addf %add3A_2263, %get3A_2267 : vector<16xf32>
    %get3A_2269 = arith.constant 8 : i32
    %get3A_2270 = arith.index_cast %get3A_2269 : i32 to index
    %get3A_2271 = arith.constant 80 : index
    %get3A_2272 = tpu.vector_load %arg8[%get3A_2270, %get3A_2271] {strides = array<i32>} : memref<26x128xf32, #tpu.memory_space<vmem>>, vector<16xf32>,
    %add3A_2273 = arith.addf %add3A_2268, %get3A_2272 : vector<16xf32>
    %get3A_2274 = arith.constant 9 : i32
    %get3A_2275 = arith.index_cast %get3A_2274 : i32 to index
    %get3A_2276 = arith.constant 80 : index
    %get3A_2277 = tpu.vector_load %arg8[%get3A_2275, %get3A_2276] {strides = array<i32>} : memref<26x128xf32, #tpu.memory_space<vmem>>, vector<16xf32>,
    %add3A_2278 = arith.addf %add3A_2273, %get3A_2277 : vector<16xf32>
    %get3A_2279 = arith.constant 10 : i32
    %get3A_2280 = arith.index_cast %get3A_2279 : i32 to index
    %get3A_2281 = arith.constant 80 : index
    %get3A_2282 = tpu.vector_load %arg8[%get3A_2280, %get3A_2281] {strides = array<i32>} : memref<26x128xf32, #tpu.memory_space<vmem>>, vector<16xf32>,
    %add3A_2283 = arith.addf %add3A_2278, %get3A_2282 : vector<16xf32>
    %get3A_2284 = arith.constant 11 : i32
    %get3A_2285 = arith.index_cast %get3A_2284 : i32 to index
    %get3A_2286 = arith.constant 80 : index
    %get3A_2287 = tpu.vector_load %arg8[%get3A_2285, %get3A_2286] {strides = array<i32>} : memref<26x128xf32, #tpu.memory_space<vmem>>, vector<16xf32>,
    %add3A_2288 = arith.addf %add3A_2283, %get3A_2287 : vector<16xf32>
    %get3A_2289 = arith.constant 12 : i32
    %get3A_2290 = arith.index_cast %get3A_2289 : i32 to index
    %get3A_2291 = arith.constant 80 : index
    %get3A_2292 = tpu.vector_load %arg8[%get3A_2290, %get3A_2291] {strides = array<i32>} : memref<26x128xf32, #tpu.memory_space<vmem>>, vector<16xf32>,
    %add3A_2293 = arith.addf %add3A_2288, %get3A_2292 : vector<16xf32>
    %get3A_2294 = arith.constant 13 : i32
    %get3A_2295 = arith.index_cast %get3A_2294 : i32 to index
    %get3A_2296 = arith.constant 80 : index
    %get3A_2297 = tpu.vector_load %arg8[%get3A_2295, %get3A_2296] {strides = array<i32>} : memref<26x128xf32, #tpu.memory_space<vmem>>, vector<16xf32>,
    %add3A_2298 = arith.addf %add3A_2293, %get3A_2297 : vector<16xf32>
    %get3A_2299 = arith.constant 14 : i32
    %get3A_2300 = arith.index_cast %get3A_2299 : i32 to index
    %get3A_2301 = arith.constant 80 : index
    %get3A_2302 = tpu.vector_load %arg8[%get3A_2300, %get3A_2301] {strides = array<i32>} : memref<26x128xf32, #tpu.memory_space<vmem>>, vector<16xf32>,
    %add3A_2303 = arith.addf %add3A_2298, %get3A_2302 : vector<16xf32>
    %get3A_2304 = arith.constant 15 : i32
    %get3A_2305 = arith.index_cast %get3A_2304 : i32 to index
    %get3A_2306 = arith.constant 80 : index
    %get3A_2307 = tpu.vector_load %arg8[%get3A_2305, %get3A_2306] {strides = array<i32>} : memref<26x128xf32, #tpu.memory_space<vmem>>, vector<16xf32>,
    %add3A_2308 = arith.addf %add3A_2303, %get3A_2307 : vector<16xf32>
    %get3A_2309 = arith.constant 16 : i32
    %get3A_2310 = arith.index_cast %get3A_2309 : i32 to index
    %get3A_2311 = arith.constant 80 : index
    %get3A_2312 = tpu.vector_load %arg8[%get3A_2310, %get3A_2311] {strides = array<i32>} : memref<26x128xf32, #tpu.memory_space<vmem>>, vector<16xf32>,
    %add3A_2313 = arith.addf %add3A_2308, %get3A_2312 : vector<16xf32>
    %get3A_2314 = arith.constant 17 : i32
    %get3A_2315 = arith.index_cast %get3A_2314 : i32 to index
    %get3A_2316 = arith.constant 80 : index
    %get3A_2317 = tpu.vector_load %arg8[%get3A_2315, %get3A_2316] {strides = array<i32>} : memref<26x128xf32, #tpu.memory_space<vmem>>, vector<16xf32>,
    %add3A_2318 = arith.addf %add3A_2313, %get3A_2317 : vector<16xf32>
    %get3A_2319 = arith.constant 18 : i32
    %get3A_2320 = arith.index_cast %get3A_2319 : i32 to index
    %get3A_2321 = arith.constant 80 : index
    %get3A_2322 = tpu.vector_load %arg8[%get3A_2320, %get3A_2321] {strides = array<i32>} : memref<26x128xf32, #tpu.memory_space<vmem>>, vector<16xf32>,
    %add3A_2323 = arith.addf %add3A_2318, %get3A_2322 : vector<16xf32>
    %get3A_2324 = arith.constant 19 : i32
    %get3A_2325 = arith.index_cast %get3A_2324 : i32 to index
    %get3A_2326 = arith.constant 80 : index
    %get3A_2327 = tpu.vector_load %arg8[%get3A_2325, %get3A_2326] {strides = array<i32>} : memref<26x128xf32, #tpu.memory_space<vmem>>, vector<16xf32>,
    %add3A_2328 = arith.addf %add3A_2323, %get3A_2327 : vector<16xf32>
    %get3A_2329 = arith.constant 20 : i32
    %get3A_2330 = arith.index_cast %get3A_2329 : i32 to index
    %get3A_2331 = arith.constant 80 : index
    %get3A_2332 = tpu.vector_load %arg8[%get3A_2330, %get3A_2331] {strides = array<i32>} : memref<26x128xf32, #tpu.memory_space<vmem>>, vector<16xf32>,
    %add3A_2333 = arith.addf %add3A_2328, %get3A_2332 : vector<16xf32>
    %get3A_2334 = arith.constant 21 : i32
    %get3A_2335 = arith.index_cast %get3A_2334 : i32 to index
    %get3A_2336 = arith.constant 80 : index
    %get3A_2337 = tpu.vector_load %arg8[%get3A_2335, %get3A_2336] {strides = array<i32>} : memref<26x128xf32, #tpu.memory_space<vmem>>, vector<16xf32>,
    %add3A_2338 = arith.addf %add3A_2333, %get3A_2337 : vector<16xf32>
    %get3A_2339 = arith.constant 22 : i32
    %get3A_2340 = arith.index_cast %get3A_2339 : i32 to index
    %get3A_2341 = arith.constant 80 : index
    %get3A_2342 = tpu.vector_load %arg8[%get3A_2340, %get3A_2341] {strides = array<i32>} : memref<26x128xf32, #tpu.memory_space<vmem>>, vector<16xf32>,
    %add3A_2343 = arith.addf %add3A_2338, %get3A_2342 : vector<16xf32>
    %get3A_2344 = arith.constant 23 : i32
    %get3A_2345 = arith.index_cast %get3A_2344 : i32 to index
    %get3A_2346 = arith.constant 80 : index
    %get3A_2347 = tpu.vector_load %arg8[%get3A_2345, %get3A_2346] {strides = array<i32>} : memref<26x128xf32, #tpu.memory_space<vmem>>, vector<16xf32>,
    %add3A_2348 = arith.addf %add3A_2343, %get3A_2347 : vector<16xf32>
    %get3A_2349 = arith.constant 24 : i32
    %get3A_2350 = arith.index_cast %get3A_2349 : i32 to index
    %get3A_2351 = arith.constant 80 : index
    %get3A_2352 = tpu.vector_load %arg8[%get3A_2350, %get3A_2351] {strides = array<i32>} : memref<26x128xf32, #tpu.memory_space<vmem>>, vector<16xf32>,
    %add3A_2353 = arith.addf %add3A_2348, %get3A_2352 : vector<16xf32>
    %get3A_2354 = arith.constant 25 : i32
    %get3A_2355 = arith.index_cast %get3A_2354 : i32 to index
    %get3A_2356 = arith.constant 80 : index
    %get3A_2357 = tpu.vector_load %arg8[%get3A_2355, %get3A_2356] {strides = array<i32>} : memref<26x128xf32, #tpu.memory_space<vmem>>, vector<16xf32>,
    %add3A_2358 = arith.addf %add3A_2353, %get3A_2357 : vector<16xf32>
    %add3A_2359 = arith.constant 80 : i32
    %add3A_2360 = vector.broadcast %add3A_2359 : i32 to vector<16xi32>
    %add3A_2361 = arith.addi %iota3A, %add3A_2360 : vector<16xi32>
    %mul3A_2362 = arith.constant 16 : i32
    %mul3A_2363 = vector.broadcast %mul3A_2362 : i32 to vector<16xi32>
    %mul3A_2364 = arith.muli %add3A_2361, %mul3A_2363 : vector<16xi32>
    %add3A_2365 = arith.constant 0 : i32
    %add3A_2366 = vector.broadcast %add3A_2365 : i32 to vector<16xi32>
    %add3A_2367 = arith.addi %mul3A_2364, %add3A_2366 : vector<16xi32>
    %gather3A_2368 = tpu.vector_load_idx %arg9[%add3A_2367] : memref<2048xf32, #tpu.memory_space<vmem>>[vector<16xi32>], vector<16xf32>,
    %add3A_2369 = arith.addf %add3A_2358, %gather3A_2368 : vector<16xf32>
    %add3A_2370 = arith.constant 1 : i32
    %add3A_2371 = vector.broadcast %add3A_2370 : i32 to vector<16xi32>
    %add3A_2372 = arith.addi %mul3A_2364, %add3A_2371 : vector<16xi32>
    %gather3A_2373 = tpu.vector_load_idx %arg9[%add3A_2372] : memref<2048xf32, #tpu.memory_space<vmem>>[vector<16xi32>], vector<16xf32>,
    %add3A_2374 = arith.addf %add3A_2369, %gather3A_2373 : vector<16xf32>
    %add3A_2375 = arith.constant 2 : i32
    %add3A_2376 = vector.broadcast %add3A_2375 : i32 to vector<16xi32>
    %add3A_2377 = arith.addi %mul3A_2364, %add3A_2376 : vector<16xi32>
    %gather3A_2378 = tpu.vector_load_idx %arg9[%add3A_2377] : memref<2048xf32, #tpu.memory_space<vmem>>[vector<16xi32>], vector<16xf32>,
    %add3A_2379 = arith.addf %add3A_2374, %gather3A_2378 : vector<16xf32>
    %add3A_2380 = arith.constant 3 : i32
    %add3A_2381 = vector.broadcast %add3A_2380 : i32 to vector<16xi32>
    %add3A_2382 = arith.addi %mul3A_2364, %add3A_2381 : vector<16xi32>
    %gather3A_2383 = tpu.vector_load_idx %arg9[%add3A_2382] : memref<2048xf32, #tpu.memory_space<vmem>>[vector<16xi32>], vector<16xf32>,
    %add3A_2384 = arith.addf %add3A_2379, %gather3A_2383 : vector<16xf32>
    %add3A_2385 = arith.constant 4 : i32
    %add3A_2386 = vector.broadcast %add3A_2385 : i32 to vector<16xi32>
    %add3A_2387 = arith.addi %mul3A_2364, %add3A_2386 : vector<16xi32>
    %gather3A_2388 = tpu.vector_load_idx %arg9[%add3A_2387] : memref<2048xf32, #tpu.memory_space<vmem>>[vector<16xi32>], vector<16xf32>,
    %add3A_2389 = arith.addf %add3A_2384, %gather3A_2388 : vector<16xf32>
    %add3A_2390 = arith.constant 5 : i32
    %add3A_2391 = vector.broadcast %add3A_2390 : i32 to vector<16xi32>
    %add3A_2392 = arith.addi %mul3A_2364, %add3A_2391 : vector<16xi32>
    %gather3A_2393 = tpu.vector_load_idx %arg9[%add3A_2392] : memref<2048xf32, #tpu.memory_space<vmem>>[vector<16xi32>], vector<16xf32>,
    %add3A_2394 = arith.addf %add3A_2389, %gather3A_2393 : vector<16xf32>
    %add3A_2395 = arith.constant 6 : i32
    %add3A_2396 = vector.broadcast %add3A_2395 : i32 to vector<16xi32>
    %add3A_2397 = arith.addi %mul3A_2364, %add3A_2396 : vector<16xi32>
    %gather3A_2398 = tpu.vector_load_idx %arg9[%add3A_2397] : memref<2048xf32, #tpu.memory_space<vmem>>[vector<16xi32>], vector<16xf32>,
    %add3A_2399 = arith.addf %add3A_2394, %gather3A_2398 : vector<16xf32>
    %add3A_2400 = arith.constant 7 : i32
    %add3A_2401 = vector.broadcast %add3A_2400 : i32 to vector<16xi32>
    %add3A_2402 = arith.addi %mul3A_2364, %add3A_2401 : vector<16xi32>
    %gather3A_2403 = tpu.vector_load_idx %arg9[%add3A_2402] : memref<2048xf32, #tpu.memory_space<vmem>>[vector<16xi32>], vector<16xf32>,
    %add3A_2404 = arith.addf %add3A_2399, %gather3A_2403 : vector<16xf32>
    %add3A_2405 = arith.constant 8 : i32
    %add3A_2406 = vector.broadcast %add3A_2405 : i32 to vector<16xi32>
    %add3A_2407 = arith.addi %mul3A_2364, %add3A_2406 : vector<16xi32>
    %gather3A_2408 = tpu.vector_load_idx %arg9[%add3A_2407] : memref<2048xf32, #tpu.memory_space<vmem>>[vector<16xi32>], vector<16xf32>,
    %add3A_2409 = arith.addf %add3A_2404, %gather3A_2408 : vector<16xf32>
    %add3A_2410 = arith.constant 9 : i32
    %add3A_2411 = vector.broadcast %add3A_2410 : i32 to vector<16xi32>
    %add3A_2412 = arith.addi %mul3A_2364, %add3A_2411 : vector<16xi32>
    %gather3A_2413 = tpu.vector_load_idx %arg9[%add3A_2412] : memref<2048xf32, #tpu.memory_space<vmem>>[vector<16xi32>], vector<16xf32>,
    %add3A_2414 = arith.addf %add3A_2409, %gather3A_2413 : vector<16xf32>
    %add3A_2415 = arith.constant 10 : i32
    %add3A_2416 = vector.broadcast %add3A_2415 : i32 to vector<16xi32>
    %add3A_2417 = arith.addi %mul3A_2364, %add3A_2416 : vector<16xi32>
    %gather3A_2418 = tpu.vector_load_idx %arg9[%add3A_2417] : memref<2048xf32, #tpu.memory_space<vmem>>[vector<16xi32>], vector<16xf32>,
    %add3A_2419 = arith.addf %add3A_2414, %gather3A_2418 : vector<16xf32>
    %add3A_2420 = arith.constant 11 : i32
    %add3A_2421 = vector.broadcast %add3A_2420 : i32 to vector<16xi32>
    %add3A_2422 = arith.addi %mul3A_2364, %add3A_2421 : vector<16xi32>
    %gather3A_2423 = tpu.vector_load_idx %arg9[%add3A_2422] : memref<2048xf32, #tpu.memory_space<vmem>>[vector<16xi32>], vector<16xf32>,
    %add3A_2424 = arith.addf %add3A_2419, %gather3A_2423 : vector<16xf32>
    %add3A_2425 = arith.constant 12 : i32
    %add3A_2426 = vector.broadcast %add3A_2425 : i32 to vector<16xi32>
    %add3A_2427 = arith.addi %mul3A_2364, %add3A_2426 : vector<16xi32>
    %gather3A_2428 = tpu.vector_load_idx %arg9[%add3A_2427] : memref<2048xf32, #tpu.memory_space<vmem>>[vector<16xi32>], vector<16xf32>,
    %add3A_2429 = arith.addf %add3A_2424, %gather3A_2428 : vector<16xf32>
    %add3A_2430 = arith.constant 13 : i32
    %add3A_2431 = vector.broadcast %add3A_2430 : i32 to vector<16xi32>
    %add3A_2432 = arith.addi %mul3A_2364, %add3A_2431 : vector<16xi32>
    %gather3A_2433 = tpu.vector_load_idx %arg9[%add3A_2432] : memref<2048xf32, #tpu.memory_space<vmem>>[vector<16xi32>], vector<16xf32>,
    %add3A_2434 = arith.addf %add3A_2429, %gather3A_2433 : vector<16xf32>
    %add3A_2435 = arith.constant 14 : i32
    %add3A_2436 = vector.broadcast %add3A_2435 : i32 to vector<16xi32>
    %add3A_2437 = arith.addi %mul3A_2364, %add3A_2436 : vector<16xi32>
    %gather3A_2438 = tpu.vector_load_idx %arg9[%add3A_2437] : memref<2048xf32, #tpu.memory_space<vmem>>[vector<16xi32>], vector<16xf32>,
    %add3A_2439 = arith.addf %add3A_2434, %gather3A_2438 : vector<16xf32>
    %add3A_2440 = arith.constant 15 : i32
    %add3A_2441 = vector.broadcast %add3A_2440 : i32 to vector<16xi32>
    %add3A_2442 = arith.addi %mul3A_2364, %add3A_2441 : vector<16xi32>
    %gather3A_2443 = tpu.vector_load_idx %arg9[%add3A_2442] : memref<2048xf32, #tpu.memory_space<vmem>>[vector<16xi32>], vector<16xf32>,
    %add3A_2444 = arith.addf %add3A_2439, %gather3A_2443 : vector<16xf32>
    %swap3A_2445 = arith.constant 80 : index
    %swap3A_2446 = tpu.vector_load %arg10[%swap3A_2445] {strides = array<i32>} : memref<128xf32, #tpu.memory_space<vmem>>, vector<16xf32>,
    tpu.vector_store %arg10[%swap3A_2445], %add3A_2444 {strides = array<i32>} : memref<128xf32, #tpu.memory_space<vmem>>, vector<16xf32>,
    %get3A_2447 = arith.constant 0 : i32
    %get3A_2448 = arith.index_cast %get3A_2447 : i32 to index
    %get3A_2449 = arith.constant 96 : index
    %get3A_2450 = tpu.vector_load %arg8[%get3A_2448, %get3A_2449] {strides = array<i32>} : memref<26x128xf32, #tpu.memory_space<vmem>>, vector<16xf32>,
    %get3A_2451 = arith.constant 1 : i32
    %get3A_2452 = arith.index_cast %get3A_2451 : i32 to index
    %get3A_2453 = arith.constant 96 : index
    %get3A_2454 = tpu.vector_load %arg8[%get3A_2452, %get3A_2453] {strides = array<i32>} : memref<26x128xf32, #tpu.memory_space<vmem>>, vector<16xf32>,
    %add3A_2455 = arith.addf %get3A_2450, %get3A_2454 : vector<16xf32>
    %get3A_2456 = arith.constant 2 : i32
    %get3A_2457 = arith.index_cast %get3A_2456 : i32 to index
    %get3A_2458 = arith.constant 96 : index
    %get3A_2459 = tpu.vector_load %arg8[%get3A_2457, %get3A_2458] {strides = array<i32>} : memref<26x128xf32, #tpu.memory_space<vmem>>, vector<16xf32>,
    %add3A_2460 = arith.addf %add3A_2455, %get3A_2459 : vector<16xf32>
    %get3A_2461 = arith.constant 3 : i32
    %get3A_2462 = arith.index_cast %get3A_2461 : i32 to index
    %get3A_2463 = arith.constant 96 : index
    %get3A_2464 = tpu.vector_load %arg8[%get3A_2462, %get3A_2463] {strides = array<i32>} : memref<26x128xf32, #tpu.memory_space<vmem>>, vector<16xf32>,
    %add3A_2465 = arith.addf %add3A_2460, %get3A_2464 : vector<16xf32>
    %get3A_2466 = arith.constant 4 : i32
    %get3A_2467 = arith.index_cast %get3A_2466 : i32 to index
    %get3A_2468 = arith.constant 96 : index
    %get3A_2469 = tpu.vector_load %arg8[%get3A_2467, %get3A_2468] {strides = array<i32>} : memref<26x128xf32, #tpu.memory_space<vmem>>, vector<16xf32>,
    %add3A_2470 = arith.addf %add3A_2465, %get3A_2469 : vector<16xf32>
    %get3A_2471 = arith.constant 5 : i32
    %get3A_2472 = arith.index_cast %get3A_2471 : i32 to index
    %get3A_2473 = arith.constant 96 : index
    %get3A_2474 = tpu.vector_load %arg8[%get3A_2472, %get3A_2473] {strides = array<i32>} : memref<26x128xf32, #tpu.memory_space<vmem>>, vector<16xf32>,
    %add3A_2475 = arith.addf %add3A_2470, %get3A_2474 : vector<16xf32>
    %get3A_2476 = arith.constant 6 : i32
    %get3A_2477 = arith.index_cast %get3A_2476 : i32 to index
    %get3A_2478 = arith.constant 96 : index
    %get3A_2479 = tpu.vector_load %arg8[%get3A_2477, %get3A_2478] {strides = array<i32>} : memref<26x128xf32, #tpu.memory_space<vmem>>, vector<16xf32>,
    %add3A_2480 = arith.addf %add3A_2475, %get3A_2479 : vector<16xf32>
    %get3A_2481 = arith.constant 7 : i32
    %get3A_2482 = arith.index_cast %get3A_2481 : i32 to index
    %get3A_2483 = arith.constant 96 : index
    %get3A_2484 = tpu.vector_load %arg8[%get3A_2482, %get3A_2483] {strides = array<i32>} : memref<26x128xf32, #tpu.memory_space<vmem>>, vector<16xf32>,
    %add3A_2485 = arith.addf %add3A_2480, %get3A_2484 : vector<16xf32>
    %get3A_2486 = arith.constant 8 : i32
    %get3A_2487 = arith.index_cast %get3A_2486 : i32 to index
    %get3A_2488 = arith.constant 96 : index
    %get3A_2489 = tpu.vector_load %arg8[%get3A_2487, %get3A_2488] {strides = array<i32>} : memref<26x128xf32, #tpu.memory_space<vmem>>, vector<16xf32>,
    %add3A_2490 = arith.addf %add3A_2485, %get3A_2489 : vector<16xf32>
    %get3A_2491 = arith.constant 9 : i32
    %get3A_2492 = arith.index_cast %get3A_2491 : i32 to index
    %get3A_2493 = arith.constant 96 : index
    %get3A_2494 = tpu.vector_load %arg8[%get3A_2492, %get3A_2493] {strides = array<i32>} : memref<26x128xf32, #tpu.memory_space<vmem>>, vector<16xf32>,
    %add3A_2495 = arith.addf %add3A_2490, %get3A_2494 : vector<16xf32>
    %get3A_2496 = arith.constant 10 : i32
    %get3A_2497 = arith.index_cast %get3A_2496 : i32 to index
    %get3A_2498 = arith.constant 96 : index
    %get3A_2499 = tpu.vector_load %arg8[%get3A_2497, %get3A_2498] {strides = array<i32>} : memref<26x128xf32, #tpu.memory_space<vmem>>, vector<16xf32>,
    %add3A_2500 = arith.addf %add3A_2495, %get3A_2499 : vector<16xf32>
    %get3A_2501 = arith.constant 11 : i32
    %get3A_2502 = arith.index_cast %get3A_2501 : i32 to index
    %get3A_2503 = arith.constant 96 : index
    %get3A_2504 = tpu.vector_load %arg8[%get3A_2502, %get3A_2503] {strides = array<i32>} : memref<26x128xf32, #tpu.memory_space<vmem>>, vector<16xf32>,
    %add3A_2505 = arith.addf %add3A_2500, %get3A_2504 : vector<16xf32>
    %get3A_2506 = arith.constant 12 : i32
    %get3A_2507 = arith.index_cast %get3A_2506 : i32 to index
    %get3A_2508 = arith.constant 96 : index
    %get3A_2509 = tpu.vector_load %arg8[%get3A_2507, %get3A_2508] {strides = array<i32>} : memref<26x128xf32, #tpu.memory_space<vmem>>, vector<16xf32>,
    %add3A_2510 = arith.addf %add3A_2505, %get3A_2509 : vector<16xf32>
    %get3A_2511 = arith.constant 13 : i32
    %get3A_2512 = arith.index_cast %get3A_2511 : i32 to index
    %get3A_2513 = arith.constant 96 : index
    %get3A_2514 = tpu.vector_load %arg8[%get3A_2512, %get3A_2513] {strides = array<i32>} : memref<26x128xf32, #tpu.memory_space<vmem>>, vector<16xf32>,
    %add3A_2515 = arith.addf %add3A_2510, %get3A_2514 : vector<16xf32>
    %get3A_2516 = arith.constant 14 : i32
    %get3A_2517 = arith.index_cast %get3A_2516 : i32 to index
    %get3A_2518 = arith.constant 96 : index
    %get3A_2519 = tpu.vector_load %arg8[%get3A_2517, %get3A_2518] {strides = array<i32>} : memref<26x128xf32, #tpu.memory_space<vmem>>, vector<16xf32>,
    %add3A_2520 = arith.addf %add3A_2515, %get3A_2519 : vector<16xf32>
    %get3A_2521 = arith.constant 15 : i32
    %get3A_2522 = arith.index_cast %get3A_2521 : i32 to index
    %get3A_2523 = arith.constant 96 : index
    %get3A_2524 = tpu.vector_load %arg8[%get3A_2522, %get3A_2523] {strides = array<i32>} : memref<26x128xf32, #tpu.memory_space<vmem>>, vector<16xf32>,
    %add3A_2525 = arith.addf %add3A_2520, %get3A_2524 : vector<16xf32>
    %get3A_2526 = arith.constant 16 : i32
    %get3A_2527 = arith.index_cast %get3A_2526 : i32 to index
    %get3A_2528 = arith.constant 96 : index
    %get3A_2529 = tpu.vector_load %arg8[%get3A_2527, %get3A_2528] {strides = array<i32>} : memref<26x128xf32, #tpu.memory_space<vmem>>, vector<16xf32>,
    %add3A_2530 = arith.addf %add3A_2525, %get3A_2529 : vector<16xf32>
    %get3A_2531 = arith.constant 17 : i32
    %get3A_2532 = arith.index_cast %get3A_2531 : i32 to index
    %get3A_2533 = arith.constant 96 : index
    %get3A_2534 = tpu.vector_load %arg8[%get3A_2532, %get3A_2533] {strides = array<i32>} : memref<26x128xf32, #tpu.memory_space<vmem>>, vector<16xf32>,
    %add3A_2535 = arith.addf %add3A_2530, %get3A_2534 : vector<16xf32>
    %get3A_2536 = arith.constant 18 : i32
    %get3A_2537 = arith.index_cast %get3A_2536 : i32 to index
    %get3A_2538 = arith.constant 96 : index
    %get3A_2539 = tpu.vector_load %arg8[%get3A_2537, %get3A_2538] {strides = array<i32>} : memref<26x128xf32, #tpu.memory_space<vmem>>, vector<16xf32>,
    %add3A_2540 = arith.addf %add3A_2535, %get3A_2539 : vector<16xf32>
    %get3A_2541 = arith.constant 19 : i32
    %get3A_2542 = arith.index_cast %get3A_2541 : i32 to index
    %get3A_2543 = arith.constant 96 : index
    %get3A_2544 = tpu.vector_load %arg8[%get3A_2542, %get3A_2543] {strides = array<i32>} : memref<26x128xf32, #tpu.memory_space<vmem>>, vector<16xf32>,
    %add3A_2545 = arith.addf %add3A_2540, %get3A_2544 : vector<16xf32>
    %get3A_2546 = arith.constant 20 : i32
    %get3A_2547 = arith.index_cast %get3A_2546 : i32 to index
    %get3A_2548 = arith.constant 96 : index
    %get3A_2549 = tpu.vector_load %arg8[%get3A_2547, %get3A_2548] {strides = array<i32>} : memref<26x128xf32, #tpu.memory_space<vmem>>, vector<16xf32>,
    %add3A_2550 = arith.addf %add3A_2545, %get3A_2549 : vector<16xf32>
    %get3A_2551 = arith.constant 21 : i32
    %get3A_2552 = arith.index_cast %get3A_2551 : i32 to index
    %get3A_2553 = arith.constant 96 : index
    %get3A_2554 = tpu.vector_load %arg8[%get3A_2552, %get3A_2553] {strides = array<i32>} : memref<26x128xf32, #tpu.memory_space<vmem>>, vector<16xf32>,
    %add3A_2555 = arith.addf %add3A_2550, %get3A_2554 : vector<16xf32>
    %get3A_2556 = arith.constant 22 : i32
    %get3A_2557 = arith.index_cast %get3A_2556 : i32 to index
    %get3A_2558 = arith.constant 96 : index
    %get3A_2559 = tpu.vector_load %arg8[%get3A_2557, %get3A_2558] {strides = array<i32>} : memref<26x128xf32, #tpu.memory_space<vmem>>, vector<16xf32>,
    %add3A_2560 = arith.addf %add3A_2555, %get3A_2559 : vector<16xf32>
    %get3A_2561 = arith.constant 23 : i32
    %get3A_2562 = arith.index_cast %get3A_2561 : i32 to index
    %get3A_2563 = arith.constant 96 : index
    %get3A_2564 = tpu.vector_load %arg8[%get3A_2562, %get3A_2563] {strides = array<i32>} : memref<26x128xf32, #tpu.memory_space<vmem>>, vector<16xf32>,
    %add3A_2565 = arith.addf %add3A_2560, %get3A_2564 : vector<16xf32>
    %get3A_2566 = arith.constant 24 : i32
    %get3A_2567 = arith.index_cast %get3A_2566 : i32 to index
    %get3A_2568 = arith.constant 96 : index
    %get3A_2569 = tpu.vector_load %arg8[%get3A_2567, %get3A_2568] {strides = array<i32>} : memref<26x128xf32, #tpu.memory_space<vmem>>, vector<16xf32>,
    %add3A_2570 = arith.addf %add3A_2565, %get3A_2569 : vector<16xf32>
    %get3A_2571 = arith.constant 25 : i32
    %get3A_2572 = arith.index_cast %get3A_2571 : i32 to index
    %get3A_2573 = arith.constant 96 : index
    %get3A_2574 = tpu.vector_load %arg8[%get3A_2572, %get3A_2573] {strides = array<i32>} : memref<26x128xf32, #tpu.memory_space<vmem>>, vector<16xf32>,
    %add3A_2575 = arith.addf %add3A_2570, %get3A_2574 : vector<16xf32>
    %add3A_2576 = arith.constant 96 : i32
    %add3A_2577 = vector.broadcast %add3A_2576 : i32 to vector<16xi32>
    %add3A_2578 = arith.addi %iota3A, %add3A_2577 : vector<16xi32>
    %mul3A_2579 = arith.constant 16 : i32
    %mul3A_2580 = vector.broadcast %mul3A_2579 : i32 to vector<16xi32>
    %mul3A_2581 = arith.muli %add3A_2578, %mul3A_2580 : vector<16xi32>
    %add3A_2582 = arith.constant 0 : i32
    %add3A_2583 = vector.broadcast %add3A_2582 : i32 to vector<16xi32>
    %add3A_2584 = arith.addi %mul3A_2581, %add3A_2583 : vector<16xi32>
    %gather3A_2585 = tpu.vector_load_idx %arg9[%add3A_2584] : memref<2048xf32, #tpu.memory_space<vmem>>[vector<16xi32>], vector<16xf32>,
    %add3A_2586 = arith.addf %add3A_2575, %gather3A_2585 : vector<16xf32>
    %add3A_2587 = arith.constant 1 : i32
    %add3A_2588 = vector.broadcast %add3A_2587 : i32 to vector<16xi32>
    %add3A_2589 = arith.addi %mul3A_2581, %add3A_2588 : vector<16xi32>
    %gather3A_2590 = tpu.vector_load_idx %arg9[%add3A_2589] : memref<2048xf32, #tpu.memory_space<vmem>>[vector<16xi32>], vector<16xf32>,
    %add3A_2591 = arith.addf %add3A_2586, %gather3A_2590 : vector<16xf32>
    %add3A_2592 = arith.constant 2 : i32
    %add3A_2593 = vector.broadcast %add3A_2592 : i32 to vector<16xi32>
    %add3A_2594 = arith.addi %mul3A_2581, %add3A_2593 : vector<16xi32>
    %gather3A_2595 = tpu.vector_load_idx %arg9[%add3A_2594] : memref<2048xf32, #tpu.memory_space<vmem>>[vector<16xi32>], vector<16xf32>,
    %add3A_2596 = arith.addf %add3A_2591, %gather3A_2595 : vector<16xf32>
    %add3A_2597 = arith.constant 3 : i32
    %add3A_2598 = vector.broadcast %add3A_2597 : i32 to vector<16xi32>
    %add3A_2599 = arith.addi %mul3A_2581, %add3A_2598 : vector<16xi32>
    %gather3A_2600 = tpu.vector_load_idx %arg9[%add3A_2599] : memref<2048xf32, #tpu.memory_space<vmem>>[vector<16xi32>], vector<16xf32>,
    %add3A_2601 = arith.addf %add3A_2596, %gather3A_2600 : vector<16xf32>
    %add3A_2602 = arith.constant 4 : i32
    %add3A_2603 = vector.broadcast %add3A_2602 : i32 to vector<16xi32>
    %add3A_2604 = arith.addi %mul3A_2581, %add3A_2603 : vector<16xi32>
    %gather3A_2605 = tpu.vector_load_idx %arg9[%add3A_2604] : memref<2048xf32, #tpu.memory_space<vmem>>[vector<16xi32>], vector<16xf32>,
    %add3A_2606 = arith.addf %add3A_2601, %gather3A_2605 : vector<16xf32>
    %add3A_2607 = arith.constant 5 : i32
    %add3A_2608 = vector.broadcast %add3A_2607 : i32 to vector<16xi32>
    %add3A_2609 = arith.addi %mul3A_2581, %add3A_2608 : vector<16xi32>
    %gather3A_2610 = tpu.vector_load_idx %arg9[%add3A_2609] : memref<2048xf32, #tpu.memory_space<vmem>>[vector<16xi32>], vector<16xf32>,
    %add3A_2611 = arith.addf %add3A_2606, %gather3A_2610 : vector<16xf32>
    %add3A_2612 = arith.constant 6 : i32
    %add3A_2613 = vector.broadcast %add3A_2612 : i32 to vector<16xi32>
    %add3A_2614 = arith.addi %mul3A_2581, %add3A_2613 : vector<16xi32>
    %gather3A_2615 = tpu.vector_load_idx %arg9[%add3A_2614] : memref<2048xf32, #tpu.memory_space<vmem>>[vector<16xi32>], vector<16xf32>,
    %add3A_2616 = arith.addf %add3A_2611, %gather3A_2615 : vector<16xf32>
    %add3A_2617 = arith.constant 7 : i32
    %add3A_2618 = vector.broadcast %add3A_2617 : i32 to vector<16xi32>
    %add3A_2619 = arith.addi %mul3A_2581, %add3A_2618 : vector<16xi32>
    %gather3A_2620 = tpu.vector_load_idx %arg9[%add3A_2619] : memref<2048xf32, #tpu.memory_space<vmem>>[vector<16xi32>], vector<16xf32>,
    %add3A_2621 = arith.addf %add3A_2616, %gather3A_2620 : vector<16xf32>
    %add3A_2622 = arith.constant 8 : i32
    %add3A_2623 = vector.broadcast %add3A_2622 : i32 to vector<16xi32>
    %add3A_2624 = arith.addi %mul3A_2581, %add3A_2623 : vector<16xi32>
    %gather3A_2625 = tpu.vector_load_idx %arg9[%add3A_2624] : memref<2048xf32, #tpu.memory_space<vmem>>[vector<16xi32>], vector<16xf32>,
    %add3A_2626 = arith.addf %add3A_2621, %gather3A_2625 : vector<16xf32>
    %add3A_2627 = arith.constant 9 : i32
    %add3A_2628 = vector.broadcast %add3A_2627 : i32 to vector<16xi32>
    %add3A_2629 = arith.addi %mul3A_2581, %add3A_2628 : vector<16xi32>
    %gather3A_2630 = tpu.vector_load_idx %arg9[%add3A_2629] : memref<2048xf32, #tpu.memory_space<vmem>>[vector<16xi32>], vector<16xf32>,
    %add3A_2631 = arith.addf %add3A_2626, %gather3A_2630 : vector<16xf32>
    %add3A_2632 = arith.constant 10 : i32
    %add3A_2633 = vector.broadcast %add3A_2632 : i32 to vector<16xi32>
    %add3A_2634 = arith.addi %mul3A_2581, %add3A_2633 : vector<16xi32>
    %gather3A_2635 = tpu.vector_load_idx %arg9[%add3A_2634] : memref<2048xf32, #tpu.memory_space<vmem>>[vector<16xi32>], vector<16xf32>,
    %add3A_2636 = arith.addf %add3A_2631, %gather3A_2635 : vector<16xf32>
    %add3A_2637 = arith.constant 11 : i32
    %add3A_2638 = vector.broadcast %add3A_2637 : i32 to vector<16xi32>
    %add3A_2639 = arith.addi %mul3A_2581, %add3A_2638 : vector<16xi32>
    %gather3A_2640 = tpu.vector_load_idx %arg9[%add3A_2639] : memref<2048xf32, #tpu.memory_space<vmem>>[vector<16xi32>], vector<16xf32>,
    %add3A_2641 = arith.addf %add3A_2636, %gather3A_2640 : vector<16xf32>
    %add3A_2642 = arith.constant 12 : i32
    %add3A_2643 = vector.broadcast %add3A_2642 : i32 to vector<16xi32>
    %add3A_2644 = arith.addi %mul3A_2581, %add3A_2643 : vector<16xi32>
    %gather3A_2645 = tpu.vector_load_idx %arg9[%add3A_2644] : memref<2048xf32, #tpu.memory_space<vmem>>[vector<16xi32>], vector<16xf32>,
    %add3A_2646 = arith.addf %add3A_2641, %gather3A_2645 : vector<16xf32>
    %add3A_2647 = arith.constant 13 : i32
    %add3A_2648 = vector.broadcast %add3A_2647 : i32 to vector<16xi32>
    %add3A_2649 = arith.addi %mul3A_2581, %add3A_2648 : vector<16xi32>
    %gather3A_2650 = tpu.vector_load_idx %arg9[%add3A_2649] : memref<2048xf32, #tpu.memory_space<vmem>>[vector<16xi32>], vector<16xf32>,
    %add3A_2651 = arith.addf %add3A_2646, %gather3A_2650 : vector<16xf32>
    %add3A_2652 = arith.constant 14 : i32
    %add3A_2653 = vector.broadcast %add3A_2652 : i32 to vector<16xi32>
    %add3A_2654 = arith.addi %mul3A_2581, %add3A_2653 : vector<16xi32>
    %gather3A_2655 = tpu.vector_load_idx %arg9[%add3A_2654] : memref<2048xf32, #tpu.memory_space<vmem>>[vector<16xi32>], vector<16xf32>,
    %add3A_2656 = arith.addf %add3A_2651, %gather3A_2655 : vector<16xf32>
    %add3A_2657 = arith.constant 15 : i32
    %add3A_2658 = vector.broadcast %add3A_2657 : i32 to vector<16xi32>
    %add3A_2659 = arith.addi %mul3A_2581, %add3A_2658 : vector<16xi32>
    %gather3A_2660 = tpu.vector_load_idx %arg9[%add3A_2659] : memref<2048xf32, #tpu.memory_space<vmem>>[vector<16xi32>], vector<16xf32>,
    %add3A_2661 = arith.addf %add3A_2656, %gather3A_2660 : vector<16xf32>
    %swap3A_2662 = arith.constant 96 : index
    %swap3A_2663 = tpu.vector_load %arg10[%swap3A_2662] {strides = array<i32>} : memref<128xf32, #tpu.memory_space<vmem>>, vector<16xf32>,
    tpu.vector_store %arg10[%swap3A_2662], %add3A_2661 {strides = array<i32>} : memref<128xf32, #tpu.memory_space<vmem>>, vector<16xf32>,
    %get3A_2664 = arith.constant 0 : i32
    %get3A_2665 = arith.index_cast %get3A_2664 : i32 to index
    %get3A_2666 = arith.constant 112 : index
    %get3A_2667 = tpu.vector_load %arg8[%get3A_2665, %get3A_2666] {strides = array<i32>} : memref<26x128xf32, #tpu.memory_space<vmem>>, vector<16xf32>,
    %get3A_2668 = arith.constant 1 : i32
    %get3A_2669 = arith.index_cast %get3A_2668 : i32 to index
    %get3A_2670 = arith.constant 112 : index
    %get3A_2671 = tpu.vector_load %arg8[%get3A_2669, %get3A_2670] {strides = array<i32>} : memref<26x128xf32, #tpu.memory_space<vmem>>, vector<16xf32>,
    %add3A_2672 = arith.addf %get3A_2667, %get3A_2671 : vector<16xf32>
    %get3A_2673 = arith.constant 2 : i32
    %get3A_2674 = arith.index_cast %get3A_2673 : i32 to index
    %get3A_2675 = arith.constant 112 : index
    %get3A_2676 = tpu.vector_load %arg8[%get3A_2674, %get3A_2675] {strides = array<i32>} : memref<26x128xf32, #tpu.memory_space<vmem>>, vector<16xf32>,
    %add3A_2677 = arith.addf %add3A_2672, %get3A_2676 : vector<16xf32>
    %get3A_2678 = arith.constant 3 : i32
    %get3A_2679 = arith.index_cast %get3A_2678 : i32 to index
    %get3A_2680 = arith.constant 112 : index
    %get3A_2681 = tpu.vector_load %arg8[%get3A_2679, %get3A_2680] {strides = array<i32>} : memref<26x128xf32, #tpu.memory_space<vmem>>, vector<16xf32>,
    %add3A_2682 = arith.addf %add3A_2677, %get3A_2681 : vector<16xf32>
    %get3A_2683 = arith.constant 4 : i32
    %get3A_2684 = arith.index_cast %get3A_2683 : i32 to index
    %get3A_2685 = arith.constant 112 : index
    %get3A_2686 = tpu.vector_load %arg8[%get3A_2684, %get3A_2685] {strides = array<i32>} : memref<26x128xf32, #tpu.memory_space<vmem>>, vector<16xf32>,
    %add3A_2687 = arith.addf %add3A_2682, %get3A_2686 : vector<16xf32>
    %get3A_2688 = arith.constant 5 : i32
    %get3A_2689 = arith.index_cast %get3A_2688 : i32 to index
    %get3A_2690 = arith.constant 112 : index
    %get3A_2691 = tpu.vector_load %arg8[%get3A_2689, %get3A_2690] {strides = array<i32>} : memref<26x128xf32, #tpu.memory_space<vmem>>, vector<16xf32>,
    %add3A_2692 = arith.addf %add3A_2687, %get3A_2691 : vector<16xf32>
    %get3A_2693 = arith.constant 6 : i32
    %get3A_2694 = arith.index_cast %get3A_2693 : i32 to index
    %get3A_2695 = arith.constant 112 : index
    %get3A_2696 = tpu.vector_load %arg8[%get3A_2694, %get3A_2695] {strides = array<i32>} : memref<26x128xf32, #tpu.memory_space<vmem>>, vector<16xf32>,
    %add3A_2697 = arith.addf %add3A_2692, %get3A_2696 : vector<16xf32>
    %get3A_2698 = arith.constant 7 : i32
    %get3A_2699 = arith.index_cast %get3A_2698 : i32 to index
    %get3A_2700 = arith.constant 112 : index
    %get3A_2701 = tpu.vector_load %arg8[%get3A_2699, %get3A_2700] {strides = array<i32>} : memref<26x128xf32, #tpu.memory_space<vmem>>, vector<16xf32>,
    %add3A_2702 = arith.addf %add3A_2697, %get3A_2701 : vector<16xf32>
    %get3A_2703 = arith.constant 8 : i32
    %get3A_2704 = arith.index_cast %get3A_2703 : i32 to index
    %get3A_2705 = arith.constant 112 : index
    %get3A_2706 = tpu.vector_load %arg8[%get3A_2704, %get3A_2705] {strides = array<i32>} : memref<26x128xf32, #tpu.memory_space<vmem>>, vector<16xf32>,
    %add3A_2707 = arith.addf %add3A_2702, %get3A_2706 : vector<16xf32>
    %get3A_2708 = arith.constant 9 : i32
    %get3A_2709 = arith.index_cast %get3A_2708 : i32 to index
    %get3A_2710 = arith.constant 112 : index
    %get3A_2711 = tpu.vector_load %arg8[%get3A_2709, %get3A_2710] {strides = array<i32>} : memref<26x128xf32, #tpu.memory_space<vmem>>, vector<16xf32>,
    %add3A_2712 = arith.addf %add3A_2707, %get3A_2711 : vector<16xf32>
    %get3A_2713 = arith.constant 10 : i32
    %get3A_2714 = arith.index_cast %get3A_2713 : i32 to index
    %get3A_2715 = arith.constant 112 : index
    %get3A_2716 = tpu.vector_load %arg8[%get3A_2714, %get3A_2715] {strides = array<i32>} : memref<26x128xf32, #tpu.memory_space<vmem>>, vector<16xf32>,
    %add3A_2717 = arith.addf %add3A_2712, %get3A_2716 : vector<16xf32>
    %get3A_2718 = arith.constant 11 : i32
    %get3A_2719 = arith.index_cast %get3A_2718 : i32 to index
    %get3A_2720 = arith.constant 112 : index
    %get3A_2721 = tpu.vector_load %arg8[%get3A_2719, %get3A_2720] {strides = array<i32>} : memref<26x128xf32, #tpu.memory_space<vmem>>, vector<16xf32>,
    %add3A_2722 = arith.addf %add3A_2717, %get3A_2721 : vector<16xf32>
    %get3A_2723 = arith.constant 12 : i32
    %get3A_2724 = arith.index_cast %get3A_2723 : i32 to index
    %get3A_2725 = arith.constant 112 : index
    %get3A_2726 = tpu.vector_load %arg8[%get3A_2724, %get3A_2725] {strides = array<i32>} : memref<26x128xf32, #tpu.memory_space<vmem>>, vector<16xf32>,
    %add3A_2727 = arith.addf %add3A_2722, %get3A_2726 : vector<16xf32>
    %get3A_2728 = arith.constant 13 : i32
    %get3A_2729 = arith.index_cast %get3A_2728 : i32 to index
    %get3A_2730 = arith.constant 112 : index
    %get3A_2731 = tpu.vector_load %arg8[%get3A_2729, %get3A_2730] {strides = array<i32>} : memref<26x128xf32, #tpu.memory_space<vmem>>, vector<16xf32>,
    %add3A_2732 = arith.addf %add3A_2727, %get3A_2731 : vector<16xf32>
    %get3A_2733 = arith.constant 14 : i32
    %get3A_2734 = arith.index_cast %get3A_2733 : i32 to index
    %get3A_2735 = arith.constant 112 : index
    %get3A_2736 = tpu.vector_load %arg8[%get3A_2734, %get3A_2735] {strides = array<i32>} : memref<26x128xf32, #tpu.memory_space<vmem>>, vector<16xf32>,
    %add3A_2737 = arith.addf %add3A_2732, %get3A_2736 : vector<16xf32>
    %get3A_2738 = arith.constant 15 : i32
    %get3A_2739 = arith.index_cast %get3A_2738 : i32 to index
    %get3A_2740 = arith.constant 112 : index
    %get3A_2741 = tpu.vector_load %arg8[%get3A_2739, %get3A_2740] {strides = array<i32>} : memref<26x128xf32, #tpu.memory_space<vmem>>, vector<16xf32>,
    %add3A_2742 = arith.addf %add3A_2737, %get3A_2741 : vector<16xf32>
    %get3A_2743 = arith.constant 16 : i32
    %get3A_2744 = arith.index_cast %get3A_2743 : i32 to index
    %get3A_2745 = arith.constant 112 : index
    %get3A_2746 = tpu.vector_load %arg8[%get3A_2744, %get3A_2745] {strides = array<i32>} : memref<26x128xf32, #tpu.memory_space<vmem>>, vector<16xf32>,
    %add3A_2747 = arith.addf %add3A_2742, %get3A_2746 : vector<16xf32>
    %get3A_2748 = arith.constant 17 : i32
    %get3A_2749 = arith.index_cast %get3A_2748 : i32 to index
    %get3A_2750 = arith.constant 112 : index
    %get3A_2751 = tpu.vector_load %arg8[%get3A_2749, %get3A_2750] {strides = array<i32>} : memref<26x128xf32, #tpu.memory_space<vmem>>, vector<16xf32>,
    %add3A_2752 = arith.addf %add3A_2747, %get3A_2751 : vector<16xf32>
    %get3A_2753 = arith.constant 18 : i32
    %get3A_2754 = arith.index_cast %get3A_2753 : i32 to index
    %get3A_2755 = arith.constant 112 : index
    %get3A_2756 = tpu.vector_load %arg8[%get3A_2754, %get3A_2755] {strides = array<i32>} : memref<26x128xf32, #tpu.memory_space<vmem>>, vector<16xf32>,
    %add3A_2757 = arith.addf %add3A_2752, %get3A_2756 : vector<16xf32>
    %get3A_2758 = arith.constant 19 : i32
    %get3A_2759 = arith.index_cast %get3A_2758 : i32 to index
    %get3A_2760 = arith.constant 112 : index
    %get3A_2761 = tpu.vector_load %arg8[%get3A_2759, %get3A_2760] {strides = array<i32>} : memref<26x128xf32, #tpu.memory_space<vmem>>, vector<16xf32>,
    %add3A_2762 = arith.addf %add3A_2757, %get3A_2761 : vector<16xf32>
    %get3A_2763 = arith.constant 20 : i32
    %get3A_2764 = arith.index_cast %get3A_2763 : i32 to index
    %get3A_2765 = arith.constant 112 : index
    %get3A_2766 = tpu.vector_load %arg8[%get3A_2764, %get3A_2765] {strides = array<i32>} : memref<26x128xf32, #tpu.memory_space<vmem>>, vector<16xf32>,
    %add3A_2767 = arith.addf %add3A_2762, %get3A_2766 : vector<16xf32>
    %get3A_2768 = arith.constant 21 : i32
    %get3A_2769 = arith.index_cast %get3A_2768 : i32 to index
    %get3A_2770 = arith.constant 112 : index
    %get3A_2771 = tpu.vector_load %arg8[%get3A_2769, %get3A_2770] {strides = array<i32>} : memref<26x128xf32, #tpu.memory_space<vmem>>, vector<16xf32>,
    %add3A_2772 = arith.addf %add3A_2767, %get3A_2771 : vector<16xf32>
    %get3A_2773 = arith.constant 22 : i32
    %get3A_2774 = arith.index_cast %get3A_2773 : i32 to index
    %get3A_2775 = arith.constant 112 : index
    %get3A_2776 = tpu.vector_load %arg8[%get3A_2774, %get3A_2775] {strides = array<i32>} : memref<26x128xf32, #tpu.memory_space<vmem>>, vector<16xf32>,
    %add3A_2777 = arith.addf %add3A_2772, %get3A_2776 : vector<16xf32>
    %get3A_2778 = arith.constant 23 : i32
    %get3A_2779 = arith.index_cast %get3A_2778 : i32 to index
    %get3A_2780 = arith.constant 112 : index
    %get3A_2781 = tpu.vector_load %arg8[%get3A_2779, %get3A_2780] {strides = array<i32>} : memref<26x128xf32, #tpu.memory_space<vmem>>, vector<16xf32>,
    %add3A_2782 = arith.addf %add3A_2777, %get3A_2781 : vector<16xf32>
    %get3A_2783 = arith.constant 24 : i32
    %get3A_2784 = arith.index_cast %get3A_2783 : i32 to index
    %get3A_2785 = arith.constant 112 : index
    %get3A_2786 = tpu.vector_load %arg8[%get3A_2784, %get3A_2785] {strides = array<i32>} : memref<26x128xf32, #tpu.memory_space<vmem>>, vector<16xf32>,
    %add3A_2787 = arith.addf %add3A_2782, %get3A_2786 : vector<16xf32>
    %get3A_2788 = arith.constant 25 : i32
    %get3A_2789 = arith.index_cast %get3A_2788 : i32 to index
    %get3A_2790 = arith.constant 112 : index
    %get3A_2791 = tpu.vector_load %arg8[%get3A_2789, %get3A_2790] {strides = array<i32>} : memref<26x128xf32, #tpu.memory_space<vmem>>, vector<16xf32>,
    %add3A_2792 = arith.addf %add3A_2787, %get3A_2791 : vector<16xf32>
    %add3A_2793 = arith.constant 112 : i32
    %add3A_2794 = vector.broadcast %add3A_2793 : i32 to vector<16xi32>
    %add3A_2795 = arith.addi %iota3A, %add3A_2794 : vector<16xi32>
    %mul3A_2796 = arith.constant 16 : i32
    %mul3A_2797 = vector.broadcast %mul3A_2796 : i32 to vector<16xi32>
    %mul3A_2798 = arith.muli %add3A_2795, %mul3A_2797 : vector<16xi32>
    %add3A_2799 = arith.constant 0 : i32
    %add3A_2800 = vector.broadcast %add3A_2799 : i32 to vector<16xi32>
    %add3A_2801 = arith.addi %mul3A_2798, %add3A_2800 : vector<16xi32>
    %gather3A_2802 = tpu.vector_load_idx %arg9[%add3A_2801] : memref<2048xf32, #tpu.memory_space<vmem>>[vector<16xi32>], vector<16xf32>,
    %add3A_2803 = arith.addf %add3A_2792, %gather3A_2802 : vector<16xf32>
    %add3A_2804 = arith.constant 1 : i32
    %add3A_2805 = vector.broadcast %add3A_2804 : i32 to vector<16xi32>
    %add3A_2806 = arith.addi %mul3A_2798, %add3A_2805 : vector<16xi32>
    %gather3A_2807 = tpu.vector_load_idx %arg9[%add3A_2806] : memref<2048xf32, #tpu.memory_space<vmem>>[vector<16xi32>], vector<16xf32>,
    %add3A_2808 = arith.addf %add3A_2803, %gather3A_2807 : vector<16xf32>
    %add3A_2809 = arith.constant 2 : i32
    %add3A_2810 = vector.broadcast %add3A_2809 : i32 to vector<16xi32>
    %add3A_2811 = arith.addi %mul3A_2798, %add3A_2810 : vector<16xi32>
    %gather3A_2812 = tpu.vector_load_idx %arg9[%add3A_2811] : memref<2048xf32, #tpu.memory_space<vmem>>[vector<16xi32>], vector<16xf32>,
    %add3A_2813 = arith.addf %add3A_2808, %gather3A_2812 : vector<16xf32>
    %add3A_2814 = arith.constant 3 : i32
    %add3A_2815 = vector.broadcast %add3A_2814 : i32 to vector<16xi32>
    %add3A_2816 = arith.addi %mul3A_2798, %add3A_2815 : vector<16xi32>
    %gather3A_2817 = tpu.vector_load_idx %arg9[%add3A_2816] : memref<2048xf32, #tpu.memory_space<vmem>>[vector<16xi32>], vector<16xf32>,
    %add3A_2818 = arith.addf %add3A_2813, %gather3A_2817 : vector<16xf32>
    %add3A_2819 = arith.constant 4 : i32
    %add3A_2820 = vector.broadcast %add3A_2819 : i32 to vector<16xi32>
    %add3A_2821 = arith.addi %mul3A_2798, %add3A_2820 : vector<16xi32>
    %gather3A_2822 = tpu.vector_load_idx %arg9[%add3A_2821] : memref<2048xf32, #tpu.memory_space<vmem>>[vector<16xi32>], vector<16xf32>,
    %add3A_2823 = arith.addf %add3A_2818, %gather3A_2822 : vector<16xf32>
    %add3A_2824 = arith.constant 5 : i32
    %add3A_2825 = vector.broadcast %add3A_2824 : i32 to vector<16xi32>
    %add3A_2826 = arith.addi %mul3A_2798, %add3A_2825 : vector<16xi32>
    %gather3A_2827 = tpu.vector_load_idx %arg9[%add3A_2826] : memref<2048xf32, #tpu.memory_space<vmem>>[vector<16xi32>], vector<16xf32>,
    %add3A_2828 = arith.addf %add3A_2823, %gather3A_2827 : vector<16xf32>
    %add3A_2829 = arith.constant 6 : i32
    %add3A_2830 = vector.broadcast %add3A_2829 : i32 to vector<16xi32>
    %add3A_2831 = arith.addi %mul3A_2798, %add3A_2830 : vector<16xi32>
    %gather3A_2832 = tpu.vector_load_idx %arg9[%add3A_2831] : memref<2048xf32, #tpu.memory_space<vmem>>[vector<16xi32>], vector<16xf32>,
    %add3A_2833 = arith.addf %add3A_2828, %gather3A_2832 : vector<16xf32>
    %add3A_2834 = arith.constant 7 : i32
    %add3A_2835 = vector.broadcast %add3A_2834 : i32 to vector<16xi32>
    %add3A_2836 = arith.addi %mul3A_2798, %add3A_2835 : vector<16xi32>
    %gather3A_2837 = tpu.vector_load_idx %arg9[%add3A_2836] : memref<2048xf32, #tpu.memory_space<vmem>>[vector<16xi32>], vector<16xf32>,
    %add3A_2838 = arith.addf %add3A_2833, %gather3A_2837 : vector<16xf32>
    %add3A_2839 = arith.constant 8 : i32
    %add3A_2840 = vector.broadcast %add3A_2839 : i32 to vector<16xi32>
    %add3A_2841 = arith.addi %mul3A_2798, %add3A_2840 : vector<16xi32>
    %gather3A_2842 = tpu.vector_load_idx %arg9[%add3A_2841] : memref<2048xf32, #tpu.memory_space<vmem>>[vector<16xi32>], vector<16xf32>,
    %add3A_2843 = arith.addf %add3A_2838, %gather3A_2842 : vector<16xf32>
    %add3A_2844 = arith.constant 9 : i32
    %add3A_2845 = vector.broadcast %add3A_2844 : i32 to vector<16xi32>
    %add3A_2846 = arith.addi %mul3A_2798, %add3A_2845 : vector<16xi32>
    %gather3A_2847 = tpu.vector_load_idx %arg9[%add3A_2846] : memref<2048xf32, #tpu.memory_space<vmem>>[vector<16xi32>], vector<16xf32>,
    %add3A_2848 = arith.addf %add3A_2843, %gather3A_2847 : vector<16xf32>
    %add3A_2849 = arith.constant 10 : i32
    %add3A_2850 = vector.broadcast %add3A_2849 : i32 to vector<16xi32>
    %add3A_2851 = arith.addi %mul3A_2798, %add3A_2850 : vector<16xi32>
    %gather3A_2852 = tpu.vector_load_idx %arg9[%add3A_2851] : memref<2048xf32, #tpu.memory_space<vmem>>[vector<16xi32>], vector<16xf32>,
    %add3A_2853 = arith.addf %add3A_2848, %gather3A_2852 : vector<16xf32>
    %add3A_2854 = arith.constant 11 : i32
    %add3A_2855 = vector.broadcast %add3A_2854 : i32 to vector<16xi32>
    %add3A_2856 = arith.addi %mul3A_2798, %add3A_2855 : vector<16xi32>
    %gather3A_2857 = tpu.vector_load_idx %arg9[%add3A_2856] : memref<2048xf32, #tpu.memory_space<vmem>>[vector<16xi32>], vector<16xf32>,
    %add3A_2858 = arith.addf %add3A_2853, %gather3A_2857 : vector<16xf32>
    %add3A_2859 = arith.constant 12 : i32
    %add3A_2860 = vector.broadcast %add3A_2859 : i32 to vector<16xi32>
    %add3A_2861 = arith.addi %mul3A_2798, %add3A_2860 : vector<16xi32>
    %gather3A_2862 = tpu.vector_load_idx %arg9[%add3A_2861] : memref<2048xf32, #tpu.memory_space<vmem>>[vector<16xi32>], vector<16xf32>,
    %add3A_2863 = arith.addf %add3A_2858, %gather3A_2862 : vector<16xf32>
    %add3A_2864 = arith.constant 13 : i32
    %add3A_2865 = vector.broadcast %add3A_2864 : i32 to vector<16xi32>
    %add3A_2866 = arith.addi %mul3A_2798, %add3A_2865 : vector<16xi32>
    %gather3A_2867 = tpu.vector_load_idx %arg9[%add3A_2866] : memref<2048xf32, #tpu.memory_space<vmem>>[vector<16xi32>], vector<16xf32>,
    %add3A_2868 = arith.addf %add3A_2863, %gather3A_2867 : vector<16xf32>
    %add3A_2869 = arith.constant 14 : i32
    %add3A_2870 = vector.broadcast %add3A_2869 : i32 to vector<16xi32>
    %add3A_2871 = arith.addi %mul3A_2798, %add3A_2870 : vector<16xi32>
    %gather3A_2872 = tpu.vector_load_idx %arg9[%add3A_2871] : memref<2048xf32, #tpu.memory_space<vmem>>[vector<16xi32>], vector<16xf32>,
    %add3A_2873 = arith.addf %add3A_2868, %gather3A_2872 : vector<16xf32>
    %add3A_2874 = arith.constant 15 : i32
    %add3A_2875 = vector.broadcast %add3A_2874 : i32 to vector<16xi32>
    %add3A_2876 = arith.addi %mul3A_2798, %add3A_2875 : vector<16xi32>
    %gather3A_2877 = tpu.vector_load_idx %arg9[%add3A_2876] : memref<2048xf32, #tpu.memory_space<vmem>>[vector<16xi32>], vector<16xf32>,
    %add3A_2878 = arith.addf %add3A_2873, %gather3A_2877 : vector<16xf32>
    %swap3A_2879 = arith.constant 112 : index
    %swap3A_2880 = tpu.vector_load %arg10[%swap3A_2879] {strides = array<i32>} : memref<128xf32, #tpu.memory_space<vmem>>, vector<16xf32>,
    tpu.vector_store %arg10[%swap3A_2879], %add3A_2878 {strides = array<i32>} : memref<128xf32, #tpu.memory_space<vmem>>, vector<16xf32>,
    %mul3A_2881 = arith.constant 128 : i32
    %mul3A_2882 = arith.muli %add3A, %mul3A_2881 : i32
    "tpu.region"() ({
      %run_scoped3A = tpu.sem_alloc : memref<!tpu.dma_semaphore, #tpu.memory_space<semaphore_mem>>
      %dma_start3A_2883 = tpu.memref_slice %arg5[%mul3A_2882] : memref<4096xf32, #tpu.memory_space<hbm>> -> memref<128xf32, #tpu.memory_space<hbm>>
      %dma_start3A_2884 = tpu.memref_slice %arg5[%mul3A_2882] : memref<4096xf32, #tpu.memory_space<hbm>> -> memref<128xf32, #tpu.memory_space<hbm>>
      tpu.enqueue_dma source(%arg10 : memref<128xf32, #tpu.memory_space<vmem>>) target(%dma_start3A_2884 : memref<128xf32, #tpu.memory_space<hbm>>) target_semaphore(%run_scoped3A : memref<!tpu.dma_semaphore, #tpu.memory_space<semaphore_mem>>)
      %dma_wait3A_2885 = tpu.memref_slice %arg5[%mul3A_2882] : memref<4096xf32, #tpu.memory_space<hbm>> -> memref<128xf32, #tpu.memory_space<hbm>>
      %dma_wait3A_2886 = tpu.memref_slice %arg5[%mul3A_2882] : memref<4096xf32, #tpu.memory_space<hbm>> -> memref<128xf32, #tpu.memory_space<hbm>>
      tpu.wait_dma2 semaphore(%run_scoped3A : memref<!tpu.dma_semaphore, #tpu.memory_space<semaphore_mem>>) src(%arg10 : memref<128xf32, #tpu.memory_space<vmem>>) dst(%dma_wait3A_2886 : memref<128xf32, #tpu.memory_space<hbm>>)
      tpu.yield
    }) : () -> ()
    return
  }
}

</mosaic_0001>

<sc_bundles>
// kernel: kernel.3.cloned.1.call-start
scs
__scs_entry_jumppad:
0x0: {  	(pc) =	sbr.rel $0x88, $3  }
0x1: {  	(tag) =	ssettag $0x0;
	lr =	simm.s32 $0x1  }
0x2: {  	[smem:$0x3F9E] =	sst lr;
	_ =	strace $0xD0000000  }
0x3: {  	_ = 	snop  }
0x4: {  	_ = 	snop  }
0x5: {  	_ = 	snop  }
0x6: {  	_ = 	snop  }
0x7: {  	_ = 	snop  }
__scs_overlays_trampoline_lowered:
0x8: {  	[smem:$0x3FAD] =	sst s0  }
0x9: {  	[smem:$0x3FAE] =	sst s1  }
0xa: {  	[smem:$0x3FAF] =	sst s2  }
0xb: {  	[smem:$0x3FB0] =	sst s3  }
0xc: {  	[smem:$0x3FB1] =	sst s4  }
0xd: {  	[smem:$0x3FB2] =	sst s5  }
0xe: {  	[smem:$0x3FB3] =	sst s6  }
0xf: {  	[smem:$0x3FB4] =	sst s7  }
0x10: {  	[smem:$0x3FB5] =	sst s8  }
0x11: {  	[smem:$0x3FB6] =	sst s9;
	s0 =	simm.s32 @!p0 $0x0  }
0x12: {  	s1 =	sld [smem:$0x3F9C];
	s0 =	simm.s32 @p0 $0x1  }
0x13: {  	[smem:$0x3FB7] =	sst s0;
	s0 =	simm.s32 @!p1 $0x0  }
0x14: {  	s2 =	sld [smem:$0x3F9B];
	s0 =	simm.s32 @p1 $0x1  }
0x15: {  	[smem:$0x3FB8] =	sst s0;
	s0 =	simm.s32 @!p2 $0x0  }
0x16: {  	s3 =	sld [smem:$0x3FDB];
	s0 =	simm.s32 @p2 $0x1  }
0x17: {  	s4 =	simm.s32 $0x1BF5;
	[smem:$0x3FBA] =	sst s0  }
0x18: {  	s0 =	sld [smem:$0x3F9D];
	_ =	swait.ge [sflag:s4], $0x0  }
0x19: {  	s7 =	sld [smem:$0x3F9E]  }
0x1a: {  	s8 =	sadd.s32 $0xFFFFE003, lr  }
0x1b: {  	s9 =	sadd.s32 $0xFFFFFEF7, lr;
	s5 =	simm.s32 $0xFFFFFFFF;
	p2 =	slt.u32 s8, $0xFFFFF086  }
0x1c: {  	p1 =	slt.u32 s9, $0xF7A;
	s5 =	simm.s32 @!p2 $0x0  }
0x1d: {  	s5 =	simm.s32 @p1 $0x1;
	p0 =	seq.s32 s7, s2  }
0x1e: {  	s7 =	smul.u32 @!p0 $0xF7A, s2;
	p2 =	seq.s32 @!p0 s5, $0x0  }
0x1f: {  	s9 =	smul.u32 $0xF7A, s1;
	s8 =	simm.s32 @!p0 $0x1BF5;
	p2 =	por !p2, p0  }
0x20: {  	[sflag:s8] =	ssyncset.s32 @!p0 $0xFFFFF086;
	s6 =	sadd.s32 @!p0 s3, s7;
	s7 =	simm.s32 @!p0 $0x108  }
0x21: {  	s3 =	sadd.s32 s3, s9;
	s6 =	sadd.s32 @!p0 $0x88, s6;
	s7 =	simm.s32 @p2 $0x1082  }
0x22: {  	[simem:s7], [sflag:s8] =	dma.local @!p0 [hbm:s6], $0xF7A  }
0x23: {  	s9 =	sor.u32 $0xD0000000, s2;
	s6 =	simm.s32 $0x108;
	_ =	swait.ge @!p0 [sflag:s8], $0x0  }
0x24: {  	s3 =	sadd.s32 $0x88, s3;
	s6 =	simm.s32 @!p1 $0x1082;
	[sflag:s4] =	ssyncset.s32 $0xFFFFF086  }
0x25: {  	[simem:s6], [sflag:s4] =	dma.local [hbm:s3], $0xF7A  }
0x26: {  	[smem:$0x3F9E] =	sst s1;
	(tag) =	ssettag s2;
	_ =	strace s9  }
0x27: {  	s1 =	sld [smem:$0x3FAE]  }
0x28: {  	s2 =	sld [smem:$0x3FAF]  }
0x29: {  	s4 =	sld [smem:$0x3FB1]  }
0x2a: {  	p0 =	seq.s32 s5, $0x0;
	s5 =	sld [smem:$0x3FB2]  }
0x2b: {  	s6 =	sld [smem:$0x3FB3]  }
0x2c: {  	s7 =	sld [smem:$0x3FB4]  }
0x2d: {  	s3 =	simm.s32 $0x108;
	s8 =	sld [smem:$0x3FB5]  }
0x2e: {  	s3 =	simm.s32 @!p0 $0x1082;
	s9 =	sld [smem:$0x3FB6]  }
0x2f: {  	lr =	sadd.s32 s0, s3;
	s0 =	sld [smem:$0x3FAD]  }
0x30: {  	s3 =	sld [smem:$0x3FB0]  }
0x31: {  	[smem:$0x3FB9] =	sst s10  }
0x32: {  	s10 =	sld [smem:$0x3FB7];
	_ =	sdelay $0x3  }
0x33: {  	p0 =	seq.s32 s10, $0x1;
	s10 =	sld [smem:$0x3FB9];
	_ =	sdelay $0x3  }
0x34: {  	[smem:$0x3FB9] =	sst s10  }
0x35: {  	s10 =	sld [smem:$0x3FB8];
	_ =	sdelay $0x3  }
0x36: {  	p1 =	seq.s32 s10, $0x1;
	s10 =	sld [smem:$0x3FB9];
	_ =	sdelay $0x3  }
0x37: {  	[smem:$0x3FB9] =	sst s10  }
0x38: {  	s10 =	sld [smem:$0x3FBA]  }
0x39: {  	_ = 	snop;
	(pc) =	sbr.ind lr, $3  }
0x3a: {  	_ = 	snop  }
0x3b: {  	_ = 	snop  }
0x3c: {  	p2 =	seq.s32 s10, $0x1;
	s10 =	sld [smem:$0x3FB9]  }
0x3d: {  	_ =	shalt  }
0x3e: {  	_ =	shalt  }
0x3f: {  	_ =	shalt  }
0x40: {  	_ =	shalt  }
0x41: {  	_ =	shalt  }
0x42: {  	_ =	shalt  }
0x43: {  	_ =	shalt  }
0x44: {  	_ =	shalt  }
0x45: {  	_ =	shalt  }
0x46: {  	_ =	shalt  }
0x47: {  	_ =	shalt  }
0x48: {  	_ =	shalt  }
0x49: {  	_ =	shalt  }
0x4a: {  	_ =	shalt  }
0x4b: {  	_ =	shalt  }
0x4c: {  	_ =	shalt  }
0x4d: {  	_ =	shalt  }
0x4e: {  	_ =	shalt  }
0x4f: {  	_ =	shalt  }
0x50: {  	_ =	shalt  }
0x51: {  	_ =	shalt  }
0x52: {  	_ =	shalt  }
0x53: {  	_ =	shalt  }
0x54: {  	_ =	shalt  }
0x55: {  	_ =	shalt  }
0x56: {  	_ =	shalt  }
0x57: {  	_ =	shalt  }
0x58: {  	_ =	shalt  }
0x59: {  	_ =	shalt  }
0x5a: {  	_ =	shalt  }
0x5b: {  	_ =	shalt  }
0x5c: {  	_ =	shalt  }
0x5d: {  	_ =	shalt  }
0x5e: {  	_ =	shalt  }
0x5f: {  	_ =	shalt  }
0x60: {  	_ =	shalt  }
0x61: {  	_ =	shalt  }
0x62: {  	_ =	shalt  }
0x63: {  	_ =	shalt  }
0x64: {  	_ =	shalt  }
0x65: {  	_ =	shalt  }
0x66: {  	_ =	shalt  }
0x67: {  	_ =	shalt  }
0x68: {  	_ =	shalt  }
0x69: {  	_ =	shalt  }
0x6a: {  	_ =	shalt  }
0x6b: {  	_ =	shalt  }
0x6c: {  	_ =	shalt  }
0x6d: {  	_ =	shalt  }
0x6e: {  	_ =	shalt  }
0x6f: {  	_ =	shalt  }
0x70: {  	_ =	shalt  }
0x71: {  	_ =	shalt  }
0x72: {  	_ =	shalt  }
0x73: {  	_ =	shalt  }
0x74: {  	_ =	shalt  }
0x75: {  	_ =	shalt  }
0x76: {  	_ =	shalt  }
0x77: {  	_ =	shalt  }
0x78: {  	_ =	shalt  }
0x79: {  	_ =	shalt  }
0x7a: {  	_ =	shalt  }
0x7b: {  	_ =	shalt  }
0x7c: {  	_ =	shalt  }
0x7d: {  	_ =	shalt  }
0x7e: {  	_ =	shalt  }
0x7f: {  	_ =	shalt  }
0x80: {  	_ =	shalt  }
0x81: {  	_ =	shalt  }
0x82: {  	_ =	shalt  }
0x83: {  	_ =	shalt  }
0x84: {  	_ =	shalt  }
0x85: {  	_ =	shalt  }
0x86: {  	_ =	shalt  }
0x87: {  	_ =	shalt  }
.Lfunc_end0:
.L_simem_size_0:
called_computation_lowered:
.L_overlay_start_0:
0x88: {  	s2 =	sld [smem:$0x3FD9]  }
0x89: {  	s3 =	sld [smem:$0x3FFE];
	_ =	sdelay $0x1  }
0x8a: {  	s1 =	srdreg.scid  }
0x8b: {  	s0 =	sand.u32 $0x1, s1  }
0x8c: {  	s17 =	sshll.u32 s0, $0xA;
	s2 =	sadd.s32 s3, s2  }
0x8d: {  	s2 =	sadd.s32 s2, s17  }
0x8e: {  	[smem:$0x3FC5] =	sst s2  }
0x8f: {  	_ = 	snop  }
0x90: {  	s2 =	sld [smem:$0x3FD0];
	(tm) =	ssettm $0x1  }
0x91: {  	s18 =	sld [smem:$0x3FFB];
	_ =	sdelay $0x3  }
0x92: {  	_ =	strace s18  }
0x93: {  	s3 =	sld [smem:$0x3FFC];
	_ =	sdelay $0x3  }
0x94: {  	_ =	strace s3  }
0x95: {  	s3 =	sld [smem:$0x3FFD];
	_ =	sdelay $0x3  }
0x96: {  	_ =	strace s3  }
0x97: {  	_ =	strace $0x8FFFFFFF  }
0x98: {  	s19 =	sld [smem:$0x3FDB];
	_ =	sdelay $0x1  }
0x99: {  	s4 =	simm.s32 $_scs_section_size  }
0x9a: {  	s5 =	simm.s32 $_size__tile_overlayer_lowered;
	s6 =	simm.s32 $_tile_overlayer_lowered  }
0x9b: {  	s22 =	simm.s32 $0x1BFF;
	s21 =	sshll.u32 s6, $0x1;
	s3 =	sadd.s32 s4, s19  }
0x9c: {  	s7 =	simm.s32 $0x0;
	s20 =	sshll.u32 s5, $0x1;
	s5 =	sadd.s32 s21, s3  }
0x9d: {  	[timem:s7], [sflag:s22] =	dma.local [hbm:s5], s20  }
0x9e: {  	_ =	swait.ge [sflag:s22], s20  }
0x9f: {  	s4 =	ssub.s32 $0x0, s20;
	[sflag:s22] =	ssyncset.done $0x0  }
0xa0: {  	[sflag:s22] =	ssyncadd.s32 s4;
	_ =	sdelay $0x1  }
0xa1: {  	s23 =	simm.s32 $0x1B8B  }
0xa2: {  	_ =	swait.ge [sflag:s23], $0x1  }
0xa3: {  	[sflag:s23] =	ssyncset.done $0x0  }
0xa4: {  	s25 =	simm.s32 $0x1B8E;
	s24 =	sld [smem:$0x3FFE];
	[sflag:s23] =	ssyncadd.s32 $0xFFFFFFFF  }
0xa5: {  	s26 =	simm.s32 $execute0_lowered;
	[smem:$0x3FD2] =	sst s25  }
0xa6: {  	s5 =	sshll.u32 s26, $0x1;
	_ =	strace $0x80000046;
	[dreg:$0x1] =	wrdreg $0xFFFFFFFF  }
0xa7: {  	s28 =	simm.s32 $_size_execute0_lowered;
	s3 =	sadd.s32 s3, s5;
	[dreg:$0x0] =	wrdreg $0x0  }
0xa8: {  	s5 =	sshll.u32 s28, $0x1;
	[dreg:$0x2] =	wrdreg s3  }
0xa9: {  	[dreg:$0x3] =	wrdreg s5  }
0xaa: {  	[dreg:$0x4] =	wrdreg $0xC0  }
0xab: {  	_ =	task [dreg:s7], $0x5FFFF  }
0xac: {  	[dreg:$0x1] =	wrdreg $0xFFFFFFFF  }
0xad: {  	[dreg:$0x0] =	wrdreg $0x60  }
0xae: {  	[dreg:$0x2] =	wrdreg s24  }
0xaf: {  	[dreg:$0x3] =	wrdreg s2  }
0xb0: {  	[dreg:$0x4] =	wrdreg $0x9  }
0xb1: {  	_ =	task.clear_ibuf [dreg:s7], $0x5FFFF;
	_ =	strace $0x90000046  }
0xb2: {  	s29 =	simm.s32 $0x9;
	_ =	strace $0x80000048  }
0xb3: {  	_ =	swait.ge [sflag:s29], $0x1  }
0xb4: {  	[sflag:s29] =	ssyncadd.s32 $0xFFFFFFFF  }
0xb5: {  	_ =	strace $0x90000048  }
0xb6: {  	_ =	sfence  }
0xb7: {  	s30 =	sld [smem:$0x0];
	_ =	sdelay $0x2  }
0xb8: {  	s31 =	sshll.u32 s1, $0xD;
	s1 =	sshrl.u32 s1, $0x2  }
0xb9: {  	s3 =	sand.u32 $0x4000, s31;
	s1 =	sadd.s32 s1, s30  }
0xba: {  	s0 =	sor.u32 s3, s0;
	s1 =	sshll.u32 s1, $0x11  }
0xbb: {  	s0 =	sor.u32 s1, s0  }
0xbc: {  	s0 =	sadd.s32 $0x8F2B, s0  }
0xbd: {  	[sflag:s0] =	ssyncadd.remote.s32 $0x1  }
0xbe: {  	_ =	sfence.sel $0xFFFF  }
0xbf: {  	[dreg:$0x0] =	wrdreg $0xFFFFFFFF;
	(pc) =	sbr.abs _section_cstart, $3  }
0xc0: {  	[dreg:$0x1] =	wrdreg $0xFFFFFFFF  }
0xc1: {  	_ =	task.clear_ibuf [dreg:s7], $0x2FFFF;
	_ =	strace $0x9FFFFFFF  }
0xc2: {  	(tm) =	ssettm $0x7FFFFFFF  }
0xc3: {  	_ =	shalt  }
tec
execute0_lowered:
.L_overlay_start_1:
0x0: {  	(tag) =	ssettag $0x1  }
0x1: {  	v0 =	vlaneseq.u32  }
0x2: {  	v0 =	vmul.u32 $0x10, v0;
	_ =	sdelay $0x1  }
0x3: {  	s0 =	srdreg.scid;
	s1 =	rddreg [dreg:$0x0];
	v1 =	vor.u32 $0x1, v0;
	v2 =	vor.u32 $0x2, v0;
	v3 =	vor.u32 $0x3, v0  }
0x4: {  	s6 =	rddreg [dreg:$0x1];
	s4 =	stileid.u32;
	v4 =	vor.u32 $0x4, v0;
	v5 =	vor.u32 $0x5, v0;
	v6 =	vor.u32 $0x6, v0  }
0x5: {  	s2 =	simm.s32 $0x0;
	s9 =	simm.s32 $0x80;
	s14 =	simm.s32 $0x1;
	v7 =	vor.u32 $0x7, v0;
	v8 =	vor.u32 $0x8, v0;
	v9 =	vor.u32 $0x9, v0  }
0x6: {  	s16 =	simm.s32 $0x2;
	s18 =	simm.s32 $0xEA00;
	s0 =	sand.u32 $0x1, s0;
	v10 =	vor.u32 $0xA, v0;
	v11 =	vor.u32 $0xB, v0;
	v12 =	vor.u32 $0xC, v0  }
0x7: {  	[smem:$0x7FF] =	sst s2;
	s28 =	sadd.s32 $0x3A00, s1;
	s3 =	sshll.u32 s0, $0x4;
	v13 =	vor.u32 $0xD, v0;
	v14 =	vor.u32 $0xE, v0;
	v15 =	vor.u32 $0xF, v0  }
0x8: {  	_ =	strace $0x80000047;
	s0 =	ssub.s32 $0x2, s0;
	s5 =	sor.u32 s4, s3;
	v16 =	vor.u32 $0x100, v0;
	v17 =	vor.u32 $0x101, v0;
	v18 =	vor.u32 $0x102, v0  }
0x9: {  	[dreg:$0x6] =	wrdreg s28;
	s29 =	sshrl.u32 s0, $0x1;
	v19 =	vor.u32 $0x103, v0;
	v20 =	vor.u32 $0x104, v0;
	v21 =	vor.u32 $0x105, v0;
	s8 =	sshll.u32 s5, $0x4  }
0xa: {  	v22 =	vor.u32 $0x106, v0;
	v23 =	vor.u32 $0x107, v0;
	v24 =	vor.u32 $0x108, v0;
	s3 =	smul.u32 $0x1A0, s5;
	s0 =	ssub.s32 s0, s29;
	s31 =	sadd.s32 s6, s8  }
0xb: {  	s20 =	simm.s32 $0x0;
	v25 =	vor.u32 $0x109, v0;
	v26 =	vor.u32 $0x10A, v0;
	v27 =	vor.u32 $0x10B, v0;
	s0 =	smax.u32 s0, $0x1;
	[dreg:$0x4] =	wrdreg s31  }
0xc: {  	v28 =	vor.u32 $0x10C, v0;
	v29 =	vor.u32 $0x10D, v0;
	v30 =	vor.u32 $0x10E, v0;
	s7 =	sadd.s32 s3, s1;
	s1 =	sadd.s32 $0x27ACA00, s1;
	[dreg:$0x5] =	wrdreg s0  }
0xd: {  	v31 =	vor.u32 $0x10F, v0;
	v32 =	vor.u32 $0x200, v0;
	v33 =	vor.u32 $0x201, v0;
	s8 =	simm.s32 $0xC00;
	[dreg:$0x7] =	wrdreg s1;
	s30 =	sadd.s32 $0x600, s7  }
0xe: {  	v34 =	vor.u32 $0x202, v0;
	v35 =	vor.u32 $0x203, v0;
	v36 =	vor.u32 $0x204, v0;
	s0 =	simm.s32 $0x3;
	s1 =	simm.s32 $0x0;
	[dreg:$0x3] =	wrdreg s30  }
.LBB2_1:
0xf: {  	[dreg:$0x8] =	wrdreg s1  }
0x10: {  	s5 =	rddreg [dreg:$0x3];
	s28 =	simm.s32 $0x0  }
0x11: {  	[tilespmem:s28], [sflag:$0x3] =	stream.linear.gather [hbm4b:s5+s28], $0xD00, $0x38;
	[tilespmem:$0xF280] =	vst v63  }
0x12: {  	_ =	swait.ge [sflag:s0], $0xD00  }
0x13: {  	[sflag:s0] =	ssyncset.done $0x0  }
0x14: {  	s22 =	simm.s32 $0xD00;
	s4 =	rddreg [dreg:$0x7];
	[sflag:s0] =	ssyncadd.s32 $0xFFFFF300  }
0x15: {  	[tilespmem:s22], [sflag:$0x1] =	stream.indirect.gather [hbm4b:s4+s9], $0x10, s28, s9, $0xb8;
	[tilespmem:$0xF280] =	vst v63  }
0x16: {  	s30 =	simm.s32 $0x1500  }
0x17: {  	[tilespmem:s30], [sflag:$0x1] =	stream.indirect.gather [hbm4b:s4+s9], $0x10, s9, s9, $0xb8;
	[tilespmem:$0xF280] =	vst v63  }
0x18: {  	s24 =	simm.s32 $0x1D00;
	s22 =	simm.s32 $0x100  }
0x19: {  	[tilespmem:s24], [sflag:$0x1] =	stream.indirect.gather [hbm4b:s4+s9], $0x10, s22, s9, $0xb8;
	[tilespmem:$0xF280] =	vst v63  }
0x1a: {  	s26 =	simm.s32 $0x2500;
	s24 =	simm.s32 $0x180  }
0x1b: {  	[tilespmem:s26], [sflag:$0x1] =	stream.indirect.gather [hbm4b:s4+s9], $0x10, s24, s9, $0xb8;
	[tilespmem:$0xF280] =	vst v63  }
0x1c: {  	s29 =	simm.s32 $0x2D00;
	s26 =	simm.s32 $0x200  }
0x1d: {  	[tilespmem:s29], [sflag:$0x1] =	stream.indirect.gather [hbm4b:s4+s9], $0x10, s26, s9, $0xb8;
	[tilespmem:$0xF280] =	vst v63  }
0x1e: {  	s31 =	simm.s32 $0x3500;
	s29 =	simm.s32 $0x280  }
0x1f: {  	[tilespmem:s31], [sflag:$0x1] =	stream.indirect.gather [hbm4b:s4+s9], $0x10, s29, s9, $0xb8;
	[tilespmem:$0xF280] =	vst v63  }
0x20: {  	s5 =	simm.s32 $0x300;
	s31 =	simm.s32 $0x3D00  }
0x21: {  	[tilespmem:s31], [sflag:$0x1] =	stream.indirect.gather [hbm4b:s4+s9], $0x10, s5, s9, $0xb8;
	[tilespmem:$0xF280] =	vst v63  }
0x22: {  	s6 =	simm.s32 $0x4500;
	s31 =	simm.s32 $0x380  }
0x23: {  	[tilespmem:s6], [sflag:$0x1] =	stream.indirect.gather [hbm4b:s4+s9], $0x10, s31, s9, $0xb8;
	[tilespmem:$0xF280] =	vst v63  }
0x24: {  	s7 =	simm.s32 $0x4D00;
	s6 =	simm.s32 $0x400  }
0x25: {  	[tilespmem:s7], [sflag:$0x1] =	stream.indirect.gather [hbm4b:s4+s9], $0x10, s6, s9, $0xb8;
	[tilespmem:$0xF280] =	vst v63  }
0x26: {  	s0 =	simm.s32 $0x5500;
	s7 =	simm.s32 $0x480  }
0x27: {  	[tilespmem:s0], [sflag:$0x1] =	stream.indirect.gather [hbm4b:s4+s9], $0x10, s7, s9, $0xb8;
	[tilespmem:$0xF280] =	vst v63  }
0x28: {  	s1 =	simm.s32 $0x500;
	s11 =	simm.s32 $0x5D00  }
0x29: {  	[tilespmem:s11], [sflag:$0x1] =	stream.indirect.gather [hbm4b:s4+s9], $0x10, s1, s9, $0xb8;
	[tilespmem:$0xF280] =	vst v63  }
0x2a: {  	s15 =	simm.s32 $0x6500;
	s11 =	simm.s32 $0x580  }
0x2b: {  	[tilespmem:s15], [sflag:$0x1] =	stream.indirect.gather [hbm4b:s4+s9], $0x10, s11, s9, $0xb8;
	[tilespmem:$0xF280] =	vst v63  }
0x2c: {  	s19 =	simm.s32 $0x6D00;
	s15 =	simm.s32 $0x600  }
0x2d: {  	[tilespmem:s19], [sflag:$0x1] =	stream.indirect.gather [hbm4b:s4+s9], $0x10, s15, s9, $0xb8;
	[tilespmem:$0xF280] =	vst v63  }
0x2e: {  	s23 =	simm.s32 $0x7500;
	s19 =	simm.s32 $0x680  }
0x2f: {  	[tilespmem:s23], [sflag:$0x1] =	stream.indirect.gather [hbm4b:s4+s9], $0x10, s19, s9, $0xb8;
	[tilespmem:$0xF280] =	vst v63  }
0x30: {  	s28 =	simm.s32 $0x7D00;
	s23 =	simm.s32 $0x700  }
0x31: {  	[tilespmem:s28], [sflag:$0x1] =	stream.indirect.gather [hbm4b:s4+s9], $0x10, s23, s9, $0xb8;
	[tilespmem:$0xF280] =	vst v63  }
0x32: {  	s2 =	simm.s32 $0x8500;
	s28 =	simm.s32 $0x780  }
0x33: {  	[tilespmem:s2], [sflag:$0x1] =	stream.indirect.gather [hbm4b:s4+s9], $0x10, s28, s9, $0xb8;
	[tilespmem:$0xF280] =	vst v63  }
0x34: {  	s13 =	simm.s32 $0x8D00;
	s0 =	simm.s32 $0x800  }
0x35: {  	[tilespmem:s13], [sflag:$0x1] =	stream.indirect.gather [hbm4b:s4+s9], $0x10, s0, s9, $0xb8;
	[tilespmem:$0xF280] =	vst v63  }
0x36: {  	s21 =	simm.s32 $0x9500;
	s13 =	simm.s32 $0x880  }
0x37: {  	[tilespmem:s21], [sflag:$0x1] =	stream.indirect.gather [hbm4b:s4+s9], $0x10, s13, s9, $0xb8;
	[tilespmem:$0xF280] =	vst v63  }
0x38: {  	s30 =	simm.s32 $0x9D00;
	s21 =	simm.s32 $0x900  }
0x39: {  	[tilespmem:s30], [sflag:$0x1] =	stream.indirect.gather [hbm4b:s4+s9], $0x10, s21, s9, $0xb8;
	[tilespmem:$0xF280] =	vst v63  }
0x3a: {  	s17 =	simm.s32 $0xA500;
	s30 =	simm.s32 $0x980  }
0x3b: {  	[tilespmem:s17], [sflag:$0x1] =	stream.indirect.gather [hbm4b:s4+s9], $0x10, s30, s9, $0xb8;
	[tilespmem:$0xF280] =	vst v63  }
0x3c: {  	s10 =	simm.s32 $0xAD00;
	s17 =	simm.s32 $0xA00  }
0x3d: {  	[tilespmem:s10], [sflag:$0x1] =	stream.indirect.gather [hbm4b:s4+s9], $0x10, s17, s9, $0xb8;
	[tilespmem:$0xF280] =	vst v63  }
0x3e: {  	s25 =	simm.s32 $0xB500;
	s10 =	simm.s32 $0xA80  }
0x3f: {  	[tilespmem:s25], [sflag:$0x1] =	stream.indirect.gather [hbm4b:s4+s9], $0x10, s10, s9, $0xb8;
	[tilespmem:$0xF280] =	vst v63  }
0x40: {  	s12 =	simm.s32 $0xBD00;
	s25 =	simm.s32 $0xB00  }
0x41: {  	[tilespmem:s12], [sflag:$0x1] =	stream.indirect.gather [hbm4b:s4+s9], $0x10, s25, s9, $0xb8;
	[tilespmem:$0xF280] =	vst v63  }
0x42: {  	s2 =	simm.s32 $0xC500;
	s12 =	simm.s32 $0xB80  }
0x43: {  	[tilespmem:s2], [sflag:$0x1] =	stream.indirect.gather [hbm4b:s4+s9], $0x10, s12, s9, $0xb8;
	[tilespmem:$0xF280] =	vst v63  }
0x44: {  	s3 =	simm.s32 $0xCD00  }
0x45: {  	[tilespmem:s3], [sflag:$0x1] =	stream.indirect.gather [hbm4b:s4+s9], $0x10, s8, s9, $0xb8;
	[tilespmem:$0xF280] =	vst v63  }
0x46: {  	s2 =	simm.s32 $0xC80;
	s3 =	simm.s32 $0xD500  }
0x47: {  	[tilespmem:s3], [sflag:$0x1] =	stream.indirect.gather [hbm4b:s4+s9], $0x10, s2, s9, $0xb8;
	[tilespmem:$0xF280] =	vst v63  }
0x48: {  	s3 =	rddreg [dreg:$0x6];
	s4 =	simm.s32 $0xDD00  }
0x49: {  	[tilespmem:s4], [sflag:$0x2] =	stream.indirect.gather [hbm4b:s3+s9], $0x1, s20, s9, $0xb8;
	[tilespmem:$0xF280] =	vst v63  }
0x4a: {  	s4 =	simm.s32 $0xDD80  }
0x4b: {  	[tilespmem:s4], [sflag:$0x2] =	stream.indirect.gather [hbm4b:s3+s9], $0x1, s9, s9, $0xb8;
	[tilespmem:$0xF280] =	vst v63  }
0x4c: {  	s4 =	simm.s32 $0xDE00  }
0x4d: {  	[tilespmem:s4], [sflag:$0x2] =	stream.indirect.gather [hbm4b:s3+s9], $0x1, s22, s9, $0xb8;
	[tilespmem:$0xF280] =	vst v63  }
0x4e: {  	s22 =	simm.s32 $0xDE80  }
0x4f: {  	[tilespmem:s22], [sflag:$0x2] =	stream.indirect.gather [hbm4b:s3+s9], $0x1, s24, s9, $0xb8;
	[tilespmem:$0xF280] =	vst v63  }
0x50: {  	s22 =	simm.s32 $0xDF00  }
0x51: {  	[tilespmem:s22], [sflag:$0x2] =	stream.indirect.gather [hbm4b:s3+s9], $0x1, s26, s9, $0xb8;
	[tilespmem:$0xF280] =	vst v63  }
0x52: {  	s24 =	simm.s32 $0xDF80  }
0x53: {  	[tilespmem:s24], [sflag:$0x2] =	stream.indirect.gather [hbm4b:s3+s9], $0x1, s29, s9, $0xb8;
	[tilespmem:$0xF280] =	vst v63  }
0x54: {  	s26 =	simm.s32 $0xE000  }
0x55: {  	[tilespmem:s26], [sflag:$0x2] =	stream.indirect.gather [hbm4b:s3+s9], $0x1, s5, s9, $0xb8;
	[tilespmem:$0xF280] =	vst v63  }
0x56: {  	s5 =	simm.s32 $0xE080  }
0x57: {  	[tilespmem:s5], [sflag:$0x2] =	stream.indirect.gather [hbm4b:s3+s9], $0x1, s31, s9, $0xb8;
	[tilespmem:$0xF280] =	vst v63  }
0x58: {  	s22 =	simm.s32 $0xE100  }
0x59: {  	[tilespmem:s22], [sflag:$0x2] =	stream.indirect.gather [hbm4b:s3+s9], $0x1, s6, s9, $0xb8;
	[tilespmem:$0xF280] =	vst v63  }
0x5a: {  	s24 =	simm.s32 $0xE180  }
0x5b: {  	[tilespmem:s24], [sflag:$0x2] =	stream.indirect.gather [hbm4b:s3+s9], $0x1, s7, s9, $0xb8;
	[tilespmem:$0xF280] =	vst v63  }
0x5c: {  	s26 =	simm.s32 $0xE200  }
0x5d: {  	[tilespmem:s26], [sflag:$0x2] =	stream.indirect.gather [hbm4b:s3+s9], $0x1, s1, s9, $0xb8;
	[tilespmem:$0xF280] =	vst v63  }
0x5e: {  	s31 =	simm.s32 $0xE280  }
0x5f: {  	[tilespmem:s31], [sflag:$0x2] =	stream.indirect.gather [hbm4b:s3+s9], $0x1, s11, s9, $0xb8;
	[tilespmem:$0xF280] =	vst v63  }
0x60: {  	s4 =	simm.s32 $0xE300  }
0x61: {  	[tilespmem:s4], [sflag:$0x2] =	stream.indirect.gather [hbm4b:s3+s9], $0x1, s15, s9, $0xb8;
	[tilespmem:$0xF280] =	vst v63  }
0x62: {  	s5 =	simm.s32 $0xE380  }
0x63: {  	[tilespmem:s5], [sflag:$0x2] =	stream.indirect.gather [hbm4b:s3+s9], $0x1, s19, s9, $0xb8;
	[tilespmem:$0xF280] =	vst v63  }
0x64: {  	s6 =	simm.s32 $0xE400  }
0x65: {  	[tilespmem:s6], [sflag:$0x2] =	stream.indirect.gather [hbm4b:s3+s9], $0x1, s23, s9, $0xb8;
	[tilespmem:$0xF280] =	vst v63  }
0x66: {  	s7 =	simm.s32 $0xE480  }
0x67: {  	[tilespmem:s7], [sflag:$0x2] =	stream.indirect.gather [hbm4b:s3+s9], $0x1, s28, s9, $0xb8;
	[tilespmem:$0xF280] =	vst v63  }
0x68: {  	s11 =	simm.s32 $0xE500  }
0x69: {  	[tilespmem:s11], [sflag:$0x2] =	stream.indirect.gather [hbm4b:s3+s9], $0x1, s0, s9, $0xb8;
	[tilespmem:$0xF280] =	vst v63  }
0x6a: {  	s15 =	simm.s32 $0xE580  }
0x6b: {  	[tilespmem:s15], [sflag:$0x2] =	stream.indirect.gather [hbm4b:s3+s9], $0x1, s13, s9, $0xb8;
	[tilespmem:$0xF280] =	vst v63  }
0x6c: {  	s19 =	simm.s32 $0xE600  }
0x6d: {  	[tilespmem:s19], [sflag:$0x2] =	stream.indirect.gather [hbm4b:s3+s9], $0x1, s21, s9, $0xb8;
	[tilespmem:$0xF280] =	vst v63  }
0x6e: {  	s22 =	simm.s32 $0xE680  }
0x6f: {  	[tilespmem:s22], [sflag:$0x2] =	stream.indirect.gather [hbm4b:s3+s9], $0x1, s30, s9, $0xb8;
	[tilespmem:$0xF280] =	vst v63  }
0x70: {  	s23 =	simm.s32 $0xE700  }
0x71: {  	[tilespmem:s23], [sflag:$0x2] =	stream.indirect.gather [hbm4b:s3+s9], $0x1, s17, s9, $0xb8;
	[tilespmem:$0xF280] =	vst v63  }
0x72: {  	s24 =	simm.s32 $0xE780  }
0x73: {  	[tilespmem:s24], [sflag:$0x2] =	stream.indirect.gather [hbm4b:s3+s9], $0x1, s10, s9, $0xb8;
	[tilespmem:$0xF280] =	vst v63  }
0x74: {  	s26 =	simm.s32 $0xE800  }
0x75: {  	[tilespmem:s26], [sflag:$0x2] =	stream.indirect.gather [hbm4b:s3+s9], $0x1, s25, s9, $0xb8;
	[tilespmem:$0xF280] =	vst v63  }
0x76: {  	s28 =	simm.s32 $0xE880  }
0x77: {  	[tilespmem:s28], [sflag:$0x2] =	stream.indirect.gather [hbm4b:s3+s9], $0x1, s12, s9, $0xb8;
	[tilespmem:$0xF280] =	vst v63  }
0x78: {  	s30 =	simm.s32 $0xE900  }
0x79: {  	[tilespmem:s30], [sflag:$0x2] =	stream.indirect.gather [hbm4b:s3+s9], $0x1, s8, s9, $0xb8;
	[tilespmem:$0xF280] =	vst v63  }
0x7a: {  	s31 =	simm.s32 $0xE980  }
0x7b: {  	[tilespmem:s31], [sflag:$0x2] =	stream.indirect.gather [hbm4b:s3+s9], $0x1, s2, s9, $0xb8;
	[tilespmem:$0xF280] =	vst v63  }
0x7c: {  	_ =	swait.ge [sflag:s14], $0x800  }
0x7d: {  	[sflag:s14] =	ssyncset.done $0x0  }
0x7e: {  	[sflag:s14] =	ssyncadd.s32 $0xFFFFF800  }
0x7f: {  	_ =	swait.ge [sflag:s14], $0x800  }
0x80: {  	[sflag:s14] =	ssyncset.done $0x0  }
0x81: {  	[sflag:s14] =	ssyncadd.s32 $0xFFFFF800  }
0x82: {  	_ =	swait.ge [sflag:s14], $0x800  }
0x83: {  	[sflag:s14] =	ssyncset.done $0x0  }
0x84: {  	[sflag:s14] =	ssyncadd.s32 $0xFFFFF800  }
0x85: {  	_ =	swait.ge [sflag:s14], $0x800  }
0x86: {  	[sflag:s14] =	ssyncset.done $0x0  }
0x87: {  	[sflag:s14] =	ssyncadd.s32 $0xFFFFF800  }
0x88: {  	_ =	swait.ge [sflag:s14], $0x800  }
0x89: {  	[sflag:s14] =	ssyncset.done $0x0  }
0x8a: {  	[sflag:s14] =	ssyncadd.s32 $0xFFFFF800  }
0x8b: {  	_ =	swait.ge [sflag:s14], $0x800  }
0x8c: {  	[sflag:s14] =	ssyncset.done $0x0  }
0x8d: {  	[sflag:s14] =	ssyncadd.s32 $0xFFFFF800  }
0x8e: {  	_ =	swait.ge [sflag:s14], $0x800  }
0x8f: {  	[sflag:s14] =	ssyncset.done $0x0  }
0x90: {  	[sflag:s14] =	ssyncadd.s32 $0xFFFFF800  }
0x91: {  	_ =	swait.ge [sflag:s14], $0x800  }
0x92: {  	[sflag:s14] =	ssyncset.done $0x0  }
0x93: {  	[sflag:s14] =	ssyncadd.s32 $0xFFFFF800  }
0x94: {  	_ =	swait.ge [sflag:s14], $0x800  }
0x95: {  	[sflag:s14] =	ssyncset.done $0x0  }
0x96: {  	[sflag:s14] =	ssyncadd.s32 $0xFFFFF800  }
0x97: {  	_ =	swait.ge [sflag:s14], $0x800  }
0x98: {  	[sflag:s14] =	ssyncset.done $0x0  }
0x99: {  	[sflag:s14] =	ssyncadd.s32 $0xFFFFF800  }
0x9a: {  	_ =	swait.ge [sflag:s14], $0x800  }
0x9b: {  	[sflag:s14] =	ssyncset.done $0x0  }
0x9c: {  	[sflag:s14] =	ssyncadd.s32 $0xFFFFF800  }
0x9d: {  	_ =	swait.ge [sflag:s14], $0x800  }
0x9e: {  	[sflag:s14] =	ssyncset.done $0x0  }
0x9f: {  	[sflag:s14] =	ssyncadd.s32 $0xFFFFF800  }
0xa0: {  	_ =	swait.ge [sflag:s14], $0x800  }
0xa1: {  	[sflag:s14] =	ssyncset.done $0x0  }
0xa2: {  	[sflag:s14] =	ssyncadd.s32 $0xFFFFF800  }
0xa3: {  	_ =	swait.ge [sflag:s14], $0x800  }
0xa4: {  	[sflag:s14] =	ssyncset.done $0x0  }
0xa5: {  	[sflag:s14] =	ssyncadd.s32 $0xFFFFF800  }
0xa6: {  	_ =	swait.ge [sflag:s14], $0x800  }
0xa7: {  	[sflag:s14] =	ssyncset.done $0x0  }
0xa8: {  	[sflag:s14] =	ssyncadd.s32 $0xFFFFF800  }
0xa9: {  	_ =	swait.ge [sflag:s14], $0x800  }
0xaa: {  	[sflag:s14] =	ssyncset.done $0x0  }
0xab: {  	[sflag:s14] =	ssyncadd.s32 $0xFFFFF800  }
0xac: {  	_ =	swait.ge [sflag:s14], $0x800  }
0xad: {  	[sflag:s14] =	ssyncset.done $0x0  }
0xae: {  	[sflag:s14] =	ssyncadd.s32 $0xFFFFF800  }
0xaf: {  	_ =	swait.ge [sflag:s14], $0x800  }
0xb0: {  	[sflag:s14] =	ssyncset.done $0x0  }
0xb1: {  	[sflag:s14] =	ssyncadd.s32 $0xFFFFF800  }
0xb2: {  	_ =	swait.ge [sflag:s14], $0x800  }
0xb3: {  	[sflag:s14] =	ssyncset.done $0x0  }
0xb4: {  	[sflag:s14] =	ssyncadd.s32 $0xFFFFF800  }
0xb5: {  	_ =	swait.ge [sflag:s14], $0x800  }
0xb6: {  	[sflag:s14] =	ssyncset.done $0x0  }
0xb7: {  	[sflag:s14] =	ssyncadd.s32 $0xFFFFF800  }
0xb8: {  	_ =	swait.ge [sflag:s14], $0x800  }
0xb9: {  	[sflag:s14] =	ssyncset.done $0x0  }
0xba: {  	[sflag:s14] =	ssyncadd.s32 $0xFFFFF800  }
0xbb: {  	_ =	swait.ge [sflag:s14], $0x800  }
0xbc: {  	[sflag:s14] =	ssyncset.done $0x0  }
0xbd: {  	[sflag:s14] =	ssyncadd.s32 $0xFFFFF800  }
0xbe: {  	_ =	swait.ge [sflag:s14], $0x800  }
0xbf: {  	[sflag:s14] =	ssyncset.done $0x0  }
0xc0: {  	[sflag:s14] =	ssyncadd.s32 $0xFFFFF800  }
0xc1: {  	_ =	swait.ge [sflag:s14], $0x800  }
0xc2: {  	[sflag:s14] =	ssyncset.done $0x0  }
0xc3: {  	[sflag:s14] =	ssyncadd.s32 $0xFFFFF800  }
0xc4: {  	_ =	swait.ge [sflag:s14], $0x800  }
0xc5: {  	[sflag:s14] =	ssyncset.done $0x0  }
0xc6: {  	[sflag:s14] =	ssyncadd.s32 $0xFFFFF800  }
0xc7: {  	_ =	swait.ge [sflag:s14], $0x800  }
0xc8: {  	[sflag:s14] =	ssyncset.done $0x0  }
0xc9: {  	[sflag:s14] =	ssyncadd.s32 $0xFFFFF800  }
0xca: {  	_ =	swait.ge [sflag:s16], $0x80  }
0xcb: {  	[sflag:s16] =	ssyncset.done $0x0  }
0xcc: {  	[sflag:s16] =	ssyncadd.s32 $0xFFFFFF80  }
0xcd: {  	_ =	swait.ge [sflag:s16], $0x80  }
0xce: {  	[sflag:s16] =	ssyncset.done $0x0  }
0xcf: {  	[sflag:s16] =	ssyncadd.s32 $0xFFFFFF80  }
0xd0: {  	_ =	swait.ge [sflag:s16], $0x80  }
0xd1: {  	[sflag:s16] =	ssyncset.done $0x0  }
0xd2: {  	[sflag:s16] =	ssyncadd.s32 $0xFFFFFF80  }
0xd3: {  	_ =	swait.ge [sflag:s16], $0x80  }
0xd4: {  	[sflag:s16] =	ssyncset.done $0x0  }
0xd5: {  	[sflag:s16] =	ssyncadd.s32 $0xFFFFFF80  }
0xd6: {  	_ =	swait.ge [sflag:s16], $0x80  }
0xd7: {  	[sflag:s16] =	ssyncset.done $0x0  }
0xd8: {  	[sflag:s16] =	ssyncadd.s32 $0xFFFFFF80  }
0xd9: {  	_ =	swait.ge [sflag:s16], $0x80  }
0xda: {  	[sflag:s16] =	ssyncset.done $0x0  }
0xdb: {  	[sflag:s16] =	ssyncadd.s32 $0xFFFFFF80  }
0xdc: {  	_ =	swait.ge [sflag:s16], $0x80  }
0xdd: {  	[sflag:s16] =	ssyncset.done $0x0  }
0xde: {  	[sflag:s16] =	ssyncadd.s32 $0xFFFFFF80  }
0xdf: {  	_ =	swait.ge [sflag:s16], $0x80  }
0xe0: {  	[sflag:s16] =	ssyncset.done $0x0  }
0xe1: {  	[sflag:s16] =	ssyncadd.s32 $0xFFFFFF80  }
0xe2: {  	_ =	swait.ge [sflag:s16], $0x80  }
0xe3: {  	[sflag:s16] =	ssyncset.done $0x0  }
0xe4: {  	[sflag:s16] =	ssyncadd.s32 $0xFFFFFF80  }
0xe5: {  	_ =	swait.ge [sflag:s16], $0x80  }
0xe6: {  	[sflag:s16] =	ssyncset.done $0x0  }
0xe7: {  	[sflag:s16] =	ssyncadd.s32 $0xFFFFFF80  }
0xe8: {  	_ =	swait.ge [sflag:s16], $0x80  }
0xe9: {  	[sflag:s16] =	ssyncset.done $0x0  }
0xea: {  	[sflag:s16] =	ssyncadd.s32 $0xFFFFFF80  }
0xeb: {  	_ =	swait.ge [sflag:s16], $0x80  }
0xec: {  	[sflag:s16] =	ssyncset.done $0x0  }
0xed: {  	[sflag:s16] =	ssyncadd.s32 $0xFFFFFF80  }
0xee: {  	_ =	swait.ge [sflag:s16], $0x80  }
0xef: {  	[sflag:s16] =	ssyncset.done $0x0  }
0xf0: {  	[sflag:s16] =	ssyncadd.s32 $0xFFFFFF80  }
0xf1: {  	_ =	swait.ge [sflag:s16], $0x80  }
0xf2: {  	[sflag:s16] =	ssyncset.done $0x0  }
0xf3: {  	[sflag:s16] =	ssyncadd.s32 $0xFFFFFF80  }
0xf4: {  	_ =	swait.ge [sflag:s16], $0x80  }
0xf5: {  	[sflag:s16] =	ssyncset.done $0x0  }
0xf6: {  	[sflag:s16] =	ssyncadd.s32 $0xFFFFFF80  }
0xf7: {  	_ =	swait.ge [sflag:s16], $0x80  }
0xf8: {  	[sflag:s16] =	ssyncset.done $0x0  }
0xf9: {  	[sflag:s16] =	ssyncadd.s32 $0xFFFFFF80  }
0xfa: {  	_ =	swait.ge [sflag:s16], $0x80  }
0xfb: {  	[sflag:s16] =	ssyncset.done $0x0  }
0xfc: {  	[sflag:s16] =	ssyncadd.s32 $0xFFFFFF80  }
0xfd: {  	_ =	swait.ge [sflag:s16], $0x80  }
0xfe: {  	[sflag:s16] =	ssyncset.done $0x0  }
0xff: {  	[sflag:s16] =	ssyncadd.s32 $0xFFFFFF80  }
0x100: {  	_ =	swait.ge [sflag:s16], $0x80  }
0x101: {  	[sflag:s16] =	ssyncset.done $0x0  }
0x102: {  	[sflag:s16] =	ssyncadd.s32 $0xFFFFFF80  }
0x103: {  	_ =	swait.ge [sflag:s16], $0x80  }
0x104: {  	[sflag:s16] =	ssyncset.done $0x0  }
0x105: {  	[sflag:s16] =	ssyncadd.s32 $0xFFFFFF80  }
0x106: {  	_ =	swait.ge [sflag:s16], $0x80  }
0x107: {  	[sflag:s16] =	ssyncset.done $0x0  }
0x108: {  	[sflag:s16] =	ssyncadd.s32 $0xFFFFFF80  }
0x109: {  	_ =	swait.ge [sflag:s16], $0x80  }
0x10a: {  	[sflag:s16] =	ssyncset.done $0x0  }
0x10b: {  	[sflag:s16] =	ssyncadd.s32 $0xFFFFFF80  }
0x10c: {  	_ =	swait.ge [sflag:s16], $0x80  }
0x10d: {  	[sflag:s16] =	ssyncset.done $0x0  }
0x10e: {  	[sflag:s16] =	ssyncadd.s32 $0xFFFFFF80  }
0x10f: {  	_ =	swait.ge [sflag:s16], $0x80  }
0x110: {  	[sflag:s16] =	ssyncset.done $0x0  }
0x111: {  	[sflag:s16] =	ssyncadd.s32 $0xFFFFFF80  }
0x112: {  	_ =	swait.ge [sflag:s16], $0x80  }
0x113: {  	[sflag:s16] =	ssyncset.done $0x0  }
0x114: {  	[sflag:s16] =	ssyncadd.s32 $0xFFFFFF80  }
0x115: {  	_ =	swait.ge [sflag:s16], $0x80  }
0x116: {  	[sflag:s16] =	ssyncset.done $0x0  }
0x117: {  	s24 =	simm.s32 $0x0;
	[sflag:s16] =	ssyncadd.s32 $0xFFFFFF80  }
0x118: {  	v37 =	vld [tilespmem:s24+$0xD00]  }
0x119: {  	v38 =	vld [tilespmem:s24+$0x1500];
	_ =	sdelay $0x1  }
0x11a: {  	v39 =	vld [tilespmem:s24+$0x1D00];
	_ =	sdelay $0x1  }
0x11b: {  	v40 =	vld [tilespmem:s24+$0x2500]  }
0x11c: {  	v41 =	vmul.f32 v37, v37;
	v37 =	vadd.f32 v38, v37;
	v38 =	vmul.f32 v38, v38  }
0x11d: {  	v42 =	vld [tilespmem:s24+$0x2D00]  }
0x11e: {  	v38 =	vadd.f32 v38, v41;
	v37 =	vadd.f32 v39, v37;
	v39 =	vmul.f32 v39, v39  }
0x11f: {  	v59 =	vld [tilespmem:s24+$0x3500]  }
0x120: {  	v60 =	vmul.f32 v40, v40;
	v38 =	vadd.f32 v39, v38;
	v37 =	vadd.f32 v40, v37  }
0x121: {  	v61 =	vld [tilespmem:s24+$0x3D00]  }
0x122: {  	v62 =	vmul.f32 v42, v42;
	v38 =	vadd.f32 v60, v38;
	v37 =	vadd.f32 v42, v37  }
0x123: {  	v63 =	vld [tilespmem:s24+$0x4500]  }
0x124: {  	v44 =	vmul.f32 v59, v59;
	v38 =	vadd.f32 v62, v38;
	v37 =	vadd.f32 v59, v37  }
0x125: {  	v45 =	vld [tilespmem:s24+$0x4D00]  }
0x126: {  	v46 =	vmul.f32 v61, v61;
	v38 =	vadd.f32 v44, v38;
	v37 =	vadd.f32 v61, v37  }
0x127: {  	v47 =	vld [tilespmem:s24+$0x5500]  }
0x128: {  	v48 =	vmul.f32 v63, v63;
	v38 =	vadd.f32 v46, v38;
	v37 =	vadd.f32 v63, v37  }
0x129: {  	v49 =	vld [tilespmem:s24+$0x5D00]  }
0x12a: {  	v50 =	vmul.f32 v45, v45;
	v38 =	vadd.f32 v48, v38;
	v37 =	vadd.f32 v45, v37  }
0x12b: {  	v51 =	vld [tilespmem:s24+$0x6500]  }
0x12c: {  	v52 =	vmul.f32 v47, v47;
	v38 =	vadd.f32 v50, v38;
	v37 =	vadd.f32 v47, v37  }
0x12d: {  	v53 =	vld [tilespmem:s24+$0x6D00]  }
0x12e: {  	v54 =	vmul.f32 v49, v49;
	v38 =	vadd.f32 v52, v38;
	v37 =	vadd.f32 v49, v37  }
0x12f: {  	v55 =	vld [tilespmem:s24+$0x7500]  }
0x130: {  	s22 =	simm.s32 $0x10;
	v57 =	vld [tilespmem:s24+$0x7D00];
	v56 =	vmul.f32 v51, v51;
	v38 =	vadd.f32 v54, v38;
	v37 =	vadd.f32 v51, v37  }
0x131: {  	v43 =	vld [tilespmem:s22+$0xD00]  }
0x132: {  	v58 =	vmul.f32 v53, v53;
	v44 =	vld [tilespmem:s22+$0x1500];
	v38 =	vadd.f32 v56, v38;
	v37 =	vadd.f32 v53, v37  }
0x133: {  	v59 =	vld [tilespmem:s24+$0x8500]  }
0x134: {  	v60 =	vmul.f32 v55, v55;
	v45 =	vld [tilespmem:s22+$0x1D00];
	v38 =	vadd.f32 v58, v38;
	v37 =	vadd.f32 v55, v37  }
0x135: {  	v61 =	vld [tilespmem:s24+$0x8D00]  }
0x136: {  	v46 =	vmul.f32 v57, v57;
	v47 =	vld [tilespmem:s22+$0x2500];
	v38 =	vadd.f32 v60, v38;
	v37 =	vadd.f32 v57, v37  }
0x137: {  	v62 =	vmul.f32 v43, v43;
	v63 =	vadd.f32 v44, v43;
	v52 =	vmul.f32 v44, v44;
	v53 =	vld [tilespmem:s24+$0x9500]  }
0x138: {  	v40 =	vmul.f32 v59, v59;
	v48 =	vld [tilespmem:s22+$0x2D00];
	v38 =	vadd.f32 v46, v38;
	v37 =	vadd.f32 v59, v37  }
0x139: {  	v41 =	vadd.f32 v45, v63;
	v39 =	vadd.f32 v52, v62;
	v54 =	vmul.f32 v45, v45;
	v55 =	vld [tilespmem:s24+$0x9D00]  }
0x13a: {  	v56 =	vld [tilespmem:s22+$0x3500];
	v57 =	vmul.f32 v61, v61;
	v38 =	vadd.f32 v40, v38;
	v37 =	vadd.f32 v61, v37  }
0x13b: {  	v41 =	vadd.f32 v47, v41;
	v39 =	vadd.f32 v54, v39;
	v58 =	vmul.f32 v47, v47;
	v59 =	vld [tilespmem:s24+$0xA500]  }
0x13c: {  	v60 =	vld [tilespmem:s22+$0x3D00];
	v61 =	vmul.f32 v53, v53;
	v38 =	vadd.f32 v57, v38;
	v37 =	vadd.f32 v53, v37  }
0x13d: {  	v63 =	vld [tilespmem:s24+$0xAD00];
	v62 =	vmul.f32 v48, v48;
	v41 =	vadd.f32 v48, v41;
	v39 =	vadd.f32 v58, v39  }
0x13e: {  	v52 =	vld [tilespmem:s22+$0x4500];
	v53 =	vmul.f32 v55, v55;
	v38 =	vadd.f32 v61, v38;
	v37 =	vadd.f32 v55, v37  }
0x13f: {  	v41 =	vadd.f32 v56, v41;
	v54 =	vmul.f32 v56, v56;
	v39 =	vadd.f32 v62, v39;
	v55 =	vld [tilespmem:s24+$0xB500]  }
0x140: {  	v56 =	vld [tilespmem:s22+$0x4D00];
	v57 =	vmul.f32 v59, v59;
	v38 =	vadd.f32 v53, v38;
	v37 =	vadd.f32 v59, v37  }
0x141: {  	v39 =	vadd.f32 v54, v39;
	v41 =	vadd.f32 v60, v41;
	v58 =	vmul.f32 v60, v60;
	v59 =	vld [tilespmem:s24+$0xBD00]  }
0x142: {  	v60 =	vld [tilespmem:s22+$0x5500];
	v61 =	vmul.f32 v63, v63;
	v38 =	vadd.f32 v57, v38;
	v37 =	vadd.f32 v63, v37  }
0x143: {  	v62 =	vmul.f32 v52, v52;
	v39 =	vadd.f32 v58, v39;
	v41 =	vadd.f32 v52, v41;
	v63 =	vld [tilespmem:s24+$0xC500]  }
0x144: {  	v52 =	vld [tilespmem:s22+$0x5D00];
	v53 =	vmul.f32 v55, v55;
	v38 =	vadd.f32 v61, v38;
	v37 =	vadd.f32 v55, v37  }
0x145: {  	v54 =	vmul.f32 v56, v56;
	v39 =	vadd.f32 v62, v39;
	v41 =	vadd.f32 v56, v41;
	v55 =	vld [tilespmem:s24+$0xCD00]  }
0x146: {  	v56 =	vld [tilespmem:s22+$0x6500];
	v57 =	vmul.f32 v59, v59;
	v38 =	vadd.f32 v53, v38;
	v37 =	vadd.f32 v59, v37  }
0x147: {  	v58 =	vmul.f32 v60, v60;
	v39 =	vadd.f32 v54, v39;
	v41 =	vadd.f32 v60, v41;
	v59 =	vld [tilespmem:s24+$0xD500]  }
0x148: {  	v40 =	vld [tilespmem:s22+$0x6D00];
	v44 =	vmul.f32 v63, v63;
	v38 =	vadd.f32 v57, v38;
	v60 =	vadd.f32 v63, v37  }
0x149: {  	v62 =	vmul.f32 v52, v52;
	v39 =	vadd.f32 v58, v39;
	v61 =	vadd.f32 v52, v41  }
0x14a: {  	v37 =	vld [tilespmem:s22+$0x7500];
	v45 =	vmul.f32 v55, v55;
	v44 =	vadd.f32 v44, v38;
	v63 =	vadd.f32 v55, v60  }
0x14b: {  	s26 =	simm.s32 $0x20;
	v43 =	vmul.f32 v56, v56;
	v41 =	vadd.f32 v62, v39;
	v39 =	vld [tilespmem:s22+$0x7D00];
	v42 =	vadd.f32 v56, v61  }
0x14c: {  	s29 =	simm.s32 $0xC0;
	v38 =	vld [tilespmem:s26+$0xD00];
	v46 =	vmul.f32 v59, v59;
	v44 =	vadd.f32 v45, v44;
	v45 =	vadd.f32 v59, v63  }
.LBB2_2:
0x14d: {  	p0 =	sne.s32 s29, $0x1FC0;
	v47 =	vld [tilespmem:s26+$0x1500];
	v41 =	vadd.f32 v43, v41;
	v42 =	vadd.f32 v40, v42;
	v40 =	vmul.f32 v40, v40  }
0x14e: {  	v43 =	vld [tilespmem:s22+$0x8500];
	v44 =	vadd.f32 v46, v44;
	v45 =	vmul.f32 v45, v45  }
0x14f: {  	v46 =	vld [tilespmem:s26+$0x1D00];
	v40 =	vadd.f32 v40, v41;
	v41 =	vadd.f32 v37, v42;
	v37 =	vmul.f32 v37, v37  }
0x150: {  	v42 =	vmul.f32 v39, v39;
	v48 =	vld [tilespmem:s22+$0x8D00];
	v44 =	vsub.f32 v45, v44  }
0x151: {  	v45 =	vmul.f32 v38, v38;
	v49 =	vld [tilespmem:s26+$0x2500];
	v37 =	vadd.f32 v37, v40;
	v39 =	vadd.f32 v39, v41  }
0x152: {  	v38 =	vadd.f32 v47, v38;
	v40 =	vmul.f32 v47, v47;
	v41 =	vld [tilespmem:s22+$0x9500];
	v44 =	vmul.f32 $5.000000000e-01, v44  }
0x153: {  	v47 =	vld [tilespmem:s26+$0x2D00];
	v37 =	vadd.f32 v42, v37;
	v39 =	vadd.f32 v43, v39;
	v42 =	vmul.f32 v43, v43  }
0x154: {  	v40 =	vadd.f32 v40, v45;
	v38 =	vadd.f32 v46, v38;
	v43 =	vmul.f32 v46, v46;
	v45 =	vld [tilespmem:s22+$0x9D00];
	[tilespmem:s24+$0xEA00] =	vst v44;
	s24 =	smov.u32 s22;
	s22 =	smov.u32 s26  }
0x155: {  	v44 =	vld [tilespmem:s22+$0x3500];
	v37 =	vadd.f32 v42, v37;
	v39 =	vadd.f32 v48, v39;
	v42 =	vmul.f32 v48, v48  }
0x156: {  	v40 =	vadd.f32 v43, v40;
	v38 =	vadd.f32 v49, v38;
	v43 =	vmul.f32 v49, v49;
	v46 =	vld [tilespmem:s24+$0xA500]  }
0x157: {  	v48 =	vld [tilespmem:s22+$0x3D00];
	v37 =	vadd.f32 v42, v37;
	v39 =	vadd.f32 v41, v39;
	v41 =	vmul.f32 v41, v41  }
0x158: {  	v40 =	vadd.f32 v43, v40;
	v38 =	vadd.f32 v47, v38;
	v42 =	vmul.f32 v47, v47;
	v43 =	vld [tilespmem:s24+$0xAD00]  }
0x159: {  	v47 =	vld [tilespmem:s22+$0x4500];
	v37 =	vadd.f32 v41, v37;
	v39 =	vadd.f32 v45, v39;
	v41 =	vmul.f32 v45, v45  }
0x15a: {  	v40 =	vadd.f32 v42, v40;
	v38 =	vadd.f32 v44, v38;
	v42 =	vmul.f32 v44, v44;
	v44 =	vld [tilespmem:s24+$0xB500]  }
0x15b: {  	v45 =	vld [tilespmem:s22+$0x4D00];
	v37 =	vadd.f32 v41, v37;
	v39 =	vadd.f32 v46, v39;
	v41 =	vmul.f32 v46, v46  }
0x15c: {  	v40 =	vadd.f32 v42, v40;
	v38 =	vadd.f32 v48, v38;
	v42 =	vmul.f32 v48, v48;
	v46 =	vld [tilespmem:s24+$0xBD00]  }
0x15d: {  	v48 =	vld [tilespmem:s22+$0x5500];
	v37 =	vadd.f32 v41, v37;
	v39 =	vadd.f32 v43, v39;
	v41 =	vmul.f32 v43, v43  }
0x15e: {  	v40 =	vadd.f32 v42, v40;
	v38 =	vadd.f32 v47, v38;
	v42 =	vmul.f32 v47, v47;
	v43 =	vld [tilespmem:s24+$0xC500]  }
0x15f: {  	v47 =	vld [tilespmem:s22+$0x5D00];
	v37 =	vadd.f32 v41, v37;
	v39 =	vadd.f32 v44, v39;
	v41 =	vmul.f32 v44, v44  }
0x160: {  	v40 =	vadd.f32 v42, v40;
	v38 =	vadd.f32 v45, v38;
	v42 =	vmul.f32 v45, v45;
	v44 =	vld [tilespmem:s24+$0xCD00]  }
0x161: {  	v45 =	vld [tilespmem:s22+$0x6500];
	v37 =	vadd.f32 v41, v37;
	v39 =	vadd.f32 v46, v39;
	v41 =	vmul.f32 v46, v46  }
0x162: {  	v42 =	vadd.f32 v42, v40;
	v38 =	vadd.f32 v48, v38;
	v46 =	vmul.f32 v48, v48;
	v48 =	vld [tilespmem:s24+$0xD500]  }
.Ltmp0:
0x163: {  	v40 =	vld [tilespmem:s22+$0x6D00];
	v41 =	vadd.f32 v41, v37;
	v39 =	vadd.f32 v43, v39;
	v43 =	vmul.f32 v43, v43;
	(pc) =	sbr.rel @p0 .LBB2_2-.Ltmp0, $4  }
0x164: {  	v42 =	vadd.f32 v46, v42;
	v38 =	vadd.f32 v47, v38;
	v46 =	vmul.f32 v47, v47  }
0x165: {  	v37 =	vld [tilespmem:s22+$0x7500];
	v47 =	vadd.f32 v43, v41;
	v49 =	vadd.f32 v44, v39;
	v44 =	vmul.f32 v44, v44  }
0x166: {  	s26 =	sshra.s32 s29, $0x2;
	v41 =	vadd.f32 v46, v42;
	v42 =	vadd.f32 v45, v38;
	v43 =	vmul.f32 v45, v45;
	v39 =	vld [tilespmem:s22+$0x7D00]  }
0x167: {  	s29 =	sadd.s32 $0x40, s29;
	v38 =	vld [tilespmem:s26+$0xD00];
	v44 =	vadd.f32 v44, v47;
	v45 =	vadd.f32 v48, v49;
	v46 =	vmul.f32 v48, v48  }
0x168: {  	v47 =	vld [tilespmem:s26+$0x1500];
	v41 =	vadd.f32 v43, v41;
	v42 =	vadd.f32 v40, v42;
	v57 =	vmul.f32 v40, v40  }
0x169: {  	v58 =	vld [tilespmem:s22+$0x8500];
	v44 =	vadd.f32 v46, v44;
	v45 =	vmul.f32 v45, v45  }
0x16a: {  	v59 =	vld [tilespmem:s26+$0x1D00];
	v40 =	vadd.f32 v57, v41;
	v60 =	vadd.f32 v37, v42;
	v61 =	vmul.f32 v37, v37  }
0x16b: {  	v62 =	vld [tilespmem:s22+$0x8D00];
	v48 =	vmul.f32 v39, v39;
	v44 =	vsub.f32 v45, v44  }
0x16c: {  	v63 =	vld [tilespmem:s26+$0x2500];
	v49 =	vmul.f32 v38, v38;
	v37 =	vadd.f32 v61, v40;
	v51 =	vadd.f32 v39, v60  }
0x16d: {  	v52 =	vld [tilespmem:s22+$0x9500];
	v53 =	vadd.f32 v47, v38;
	v54 =	vmul.f32 v47, v47;
	v44 =	vmul.f32 $5.000000000e-01, v44  }
0x16e: {  	v55 =	vld [tilespmem:s26+$0x2D00];
	v43 =	vmul.f32 v58, v58;
	v37 =	vadd.f32 v48, v37;
	v39 =	vadd.f32 v58, v51  }
0x16f: {  	v56 =	vld [tilespmem:s22+$0x9D00];
	v46 =	vmul.f32 v59, v59;
	v41 =	vadd.f32 v54, v49;
	v38 =	vadd.f32 v59, v53;
	[tilespmem:s24+$0xEA00] =	vst v44  }
0x170: {  	v42 =	vmul.f32 v62, v62;
	v44 =	vld [tilespmem:s26+$0x3500];
	v37 =	vadd.f32 v43, v37;
	v39 =	vadd.f32 v62, v39  }
0x171: {  	v57 =	vmul.f32 v63, v63;
	v58 =	vld [tilespmem:s22+$0xA500];
	v41 =	vadd.f32 v46, v41;
	v38 =	vadd.f32 v63, v38  }
0x172: {  	v40 =	vmul.f32 v52, v52;
	v59 =	vld [tilespmem:s26+$0x3D00];
	v37 =	vadd.f32 v42, v37;
	v39 =	vadd.f32 v52, v39  }
0x173: {  	v60 =	vmul.f32 v55, v55;
	v61 =	vld [tilespmem:s22+$0xAD00];
	v41 =	vadd.f32 v57, v41;
	v38 =	vadd.f32 v55, v38  }
0x174: {  	v62 =	vld [tilespmem:s26+$0x4500];
	v63 =	vmul.f32 v56, v56;
	v37 =	vadd.f32 v40, v37;
	v39 =	vadd.f32 v56, v39  }
0x175: {  	v53 =	vld [tilespmem:s22+$0xB500];
	v41 =	vadd.f32 v60, v41;
	v38 =	vadd.f32 v44, v38;
	v52 =	vmul.f32 v44, v44  }
0x176: {  	v54 =	vld [tilespmem:s26+$0x4D00];
	v55 =	vmul.f32 v58, v58;
	v37 =	vadd.f32 v63, v37;
	v39 =	vadd.f32 v58, v39  }
0x177: {  	v57 =	vld [tilespmem:s22+$0xBD00];
	v56 =	vmul.f32 v59, v59;
	v41 =	vadd.f32 v52, v41;
	v38 =	vadd.f32 v59, v38  }
0x178: {  	v58 =	vld [tilespmem:s26+$0x5500];
	v59 =	vmul.f32 v61, v61;
	v37 =	vadd.f32 v55, v37;
	v39 =	vadd.f32 v61, v39  }
0x179: {  	v60 =	vmul.f32 v62, v62;
	v61 =	vld [tilespmem:s22+$0xC500];
	v41 =	vadd.f32 v56, v41;
	v38 =	vadd.f32 v62, v38  }
0x17a: {  	v63 =	vmul.f32 v53, v53;
	v62 =	vld [tilespmem:s26+$0x5D00];
	v37 =	vadd.f32 v59, v37;
	v39 =	vadd.f32 v53, v39  }
0x17b: {  	v52 =	vmul.f32 v54, v54;
	v53 =	vld [tilespmem:s22+$0xCD00];
	v41 =	vadd.f32 v60, v41;
	v38 =	vadd.f32 v54, v38  }
0x17c: {  	v55 =	vmul.f32 v57, v57;
	v54 =	vld [tilespmem:s26+$0x6500];
	v37 =	vadd.f32 v63, v37;
	v39 =	vadd.f32 v57, v39  }
0x17d: {  	v56 =	vmul.f32 v58, v58;
	v57 =	vld [tilespmem:s22+$0xD500];
	v41 =	vadd.f32 v52, v41;
	v38 =	vadd.f32 v58, v38  }
0x17e: {  	v58 =	vld [tilespmem:s26+$0x6D00];
	v59 =	vmul.f32 v61, v61;
	v37 =	vadd.f32 v55, v37;
	v39 =	vadd.f32 v61, v39  }
0x17f: {  	v60 =	vmul.f32 v62, v62;
	v41 =	vadd.f32 v56, v41;
	v38 =	vadd.f32 v62, v38  }
0x180: {  	v61 =	vld [tilespmem:s26+$0x7500];
	v62 =	vmul.f32 v53, v53;
	v37 =	vadd.f32 v59, v37;
	v39 =	vadd.f32 v53, v39  }
0x181: {  	v63 =	vmul.f32 v54, v54;
	v41 =	vadd.f32 v60, v41;
	v38 =	vadd.f32 v54, v38  }
0x182: {  	v48 =	vld [tilespmem:s26+$0x7D00];
	v49 =	vmul.f32 v57, v57;
	v37 =	vadd.f32 v62, v37;
	v39 =	vadd.f32 v57, v39  }
0x183: {  	v51 =	vld [tilespmem:s26+$0x8500];
	v50 =	vmul.f32 v58, v58;
	v41 =	vadd.f32 v63, v41;
	v38 =	vadd.f32 v58, v38  }
0x184: {  	v37 =	vadd.f32 v49, v37;
	v39 =	vmul.f32 v39, v39  }
0x185: {  	v53 =	vmul.f32 v61, v61;
	v52 =	vadd.f32 v50, v41;
	v38 =	vadd.f32 v61, v38  }
0x186: {  	v54 =	vld [tilespmem:s26+$0x8D00];
	v37 =	vsub.f32 v39, v37  }
0x187: {  	v55 =	vmul.f32 v48, v48;
	v40 =	vadd.f32 v53, v52;
	v38 =	vadd.f32 v48, v38  }
0x188: {  	v56 =	vld [tilespmem:s26+$0x9500];
	v57 =	vmul.f32 v51, v51  }
0x189: {  	v37 =	vmul.f32 $5.000000000e-01, v37;
	v39 =	vadd.f32 v55, v40;
	v38 =	vadd.f32 v51, v38  }
0x18a: {  	v58 =	vld [tilespmem:s26+$0x9D00]  }
0x18b: {  	v60 =	vmul.f32 v54, v54;
	[tilespmem:s22+$0xEA00] =	vst v37;
	v59 =	vadd.f32 v57, v39;
	v38 =	vadd.f32 v54, v38  }
0x18c: {  	v61 =	vld [tilespmem:s26+$0xA500]  }
0x18d: {  	v62 =	vmul.f32 v56, v56;
	v37 =	vadd.f32 v60, v59;
	v38 =	vadd.f32 v56, v38  }
0x18e: {  	v63 =	vld [tilespmem:s26+$0xAD00]  }
0x18f: {  	v45 =	vmul.f32 v58, v58;
	v37 =	vadd.f32 v62, v37;
	v38 =	vadd.f32 v58, v38  }
0x190: {  	v46 =	vld [tilespmem:s26+$0xB500]  }
0x191: {  	v47 =	vmul.f32 v61, v61;
	v37 =	vadd.f32 v45, v37;
	v38 =	vadd.f32 v61, v38  }
0x192: {  	v48 =	vld [tilespmem:s26+$0xBD00]  }
0x193: {  	v49 =	vmul.f32 v63, v63;
	v37 =	vadd.f32 v47, v37;
	v38 =	vadd.f32 v63, v38  }
0x194: {  	v50 =	vld [tilespmem:s26+$0xC500]  }
0x195: {  	v51 =	vmul.f32 v46, v46;
	v37 =	vadd.f32 v49, v37;
	v38 =	vadd.f32 v46, v38  }
0x196: {  	v52 =	vld [tilespmem:s26+$0xCD00]  }
0x197: {  	v53 =	vmul.f32 v48, v48;
	v37 =	vadd.f32 v51, v37;
	v38 =	vadd.f32 v48, v38  }
0x198: {  	v54 =	vld [tilespmem:s26+$0xD500]  }
0x199: {  	v55 =	vmul.f32 v50, v50;
	v37 =	vadd.f32 v53, v37;
	v38 =	vadd.f32 v50, v38;
	_ =	sdelay $0x1  }
0x19a: {  	v56 =	vmul.f32 v52, v52;
	v37 =	vadd.f32 v55, v37;
	v38 =	vadd.f32 v52, v38;
	_ =	sdelay $0x1  }
0x19b: {  	v57 =	vmul.f32 v54, v54;
	v37 =	vadd.f32 v56, v37;
	v38 =	vadd.f32 v54, v38;
	_ =	sdelay $0x1  }
0x19c: {  	v37 =	vadd.f32 v57, v37;
	v38 =	vmul.f32 v38, v38;
	_ =	sdelay $0x1  }
0x19d: {  	v37 =	vsub.f32 v38, v37;
	_ =	sdelay $0x1  }
0x19e: {  	v37 =	vmul.f32 $5.000000000e-01, v37;
	_ =	sdelay $0x1  }
0x19f: {  	[tilespmem:s26+$0xEA00] =	vst v37  }
0x1a0: {  	v37 =	vld [tilespmem:$0xDD00]  }
0x1a1: {  	v58 =	vld [tilespmem:$0xDD80];
	_ =	sdelay $0x1  }
0x1a2: {  	v59 =	vld [tilespmem:$0xDE00];
	_ =	sdelay $0x1  }
0x1a3: {  	v60 =	vld [tilespmem:$0xDE80]  }
0x1a4: {  	v37 =	vadd.f32 v58, v37  }
0x1a5: {  	v61 =	vld [tilespmem:$0xDF00]  }
0x1a6: {  	v37 =	vadd.f32 v59, v37  }
0x1a7: {  	v62 =	vld [tilespmem:$0xDF80]  }
0x1a8: {  	v37 =	vadd.f32 v60, v37  }
0x1a9: {  	v63 =	vld [tilespmem:$0xE000]  }
0x1aa: {  	v37 =	vadd.f32 v61, v37  }
0x1ab: {  	v44 =	vld [tilespmem:$0xE080]  }
0x1ac: {  	v37 =	vadd.f32 v62, v37  }
0x1ad: {  	v45 =	vld [tilespmem:$0xE100]  }
0x1ae: {  	v37 =	vadd.f32 v63, v37  }
0x1af: {  	v46 =	vld [tilespmem:$0xE180]  }
0x1b0: {  	v37 =	vadd.f32 v44, v37  }
0x1b1: {  	v47 =	vld [tilespmem:$0xE200]  }
0x1b2: {  	v37 =	vadd.f32 v45, v37  }
0x1b3: {  	v48 =	vld [tilespmem:$0xE280]  }
0x1b4: {  	v37 =	vadd.f32 v46, v37  }
0x1b5: {  	v49 =	vld [tilespmem:$0xE300]  }
0x1b6: {  	v37 =	vadd.f32 v47, v37  }
0x1b7: {  	v50 =	vld [tilespmem:$0xE380]  }
0x1b8: {  	v51 =	vld [tilespmem:$0xE400];
	v37 =	vadd.f32 v48, v37  }
0x1b9: {  	v52 =	vld [tilespmem:$0xE480]  }
0x1ba: {  	v53 =	vld [tilespmem:$0xE500];
	v37 =	vadd.f32 v49, v37  }
0x1bb: {  	v54 =	vld [tilespmem:$0xE580]  }
0x1bc: {  	v55 =	vld [tilespmem:$0xE600];
	v37 =	vadd.f32 v50, v37  }
0x1bd: {  	v56 =	vld [tilespmem:$0xE680]  }
0x1be: {  	v57 =	vld [tilespmem:$0xE700];
	v37 =	vadd.f32 v51, v37  }
0x1bf: {  	v40 =	vld [tilespmem:$0xE910]  }
0x1c0: {  	v58 =	vld [tilespmem:$0xE780];
	v37 =	vadd.f32 v52, v37  }
0x1c1: {  	v59 =	vld [tilespmem:$0xE800]  }
0x1c2: {  	v60 =	vld [tilespmem:$0xE880];
	v37 =	vadd.f32 v53, v37  }
0x1c3: {  	v61 =	vld [tilespmem:$0xE900]  }
0x1c4: {  	v62 =	vld [tilespmem:$0xE980];
	v37 =	vadd.f32 v54, v37  }
0x1c5: {  	v49 =	vld [tilespmem:$0xDD10]  }
0x1c6: {  	v50 =	vld [tilespmem:$0xDD90];
	v37 =	vadd.f32 v55, v37  }
0x1c7: {  	v63 =	vld.idx.msk [tilespmem:v0+s18+$0x0], $0xffff  }
0x1c8: {  	v48 =	vld.idx.msk [tilespmem:v1+s18+$0x0], $0xffff;
	v37 =	vadd.f32 v56, v37  }
0x1c9: {  	v51 =	vld.idx.msk [tilespmem:v2+s18+$0x0], $0xffff  }
0x1ca: {  	v52 =	vld [tilespmem:$0xDE10];
	v37 =	vadd.f32 v57, v37  }
0x1cb: {  	v41 =	vadd.f32 v50, v49;
	v49 =	vld.idx.msk [tilespmem:v9+s18+$0x0], $0xffff  }
0x1cc: {  	v50 =	vld [tilespmem:$0xE190];
	v37 =	vadd.f32 v58, v37  }
0x1cd: {  	v54 =	vld [tilespmem:$0xDE90]  }
0x1ce: {  	v53 =	vld.idx.msk [tilespmem:v3+s18+$0x0], $0xffff;
	v37 =	vadd.f32 v59, v37  }
0x1cf: {  	v41 =	vadd.f32 v52, v41;
	v52 =	vld [tilespmem:$0xE210]  }
0x1d0: {  	v55 =	vld.idx.msk [tilespmem:v4+s18+$0x0], $0xffff;
	v37 =	vadd.f32 v60, v37  }
0x1d1: {  	v56 =	vld [tilespmem:$0xDF10]  }
0x1d2: {  	v41 =	vadd.f32 v54, v41;
	v54 =	vld [tilespmem:$0xE290];
	v37 =	vadd.f32 v61, v37  }
0x1d3: {  	v58 =	vld [tilespmem:$0xDF90]  }
0x1d4: {  	v57 =	vld.idx.msk [tilespmem:v5+s18+$0x0], $0xffff;
	v37 =	vadd.f32 v62, v37  }
0x1d5: {  	v60 =	vld [tilespmem:$0xE010]  }
0x1d6: {  	v41 =	vadd.f32 v56, v41;
	v56 =	vld [tilespmem:$0xE310];
	v37 =	vadd.f32 v63, v37  }
0x1d7: {  	v62 =	vld [tilespmem:$0xE090]  }
0x1d8: {  	v59 =	vld.idx.msk [tilespmem:v6+s18+$0x0], $0xffff;
	v41 =	vadd.f32 v58, v41;
	v37 =	vadd.f32 v48, v37  }
0x1d9: {  	v48 =	vld [tilespmem:$0xE110]  }
0x1da: {  	v58 =	vld [tilespmem:$0xE390];
	v41 =	vadd.f32 v60, v41;
	v37 =	vadd.f32 v51, v37  }
0x1db: {  	v61 =	vld.idx.msk [tilespmem:v7+s18+$0x0], $0xffff  }
0x1dc: {  	v60 =	vld [tilespmem:$0xE410];
	v41 =	vadd.f32 v62, v41;
	v37 =	vadd.f32 v53, v37  }
0x1dd: {  	v63 =	vld.idx.msk [tilespmem:v8+s18+$0x0], $0xffff  }
0x1de: {  	v62 =	vld [tilespmem:$0xE490];
	v41 =	vadd.f32 v48, v41;
	v37 =	vadd.f32 v55, v37  }
0x1df: {  	v51 =	vld.idx.msk [tilespmem:v10+s18+$0x0], $0xffff  }
0x1e0: {  	v53 =	vld.idx.msk [tilespmem:v11+s18+$0x0], $0xffff;
	v41 =	vadd.f32 v50, v41;
	v37 =	vadd.f32 v57, v37  }
0x1e1: {  	v48 =	vld [tilespmem:$0xE510]  }
0x1e2: {  	v55 =	vld.idx.msk [tilespmem:v12+s18+$0x0], $0xffff;
	v41 =	vadd.f32 v52, v41;
	v37 =	vadd.f32 v59, v37  }
0x1e3: {  	v50 =	vld [tilespmem:$0xE610]  }
0x1e4: {  	v57 =	vld.idx.msk [tilespmem:v13+s18+$0x0], $0xffff;
	v41 =	vadd.f32 v54, v41;
	v37 =	vadd.f32 v61, v37  }
0x1e5: {  	v52 =	vld [tilespmem:$0xE710]  }
0x1e6: {  	v59 =	vld.idx.msk [tilespmem:v14+s18+$0x0], $0xffff;
	v41 =	vadd.f32 v56, v41;
	v37 =	vadd.f32 v63, v37  }
0x1e7: {  	v54 =	vld [tilespmem:$0xE810]  }
0x1e8: {  	v61 =	vld.idx.msk [tilespmem:v15+s18+$0x0], $0xffff;
	v63 =	vadd.f32 v58, v41;
	v37 =	vadd.f32 v49, v37  }
0x1e9: {  	v56 =	vld [tilespmem:$0xDD20]  }
0x1ea: {  	v58 =	vld [tilespmem:$0xE990];
	v38 =	vadd.f32 v60, v63;
	v37 =	vadd.f32 v51, v37  }
0x1eb: {  	v49 =	vld [tilespmem:$0xE590]  }
0x1ec: {  	v60 =	vld [tilespmem:$0xDE20];
	v38 =	vadd.f32 v62, v38;
	v37 =	vadd.f32 v53, v37  }
0x1ed: {  	v51 =	vld [tilespmem:$0xE690]  }
0x1ee: {  	v62 =	vld [tilespmem:$0xDEA0];
	v38 =	vadd.f32 v48, v38;
	v37 =	vadd.f32 v55, v37  }
0x1ef: {  	v53 =	vld [tilespmem:$0xE790]  }
0x1f0: {  	v38 =	vadd.f32 v49, v38;
	v37 =	vadd.f32 v57, v37;
	v57 =	vld [tilespmem:$0xDDA0]  }
0x1f1: {  	v48 =	vld [tilespmem:$0xE030]  }
0x1f2: {  	v55 =	vld [tilespmem:$0xE890];
	v38 =	vadd.f32 v50, v38;
	v37 =	vadd.f32 v59, v37  }
0x1f3: {  	v50 =	vld [tilespmem:$0xE620]  }
0x1f4: {  	v59 =	vadd.f32 v51, v38;
	v51 =	vld [tilespmem:$0xDF20];
	v37 =	vadd.f32 v61, v37  }
0x1f5: {  	v42 =	vadd.f32 v57, v56;
	v56 =	vld [tilespmem:$0xE0A0]  }
0x1f6: {  	[tilespmem:$0xF200] =	vst v37;
	v37 =	vadd.f32 v52, v59;
	v52 =	vld [tilespmem:$0xDFA0]  }
0x1f7: {  	v61 =	vld.idx.msk [tilespmem:v16+s18+$0x0], $0xffff  }
0x1f8: {  	v63 =	vld.idx.msk [tilespmem:v17+s18+$0x0], $0xffff;
	v37 =	vadd.f32 v53, v37  }
0x1f9: {  	v47 =	vld.idx.msk [tilespmem:v18+s18+$0x0], $0xffff;
	v38 =	vadd.f32 v60, v42  }
0x1fa: {  	v57 =	vld.idx.msk [tilespmem:v21+s18+$0x0], $0xffff;
	v37 =	vadd.f32 v54, v37  }
0x1fb: {  	v59 =	vld.idx.msk [tilespmem:v22+s18+$0x0], $0xffff;
	v38 =	vadd.f32 v62, v38  }
0x1fc: {  	v54 =	vld [tilespmem:$0xE020];
	v37 =	vadd.f32 v55, v37  }
0x1fd: {  	v60 =	vld [tilespmem:$0xE1A0];
	v38 =	vadd.f32 v51, v38  }
0x1fe: {  	v53 =	vld.idx.msk [tilespmem:v19+s18+$0x0], $0xffff;
	v37 =	vadd.f32 v40, v37  }
0x1ff: {  	v62 =	vld [tilespmem:$0xE220];
	v38 =	vadd.f32 v52, v38  }
0x200: {  	v37 =	vadd.f32 v58, v37;
	v58 =	vld [tilespmem:$0xE120]  }
0x201: {  	v51 =	vld [tilespmem:$0xE2A0];
	v38 =	vadd.f32 v54, v38  }
0x202: {  	v55 =	vld.idx.msk [tilespmem:v20+s18+$0x0], $0xffff;
	v37 =	vadd.f32 v61, v37  }
0x203: {  	v52 =	vld [tilespmem:$0xE320];
	v38 =	vadd.f32 v56, v38  }
0x204: {  	v54 =	vld [tilespmem:$0xE3A0];
	v37 =	vadd.f32 v63, v37  }
0x205: {  	v56 =	vld [tilespmem:$0xE420];
	v38 =	vadd.f32 v58, v38  }
0x206: {  	v61 =	vld.idx.msk [tilespmem:v23+s18+$0x0], $0xffff;
	v37 =	vadd.f32 v47, v37  }
0x207: {  	v63 =	vld.idx.msk [tilespmem:v24+s18+$0x0], $0xffff;
	v38 =	vadd.f32 v60, v38  }
0x208: {  	v58 =	vld [tilespmem:$0xE4A0];
	v37 =	vadd.f32 v53, v37  }
0x209: {  	v47 =	vld.idx.msk [tilespmem:v25+s18+$0x0], $0xffff;
	v38 =	vadd.f32 v62, v38  }
0x20a: {  	v60 =	vld [tilespmem:$0xE520];
	v37 =	vadd.f32 v55, v37  }
0x20b: {  	v53 =	vld.idx.msk [tilespmem:v26+s18+$0x0], $0xffff;
	v38 =	vadd.f32 v51, v38  }
0x20c: {  	v62 =	vld [tilespmem:$0xE5A0];
	v37 =	vadd.f32 v57, v37  }
0x20d: {  	v55 =	vld.idx.msk [tilespmem:v27+s18+$0x0], $0xffff;
	v38 =	vadd.f32 v52, v38  }
0x20e: {  	v51 =	vld [tilespmem:$0xE6A0];
	v37 =	vadd.f32 v59, v37  }
0x20f: {  	v57 =	vld.idx.msk [tilespmem:v28+s18+$0x0], $0xffff;
	v38 =	vadd.f32 v54, v38  }
0x210: {  	v52 =	vld [tilespmem:$0xE720];
	v37 =	vadd.f32 v61, v37  }
0x211: {  	v59 =	vld.idx.msk [tilespmem:v29+s18+$0x0], $0xffff;
	v38 =	vadd.f32 v56, v38  }
0x212: {  	v54 =	vld [tilespmem:$0xDDB0];
	v37 =	vadd.f32 v63, v37  }
0x213: {  	v61 =	vld.idx.msk [tilespmem:v30+s18+$0x0], $0xffff;
	v38 =	vadd.f32 v58, v38  }
0x214: {  	v56 =	vld [tilespmem:$0xDE30];
	v37 =	vadd.f32 v47, v37  }
0x215: {  	v63 =	vld.idx.msk [tilespmem:v31+s18+$0x0], $0xffff;
	v38 =	vadd.f32 v60, v38  }
0x216: {  	v58 =	vld [tilespmem:$0xDEB0];
	v37 =	vadd.f32 v53, v37  }
0x217: {  	v60 =	vld [tilespmem:$0xDF30];
	v38 =	vadd.f32 v62, v38  }
0x218: {  	v53 =	vld [tilespmem:$0xDD30];
	v37 =	vadd.f32 v55, v37  }
0x219: {  	v62 =	vld [tilespmem:$0xDFB0];
	v38 =	vadd.f32 v50, v38  }
0x21a: {  	v55 =	vld [tilespmem:$0xE7A0];
	v37 =	vadd.f32 v57, v37  }
0x21b: {  	v50 =	vld [tilespmem:$0xE0B0];
	v38 =	vadd.f32 v51, v38  }
0x21c: {  	v57 =	vld [tilespmem:$0xE820];
	v37 =	vadd.f32 v59, v37  }
0x21d: {  	v41 =	vadd.f32 v54, v53;
	v59 =	vld [tilespmem:$0xE8A0];
	v38 =	vadd.f32 v52, v38  }
0x21e: {  	v52 =	vld [tilespmem:$0xE130];
	v37 =	vadd.f32 v61, v37  }
0x21f: {  	v41 =	vadd.f32 v56, v41;
	v61 =	vld [tilespmem:$0xE920];
	v38 =	vadd.f32 v55, v38  }
0x220: {  	v55 =	vld [tilespmem:$0xE1B0];
	v37 =	vadd.f32 v63, v37  }
0x221: {  	v41 =	vadd.f32 v58, v41;
	v58 =	vld [tilespmem:$0xE230];
	v38 =	vadd.f32 v57, v38  }
0x222: {  	v63 =	vld [tilespmem:$0xE9A0];
	[tilespmem:$0xF210] =	vst v37  }
0x223: {  	v54 =	vor.u32 $0x205, v0;
	v41 =	vadd.f32 v60, v41;
	v38 =	vadd.f32 v59, v38;
	v49 =	vld.idx.msk [tilespmem:v32+s18+$0x0], $0xffff  }
0x224: {  	v51 =	vld.idx.msk [tilespmem:v33+s18+$0x0], $0xffff  }
0x225: {  	v41 =	vadd.f32 v62, v41;
	v53 =	vld.idx.msk [tilespmem:v34+s18+$0x0], $0xffff;
	v38 =	vadd.f32 v61, v38  }
0x226: {  	v56 =	vld.idx.msk [tilespmem:v35+s18+$0x0], $0xffff  }
0x227: {  	v57 =	vor.u32 $0x206, v0;
	v59 =	vld.idx.msk [tilespmem:v36+s18+$0x0], $0xffff;
	v37 =	vadd.f32 v48, v41;
	v38 =	vadd.f32 v63, v38  }
0x228: {  	v60 =	vor.u32 $0x207, v0;
	v62 =	vld.idx.msk [tilespmem:v54+s18+$0x0], $0xffff  }
0x229: {  	v54 =	vld [tilespmem:$0xE430];
	v37 =	vadd.f32 v50, v37;
	v38 =	vadd.f32 v49, v38  }
0x22a: {  	v61 =	vld [tilespmem:$0xE2B0]  }
0x22b: {  	v48 =	vld [tilespmem:$0xE330];
	v37 =	vadd.f32 v52, v37;
	v38 =	vadd.f32 v51, v38  }
0x22c: {  	v63 =	vor.u32 $0x208, v0;
	v49 =	vld.idx.msk [tilespmem:v57+s18+$0x0], $0xffff  }
0x22d: {  	v52 =	vld.idx.msk [tilespmem:v60+s18+$0x0], $0xffff;
	v37 =	vadd.f32 v55, v37;
	v38 =	vadd.f32 v53, v38  }
0x22e: {  	v50 =	vor.u32 $0x209, v0;
	v57 =	vld [tilespmem:$0xE4B0]  }
0x22f: {  	v60 =	vld [tilespmem:$0xE530];
	v37 =	vadd.f32 v58, v37;
	v38 =	vadd.f32 v56, v38  }
0x230: {  	v51 =	vld [tilespmem:$0xE3B0];
	v53 =	vor.u32 $0x20A, v0  }
0x231: {  	v55 =	vld.idx.msk [tilespmem:v63+s18+$0x0], $0xffff;
	v37 =	vadd.f32 v61, v37;
	v38 =	vadd.f32 v59, v38  }
0x232: {  	v63 =	vld [tilespmem:$0xE5B0];
	v56 =	vor.u32 $0x20B, v0  }
0x233: {  	v58 =	vld.idx.msk [tilespmem:v50+s18+$0x0], $0xffff;
	v37 =	vadd.f32 v48, v37;
	v59 =	vor.u32 $0x20C, v0;
	v38 =	vadd.f32 v62, v38  }
0x234: {  	v50 =	vld [tilespmem:$0xE630]  }
0x235: {  	v61 =	vld.idx.msk [tilespmem:v53+s18+$0x0], $0xffff;
	v37 =	vadd.f32 v51, v37;
	v38 =	vadd.f32 v49, v38  }
0x236: {  	v53 =	vld [tilespmem:$0xE6B0];
	v62 =	vor.u32 $0x20D, v0  }
0x237: {  	v48 =	vld.idx.msk [tilespmem:v56+s18+$0x0], $0xffff;
	v37 =	vadd.f32 v54, v37;
	v38 =	vadd.f32 v52, v38  }
0x238: {  	v51 =	vld.idx.msk [tilespmem:v59+s18+$0x0], $0xffff  }
0x239: {  	v49 =	vor.u32 $0x20E, v0;
	v59 =	vld [tilespmem:$0xE830];
	v37 =	vadd.f32 v57, v37;
	v38 =	vadd.f32 v55, v38  }
0x23a: {  	v57 =	vld [tilespmem:$0xE7B0]  }
0x23b: {  	v52 =	vor.u32 $0x20F, v0;
	v54 =	vld.idx.msk [tilespmem:v62+s18+$0x0], $0xffff;
	v37 =	vadd.f32 v60, v37;
	v38 =	vadd.f32 v58, v38  }
0x23c: {  	v55 =	vld [tilespmem:$0xE730]  }
0x23d: {  	v60 =	vld [tilespmem:$0xE8B0];
	v37 =	vadd.f32 v63, v37;
	v38 =	vadd.f32 v61, v38  }
0x23e: {  	v56 =	vld.idx.msk [tilespmem:v49+s18+$0x0], $0xffff  }
0x23f: {  	v63 =	vld [tilespmem:$0xDDC0];
	v37 =	vadd.f32 v50, v37;
	v38 =	vadd.f32 v48, v38  }
0x240: {  	v58 =	vld.idx.msk [tilespmem:v52+s18+$0x0], $0xffff  }
0x241: {  	v61 =	vld [tilespmem:$0xDD40];
	v37 =	vadd.f32 v53, v37;
	v38 =	vadd.f32 v51, v38  }
0x242: {  	v50 =	vld [tilespmem:$0xDE40]  }
0x243: {  	v48 =	vld [tilespmem:$0xE930];
	v37 =	vadd.f32 v55, v37;
	v38 =	vadd.f32 v54, v38  }
0x244: {  	v53 =	vld [tilespmem:$0xDEC0]  }
0x245: {  	v62 =	vor.u32 $0x300, v0;
	v51 =	vld [tilespmem:$0xE9B0];
	v37 =	vadd.f32 v57, v37;
	v38 =	vadd.f32 v56, v38  }
0x246: {  	v55 =	vld [tilespmem:$0xDF40];
	v41 =	vadd.f32 v63, v61  }
0x247: {  	v49 =	vor.u32 $0x301, v0;
	v61 =	vld [tilespmem:$0xE0C0];
	v37 =	vadd.f32 v59, v37;
	v38 =	vadd.f32 v58, v38  }
0x248: {  	v63 =	vld [tilespmem:$0xE140];
	v41 =	vadd.f32 v50, v41  }
0x249: {  	v52 =	vor.u32 $0x302, v0;
	v57 =	vld [tilespmem:$0xDFC0];
	v37 =	vadd.f32 v60, v37;
	[tilespmem:$0xF220] =	vst v38  }
0x24a: {  	v39 =	vadd.f32 v53, v41;
	v40 =	vld.idx.msk [tilespmem:v62+s18+$0x0], $0xffff  }
0x24b: {  	v54 =	vor.u32 $0x303, v0;
	v59 =	vld [tilespmem:$0xE040];
	v37 =	vadd.f32 v48, v37  }
0x24c: {  	v39 =	vadd.f32 v55, v39;
	v42 =	vld.idx.msk [tilespmem:v49+s18+$0x0], $0xffff  }
0x24d: {  	v56 =	vor.u32 $0x304, v0;
	v53 =	vld [tilespmem:$0xE2C0];
	v37 =	vadd.f32 v51, v37  }
0x24e: {  	v38 =	vld.idx.msk [tilespmem:v52+s18+$0x0], $0xffff;
	v39 =	vadd.f32 v57, v39  }
0x24f: {  	v58 =	vor.u32 $0x305, v0;
	v55 =	vld [tilespmem:$0xE340];
	v37 =	vadd.f32 v40, v37  }
0x250: {  	v44 =	vld.idx.msk [tilespmem:v54+s18+$0x0], $0xffff;
	v39 =	vadd.f32 v59, v39  }
0x251: {  	v60 =	vor.u32 $0x306, v0;
	v49 =	vld [tilespmem:$0xE1C0];
	v37 =	vadd.f32 v42, v37  }
0x252: {  	v43 =	vld.idx.msk [tilespmem:v56+s18+$0x0], $0xffff;
	v39 =	vadd.f32 v61, v39  }
0x253: {  	v62 =	vor.u32 $0x307, v0;
	v51 =	vld [tilespmem:$0xE240];
	v37 =	vadd.f32 v38, v37  }
0x254: {  	v48 =	vor.u32 $0x308, v0;
	v40 =	vld.idx.msk [tilespmem:v58+s18+$0x0], $0xffff;
	v39 =	vadd.f32 v63, v39  }
0x255: {  	v57 =	vld [tilespmem:$0xE3C0];
	v37 =	vadd.f32 v44, v37  }
0x256: {  	v42 =	vld.idx.msk [tilespmem:v60+s18+$0x0], $0xffff;
	v39 =	vadd.f32 v49, v39  }
0x257: {  	v50 =	vor.u32 $0x309, v0;
	v59 =	vld [tilespmem:$0xE440];
	v37 =	vadd.f32 v43, v37  }
0x258: {  	v38 =	vld.idx.msk [tilespmem:v62+s18+$0x0], $0xffff;
	v39 =	vadd.f32 v51, v39  }
0x259: {  	v52 =	vor.u32 $0x30A, v0;
	v41 =	vld.idx.msk [tilespmem:v48+s18+$0x0], $0xffff;
	v37 =	vadd.f32 v40, v37  }
0x25a: {  	v61 =	vld [tilespmem:$0xE4C0];
	v39 =	vadd.f32 v53, v39  }
0x25b: {  	v54 =	vor.u32 $0x30B, v0;
	v48 =	vld [tilespmem:$0xE5C0];
	v37 =	vadd.f32 v42, v37  }
0x25c: {  	v43 =	vld.idx.msk [tilespmem:v50+s18+$0x0], $0xffff;
	v39 =	vadd.f32 v55, v39  }
0x25d: {  	v56 =	vor.u32 $0x30C, v0;
	v63 =	vld [tilespmem:$0xE540];
	v37 =	vadd.f32 v38, v37  }
0x25e: {  	v40 =	vld.idx.msk [tilespmem:v52+s18+$0x0], $0xffff;
	v39 =	vadd.f32 v57, v39  }
0x25f: {  	v58 =	vor.u32 $0x30D, v0;
	v49 =	vld [tilespmem:$0xE640];
	v37 =	vadd.f32 v41, v37  }
0x260: {  	v42 =	vld.idx.msk [tilespmem:v54+s18+$0x0], $0xffff;
	v39 =	vadd.f32 v59, v39  }
0x261: {  	v60 =	vor.u32 $0x30E, v0;
	v51 =	vld [tilespmem:$0xE740];
	v37 =	vadd.f32 v43, v37  }
0x262: {  	v38 =	vld.idx.msk [tilespmem:v56+s18+$0x0], $0xffff;
	v39 =	vadd.f32 v61, v39  }
0x263: {  	v62 =	vor.u32 $0x30F, v0;
	v50 =	vld [tilespmem:$0xE6C0];
	v37 =	vadd.f32 v40, v37  }
0x264: {  	v41 =	vld.idx.msk [tilespmem:v58+s18+$0x0], $0xffff;
	v39 =	vadd.f32 v63, v39  }
0x265: {  	v52 =	vld [tilespmem:$0xE7C0];
	v37 =	vadd.f32 v42, v37  }
0x266: {  	v43 =	vld.idx.msk [tilespmem:v60+s18+$0x0], $0xffff;
	v39 =	vadd.f32 v48, v39  }
0x267: {  	v57 =	vld [tilespmem:$0xE940];
	v37 =	vadd.f32 v38, v37  }
0x268: {  	v40 =	vld.idx.msk [tilespmem:v62+s18+$0x0], $0xffff;
	v38 =	vadd.f32 v49, v39  }
0x269: {  	v54 =	vld [tilespmem:$0xE840];
	v37 =	vadd.f32 v41, v37  }
0x26a: {  	v56 =	vld [tilespmem:$0xE8C0];
	v38 =	vadd.f32 v50, v38  }
0x26b: {  	v53 =	vor.u32 $0x400, v0;
	v61 =	vld [tilespmem:$0xDD50];
	v37 =	vadd.f32 v43, v37  }
0x26c: {  	v58 =	vld [tilespmem:$0xE9C0];
	v38 =	vadd.f32 v51, v38  }
0x26d: {  	v63 =	vld [tilespmem:$0xDDD0];
	v37 =	vadd.f32 v40, v37  }
0x26e: {  	v48 =	vld [tilespmem:$0xE660];
	v38 =	vadd.f32 v52, v38  }
0x26f: {  	v55 =	vor.u32 $0x401, v0;
	v49 =	vld [tilespmem:$0xE9D0];
	[tilespmem:$0xF230] =	vst v37  }
0x270: {  	v38 =	vadd.f32 v54, v38;
	v42 =	vld.idx.msk [tilespmem:v53+s18+$0x0], $0xffff  }
0x271: {  	v59 =	vor.u32 $0x402, v0;
	v53 =	vld [tilespmem:$0xDE50]  }
0x272: {  	v50 =	vld [tilespmem:$0xDED0];
	v38 =	vadd.f32 v56, v38  }
0x273: {  	v43 =	vadd.f32 v63, v61;
	v61 =	vld [tilespmem:$0xE050]  }
0x274: {  	v60 =	vor.u32 $0x403, v0;
	v44 =	vld.idx.msk [tilespmem:v55+s18+$0x0], $0xffff;
	v38 =	vadd.f32 v57, v38  }
0x275: {  	v62 =	vor.u32 $0x404, v0;
	v57 =	vld [tilespmem:$0xDF50]  }
0x276: {  	v52 =	vor.u32 $0x405, v0;
	v39 =	vld.idx.msk [tilespmem:v59+s18+$0x0], $0xffff;
	v37 =	vadd.f32 v58, v38;
	v43 =	vadd.f32 v53, v43  }
0x277: {  	v59 =	vld [tilespmem:$0xDFD0]  }
0x278: {  	v63 =	vld [tilespmem:$0xE0D0];
	v55 =	vor.u32 $0x406, v0;
	v37 =	vadd.f32 v42, v37;
	v43 =	vadd.f32 v50, v43  }
0x279: {  	v54 =	vld.idx.msk [tilespmem:v60+s18+$0x0], $0xffff  }
0x27a: {  	v41 =	vld.idx.msk [tilespmem:v62+s18+$0x0], $0xffff;
	v56 =	vor.u32 $0x407, v0;
	v37 =	vadd.f32 v44, v37;
	v43 =	vadd.f32 v57, v43  }
0x27b: {  	v38 =	vld.idx.msk [tilespmem:v52+s18+$0x0], $0xffff;
	v58 =	vor.u32 $0x408, v0  }
0x27c: {  	v53 =	vld [tilespmem:$0xE150];
	v37 =	vadd.f32 v39, v37;
	v43 =	vadd.f32 v59, v43  }
0x27d: {  	v60 =	vor.u32 $0x409, v0;
	v42 =	vld.idx.msk [tilespmem:v55+s18+$0x0], $0xffff  }
0x27e: {  	v55 =	vld [tilespmem:$0xE1D0];
	v37 =	vadd.f32 v54, v37;
	v43 =	vadd.f32 v61, v43  }
0x27f: {  	v62 =	vor.u32 $0x40A, v0;
	v44 =	vld.idx.msk [tilespmem:v56+s18+$0x0], $0xffff  }
0x280: {  	v39 =	vld.idx.msk [tilespmem:v58+s18+$0x0], $0xffff;
	v37 =	vadd.f32 v41, v37;
	v43 =	vadd.f32 v63, v43  }
0x281: {  	v52 =	vor.u32 $0x40B, v0;
	v58 =	vld [tilespmem:$0xE250]  }
0x282: {  	v40 =	vld.idx.msk [tilespmem:v60+s18+$0x0], $0xffff;
	v37 =	vadd.f32 v38, v37;
	v43 =	vadd.f32 v53, v43  }
0x283: {  	v54 =	vor.u32 $0x40C, v0;
	v61 =	vld [tilespmem:$0xE2D0]  }
0x284: {  	v56 =	vld.idx.msk [tilespmem:v62+s18+$0x0], $0xffff;
	v37 =	vadd.f32 v42, v37;
	v43 =	vadd.f32 v55, v43  }
0x285: {  	v63 =	vld [tilespmem:$0xE350]  }
0x286: {  	v59 =	vld.idx.msk [tilespmem:v52+s18+$0x0], $0xffff;
	v37 =	vadd.f32 v44, v37;
	v43 =	vadd.f32 v58, v43  }
0x287: {  	v57 =	vor.u32 $0x40D, v0;
	v52 =	vld [tilespmem:$0xE3D0]  }
0x288: {  	v42 =	vld.idx.msk [tilespmem:v54+s18+$0x0], $0xffff;
	v37 =	vadd.f32 v39, v37;
	v43 =	vadd.f32 v61, v43  }
0x289: {  	v60 =	vor.u32 $0x40E, v0;
	v54 =	vld [tilespmem:$0xE450]  }
0x28a: {  	v50 =	vld [tilespmem:$0xE760];
	v37 =	vadd.f32 v40, v37;
	v43 =	vadd.f32 v63, v43  }
0x28b: {  	v55 =	vld [tilespmem:$0xE4D0]  }
0x28c: {  	v51 =	vld.idx.msk [tilespmem:v57+s18+$0x0], $0xffff;
	v37 =	vadd.f32 v56, v37;
	v56 =	vadd.f32 v52, v43  }
0x28d: {  	v57 =	vld [tilespmem:$0xE550]  }
0x28e: {  	v62 =	vor.u32 $0x40F, v0;
	v53 =	vld.idx.msk [tilespmem:v60+s18+$0x0], $0xffff;
	v37 =	vadd.f32 v59, v37;
	v59 =	vadd.f32 v54, v56  }
0x28f: {  	v58 =	vld [tilespmem:$0xE5D0]  }
0x290: {  	v60 =	vld [tilespmem:$0xE650];
	v38 =	vadd.f32 v55, v59  }
0x291: {  	v44 =	vld [tilespmem:$0xE8D0]  }
0x292: {  	v61 =	vld [tilespmem:$0xE6D0];
	v37 =	vadd.f32 v42, v37;
	v38 =	vadd.f32 v57, v38  }
0x293: {  	v40 =	vld.idx.msk [tilespmem:v62+s18+$0x0], $0xffff  }
0x294: {  	v62 =	vld [tilespmem:$0xE750];
	v37 =	vadd.f32 v51, v37;
	v38 =	vadd.f32 v58, v38  }
0x295: {  	v54 =	vld [tilespmem:$0xDD60]  }
0x296: {  	v56 =	vld [tilespmem:$0xDDE0];
	v37 =	vadd.f32 v53, v37;
	v38 =	vadd.f32 v60, v38  }
0x297: {  	v63 =	vld [tilespmem:$0xE7D0]  }
0x298: {  	v59 =	vld [tilespmem:$0xDE60];
	v53 =	vor.u32 $0x500, v0;
	v37 =	vadd.f32 v40, v37;
	v57 =	vadd.f32 v61, v38  }
0x299: {  	v52 =	vld [tilespmem:$0xE850]  }
0x29a: {  	v55 =	vor.u32 $0x501, v0;
	[tilespmem:$0xF240] =	vst v37;
	v61 =	vld [tilespmem:$0xDEE0];
	v37 =	vadd.f32 v62, v57  }
0x29b: {  	v39 =	vld [tilespmem:$0xE950];
	v41 =	vadd.f32 v56, v54  }
0x29c: {  	v58 =	vor.u32 $0x502, v0;
	v37 =	vadd.f32 v63, v37;
	v63 =	vld [tilespmem:$0xDF60]  }
0x29d: {  	v41 =	vadd.f32 v59, v41;
	v47 =	vld.idx.msk [tilespmem:v53+s18+$0x0], $0xffff  }
0x29e: {  	v53 =	vld [tilespmem:$0xDFE0]  }
0x29f: {  	v40 =	vld.idx.msk [tilespmem:v55+s18+$0x0], $0xffff;
	v41 =	vadd.f32 v61, v41;
	v37 =	vadd.f32 v52, v37  }
0x2a0: {  	v60 =	vor.u32 $0x503, v0;
	v55 =	vld [tilespmem:$0xE060]  }
0x2a1: {  	v38 =	vld.idx.msk [tilespmem:v58+s18+$0x0], $0xffff;
	v37 =	vadd.f32 v44, v37;
	v41 =	vadd.f32 v63, v41  }
0x2a2: {  	v58 =	vor.u32 $0x508, v0;
	v57 =	vld [tilespmem:$0xE0E0]  }
0x2a3: {  	v51 =	vld [tilespmem:$0xDD70];
	v37 =	vadd.f32 v39, v37;
	v41 =	vadd.f32 v53, v41  }
0x2a4: {  	v59 =	vld [tilespmem:$0xE160];
	v62 =	vor.u32 $0x504, v0  }
0x2a5: {  	v42 =	vld.idx.msk [tilespmem:v60+s18+$0x0], $0xffff;
	v37 =	vadd.f32 v49, v37;
	v41 =	vadd.f32 v55, v41  }
0x2a6: {  	v61 =	vld [tilespmem:$0xE1E0];
	v52 =	vor.u32 $0x505, v0  }
0x2a7: {  	v46 =	vld.idx.msk [tilespmem:v58+s18+$0x0], $0xffff;
	v37 =	vadd.f32 v47, v37;
	v41 =	vadd.f32 v57, v41  }
0x2a8: {  	v54 =	vor.u32 $0x506, v0;
	v63 =	vld [tilespmem:$0xE260]  }
0x2a9: {  	v45 =	vld.idx.msk [tilespmem:v62+s18+$0x0], $0xffff;
	v37 =	vadd.f32 v40, v37;
	v41 =	vadd.f32 v59, v41  }
0x2aa: {  	v56 =	vor.u32 $0x507, v0;
	v53 =	vld [tilespmem:$0xE2E0]  }
0x2ab: {  	v43 =	vld.idx.msk [tilespmem:v52+s18+$0x0], $0xffff;
	v37 =	vadd.f32 v38, v37;
	v41 =	vadd.f32 v61, v41  }
0x2ac: {  	v60 =	vor.u32 $0x509, v0;
	v55 =	vld [tilespmem:$0xE360]  }
0x2ad: {  	v44 =	vld.idx.msk [tilespmem:v54+s18+$0x0], $0xffff;
	v37 =	vadd.f32 v42, v37;
	v41 =	vadd.f32 v63, v41  }
0x2ae: {  	v62 =	vor.u32 $0x50A, v0;
	v57 =	vld [tilespmem:$0xE3E0]  }
0x2af: {  	v39 =	vld.idx.msk [tilespmem:v56+s18+$0x0], $0xffff;
	v37 =	vadd.f32 v45, v37;
	v41 =	vadd.f32 v53, v41  }
0x2b0: {  	v59 =	vld [tilespmem:$0xE460]  }
0x2b1: {  	v47 =	vld.idx.msk [tilespmem:v60+s18+$0x0], $0xffff;
	v37 =	vadd.f32 v43, v37;
	v41 =	vadd.f32 v55, v41  }
0x2b2: {  	v52 =	vor.u32 $0x50B, v0;
	v61 =	vld [tilespmem:$0xE4E0]  }
0x2b3: {  	v40 =	vld.idx.msk [tilespmem:v62+s18+$0x0], $0xffff;
	v37 =	vadd.f32 v44, v37;
	v41 =	vadd.f32 v57, v41  }
0x2b4: {  	v54 =	vor.u32 $0x50C, v0;
	v62 =	vld [tilespmem:$0xE560]  }
0x2b5: {  	v49 =	vld [tilespmem:$0xE6E0];
	v37 =	vadd.f32 v39, v37;
	v41 =	vadd.f32 v59, v41  }
0x2b6: {  	v56 =	vor.u32 $0x50D, v0;
	v63 =	vld [tilespmem:$0xE5E0]  }
0x2b7: {  	v38 =	vld.idx.msk [tilespmem:v52+s18+$0x0], $0xffff;
	v37 =	vadd.f32 v46, v37;
	v41 =	vadd.f32 v61, v41  }
0x2b8: {  	v52 =	vld [tilespmem:$0xDDF0]  }
0x2b9: {  	v58 =	vor.u32 $0x50E, v0;
	v42 =	vld.idx.msk [tilespmem:v54+s18+$0x0], $0xffff;
	v37 =	vadd.f32 v47, v37;
	v39 =	vadd.f32 v62, v41  }
0x2ba: {  	v54 =	vld [tilespmem:$0xDE70]  }
0x2bb: {  	v60 =	vor.u32 $0x50F, v0;
	v45 =	vld.idx.msk [tilespmem:v56+s18+$0x0], $0xffff;
	v37 =	vadd.f32 v40, v37;
	v39 =	vadd.f32 v63, v39  }
0x2bc: {  	v56 =	vld [tilespmem:$0xDEF0]  }
0x2bd: {  	v53 =	vld [tilespmem:$0xE7E0];
	v37 =	vadd.f32 v38, v37;
	v39 =	vadd.f32 v48, v39  }
0x2be: {  	v43 =	vld.idx.msk [tilespmem:v58+s18+$0x0], $0xffff  }
0x2bf: {  	v55 =	vld [tilespmem:$0xE860];
	v37 =	vadd.f32 v42, v37;
	v39 =	vadd.f32 v49, v39  }
0x2c0: {  	v44 =	vld.idx.msk [tilespmem:v60+s18+$0x0], $0xffff;
	v38 =	vadd.f32 v52, v51  }
0x2c1: {  	v57 =	vld [tilespmem:$0xE8E0];
	v37 =	vadd.f32 v45, v37;
	v39 =	vadd.f32 v50, v39  }
0x2c2: {  	v59 =	vld [tilespmem:$0xDF70];
	v38 =	vadd.f32 v54, v38  }
0x2c3: {  	v58 =	vor.u32 $0x600, v0;
	v60 =	vld [tilespmem:$0xE960];
	v37 =	vadd.f32 v43, v37;
	v39 =	vadd.f32 v53, v39  }
0x2c4: {  	v62 =	vld [tilespmem:$0xDFF0];
	v38 =	vadd.f32 v56, v38  }
0x2c5: {  	v61 =	vor.u32 $0x601, v0;
	v63 =	vld [tilespmem:$0xE9E0];
	v37 =	vadd.f32 v44, v37;
	v39 =	vadd.f32 v55, v39  }
0x2c6: {  	v49 =	vld [tilespmem:$0xE070]  }
0x2c7: {  	v52 =	vld [tilespmem:$0xE0F0];
	v48 =	vor.u32 $0x602, v0;
	v38 =	vadd.f32 v59, v38;
	[tilespmem:$0xF250] =	vst v37;
	v39 =	vadd.f32 v57, v39  }
0x2c8: {  	v50 =	vld.idx.msk [tilespmem:v58+s18+$0x0], $0xffff  }
0x2c9: {  	v51 =	vor.u32 $0x603, v0;
	v54 =	vld [tilespmem:$0xE170];
	v38 =	vadd.f32 v62, v38;
	v39 =	vadd.f32 v60, v39  }
0x2ca: {  	v42 =	vld.idx.msk [tilespmem:v61+s18+$0x0], $0xffff  }
0x2cb: {  	v56 =	vld [tilespmem:$0xE1F0];
	v53 =	vor.u32 $0x604, v0;
	v38 =	vadd.f32 v49, v38;
	v39 =	vadd.f32 v63, v39  }
0x2cc: {  	v37 =	vld.idx.msk [tilespmem:v48+s18+$0x0], $0xffff  }
0x2cd: {  	v59 =	vld [tilespmem:$0xE270];
	v55 =	vor.u32 $0x605, v0;
	v38 =	vadd.f32 v52, v38;
	v39 =	vadd.f32 v50, v39  }
0x2ce: {  	v57 =	vld.idx.msk [tilespmem:v51+s18+$0x0], $0xffff  }
0x2cf: {  	v62 =	vld [tilespmem:$0xE2F0];
	v58 =	vor.u32 $0x606, v0;
	v38 =	vadd.f32 v54, v38;
	v39 =	vadd.f32 v42, v39  }
0x2d0: {  	v60 =	vld.idx.msk [tilespmem:v53+s18+$0x0], $0xffff  }
0x2d1: {  	v49 =	vld [tilespmem:$0xE370];
	v61 =	vor.u32 $0x607, v0;
	v38 =	vadd.f32 v56, v38;
	v37 =	vadd.f32 v37, v39  }
0x2d2: {  	v48 =	vor.u32 $0x608, v0;
	v63 =	vld.idx.msk [tilespmem:v55+s18+$0x0], $0xffff  }
0x2d3: {  	v52 =	vld [tilespmem:$0xE3F0];
	v38 =	vadd.f32 v59, v38;
	v37 =	vadd.f32 v57, v37  }
0x2d4: {  	v50 =	vld.idx.msk [tilespmem:v58+s18+$0x0], $0xffff  }
0x2d5: {  	v51 =	vor.u32 $0x609, v0;
	v55 =	vld [tilespmem:$0xE470];
	v38 =	vadd.f32 v62, v38;
	v37 =	vadd.f32 v60, v37  }
0x2d6: {  	v53 =	vld.idx.msk [tilespmem:v61+s18+$0x0], $0xffff  }
0x2d7: {  	v54 =	vor.u32 $0x60A, v0;
	v56 =	vld.idx.msk [tilespmem:v48+s18+$0x0], $0xffff;
	v38 =	vadd.f32 v49, v38;
	v37 =	vadd.f32 v63, v37  }
0x2d8: {  	v58 =	vld [tilespmem:$0xE4F0]  }
0x2d9: {  	v61 =	vld [tilespmem:$0xE570];
	v57 =	vor.u32 $0x60B, v0;
	v38 =	vadd.f32 v52, v38;
	v37 =	vadd.f32 v50, v37  }
0x2da: {  	v59 =	vld.idx.msk [tilespmem:v51+s18+$0x0], $0xffff  }
0x2db: {  	v48 =	vld [tilespmem:$0xE5F0];
	v60 =	vor.u32 $0x60C, v0;
	v38 =	vadd.f32 v55, v38;
	v37 =	vadd.f32 v53, v37  }
0x2dc: {  	v62 =	vld.idx.msk [tilespmem:v54+s18+$0x0], $0xffff;
	v63 =	vor.u32 $0x60D, v0  }
0x2dd: {  	v51 =	vld [tilespmem:$0xE670];
	v38 =	vadd.f32 v58, v38;
	v37 =	vadd.f32 v56, v37  }
0x2de: {  	v49 =	vld.idx.msk [tilespmem:v57+s18+$0x0], $0xffff  }
0x2df: {  	v54 =	vld [tilespmem:$0xE6F0];
	v50 =	vor.u32 $0x60E, v0;
	v38 =	vadd.f32 v61, v38;
	v37 =	vadd.f32 v59, v37  }
0x2e0: {  	v52 =	vld.idx.msk [tilespmem:v60+s18+$0x0], $0xffff  }
0x2e1: {  	v53 =	vor.u32 $0x60F, v0;
	v55 =	vld.idx.msk [tilespmem:v63+s18+$0x0], $0xffff;
	v38 =	vadd.f32 v48, v38;
	v37 =	vadd.f32 v62, v37  }
0x2e2: {  	v56 =	vld [tilespmem:$0xE770]  }
0x2e3: {  	v58 =	vld [tilespmem:$0xE7F0];
	v38 =	vadd.f32 v51, v38;
	v37 =	vadd.f32 v49, v37  }
0x2e4: {  	v57 =	vld.idx.msk [tilespmem:v50+s18+$0x0], $0xffff  }
0x2e5: {  	v60 =	vld [tilespmem:$0xE870];
	v38 =	vadd.f32 v54, v38;
	v37 =	vadd.f32 v52, v37  }
0x2e6: {  	v59 =	vld.idx.msk [tilespmem:v53+s18+$0x0], $0xffff  }
0x2e7: {  	v38 =	vadd.f32 v56, v38;
	v37 =	vadd.f32 v55, v37  }
0x2e8: {  	v61 =	vld [tilespmem:$0xE8F0]  }
0x2e9: {  	v62 =	vor.u32 $0x700, v0;
	v38 =	vadd.f32 v58, v38;
	v37 =	vadd.f32 v57, v37  }
0x2ea: {  	v63 =	vld [tilespmem:$0xE970]  }
0x2eb: {  	v45 =	vor.u32 $0x701, v0;
	v38 =	vadd.f32 v60, v38;
	v37 =	vadd.f32 v59, v37  }
0x2ec: {  	v46 =	vld [tilespmem:$0xE9F0]  }
0x2ed: {  	v48 =	vor.u32 $0x702, v0;
	v47 =	vadd.f32 v61, v38;
	[tilespmem:$0xF260] =	vst v37  }
0x2ee: {  	v39 =	vld.idx.msk [tilespmem:v62+s18+$0x0], $0xffff  }
0x2ef: {  	v49 =	vor.u32 $0x703, v0;
	v37 =	vadd.f32 v63, v47  }
0x2f0: {  	v40 =	vld.idx.msk [tilespmem:v45+s18+$0x0], $0xffff  }
0x2f1: {  	v50 =	vor.u32 $0x704, v0;
	v37 =	vadd.f32 v46, v37  }
0x2f2: {  	v38 =	vld.idx.msk [tilespmem:v48+s18+$0x0], $0xffff  }
0x2f3: {  	v51 =	vor.u32 $0x705, v0;
	v37 =	vadd.f32 v39, v37  }
0x2f4: {  	v41 =	vld.idx.msk [tilespmem:v49+s18+$0x0], $0xffff  }
0x2f5: {  	v52 =	vor.u32 $0x706, v0;
	v37 =	vadd.f32 v40, v37  }
0x2f6: {  	v42 =	vld.idx.msk [tilespmem:v50+s18+$0x0], $0xffff  }
0x2f7: {  	v53 =	vor.u32 $0x707, v0;
	v37 =	vadd.f32 v38, v37  }
0x2f8: {  	v39 =	vld.idx.msk [tilespmem:v51+s18+$0x0], $0xffff  }
0x2f9: {  	v54 =	vor.u32 $0x708, v0;
	v37 =	vadd.f32 v41, v37  }
0x2fa: {  	v40 =	vld.idx.msk [tilespmem:v52+s18+$0x0], $0xffff  }
0x2fb: {  	v55 =	vor.u32 $0x709, v0;
	v37 =	vadd.f32 v42, v37  }
0x2fc: {  	v38 =	vld.idx.msk [tilespmem:v53+s18+$0x0], $0xffff  }
0x2fd: {  	v56 =	vor.u32 $0x70A, v0;
	v37 =	vadd.f32 v39, v37  }
0x2fe: {  	v41 =	vld.idx.msk [tilespmem:v54+s18+$0x0], $0xffff  }
0x2ff: {  	v57 =	vor.u32 $0x70B, v0;
	v37 =	vadd.f32 v40, v37  }
0x300: {  	v42 =	vld.idx.msk [tilespmem:v55+s18+$0x0], $0xffff  }
0x301: {  	v58 =	vor.u32 $0x70C, v0;
	v37 =	vadd.f32 v38, v37  }
0x302: {  	v39 =	vld.idx.msk [tilespmem:v56+s18+$0x0], $0xffff  }
0x303: {  	v59 =	vor.u32 $0x70D, v0;
	v37 =	vadd.f32 v41, v37  }
0x304: {  	v40 =	vld.idx.msk [tilespmem:v57+s18+$0x0], $0xffff  }
0x305: {  	v60 =	vor.u32 $0x70E, v0;
	v37 =	vadd.f32 v42, v37  }
0x306: {  	v38 =	vld.idx.msk [tilespmem:v58+s18+$0x0], $0xffff  }
0x307: {  	v61 =	vor.u32 $0x70F, v0;
	v37 =	vadd.f32 v39, v37  }
0x308: {  	v41 =	vld.idx.msk [tilespmem:v59+s18+$0x0], $0xffff  }
0x309: {  	v37 =	vadd.f32 v40, v37  }
0x30a: {  	v62 =	vld.idx.msk [tilespmem:v60+s18+$0x0], $0xffff  }
0x30b: {  	v37 =	vadd.f32 v38, v37  }
0x30c: {  	v63 =	vld.idx.msk [tilespmem:v61+s18+$0x0], $0xffff  }
0x30d: {  	v37 =	vadd.f32 v41, v37;
	_ =	sdelay $0x1  }
0x30e: {  	v37 =	vadd.f32 v62, v37;
	_ =	sdelay $0x1  }
0x30f: {  	v37 =	vadd.f32 v63, v37;
	_ =	sdelay $0x1  }
0x310: {  	s5 =	rddreg [dreg:$0x4];
	s0 =	simm.s32 $0x0;
	s1 =	simm.s32 $0xF200;
	[tilespmem:$0xF270] =	vst v37  }
0x311: {  	[hbm4b:s5+s0] =	stream.linear.scatter [tilespmem:s1], [sflag:$0x3], $0x80, $0x38;
	[tilespmem:$0xF280] =	vst v63  }
0x312: {  	s0 =	simm.s32 $0x3  }
0x313: {  	_ =	swait.ge [sflag:s0], $0x80  }
0x314: {  	s30 =	rddreg [dreg:$0x8]  }
0x315: {  	s31 =	rddreg [dreg:$0x5];
	s1 =	sadd.s32 $0x1, s30  }
0x316: {  	p0 =	sne.s32 s1, s31  }
.Ltmp1:
0x317: {  	_ = 	snop;
	(pc) =	sbr.rel @p0 .LBB2_1-.Ltmp1, $3  }
0x318: {  	_ =	sdelay $0x1  }
0x319: {  	[sflag:s0] =	ssyncset.done $0x0  }
0x31a: {  	[sflag:s0] =	ssyncadd.s32 $0xFFFFFF80  }
0x31b: {  	_ =	sfence.sel $0x180000  }
0x31c: {  	[bflag:$0x0] =	sbarrier.arrive $0xFFFF  }
0x31d: {  	_ =	strace $0x90000047  }
0x31e: {  	s0 =	stileid.u32;
	[bflag:$0x2] =	sbarrier.arrive $0xFFFF  }
0x31f: {  	p0 =	sne.s32 s0, $0x0;
	s0 =	rddreg [dreg:$0x2]  }
0x320: {  	s0 =	sadd.s32 @!p0 $0x100000, s0  }
0x321: {  	[sflag:s0] =	ssyncadd.tile.s32 @!p0 $0x1;
	_ =	shalt  }
.Lfunc_end2:
_tile_overlayer_lowered:
.L_overlay_start_2:
0x322: {  	(tag) =	ssettag $0x2  }
0x323: {  	s0 =	rddreg [dreg:$0x0];
	s2 =	stileid.u32  }
0x324: {  	s1 =	rddreg [dreg:$0x1];
	p0 =	sne.s32 s2, $0x0  }
0x325: {  	s3 =	rddreg [dreg:$0x2];
	[bflag:$0x3] =	sbarrier.arrive $0xFFFF;
	s2 =	simm.s32 @!p0 $0x1C03  }
0x326: {  	[timem:s3], [sflag:s2] =	dma.local @!p0 [hbm:s0], s1  }
0x327: {  	s0 =	simm.s32 @!p0 $0x3  }
0x328: {  	_ =	swait.ge @!p0 [sflag:s0], s1  }
0x329: {  	s1 =	ssub.s32 @!p0 $0x0, s1;
	[sflag:s0] =	ssyncset.done @!p0 $0x0  }
0x32a: {  	[sflag:s0] =	ssyncadd.s32 @!p0 s1  }
0x32b: {  	[bflag:$0x3] =	sbarrier.arrive $0xFFFF  }
0x32c: {  	_ =	shalt  }

</sc_bundles>
